<compile_context>
chip_gen: v7x
topology: tpu7x:2x2x1
jax: 0.10.2.dev20260603
libtpu: 0.0.44.dev20260713+nightly
codegen_flags: <defaults>
</compile_context>

<pallas_src>
import functools

import jax
import jax.numpy as jnp
from jax import lax
from jax.experimental import pallas as pl
from jax.experimental.pallas import tpu as pltpu
from jax.experimental.pallas import tpu_sc as plsc

N_NODES = 10000
HID = 256
B = 32
S = 128
D = 768
H = 12
DH = 64
FF = 3072
NG = 32
N_EDGES = 160000

NC = 2
NS = 16
NW = NC * NS

RT = 640
R_ACC = RT * NS
E_TOT = N_EDGES + N_NODES
KE = 128
EB_TILE = 84
E_PAD = NS * KE * EB_TILE
EB_DEG = E_PAD // (NW * KE)
KN = 64
NODE_PB = 5
N_PAD = NW * KN * NODE_PB
KT = 64
TOK_PB = 2

_SC_MESH = plsc.VectorSubcoreMesh(core_axis_name="c", subcore_axis_name="s")


def _ln(x, g, b, eps=1e-12):
    m = x.mean(-1, keepdims=True)
    v = jnp.mean((x - m) ** 2, -1, keepdims=True)
    return (x - m) / jnp.sqrt(v + eps) * g + b


@functools.partial(
    pl.kernel,
    out_type=(
        jax.ShapeDtypeStruct((N_PAD, HID), jnp.float32),
        jax.ShapeDtypeStruct((B * S, D), jnp.float32),
    ),
    mesh=_SC_MESH,
    scratch_types=[
        pltpu.VMEM((KN,), jnp.int32),
        pltpu.VMEM((KN, HID), jnp.float32),
        pltpu.VMEM((KT,), jnp.int32),
        pltpu.VMEM((KT, D), jnp.float32),
        pltpu.SemaphoreType.DMA,
    ],
)
def _sc_gather(nidx_hbm, node_emb, tids_hbm, tok_emb, xe_out, tok_out,
               nidx_v, nrows_v, tidx_v, trows_v, sem):
    c = lax.axis_index("c")
    t = lax.axis_index("s")
    w = t * NC + c

    def node_blk(i, _):
        base = pl.multiple_of((w * NODE_PB + i) * KN, 8)
        pltpu.sync_copy(nidx_hbm.at[pl.ds(base, KN)], nidx_v)
        pltpu.async_copy(node_emb.at[nidx_v], nrows_v, sem).wait()
        pltpu.sync_copy(nrows_v, xe_out.at[pl.ds(base, KN)])
        return _
    lax.fori_loop(0, NODE_PB, node_blk, None)

    def tok_blk(i, _):
        base = pl.multiple_of((w * TOK_PB + i) * KT, 8)
        pltpu.sync_copy(tids_hbm.at[pl.ds(base, KT)], tidx_v)
        pltpu.async_copy(tok_emb.at[tidx_v], trows_v, sem).wait()
        pltpu.sync_copy(trows_v, tok_out.at[pl.ds(base, KT)])
        return _
    lax.fori_loop(0, TOK_PB, tok_blk, None)


@functools.partial(
    pl.kernel,
    out_type=jax.ShapeDtypeStruct((NC, R_ACC, 128), jnp.float32),
    mesh=_SC_MESH,
    scratch_types=[
        pltpu.VMEM((KE,), jnp.int32),
        pltpu.VMEM((KE,), jnp.int32),
        pltpu.VMEM((KE,), jnp.int32),
        pltpu.VMEM((KE,), jnp.int32),
        pltpu.VMEM((KE, 128), jnp.float32),
        pltpu.VMEM((KE, 128), jnp.float32),
        pltpu.VMEM_SHARED((R_ACC, 128), jnp.float32),
        pltpu.SemaphoreType.DMA,
        pltpu.SemaphoreType.DMA,
        pltpu.SemaphoreType.DMA,
        pltpu.SemaphoreType.DMA,
        pltpu.SemaphoreType.DMA,
        pltpu.SemaphoreType.DMA,
        pltpu.SemaphoreType.DMA,
        pltpu.SemaphoreType.DMA,
    ],
)
def _sc_msg_pass(hs_hbm, src2_hbm, dst_hbm, z128_hbm, scat_out,
                 s0_v, d0_v, s1_v, d1_v, rows0_v, rows1_v, acc,
                 sem0, sem1, ssem0, ssem1, is0, id0, is1, id1):
    c = lax.axis_index("c")
    t = lax.axis_index("s")
    pltpu.sync_copy(z128_hbm, rows0_v)
    for j in range(RT // KE):
        base = pl.multiple_of(t * RT + j * KE, 8)
        pltpu.sync_copy(rows0_v, acc.at[pl.ds(base, KE)])
    plsc.subcore_barrier()

    def edge_pair(i, _):
        b0 = pl.multiple_of(t * (KE * EB_TILE) + (2 * i) * KE, 8)
        b1 = pl.multiple_of(t * (KE * EB_TILE) + (2 * i + 1) * KE, 8)

        @pl.when(i > 0)
        def _():
            pltpu.make_async_copy(rows0_v, acc.at[d0_v], ssem0).wait()
        hs0 = pltpu.async_copy(src2_hbm.at[c, pl.ds(b0, KE)], s0_v, is0)
        hd0 = pltpu.async_copy(dst_hbm.at[pl.ds(b0, KE)], d0_v, id0)

        @pl.when(i > 0)
        def _():
            pltpu.make_async_copy(rows1_v, acc.at[d1_v], ssem1).wait()
        hs1 = pltpu.async_copy(src2_hbm.at[c, pl.ds(b1, KE)], s1_v, is1)
        hd1 = pltpu.async_copy(dst_hbm.at[pl.ds(b1, KE)], d1_v, id1)

        hs0.wait()
        g0 = pltpu.async_copy(hs_hbm.at[s0_v], rows0_v, sem0)
        hs1.wait()
        g1 = pltpu.async_copy(hs_hbm.at[s1_v], rows1_v, sem1)

        g0.wait()
        hd0.wait()
        pltpu.async_copy(rows0_v, acc.at[d0_v], ssem0, add=True)
        g1.wait()
        hd1.wait()
        pltpu.async_copy(rows1_v, acc.at[d1_v], ssem1, add=True)
        return _
    lax.fori_loop(0, EB_TILE // 2, edge_pair, None)

    pltpu.make_async_copy(rows0_v, acc.at[d0_v], ssem0).wait()
    pltpu.make_async_copy(rows1_v, acc.at[d1_v], ssem1).wait()
    plsc.subcore_barrier()
    for j in range(RT // KE):
        base = pl.multiple_of(t * RT + j * KE, 8)
        pltpu.sync_copy(acc.at[pl.ds(base, KE)], rows0_v)
        pltpu.sync_copy(rows0_v, scat_out.at[c, pl.ds(base, KE)])


@functools.partial(
    pl.kernel,
    out_type=jax.ShapeDtypeStruct((NC, R_ACC, 128), jnp.float32),
    mesh=_SC_MESH,
    scratch_types=[
        pltpu.VMEM((KE,), jnp.int32),
        pltpu.VMEM((KE,), jnp.int32),
        pltpu.VMEM((KE, 128), jnp.float32),
        pltpu.VMEM_SHARED((R_ACC, 128), jnp.float32),
        pltpu.SemaphoreType.DMA,
        pltpu.SemaphoreType.DMA,
    ],
)
def _sc_deg(dst_hbm, ones_hbm, z128_hbm, deg_out, d0_v, d1_v, ones_v, acc,
            ssem0, ssem1):
    c = lax.axis_index("c")
    t = lax.axis_index("s")
    pltpu.sync_copy(z128_hbm, ones_v)
    for j in range(RT // KE):
        base = pl.multiple_of(t * RT + j * KE, 8)
        pltpu.sync_copy(ones_v, acc.at[pl.ds(base, KE)])
    pltpu.sync_copy(ones_hbm, ones_v)
    plsc.subcore_barrier()

    def edge_pair(i, _):
        b0 = pl.multiple_of(t * (KE * EB_TILE) + (2 * i) * KE, 8)
        b1 = pl.multiple_of(t * (KE * EB_TILE) + (2 * i + 1) * KE, 8)

        @pl.when(i > 0)
        def _():
            pltpu.make_async_copy(ones_v, acc.at[d0_v], ssem0).wait()
        pltpu.sync_copy(dst_hbm.at[pl.ds(b0, KE)], d0_v)
        pltpu.async_copy(ones_v, acc.at[d0_v], ssem0, add=True)

        @pl.when(i > 0)
        def _():
            pltpu.make_async_copy(ones_v, acc.at[d1_v], ssem1).wait()
        pltpu.sync_copy(dst_hbm.at[pl.ds(b1, KE)], d1_v)
        pltpu.async_copy(ones_v, acc.at[d1_v], ssem1, add=True)
        return _
    lax.fori_loop(0, EB_TILE // 2, edge_pair, None)

    pltpu.make_async_copy(ones_v, acc.at[d0_v], ssem0).wait()
    pltpu.make_async_copy(ones_v, acc.at[d1_v], ssem1).wait()
    plsc.subcore_barrier()
    for j in range(RT // KE):
        base = pl.multiple_of(t * RT + j * KE, 8)
        pltpu.sync_copy(acc.at[pl.ds(base, KE)], ones_v)
        pltpu.sync_copy(ones_v, deg_out.at[c, pl.ds(base, KE)])


BM = 1000


def _tc_hs1_body(xe_ref, w_ref, deg_ref, out_ref):
    dinv = lax.rsqrt(deg_ref[0][:, :1])
    h = jnp.dot(xe_ref[...], w_ref[...], preferred_element_type=jnp.float32)
    out_ref[...] = (h * dinv)[None]


def _tc_hs2_body(scat_ref, deg_ref, b1_ref, w_ref, out_ref):
    dinv = lax.rsqrt(deg_ref[0][:, :1])
    a = jnp.concatenate([scat_ref[0], scat_ref[1]], axis=1)
    h1 = jax.nn.relu(a * dinv + b1_ref[...])
    h = jnp.dot(h1, w_ref[...], preferred_element_type=jnp.float32)
    out_ref[...] = (h * dinv)[None]


def _tc_pool_body(scat_ref, deg_ref, b2_ref, batch_ref, seg_ref, cnt_ref):
    m = pl.program_id(0)
    dinv = lax.rsqrt(deg_ref[0][:, :1])
    a = jnp.concatenate([scat_ref[0], scat_ref[1]], axis=1)
    h2 = jax.nn.relu(a * dinv + b2_ref[...])
    bvec = batch_ref[0, 0, :]
    onehot = (bvec[:, None] == lax.broadcasted_iota(jnp.int32, (BM, NG), 1))
    onehot = onehot.astype(jnp.float32)
    contrib = lax.dot_general(onehot, h2, (((0,), (0,)), ((), ())),
                              preferred_element_type=jnp.float32)
    cntc = lax.dot_general(onehot, jnp.ones((BM, 128), jnp.float32),
                           (((0,), (0,)), ((), ())),
                           preferred_element_type=jnp.float32)

    @pl.when(m == 0)
    def _():
        seg_ref[...] = contrib
        cnt_ref[...] = cntc

    @pl.when(m > 0)
    def _():
        seg_ref[...] += contrib
        cnt_ref[...] += cntc


def _tc_attn_body(e_ref, pos_ref, mask_ref, lng_ref, lnb_ref,
                  wq_ref, bq_ref, wk_ref, bk_ref, wv_ref, bv_ref,
                  wo_ref, bo_ref, l1g_ref, l1b_ref, out_ref):
    x = e_ref[0] + pos_ref[...]
    hb0 = _ln(x, lng_ref[...], lnb_ref[...])
    q = jnp.dot(hb0, wq_ref[...], preferred_element_type=jnp.float32) + bq_ref[...]
    k = jnp.dot(hb0, wk_ref[...], preferred_element_type=jnp.float32) + bk_ref[...]
    v = jnp.dot(hb0, wv_ref[...], preferred_element_type=jnp.float32) + bv_ref[...]
    bias = jnp.where(mask_ref[0] > 0, 0.0, -1e9)
    scale = 1.0 / (DH ** 0.5)
    parts = []
    for h in range(H):
        qh = q[:, h * DH:(h + 1) * DH]
        kh = k[:, h * DH:(h + 1) * DH]
        vh = v[:, h * DH:(h + 1) * DH]
        s = lax.dot_general(qh, kh, (((1,), (1,)), ((), ())),
                            preferred_element_type=jnp.float32) * scale + bias
        att = jax.nn.softmax(s, axis=-1)
        parts.append(jnp.dot(att, vh, preferred_element_type=jnp.float32))
    ao = jnp.concatenate(parts, axis=1)
    proj = jnp.dot(ao, wo_ref[...], preferred_element_type=jnp.float32) + bo_ref[...]
    out_ref[...] = _ln(hb0 + proj, l1g_ref[...], l1b_ref[...])[None]


def _tc_ffn_body(hb_ref, w1_ref, b1_ref, w2_ref, b2_ref, l2g_ref, l2b_ref,
                 pw_ref, pb_ref, out_ref, acc_ref):
    kk = pl.program_id(1)
    x = hb_ref[0]
    tmid = jax.nn.gelu(jnp.dot(x, w1_ref[...],
                               preferred_element_type=jnp.float32) + b1_ref[...])
    c = jnp.dot(tmid, w2_ref[...], preferred_element_type=jnp.float32)

    @pl.when(kk == 0)
    def _():
        acc_ref[...] = c

    @pl.when(kk > 0)
    def _():
        acc_ref[...] += c

    @pl.when(kk == FF // D - 1)
    def _():
        hb2 = _ln(x + acc_ref[...] + b2_ref[...], l2g_ref[...], l2b_ref[...])
        cls_row = hb2[0:1, :]
        pooled = jnp.tanh(jnp.dot(cls_row, pw_ref[...],
                                  preferred_element_type=jnp.float32) + pb_ref[...])
        out_ref[...] = pooled[None]


def _tc_cls_body(seg_ref, cnt_ref, cls_ref, w1_ref, b1_ref, w2_ref, b2_ref,
                 out_ref):
    gf = seg_ref[...] / jnp.maximum(cnt_ref[:, :1], 1.0)
    fused = jnp.concatenate([gf, cls_ref[...]], axis=1)
    hid = jax.nn.relu(jnp.dot(fused, w1_ref[...],
                              preferred_element_type=jnp.float32) + b1_ref[...])
    out_ref[...] = jnp.dot(hid, w2_ref[...],
                           preferred_element_type=jnp.float32) + b2_ref[...]


def kernel(input_ids, attention_mask, x, edge_index, batch, node_emb, conv1_W,
           conv1_b, conv2_W, conv2_b, tok_emb, pos_emb, ln_e_g, ln_e_b, Wq, bq,
           Wk, bk, Wv, bv, Wo, bo, ln1_g, ln1_b, W1, b1, W2, b2, ln2_g, ln2_b,
           pool_W, pool_b, cls_W1, cls_b1, cls_W2, cls_b2):
    f32 = jnp.float32
    i32 = jnp.int32

    loop = jnp.arange(N_NODES, dtype=i32)
    src_f = jnp.concatenate([edge_index[0].astype(i32), loop])
    dst_f = jnp.concatenate([edge_index[1].astype(i32), loop])
    pad = E_PAD - E_TOT
    src_p = jnp.concatenate([src_f, jnp.zeros((pad,), i32)])
    dst_p = jnp.concatenate([dst_f, jnp.full((pad,), N_NODES, i32)])
    src2 = jnp.stack([src_p, src_p + N_NODES])
    nidx = jnp.concatenate([x[:, 0].astype(i32),
                            jnp.zeros((N_PAD - N_NODES,), i32)])
    tids = input_ids.reshape(B * S).astype(i32)
    z128 = jnp.zeros((KE, 128), f32)
    ones128 = jnp.ones((KE, 128), f32)

    xe, etok = _sc_gather(nidx, node_emb, tids, tok_emb)
    deg2 = _sc_deg(dst_p, ones128, z128)

    hs1 = pl.pallas_call(
        _tc_hs1_body,
        grid=(N_NODES // BM, 2),
        in_specs=[
            pl.BlockSpec((BM, HID), lambda m, n: (m, 0)),
            pl.BlockSpec((HID, 128), lambda m, n: (0, n)),
            pl.BlockSpec((1, BM, 128), lambda m, n: (0, m, 0)),
        ],
        out_specs=pl.BlockSpec((1, BM, 128), lambda m, n: (n, m, 0)),
        out_shape=jax.ShapeDtypeStruct((NC, N_NODES, 128), f32),
    )(xe, conv1_W, deg2)

    scat1 = _sc_msg_pass(hs1.reshape(NC * N_NODES, 128), src2, dst_p, z128)

    hs2 = pl.pallas_call(
        _tc_hs2_body,
        grid=(N_NODES // BM, 2),
        in_specs=[
            pl.BlockSpec((NC, BM, 128), lambda m, n: (0, m, 0)),
            pl.BlockSpec((1, BM, 128), lambda m, n: (0, m, 0)),
            pl.BlockSpec((1, HID), lambda m, n: (0, 0)),
            pl.BlockSpec((HID, 128), lambda m, n: (0, n)),
        ],
        out_specs=pl.BlockSpec((1, BM, 128), lambda m, n: (n, m, 0)),
        out_shape=jax.ShapeDtypeStruct((NC, N_NODES, 128), f32),
    )(scat1, deg2, conv1_b.reshape(1, HID), conv2_W)

    scat2 = _sc_msg_pass(hs2.reshape(NC * N_NODES, 128), src2, dst_p, z128)

    batch3 = batch.astype(i32).reshape(N_NODES // BM, 1, BM)
    seg, cnt = pl.pallas_call(
        _tc_pool_body,
        grid=(N_NODES // BM,),
        in_specs=[
            pl.BlockSpec((NC, BM, 128), lambda m: (0, m, 0)),
            pl.BlockSpec((1, BM, 128), lambda m: (0, m, 0)),
            pl.BlockSpec((1, HID), lambda m: (0, 0)),
            pl.BlockSpec((1, 1, BM), lambda m: (m, 0, 0)),
        ],
        out_specs=(pl.BlockSpec((NG, HID), lambda m: (0, 0)),
                   pl.BlockSpec((NG, 128), lambda m: (0, 0))),
        out_shape=(jax.ShapeDtypeStruct((NG, HID), f32),
                   jax.ShapeDtypeStruct((NG, 128), f32)),
    )(scat2, deg2, conv2_b.reshape(1, HID), batch3)

    hb1 = pl.pallas_call(
        _tc_attn_body,
        grid=(B,),
        in_specs=[
            pl.BlockSpec((1, S, D), lambda b: (b, 0, 0)),
            pl.BlockSpec((S, D), lambda b: (0, 0)),
            pl.BlockSpec((1, 1, S), lambda b: (b, 0, 0)),
            pl.BlockSpec((1, D), lambda b: (0, 0)),
            pl.BlockSpec((1, D), lambda b: (0, 0)),
            pl.BlockSpec((D, D), lambda b: (0, 0)),
            pl.BlockSpec((1, D), lambda b: (0, 0)),
            pl.BlockSpec((D, D), lambda b: (0, 0)),
            pl.BlockSpec((1, D), lambda b: (0, 0)),
            pl.BlockSpec((D, D), lambda b: (0, 0)),
            pl.BlockSpec((1, D), lambda b: (0, 0)),
            pl.BlockSpec((D, D), lambda b: (0, 0)),
            pl.BlockSpec((1, D), lambda b: (0, 0)),
            pl.BlockSpec((1, D), lambda b: (0, 0)),
            pl.BlockSpec((1, D), lambda b: (0, 0)),
        ],
        out_specs=pl.BlockSpec((1, S, D), lambda b: (b, 0, 0)),
        out_shape=jax.ShapeDtypeStruct((B, S, D), f32),
    )(etok.reshape(B, S, D), pos_emb,
      attention_mask.astype(i32).reshape(B, 1, S),
      ln_e_g.reshape(1, D), ln_e_b.reshape(1, D),
      Wq, bq.reshape(1, D), Wk, bk.reshape(1, D), Wv, bv.reshape(1, D),
      Wo, bo.reshape(1, D), ln1_g.reshape(1, D), ln1_b.reshape(1, D))

    cls_feat = pl.pallas_call(
        _tc_ffn_body,
        grid=(B, FF // D),
        in_specs=[
            pl.BlockSpec((1, S, D), lambda b, k: (b, 0, 0)),
            pl.BlockSpec((D, D), lambda b, k: (0, k)),
            pl.BlockSpec((1, D), lambda b, k: (0, k)),
            pl.BlockSpec((D, D), lambda b, k: (k, 0)),
            pl.BlockSpec((1, D), lambda b, k: (0, 0)),
            pl.BlockSpec((1, D), lambda b, k: (0, 0)),
            pl.BlockSpec((1, D), lambda b, k: (0, 0)),
            pl.BlockSpec((D, D), lambda b, k: (0, 0)),
            pl.BlockSpec((1, D), lambda b, k: (0, 0)),
        ],
        out_specs=pl.BlockSpec((1, 1, D), lambda b, k: (b, 0, 0)),
        out_shape=jax.ShapeDtypeStruct((B, 1, D), f32),
        scratch_shapes=[pltpu.VMEM((S, D), f32)],
    )(hb1, W1, b1.reshape(1, FF), W2, b2.reshape(1, D),
      ln2_g.reshape(1, D), ln2_b.reshape(1, D),
      pool_W, pool_b.reshape(1, D)).reshape(B, D)

    w2p = jnp.zeros((128, 128), f32).at[:, :2].set(cls_W2)
    b2p = jnp.zeros((1, 128), f32).at[:, :2].set(cls_b2)
    out = pl.pallas_call(
        _tc_cls_body,
        in_specs=[
            pl.BlockSpec((NG, HID), lambda: (0, 0)),
            pl.BlockSpec((NG, 128), lambda: (0, 0)),
            pl.BlockSpec((B, D), lambda: (0, 0)),
            pl.BlockSpec((HID + D, 128), lambda: (0, 0)),
            pl.BlockSpec((1, 128), lambda: (0, 0)),
            pl.BlockSpec((128, 128), lambda: (0, 0)),
            pl.BlockSpec((1, 128), lambda: (0, 0)),
        ],
        out_specs=pl.BlockSpec((B, 128), lambda: (0, 0)),
        out_shape=jax.ShapeDtypeStruct((B, 128), f32),
    )(seg, cnt, cls_feat, cls_W1, cls_b1.reshape(1, 128), w2p, b2p)
    return out[:, :2]

# --- scband reference (transcript-rebuilt; emitter-appended) ---
"""Pipeline reference for scband-hybrid-gnn-32014686224804 (READ-ONLY COPY).

The authoritative reference and input builder live on the scoring server;
editing this copy changes nothing except your own understanding.
"""

import jax, jax.numpy as jnp
import numpy as np

N_NODES = 10000
N_EDGES = 160000
HID = 256
VOCAB_NODE = 30000
B = 32
S = 128
BV = 30522
D = 768
H = 12
DH = 64
FF = 3072
NG = 32

def _ln(x, g, b, eps=1e-12):
    m = x.mean(-1, keepdims=True)
    v = x.var(-1, keepdims=True)
    return (x - m) / jnp.sqrt(v + eps) * g + b

def _gcn(x, src, dst, W, b):
    h = x @ W
    n = x.shape[0]
    loop = jnp.arange(n, dtype=src.dtype)
    s = jnp.concatenate([src, loop])
    d = jnp.concatenate([dst, loop])
    deg = jnp.zeros((n,), jnp.float32).at[d].add(1.0)
    dinv = jnp.where(deg > 0, 1.0 / jnp.sqrt(deg), 0.0)
    norm = dinv[s] * dinv[d]
    msg = h[s] * norm[:, None]
    out = jnp.zeros_like(h).at[d].add(msg)
    return out + b

def setup_inputs(seed=0):
    key = jax.random.key(seed)
    k = lambda i: jax.random.fold_in(key, i)
    inp = {}
    inp["input_ids"] = jax.random.randint(k(0), (B, S), 0, BV, dtype=jnp.int32)
    inp["attention_mask"] = jnp.ones((B, S), jnp.int32)
    inp["x"] = jax.random.randint(k(1), (N_NODES, 1), 0, VOCAB_NODE, dtype=jnp.int32)
    inp["edge_index"] = jax.random.randint(k(2), (2, N_EDGES), 0, N_NODES, dtype=jnp.int32)
    inp["batch"] = jnp.sort(jax.random.randint(k(3), (N_NODES,), 0, NG, dtype=jnp.int32))
    def p(i, shape):
        return jax.random.normal(k(100 + i), shape, jnp.float32) * 0.02
    inp["node_emb"] = p(0, (VOCAB_NODE, HID))
    inp["conv1_W"] = p(1, (HID, HID)); inp["conv1_b"] = jnp.zeros((HID,), jnp.float32)
    inp["conv2_W"] = p(2, (HID, HID)); inp["conv2_b"] = jnp.zeros((HID,), jnp.float32)
    inp["tok_emb"] = p(3, (BV, D))
    inp["pos_emb"] = p(4, (S, D))
    inp["ln_e_g"] = jnp.ones((D,), jnp.float32); inp["ln_e_b"] = jnp.zeros((D,), jnp.float32)
    inp["Wq"] = p(5, (D, D)); inp["bq"] = jnp.zeros((D,), jnp.float32)
    inp["Wk"] = p(6, (D, D)); inp["bk"] = jnp.zeros((D,), jnp.float32)
    inp["Wv"] = p(7, (D, D)); inp["bv"] = jnp.zeros((D,), jnp.float32)
    inp["Wo"] = p(8, (D, D)); inp["bo"] = jnp.zeros((D,), jnp.float32)
    inp["ln1_g"] = jnp.ones((D,), jnp.float32); inp["ln1_b"] = jnp.zeros((D,), jnp.float32)
    inp["W1"] = p(9, (D, FF)); inp["b1"] = jnp.zeros((FF,), jnp.float32)
    inp["W2"] = p(10, (FF, D)); inp["b2"] = jnp.zeros((D,), jnp.float32)
    inp["ln2_g"] = jnp.ones((D,), jnp.float32); inp["ln2_b"] = jnp.zeros((D,), jnp.float32)
    inp["pool_W"] = p(11, (D, D)); inp["pool_b"] = jnp.zeros((D,), jnp.float32)
    inp["cls_W1"] = p(12, (HID + D, 128)); inp["cls_b1"] = jnp.zeros((128,), jnp.float32)
    inp["cls_W2"] = p(13, (128, 2)); inp["cls_b2"] = jnp.zeros((2,), jnp.float32)
    return inp

def _forward(input_ids, attention_mask, x, edge_index, batch, node_emb, conv1_W, conv1_b, conv2_W, conv2_b, tok_emb, pos_emb, ln_e_g, ln_e_b, Wq, bq, Wk, bk, Wv, bv, Wo, bo, ln1_g, ln1_b, W1, b1, W2, b2, ln2_g, ln2_b, pool_W, pool_b, cls_W1, cls_b1, cls_W2, cls_b2):
    xe = node_emb[x[:, 0]]
    src, dst = edge_index[0], edge_index[1]
    h = jax.nn.relu(_gcn(xe, src, dst, conv1_W, conv1_b))
    h = jax.nn.relu(_gcn(h, src, dst, conv2_W, conv2_b))
    seg = jax.ops.segment_sum(h, batch, num_segments=NG)
    cnt = jax.ops.segment_sum(jnp.ones((h.shape[0], 1), jnp.float32), batch, num_segments=NG)
    graph_feat = seg / jnp.maximum(cnt, 1.0)
    e = tok_emb[input_ids] + pos_emb[None]
    hb = _ln(e, ln_e_g, ln_e_b)
    q = (hb @ Wq + bq).reshape(B, S, H, DH).transpose(0, 2, 1, 3)
    kk = (hb @ Wk + bk).reshape(B, S, H, DH).transpose(0, 2, 1, 3)
    v = (hb @ Wv + bv).reshape(B, S, H, DH).transpose(0, 2, 1, 3)
    bias = jnp.where(attention_mask[:, None, None, :] > 0, 0.0, -1e9)
    att = jax.nn.softmax(q @ kk.transpose(0, 1, 3, 2) / jnp.sqrt(float(DH)) + bias, axis=-1)
    ao = (att @ v).transpose(0, 2, 1, 3).reshape(B, S, D) @ Wo + bo
    hb = _ln(hb + ao, ln1_g, ln1_b)
    ff = jax.nn.gelu(hb @ W1 + b1) @ W2 + b2
    hb = _ln(hb + ff, ln2_g, ln2_b)
    cls_feat = jnp.tanh(hb[:, 0] @ pool_W + pool_b)
    fused = jnp.concatenate([graph_feat, cls_feat], axis=1)
    hid = jax.nn.relu(fused @ cls_W1 + cls_b1)
    return hid @ cls_W2 + cls_b2

def reference(input_ids, attention_mask, x, edge_index, batch, node_emb, conv1_W, conv1_b, conv2_W, conv2_b, tok_emb, pos_emb, ln_e_g, ln_e_b, Wq, bq, Wk, bk, Wv, bv, Wo, bo, ln1_g, ln1_b, W1, b1, W2, b2, ln2_g, ln2_b, pool_W, pool_b, cls_W1, cls_b1, cls_W2, cls_b2):
    return _forward(input_ids, attention_mask, x, edge_index, batch, node_emb, conv1_W, conv1_b, conv2_W, conv2_b, tok_emb, pos_emb, ln_e_g, ln_e_b, Wq, bq, Wk, bk, Wv, bv, Wo, bo, ln1_g, ln1_b, W1, b1, W2, b2, ln2_g, ln2_b, pool_W, pool_b, cls_W1, cls_b1, cls_W2, cls_b2)

if __name__ == "__main__":
    import jax
    _d = setup_inputs()
    print(jax.jit(kernel)(*tuple(_d.values())))

</pallas_src>

<mosaic_0001>
#map = affine_map<(d0, d1) -> (0, 0)>
#map1 = affine_map<(d0, d1) -> (0)>
#map2 = affine_map<(d0, d1) -> (0, 0, 0)>
module attributes {stable_mosaic.version = 14 : i64} {
  func.func @_sc_msg_pass(%arg0: i32, %arg1: i32, %arg2: memref<20000x128xf32, #tpu.memory_space<hbm>>, %arg3: memref<2x172032xi32, #tpu.memory_space<hbm>>, %arg4: memref<172032xi32, #tpu.memory_space<hbm>>, %arg5: memref<128x128xf32, #tpu.memory_space<hbm>>, %arg6: memref<2x10240x128xf32, #tpu.memory_space<hbm>>, %arg7: memref<128xi32, #tpu.memory_space<vmem>>, %arg8: memref<128xi32, #tpu.memory_space<vmem>>, %arg9: memref<128xi32, #tpu.memory_space<vmem>>, %arg10: memref<128xi32, #tpu.memory_space<vmem>>, %arg11: memref<128x128xf32, #tpu.memory_space<vmem>>, %arg12: memref<128x128xf32, #tpu.memory_space<vmem>>, %arg13: memref<10240x128xf32, #tpu.memory_space<vmem_shared>>, %arg14: memref<!tpu.dma_semaphore, #tpu.memory_space<semaphore_mem>>, %arg15: memref<!tpu.dma_semaphore, #tpu.memory_space<semaphore_mem>>, %arg16: memref<!tpu.dma_semaphore, #tpu.memory_space<semaphore_mem>>, %arg17: memref<!tpu.dma_semaphore, #tpu.memory_space<semaphore_mem>>, %arg18: memref<!tpu.dma_semaphore, #tpu.memory_space<semaphore_mem>>, %arg19: memref<!tpu.dma_semaphore, #tpu.memory_space<semaphore_mem>>, %arg20: memref<!tpu.dma_semaphore, #tpu.memory_space<semaphore_mem>>, %arg21: memref<!tpu.dma_semaphore, #tpu.memory_space<semaphore_mem>>) attributes {dimension_semantics = [#tpu.dimension_semantics<core_parallel>, #tpu.dimension_semantics<subcore_parallel>], iteration_bounds = array<i64: 2, 16>, scalar_prefetch = 0 : i64, scratch_operands = 15 : i64, tpu.core_type = #tpu.core_type<sc_vector_subcore>, window_params = [{transform_indices = #map}, {transform_indices = #map}, {transform_indices = #map1}, {transform_indices = #map}, {transform_indices = #map2}]} {
    "tpu.region"() ({
      %run_scoped3A = tpu.sem_alloc : memref<!tpu.dma_semaphore, #tpu.memory_space<semaphore_mem>>
      tpu.enqueue_dma source(%arg5 : memref<128x128xf32, #tpu.memory_space<hbm>>) target(%arg11 : memref<128x128xf32, #tpu.memory_space<vmem>>) target_semaphore(%run_scoped3A : memref<!tpu.dma_semaphore, #tpu.memory_space<semaphore_mem>>)
      tpu.wait_dma2 semaphore(%run_scoped3A : memref<!tpu.dma_semaphore, #tpu.memory_space<semaphore_mem>>) src(%arg5 : memref<128x128xf32, #tpu.memory_space<hbm>>) dst(%arg11 : memref<128x128xf32, #tpu.memory_space<vmem>>)
      tpu.yield
    }) : () -> ()
    %mul3A = arith.constant 640 : i32
    %mul3A_0 = arith.muli %arg1, %mul3A : i32
    %add3A = arith.constant 0 : i32
    %add3A_1 = arith.addi %mul3A_0, %add3A : i32
    %multiple_of3A = tpu.assume_multiple %add3A_1, 8 : i32
    "tpu.region"() ({
      %run_scoped3A = tpu.sem_alloc : memref<!tpu.dma_semaphore, #tpu.memory_space<semaphore_mem>>
      %dma_start3A = arith.constant 0 : i32
      %dma_start3A_57 = tpu.memref_slice %arg13[%multiple_of3A, %dma_start3A] : memref<10240x128xf32, #tpu.memory_space<vmem_shared>> -> memref<128x128xf32, #tpu.memory_space<vmem_shared>>
      %dma_start3A_58 = arith.constant 0 : i32
      %dma_start3A_59 = tpu.memref_slice %arg13[%multiple_of3A, %dma_start3A_58] : memref<10240x128xf32, #tpu.memory_space<vmem_shared>> -> memref<128x128xf32, #tpu.memory_space<vmem_shared>>
      tpu.enqueue_dma source(%arg11 : memref<128x128xf32, #tpu.memory_space<vmem>>) target(%dma_start3A_59 : memref<128x128xf32, #tpu.memory_space<vmem_shared>>) target_semaphore(%run_scoped3A : memref<!tpu.dma_semaphore, #tpu.memory_space<semaphore_mem>>)
      %dma_wait3A_60 = arith.constant 0 : i32
      %dma_wait3A_61 = tpu.memref_slice %arg13[%multiple_of3A, %dma_wait3A_60] : memref<10240x128xf32, #tpu.memory_space<vmem_shared>> -> memref<128x128xf32, #tpu.memory_space<vmem_shared>>
      %dma_wait3A_62 = arith.constant 0 : i32
      %dma_wait3A_63 = tpu.memref_slice %arg13[%multiple_of3A, %dma_wait3A_62] : memref<10240x128xf32, #tpu.memory_space<vmem_shared>> -> memref<128x128xf32, #tpu.memory_space<vmem_shared>>
      tpu.wait_dma2 semaphore(%run_scoped3A : memref<!tpu.dma_semaphore, #tpu.memory_space<semaphore_mem>>) src(%arg11 : memref<128x128xf32, #tpu.memory_space<vmem>>) dst(%dma_wait3A_63 : memref<128x128xf32, #tpu.memory_space<vmem_shared>>)
      tpu.yield
    }) : () -> ()
    %mul3A_2 = arith.constant 640 : i32
    %mul3A_3 = arith.muli %arg1, %mul3A_2 : i32
    %add3A_4 = arith.constant 128 : i32
    %add3A_5 = arith.addi %mul3A_3, %add3A_4 : i32
    %multiple_of3A_6 = tpu.assume_multiple %add3A_5, 8 : i32
    "tpu.region"() ({
      %run_scoped3A = tpu.sem_alloc : memref<!tpu.dma_semaphore, #tpu.memory_space<semaphore_mem>>
      %dma_start3A = arith.constant 0 : i32
      %dma_start3A_57 = tpu.memref_slice %arg13[%multiple_of3A_6, %dma_start3A] : memref<10240x128xf32, #tpu.memory_space<vmem_shared>> -> memref<128x128xf32, #tpu.memory_space<vmem_shared>>
      %dma_start3A_58 = arith.constant 0 : i32
      %dma_start3A_59 = tpu.memref_slice %arg13[%multiple_of3A_6, %dma_start3A_58] : memref<10240x128xf32, #tpu.memory_space<vmem_shared>> -> memref<128x128xf32, #tpu.memory_space<vmem_shared>>
      tpu.enqueue_dma source(%arg11 : memref<128x128xf32, #tpu.memory_space<vmem>>) target(%dma_start3A_59 : memref<128x128xf32, #tpu.memory_space<vmem_shared>>) target_semaphore(%run_scoped3A : memref<!tpu.dma_semaphore, #tpu.memory_space<semaphore_mem>>)
      %dma_wait3A_60 = arith.constant 0 : i32
      %dma_wait3A_61 = tpu.memref_slice %arg13[%multiple_of3A_6, %dma_wait3A_60] : memref<10240x128xf32, #tpu.memory_space<vmem_shared>> -> memref<128x128xf32, #tpu.memory_space<vmem_shared>>
      %dma_wait3A_62 = arith.constant 0 : i32
      %dma_wait3A_63 = tpu.memref_slice %arg13[%multiple_of3A_6, %dma_wait3A_62] : memref<10240x128xf32, #tpu.memory_space<vmem_shared>> -> memref<128x128xf32, #tpu.memory_space<vmem_shared>>
      tpu.wait_dma2 semaphore(%run_scoped3A : memref<!tpu.dma_semaphore, #tpu.memory_space<semaphore_mem>>) src(%arg11 : memref<128x128xf32, #tpu.memory_space<vmem>>) dst(%dma_wait3A_63 : memref<128x128xf32, #tpu.memory_space<vmem_shared>>)
      tpu.yield
    }) : () -> ()
    %mul3A_7 = arith.constant 640 : i32
    %mul3A_8 = arith.muli %arg1, %mul3A_7 : i32
    %add3A_9 = arith.constant 256 : i32
    %add3A_10 = arith.addi %mul3A_8, %add3A_9 : i32
    %multiple_of3A_11 = tpu.assume_multiple %add3A_10, 8 : i32
    "tpu.region"() ({
      %run_scoped3A = tpu.sem_alloc : memref<!tpu.dma_semaphore, #tpu.memory_space<semaphore_mem>>
      %dma_start3A = arith.constant 0 : i32
      %dma_start3A_57 = tpu.memref_slice %arg13[%multiple_of3A_11, %dma_start3A] : memref<10240x128xf32, #tpu.memory_space<vmem_shared>> -> memref<128x128xf32, #tpu.memory_space<vmem_shared>>
      %dma_start3A_58 = arith.constant 0 : i32
      %dma_start3A_59 = tpu.memref_slice %arg13[%multiple_of3A_11, %dma_start3A_58] : memref<10240x128xf32, #tpu.memory_space<vmem_shared>> -> memref<128x128xf32, #tpu.memory_space<vmem_shared>>
      tpu.enqueue_dma source(%arg11 : memref<128x128xf32, #tpu.memory_space<vmem>>) target(%dma_start3A_59 : memref<128x128xf32, #tpu.memory_space<vmem_shared>>) target_semaphore(%run_scoped3A : memref<!tpu.dma_semaphore, #tpu.memory_space<semaphore_mem>>)
      %dma_wait3A_60 = arith.constant 0 : i32
      %dma_wait3A_61 = tpu.memref_slice %arg13[%multiple_of3A_11, %dma_wait3A_60] : memref<10240x128xf32, #tpu.memory_space<vmem_shared>> -> memref<128x128xf32, #tpu.memory_space<vmem_shared>>
      %dma_wait3A_62 = arith.constant 0 : i32
      %dma_wait3A_63 = tpu.memref_slice %arg13[%multiple_of3A_11, %dma_wait3A_62] : memref<10240x128xf32, #tpu.memory_space<vmem_shared>> -> memref<128x128xf32, #tpu.memory_space<vmem_shared>>
      tpu.wait_dma2 semaphore(%run_scoped3A : memref<!tpu.dma_semaphore, #tpu.memory_space<semaphore_mem>>) src(%arg11 : memref<128x128xf32, #tpu.memory_space<vmem>>) dst(%dma_wait3A_63 : memref<128x128xf32, #tpu.memory_space<vmem_shared>>)
      tpu.yield
    }) : () -> ()
    %mul3A_12 = arith.constant 640 : i32
    %mul3A_13 = arith.muli %arg1, %mul3A_12 : i32
    %add3A_14 = arith.constant 384 : i32
    %add3A_15 = arith.addi %mul3A_13, %add3A_14 : i32
    %multiple_of3A_16 = tpu.assume_multiple %add3A_15, 8 : i32
    "tpu.region"() ({
      %run_scoped3A = tpu.sem_alloc : memref<!tpu.dma_semaphore, #tpu.memory_space<semaphore_mem>>
      %dma_start3A = arith.constant 0 : i32
      %dma_start3A_57 = tpu.memref_slice %arg13[%multiple_of3A_16, %dma_start3A] : memref<10240x128xf32, #tpu.memory_space<vmem_shared>> -> memref<128x128xf32, #tpu.memory_space<vmem_shared>>
      %dma_start3A_58 = arith.constant 0 : i32
      %dma_start3A_59 = tpu.memref_slice %arg13[%multiple_of3A_16, %dma_start3A_58] : memref<10240x128xf32, #tpu.memory_space<vmem_shared>> -> memref<128x128xf32, #tpu.memory_space<vmem_shared>>
      tpu.enqueue_dma source(%arg11 : memref<128x128xf32, #tpu.memory_space<vmem>>) target(%dma_start3A_59 : memref<128x128xf32, #tpu.memory_space<vmem_shared>>) target_semaphore(%run_scoped3A : memref<!tpu.dma_semaphore, #tpu.memory_space<semaphore_mem>>)
      %dma_wait3A_60 = arith.constant 0 : i32
      %dma_wait3A_61 = tpu.memref_slice %arg13[%multiple_of3A_16, %dma_wait3A_60] : memref<10240x128xf32, #tpu.memory_space<vmem_shared>> -> memref<128x128xf32, #tpu.memory_space<vmem_shared>>
      %dma_wait3A_62 = arith.constant 0 : i32
      %dma_wait3A_63 = tpu.memref_slice %arg13[%multiple_of3A_16, %dma_wait3A_62] : memref<10240x128xf32, #tpu.memory_space<vmem_shared>> -> memref<128x128xf32, #tpu.memory_space<vmem_shared>>
      tpu.wait_dma2 semaphore(%run_scoped3A : memref<!tpu.dma_semaphore, #tpu.memory_space<semaphore_mem>>) src(%arg11 : memref<128x128xf32, #tpu.memory_space<vmem>>) dst(%dma_wait3A_63 : memref<128x128xf32, #tpu.memory_space<vmem_shared>>)
      tpu.yield
    }) : () -> ()
    %mul3A_17 = arith.constant 640 : i32
    %mul3A_18 = arith.muli %arg1, %mul3A_17 : i32
    %add3A_19 = arith.constant 512 : i32
    %add3A_20 = arith.addi %mul3A_18, %add3A_19 : i32
    %multiple_of3A_21 = tpu.assume_multiple %add3A_20, 8 : i32
    "tpu.region"() ({
      %run_scoped3A = tpu.sem_alloc : memref<!tpu.dma_semaphore, #tpu.memory_space<semaphore_mem>>
      %dma_start3A = arith.constant 0 : i32
      %dma_start3A_57 = tpu.memref_slice %arg13[%multiple_of3A_21, %dma_start3A] : memref<10240x128xf32, #tpu.memory_space<vmem_shared>> -> memref<128x128xf32, #tpu.memory_space<vmem_shared>>
      %dma_start3A_58 = arith.constant 0 : i32
      %dma_start3A_59 = tpu.memref_slice %arg13[%multiple_of3A_21, %dma_start3A_58] : memref<10240x128xf32, #tpu.memory_space<vmem_shared>> -> memref<128x128xf32, #tpu.memory_space<vmem_shared>>
      tpu.enqueue_dma source(%arg11 : memref<128x128xf32, #tpu.memory_space<vmem>>) target(%dma_start3A_59 : memref<128x128xf32, #tpu.memory_space<vmem_shared>>) target_semaphore(%run_scoped3A : memref<!tpu.dma_semaphore, #tpu.memory_space<semaphore_mem>>)
      %dma_wait3A_60 = arith.constant 0 : i32
      %dma_wait3A_61 = tpu.memref_slice %arg13[%multiple_of3A_21, %dma_wait3A_60] : memref<10240x128xf32, #tpu.memory_space<vmem_shared>> -> memref<128x128xf32, #tpu.memory_space<vmem_shared>>
      %dma_wait3A_62 = arith.constant 0 : i32
      %dma_wait3A_63 = tpu.memref_slice %arg13[%multiple_of3A_21, %dma_wait3A_62] : memref<10240x128xf32, #tpu.memory_space<vmem_shared>> -> memref<128x128xf32, #tpu.memory_space<vmem_shared>>
      tpu.wait_dma2 semaphore(%run_scoped3A : memref<!tpu.dma_semaphore, #tpu.memory_space<semaphore_mem>>) src(%arg11 : memref<128x128xf32, #tpu.memory_space<vmem>>) dst(%dma_wait3A_63 : memref<128x128xf32, #tpu.memory_space<vmem_shared>>)
      tpu.yield
    }) : () -> ()
    %barrier3A = arith.constant 0 : index
    tpu.barrier barrier_id(%barrier3A)
    %scan3A = arith.constant 0 : i32
    %scan3A_22 = arith.constant 42 : i32
    %scan3A_23 = arith.addi %scan3A, %scan3A_22 : i32
    %scan3A_24 = arith.constant 1 : i32
    scf.for %scan3A_57 = %scan3A to %scan3A_23 step %scan3A_24  : i32 {
      %mul3A_58 = arith.constant 10752 : i32
      %mul3A_59 = arith.muli %arg1, %mul3A_58 : i32
      %mul3A_60 = arith.constant 2 : i32
      %mul3A_61 = arith.muli %mul3A_60, %scan3A_57 : i32
      %mul3A_62 = arith.constant 128 : i32
      %mul3A_63 = arith.muli %mul3A_61, %mul3A_62 : i32
      %add3A_64 = arith.addi %mul3A_59, %mul3A_63 : i32
      %multiple_of3A_65 = tpu.assume_multiple %add3A_64, 8 : i32
      %mul3A_66 = arith.constant 10752 : i32
      %mul3A_67 = arith.muli %arg1, %mul3A_66 : i32
      %mul3A_68 = arith.constant 2 : i32
      %mul3A_69 = arith.muli %mul3A_68, %scan3A_57 : i32
      %add3A_70 = arith.constant 1 : i32
      %add3A_71 = arith.addi %mul3A_69, %add3A_70 : i32
      %mul3A_72 = arith.constant 128 : i32
      %mul3A_73 = arith.muli %add3A_71, %mul3A_72 : i32
      %add3A_74 = arith.addi %mul3A_67, %mul3A_73 : i32
      %multiple_of3A_75 = tpu.assume_multiple %add3A_74, 8 : i32
      %gt3A = arith.constant 0 : i32
      %gt3A_76 = arith.cmpi sgt, %scan3A_57, %gt3A : i32
      %convert_element_type3A = arith.extui %gt3A_76 : i1 to i32
      %cond3A = arith.constant 0 : i32
      %cond3A_77 = arith.cmpi ne, %convert_element_type3A, %cond3A : i32
      scf.if %cond3A_77 {
        %dma_wait3A_124 = arith.constant 0 : i32
        %dma_wait3A_125 = arith.constant 0 : i32
        %dma_wait3A_126 = tpu.memref_slice %arg13[%dma_wait3A_124, %dma_wait3A_125] : memref<10240x128xf32, #tpu.memory_space<vmem_shared>> -> memref<10240x128xf32, #tpu.memory_space<vmem_shared>>
        tpu.wait_indirect_dma semaphore(%arg16 : memref<!tpu.dma_semaphore, #tpu.memory_space<semaphore_mem>>) src(%arg11 : memref<128x128xf32, #tpu.memory_space<vmem>>) dst(%dma_wait3A_126 : memref<10240x128xf32, #tpu.memory_space<vmem_shared>>)
      } else {
      }
      %dma_start3A = tpu.memref_slice %arg3[%arg0, %multiple_of3A_65] : memref<2x172032xi32, #tpu.memory_space<hbm>> -> memref<1x128xi32, #tpu.memory_space<hbm>>
      %dma_start3A_78 = tpu.memref_squeeze %dma_start3A : memref<1x128xi32, #tpu.memory_space<hbm>> -> memref<128xi32, #tpu.memory_space<hbm>>
      %dma_start3A_79 = tpu.memref_slice %arg3[%arg0, %multiple_of3A_65] : memref<2x172032xi32, #tpu.memory_space<hbm>> -> memref<1x128xi32, #tpu.memory_space<hbm>>
      %dma_start3A_80 = tpu.memref_squeeze %dma_start3A_79 : memref<1x128xi32, #tpu.memory_space<hbm>> -> memref<128xi32, #tpu.memory_space<hbm>>
      tpu.enqueue_dma source(%dma_start3A_80 : memref<128xi32, #tpu.memory_space<hbm>>) target(%arg7 : memref<128xi32, #tpu.memory_space<vmem>>) target_semaphore(%arg18 : memref<!tpu.dma_semaphore, #tpu.memory_space<semaphore_mem>>)
      %dma_start3A_81 = tpu.memref_slice %arg4[%multiple_of3A_65] : memref<172032xi32, #tpu.memory_space<hbm>> -> memref<128xi32, #tpu.memory_space<hbm>>
      %dma_start3A_82 = tpu.memref_slice %arg4[%multiple_of3A_65] : memref<172032xi32, #tpu.memory_space<hbm>> -> memref<128xi32, #tpu.memory_space<hbm>>
      tpu.enqueue_dma source(%dma_start3A_82 : memref<128xi32, #tpu.memory_space<hbm>>) target(%arg8 : memref<128xi32, #tpu.memory_space<vmem>>) target_semaphore(%arg19 : memref<!tpu.dma_semaphore, #tpu.memory_space<semaphore_mem>>)
      %gt3A_83 = arith.constant 0 : i32
      %gt3A_84 = arith.cmpi sgt, %scan3A_57, %gt3A_83 : i32
      %convert_element_type3A_85 = arith.extui %gt3A_84 : i1 to i32
      %cond3A_86 = arith.constant 0 : i32
      %cond3A_87 = arith.cmpi ne, %convert_element_type3A_85, %cond3A_86 : i32
      scf.if %cond3A_87 {
        %dma_wait3A_124 = arith.constant 0 : i32
        %dma_wait3A_125 = arith.constant 0 : i32
        %dma_wait3A_126 = tpu.memref_slice %arg13[%dma_wait3A_124, %dma_wait3A_125] : memref<10240x128xf32, #tpu.memory_space<vmem_shared>> -> memref<10240x128xf32, #tpu.memory_space<vmem_shared>>
        tpu.wait_indirect_dma semaphore(%arg17 : memref<!tpu.dma_semaphore, #tpu.memory_space<semaphore_mem>>) src(%arg12 : memref<128x128xf32, #tpu.memory_space<vmem>>) dst(%dma_wait3A_126 : memref<10240x128xf32, #tpu.memory_space<vmem_shared>>)
      } else {
      }
      %dma_start3A_88 = tpu.memref_slice %arg3[%arg0, %multiple_of3A_75] : memref<2x172032xi32, #tpu.memory_space<hbm>> -> memref<1x128xi32, #tpu.memory_space<hbm>>
      %dma_start3A_89 = tpu.memref_squeeze %dma_start3A_88 : memref<1x128xi32, #tpu.memory_space<hbm>> -> memref<128xi32, #tpu.memory_space<hbm>>
      %dma_start3A_90 = tpu.memref_slice %arg3[%arg0, %multiple_of3A_75] : memref<2x172032xi32, #tpu.memory_space<hbm>> -> memref<1x128xi32, #tpu.memory_space<hbm>>
      %dma_start3A_91 = tpu.memref_squeeze %dma_start3A_90 : memref<1x128xi32, #tpu.memory_space<hbm>> -> memref<128xi32, #tpu.memory_space<hbm>>
      tpu.enqueue_dma source(%dma_start3A_91 : memref<128xi32, #tpu.memory_space<hbm>>) target(%arg9 : memref<128xi32, #tpu.memory_space<vmem>>) target_semaphore(%arg20 : memref<!tpu.dma_semaphore, #tpu.memory_space<semaphore_mem>>)
      %dma_start3A_92 = tpu.memref_slice %arg4[%multiple_of3A_75] : memref<172032xi32, #tpu.memory_space<hbm>> -> memref<128xi32, #tpu.memory_space<hbm>>
      %dma_start3A_93 = tpu.memref_slice %arg4[%multiple_of3A_75] : memref<172032xi32, #tpu.memory_space<hbm>> -> memref<128xi32, #tpu.memory_space<hbm>>
      tpu.enqueue_dma source(%dma_start3A_93 : memref<128xi32, #tpu.memory_space<hbm>>) target(%arg10 : memref<128xi32, #tpu.memory_space<vmem>>) target_semaphore(%arg21 : memref<!tpu.dma_semaphore, #tpu.memory_space<semaphore_mem>>)
      %dma_wait3A_94 = tpu.memref_slice %arg3[%arg0, %multiple_of3A_65] : memref<2x172032xi32, #tpu.memory_space<hbm>> -> memref<1x128xi32, #tpu.memory_space<hbm>>
      %dma_wait3A_95 = tpu.memref_squeeze %dma_wait3A_94 : memref<1x128xi32, #tpu.memory_space<hbm>> -> memref<128xi32, #tpu.memory_space<hbm>>
      %dma_wait3A_96 = tpu.memref_slice %arg3[%arg0, %multiple_of3A_65] : memref<2x172032xi32, #tpu.memory_space<hbm>> -> memref<1x128xi32, #tpu.memory_space<hbm>>
      %dma_wait3A_97 = tpu.memref_squeeze %dma_wait3A_96 : memref<1x128xi32, #tpu.memory_space<hbm>> -> memref<128xi32, #tpu.memory_space<hbm>>
      tpu.wait_dma2 semaphore(%arg18 : memref<!tpu.dma_semaphore, #tpu.memory_space<semaphore_mem>>) src(%dma_wait3A_97 : memref<128xi32, #tpu.memory_space<hbm>>) dst(%arg7 : memref<128xi32, #tpu.memory_space<vmem>>)
      %dma_start3A_98 = arith.constant 0 : i32
      %dma_start3A_99 = arith.constant 0 : i32
      %dma_start3A_100 = tpu.memref_slice %arg2[%dma_start3A_98, %dma_start3A_99] : memref<20000x128xf32, #tpu.memory_space<hbm>> -> memref<20000x128xf32, #tpu.memory_space<hbm>>
      tpu.enqueue_indirect_dma source(%dma_start3A_100 : memref<20000x128xf32, #tpu.memory_space<hbm>>) target(%arg11 : memref<128x128xf32, #tpu.memory_space<vmem>>) offsets(%arg7 : memref<128xi32, #tpu.memory_space<vmem>>) semaphore(%arg14 : memref<!tpu.dma_semaphore, #tpu.memory_space<semaphore_mem>>)
      %dma_wait3A_101 = tpu.memref_slice %arg3[%arg0, %multiple_of3A_75] : memref<2x172032xi32, #tpu.memory_space<hbm>> -> memref<1x128xi32, #tpu.memory_space<hbm>>
      %dma_wait3A_102 = tpu.memref_squeeze %dma_wait3A_101 : memref<1x128xi32, #tpu.memory_space<hbm>> -> memref<128xi32, #tpu.memory_space<hbm>>
      %dma_wait3A_103 = tpu.memref_slice %arg3[%arg0, %multiple_of3A_75] : memref<2x172032xi32, #tpu.memory_space<hbm>> -> memref<1x128xi32, #tpu.memory_space<hbm>>
      %dma_wait3A_104 = tpu.memref_squeeze %dma_wait3A_103 : memref<1x128xi32, #tpu.memory_space<hbm>> -> memref<128xi32, #tpu.memory_space<hbm>>
      tpu.wait_dma2 semaphore(%arg20 : memref<!tpu.dma_semaphore, #tpu.memory_space<semaphore_mem>>) src(%dma_wait3A_104 : memref<128xi32, #tpu.memory_space<hbm>>) dst(%arg9 : memref<128xi32, #tpu.memory_space<vmem>>)
      %dma_start3A_105 = arith.constant 0 : i32
      %dma_start3A_106 = arith.constant 0 : i32
      %dma_start3A_107 = tpu.memref_slice %arg2[%dma_start3A_105, %dma_start3A_106] : memref<20000x128xf32, #tpu.memory_space<hbm>> -> memref<20000x128xf32, #tpu.memory_space<hbm>>
      tpu.enqueue_indirect_dma source(%dma_start3A_107 : memref<20000x128xf32, #tpu.memory_space<hbm>>) target(%arg12 : memref<128x128xf32, #tpu.memory_space<vmem>>) offsets(%arg9 : memref<128xi32, #tpu.memory_space<vmem>>) semaphore(%arg15 : memref<!tpu.dma_semaphore, #tpu.memory_space<semaphore_mem>>)
      %dma_wait3A_108 = arith.constant 0 : i32
      %dma_wait3A_109 = arith.constant 0 : i32
      %dma_wait3A_110 = tpu.memref_slice %arg2[%dma_wait3A_108, %dma_wait3A_109] : memref<20000x128xf32, #tpu.memory_space<hbm>> -> memref<20000x128xf32, #tpu.memory_space<hbm>>
      tpu.wait_indirect_dma semaphore(%arg14 : memref<!tpu.dma_semaphore, #tpu.memory_space<semaphore_mem>>) src(%dma_wait3A_110 : memref<20000x128xf32, #tpu.memory_space<hbm>>) dst(%arg11 : memref<128x128xf32, #tpu.memory_space<vmem>>)
      %dma_wait3A_111 = tpu.memref_slice %arg4[%multiple_of3A_65] : memref<172032xi32, #tpu.memory_space<hbm>> -> memref<128xi32, #tpu.memory_space<hbm>>
      %dma_wait3A_112 = tpu.memref_slice %arg4[%multiple_of3A_65] : memref<172032xi32, #tpu.memory_space<hbm>> -> memref<128xi32, #tpu.memory_space<hbm>>
      tpu.wait_dma2 semaphore(%arg19 : memref<!tpu.dma_semaphore, #tpu.memory_space<semaphore_mem>>) src(%dma_wait3A_112 : memref<128xi32, #tpu.memory_space<hbm>>) dst(%arg8 : memref<128xi32, #tpu.memory_space<vmem>>)
      %dma_start3A_113 = arith.constant 0 : i32
      %dma_start3A_114 = arith.constant 0 : i32
      %dma_start3A_115 = tpu.memref_slice %arg13[%dma_start3A_113, %dma_start3A_114] : memref<10240x128xf32, #tpu.memory_space<vmem_shared>> -> memref<10240x128xf32, #tpu.memory_space<vmem_shared>>
      tpu.enqueue_indirect_dma source(%arg11 : memref<128x128xf32, #tpu.memory_space<vmem>>) target(%dma_start3A_115 : memref<10240x128xf32, #tpu.memory_space<vmem_shared>>) offsets(%arg8 : memref<128xi32, #tpu.memory_space<vmem>>) semaphore(%arg16 : memref<!tpu.dma_semaphore, #tpu.memory_space<semaphore_mem>>) {add = true}
      %dma_wait3A_116 = arith.constant 0 : i32
      %dma_wait3A_117 = arith.constant 0 : i32
      %dma_wait3A_118 = tpu.memref_slice %arg2[%dma_wait3A_116, %dma_wait3A_117] : memref<20000x128xf32, #tpu.memory_space<hbm>> -> memref<20000x128xf32, #tpu.memory_space<hbm>>
      tpu.wait_indirect_dma semaphore(%arg15 : memref<!tpu.dma_semaphore, #tpu.memory_space<semaphore_mem>>) src(%dma_wait3A_118 : memref<20000x128xf32, #tpu.memory_space<hbm>>) dst(%arg12 : memref<128x128xf32, #tpu.memory_space<vmem>>)
      %dma_wait3A_119 = tpu.memref_slice %arg4[%multiple_of3A_75] : memref<172032xi32, #tpu.memory_space<hbm>> -> memref<128xi32, #tpu.memory_space<hbm>>
      %dma_wait3A_120 = tpu.memref_slice %arg4[%multiple_of3A_75] : memref<172032xi32, #tpu.memory_space<hbm>> -> memref<128xi32, #tpu.memory_space<hbm>>
      tpu.wait_dma2 semaphore(%arg21 : memref<!tpu.dma_semaphore, #tpu.memory_space<semaphore_mem>>) src(%dma_wait3A_120 : memref<128xi32, #tpu.memory_space<hbm>>) dst(%arg10 : memref<128xi32, #tpu.memory_space<vmem>>)
      %dma_start3A_121 = arith.constant 0 : i32
      %dma_start3A_122 = arith.constant 0 : i32
      %dma_start3A_123 = tpu.memref_slice %arg13[%dma_start3A_121, %dma_start3A_122] : memref<10240x128xf32, #tpu.memory_space<vmem_shared>> -> memref<10240x128xf32, #tpu.memory_space<vmem_shared>>
      tpu.enqueue_indirect_dma source(%arg12 : memref<128x128xf32, #tpu.memory_space<vmem>>) target(%dma_start3A_123 : memref<10240x128xf32, #tpu.memory_space<vmem_shared>>) offsets(%arg10 : memref<128xi32, #tpu.memory_space<vmem>>) semaphore(%arg17 : memref<!tpu.dma_semaphore, #tpu.memory_space<semaphore_mem>>) {add = true}
    }
    %scan3A_25 = arith.constant 42 : i32
    %dma_wait3A = arith.constant 0 : i32
    %dma_wait3A_26 = arith.constant 0 : i32
    %dma_wait3A_27 = tpu.memref_slice %arg13[%dma_wait3A, %dma_wait3A_26] : memref<10240x128xf32, #tpu.memory_space<vmem_shared>> -> memref<10240x128xf32, #tpu.memory_space<vmem_shared>>
    tpu.wait_indirect_dma semaphore(%arg16 : memref<!tpu.dma_semaphore, #tpu.memory_space<semaphore_mem>>) src(%arg11 : memref<128x128xf32, #tpu.memory_space<vmem>>) dst(%dma_wait3A_27 : memref<10240x128xf32, #tpu.memory_space<vmem_shared>>)
    %dma_wait3A_28 = arith.constant 0 : i32
    %dma_wait3A_29 = arith.constant 0 : i32
    %dma_wait3A_30 = tpu.memref_slice %arg13[%dma_wait3A_28, %dma_wait3A_29] : memref<10240x128xf32, #tpu.memory_space<vmem_shared>> -> memref<10240x128xf32, #tpu.memory_space<vmem_shared>>
    tpu.wait_indirect_dma semaphore(%arg17 : memref<!tpu.dma_semaphore, #tpu.memory_space<semaphore_mem>>) src(%arg12 : memref<128x128xf32, #tpu.memory_space<vmem>>) dst(%dma_wait3A_30 : memref<10240x128xf32, #tpu.memory_space<vmem_shared>>)
    %barrier3A_31 = arith.constant 0 : index
    tpu.barrier barrier_id(%barrier3A_31)
    %mul3A_32 = arith.constant 640 : i32
    %mul3A_33 = arith.muli %arg1, %mul3A_32 : i32
    %add3A_34 = arith.constant 0 : i32
    %add3A_35 = arith.addi %mul3A_33, %add3A_34 : i32
    %multiple_of3A_36 = tpu.assume_multiple %add3A_35, 8 : i32
    "tpu.region"() ({
      %run_scoped3A = tpu.sem_alloc : memref<!tpu.dma_semaphore, #tpu.memory_space<semaphore_mem>>
      %dma_start3A = arith.constant 0 : i32
      %dma_start3A_57 = tpu.memref_slice %arg13[%multiple_of3A_36, %dma_start3A] : memref<10240x128xf32, #tpu.memory_space<vmem_shared>> -> memref<128x128xf32, #tpu.memory_space<vmem_shared>>
      %dma_start3A_58 = arith.constant 0 : i32
      %dma_start3A_59 = tpu.memref_slice %arg13[%multiple_of3A_36, %dma_start3A_58] : memref<10240x128xf32, #tpu.memory_space<vmem_shared>> -> memref<128x128xf32, #tpu.memory_space<vmem_shared>>
      tpu.enqueue_dma source(%dma_start3A_59 : memref<128x128xf32, #tpu.memory_space<vmem_shared>>) target(%arg11 : memref<128x128xf32, #tpu.memory_space<vmem>>) target_semaphore(%run_scoped3A : memref<!tpu.dma_semaphore, #tpu.memory_space<semaphore_mem>>)
      %dma_wait3A_60 = arith.constant 0 : i32
      %dma_wait3A_61 = tpu.memref_slice %arg13[%multiple_of3A_36, %dma_wait3A_60] : memref<10240x128xf32, #tpu.memory_space<vmem_shared>> -> memref<128x128xf32, #tpu.memory_space<vmem_shared>>
      %dma_wait3A_62 = arith.constant 0 : i32
      %dma_wait3A_63 = tpu.memref_slice %arg13[%multiple_of3A_36, %dma_wait3A_62] : memref<10240x128xf32, #tpu.memory_space<vmem_shared>> -> memref<128x128xf32, #tpu.memory_space<vmem_shared>>
      tpu.wait_dma2 semaphore(%run_scoped3A : memref<!tpu.dma_semaphore, #tpu.memory_space<semaphore_mem>>) src(%dma_wait3A_63 : memref<128x128xf32, #tpu.memory_space<vmem_shared>>) dst(%arg11 : memref<128x128xf32, #tpu.memory_space<vmem>>)
      tpu.yield
    }) : () -> ()
    "tpu.region"() ({
      %run_scoped3A = tpu.sem_alloc : memref<!tpu.dma_semaphore, #tpu.memory_space<semaphore_mem>>
      %dma_start3A = arith.constant 0 : i32
      %dma_start3A_57 = tpu.memref_slice %arg6[%arg0, %multiple_of3A_36, %dma_start3A] : memref<2x10240x128xf32, #tpu.memory_space<hbm>> -> memref<1x128x128xf32, #tpu.memory_space<hbm>>
      %dma_start3A_58 = tpu.memref_squeeze %dma_start3A_57 : memref<1x128x128xf32, #tpu.memory_space<hbm>> -> memref<128x128xf32, #tpu.memory_space<hbm>>
      %dma_start3A_59 = arith.constant 0 : i32
      %dma_start3A_60 = tpu.memref_slice %arg6[%arg0, %multiple_of3A_36, %dma_start3A_59] : memref<2x10240x128xf32, #tpu.memory_space<hbm>> -> memref<1x128x128xf32, #tpu.memory_space<hbm>>
      %dma_start3A_61 = tpu.memref_squeeze %dma_start3A_60 : memref<1x128x128xf32, #tpu.memory_space<hbm>> -> memref<128x128xf32, #tpu.memory_space<hbm>>
      tpu.enqueue_dma source(%arg11 : memref<128x128xf32, #tpu.memory_space<vmem>>) target(%dma_start3A_61 : memref<128x128xf32, #tpu.memory_space<hbm>>) target_semaphore(%run_scoped3A : memref<!tpu.dma_semaphore, #tpu.memory_space<semaphore_mem>>)
      %dma_wait3A_62 = arith.constant 0 : i32
      %dma_wait3A_63 = tpu.memref_slice %arg6[%arg0, %multiple_of3A_36, %dma_wait3A_62] : memref<2x10240x128xf32, #tpu.memory_space<hbm>> -> memref<1x128x128xf32, #tpu.memory_space<hbm>>
      %dma_wait3A_64 = tpu.memref_squeeze %dma_wait3A_63 : memref<1x128x128xf32, #tpu.memory_space<hbm>> -> memref<128x128xf32, #tpu.memory_space<hbm>>
      %dma_wait3A_65 = arith.constant 0 : i32
      %dma_wait3A_66 = tpu.memref_slice %arg6[%arg0, %multiple_of3A_36, %dma_wait3A_65] : memref<2x10240x128xf32, #tpu.memory_space<hbm>> -> memref<1x128x128xf32, #tpu.memory_space<hbm>>
      %dma_wait3A_67 = tpu.memref_squeeze %dma_wait3A_66 : memref<1x128x128xf32, #tpu.memory_space<hbm>> -> memref<128x128xf32, #tpu.memory_space<hbm>>
      tpu.wait_dma2 semaphore(%run_scoped3A : memref<!tpu.dma_semaphore, #tpu.memory_space<semaphore_mem>>) src(%arg11 : memref<128x128xf32, #tpu.memory_space<vmem>>) dst(%dma_wait3A_67 : memref<128x128xf32, #tpu.memory_space<hbm>>)
      tpu.yield
    }) : () -> ()
    %mul3A_37 = arith.constant 640 : i32
    %mul3A_38 = arith.muli %arg1, %mul3A_37 : i32
    %add3A_39 = arith.constant 128 : i32
    %add3A_40 = arith.addi %mul3A_38, %add3A_39 : i32
    %multiple_of3A_41 = tpu.assume_multiple %add3A_40, 8 : i32
    "tpu.region"() ({
      %run_scoped3A = tpu.sem_alloc : memref<!tpu.dma_semaphore, #tpu.memory_space<semaphore_mem>>
      %dma_start3A = arith.constant 0 : i32
      %dma_start3A_57 = tpu.memref_slice %arg13[%multiple_of3A_41, %dma_start3A] : memref<10240x128xf32, #tpu.memory_space<vmem_shared>> -> memref<128x128xf32, #tpu.memory_space<vmem_shared>>
      %dma_start3A_58 = arith.constant 0 : i32
      %dma_start3A_59 = tpu.memref_slice %arg13[%multiple_of3A_41, %dma_start3A_58] : memref<10240x128xf32, #tpu.memory_space<vmem_shared>> -> memref<128x128xf32, #tpu.memory_space<vmem_shared>>
      tpu.enqueue_dma source(%dma_start3A_59 : memref<128x128xf32, #tpu.memory_space<vmem_shared>>) target(%arg11 : memref<128x128xf32, #tpu.memory_space<vmem>>) target_semaphore(%run_scoped3A : memref<!tpu.dma_semaphore, #tpu.memory_space<semaphore_mem>>)
      %dma_wait3A_60 = arith.constant 0 : i32
      %dma_wait3A_61 = tpu.memref_slice %arg13[%multiple_of3A_41, %dma_wait3A_60] : memref<10240x128xf32, #tpu.memory_space<vmem_shared>> -> memref<128x128xf32, #tpu.memory_space<vmem_shared>>
      %dma_wait3A_62 = arith.constant 0 : i32
      %dma_wait3A_63 = tpu.memref_slice %arg13[%multiple_of3A_41, %dma_wait3A_62] : memref<10240x128xf32, #tpu.memory_space<vmem_shared>> -> memref<128x128xf32, #tpu.memory_space<vmem_shared>>
      tpu.wait_dma2 semaphore(%run_scoped3A : memref<!tpu.dma_semaphore, #tpu.memory_space<semaphore_mem>>) src(%dma_wait3A_63 : memref<128x128xf32, #tpu.memory_space<vmem_shared>>) dst(%arg11 : memref<128x128xf32, #tpu.memory_space<vmem>>)
      tpu.yield
    }) : () -> ()
    "tpu.region"() ({
      %run_scoped3A = tpu.sem_alloc : memref<!tpu.dma_semaphore, #tpu.memory_space<semaphore_mem>>
      %dma_start3A = arith.constant 0 : i32
      %dma_start3A_57 = tpu.memref_slice %arg6[%arg0, %multiple_of3A_41, %dma_start3A] : memref<2x10240x128xf32, #tpu.memory_space<hbm>> -> memref<1x128x128xf32, #tpu.memory_space<hbm>>
      %dma_start3A_58 = tpu.memref_squeeze %dma_start3A_57 : memref<1x128x128xf32, #tpu.memory_space<hbm>> -> memref<128x128xf32, #tpu.memory_space<hbm>>
      %dma_start3A_59 = arith.constant 0 : i32
      %dma_start3A_60 = tpu.memref_slice %arg6[%arg0, %multiple_of3A_41, %dma_start3A_59] : memref<2x10240x128xf32, #tpu.memory_space<hbm>> -> memref<1x128x128xf32, #tpu.memory_space<hbm>>
      %dma_start3A_61 = tpu.memref_squeeze %dma_start3A_60 : memref<1x128x128xf32, #tpu.memory_space<hbm>> -> memref<128x128xf32, #tpu.memory_space<hbm>>
      tpu.enqueue_dma source(%arg11 : memref<128x128xf32, #tpu.memory_space<vmem>>) target(%dma_start3A_61 : memref<128x128xf32, #tpu.memory_space<hbm>>) target_semaphore(%run_scoped3A : memref<!tpu.dma_semaphore, #tpu.memory_space<semaphore_mem>>)
      %dma_wait3A_62 = arith.constant 0 : i32
      %dma_wait3A_63 = tpu.memref_slice %arg6[%arg0, %multiple_of3A_41, %dma_wait3A_62] : memref<2x10240x128xf32, #tpu.memory_space<hbm>> -> memref<1x128x128xf32, #tpu.memory_space<hbm>>
      %dma_wait3A_64 = tpu.memref_squeeze %dma_wait3A_63 : memref<1x128x128xf32, #tpu.memory_space<hbm>> -> memref<128x128xf32, #tpu.memory_space<hbm>>
      %dma_wait3A_65 = arith.constant 0 : i32
      %dma_wait3A_66 = tpu.memref_slice %arg6[%arg0, %multiple_of3A_41, %dma_wait3A_65] : memref<2x10240x128xf32, #tpu.memory_space<hbm>> -> memref<1x128x128xf32, #tpu.memory_space<hbm>>
      %dma_wait3A_67 = tpu.memref_squeeze %dma_wait3A_66 : memref<1x128x128xf32, #tpu.memory_space<hbm>> -> memref<128x128xf32, #tpu.memory_space<hbm>>
      tpu.wait_dma2 semaphore(%run_scoped3A : memref<!tpu.dma_semaphore, #tpu.memory_space<semaphore_mem>>) src(%arg11 : memref<128x128xf32, #tpu.memory_space<vmem>>) dst(%dma_wait3A_67 : memref<128x128xf32, #tpu.memory_space<hbm>>)
      tpu.yield
    }) : () -> ()
    %mul3A_42 = arith.constant 640 : i32
    %mul3A_43 = arith.muli %arg1, %mul3A_42 : i32
    %add3A_44 = arith.constant 256 : i32
    %add3A_45 = arith.addi %mul3A_43, %add3A_44 : i32
    %multiple_of3A_46 = tpu.assume_multiple %add3A_45, 8 : i32
    "tpu.region"() ({
      %run_scoped3A = tpu.sem_alloc : memref<!tpu.dma_semaphore, #tpu.memory_space<semaphore_mem>>
      %dma_start3A = arith.constant 0 : i32
      %dma_start3A_57 = tpu.memref_slice %arg13[%multiple_of3A_46, %dma_start3A] : memref<10240x128xf32, #tpu.memory_space<vmem_shared>> -> memref<128x128xf32, #tpu.memory_space<vmem_shared>>
      %dma_start3A_58 = arith.constant 0 : i32
      %dma_start3A_59 = tpu.memref_slice %arg13[%multiple_of3A_46, %dma_start3A_58] : memref<10240x128xf32, #tpu.memory_space<vmem_shared>> -> memref<128x128xf32, #tpu.memory_space<vmem_shared>>
      tpu.enqueue_dma source(%dma_start3A_59 : memref<128x128xf32, #tpu.memory_space<vmem_shared>>) target(%arg11 : memref<128x128xf32, #tpu.memory_space<vmem>>) target_semaphore(%run_scoped3A : memref<!tpu.dma_semaphore, #tpu.memory_space<semaphore_mem>>)
      %dma_wait3A_60 = arith.constant 0 : i32
      %dma_wait3A_61 = tpu.memref_slice %arg13[%multiple_of3A_46, %dma_wait3A_60] : memref<10240x128xf32, #tpu.memory_space<vmem_shared>> -> memref<128x128xf32, #tpu.memory_space<vmem_shared>>
      %dma_wait3A_62 = arith.constant 0 : i32
      %dma_wait3A_63 = tpu.memref_slice %arg13[%multiple_of3A_46, %dma_wait3A_62] : memref<10240x128xf32, #tpu.memory_space<vmem_shared>> -> memref<128x128xf32, #tpu.memory_space<vmem_shared>>
      tpu.wait_dma2 semaphore(%run_scoped3A : memref<!tpu.dma_semaphore, #tpu.memory_space<semaphore_mem>>) src(%dma_wait3A_63 : memref<128x128xf32, #tpu.memory_space<vmem_shared>>) dst(%arg11 : memref<128x128xf32, #tpu.memory_space<vmem>>)
      tpu.yield
    }) : () -> ()
    "tpu.region"() ({
      %run_scoped3A = tpu.sem_alloc : memref<!tpu.dma_semaphore, #tpu.memory_space<semaphore_mem>>
      %dma_start3A = arith.constant 0 : i32
      %dma_start3A_57 = tpu.memref_slice %arg6[%arg0, %multiple_of3A_46, %dma_start3A] : memref<2x10240x128xf32, #tpu.memory_space<hbm>> -> memref<1x128x128xf32, #tpu.memory_space<hbm>>
      %dma_start3A_58 = tpu.memref_squeeze %dma_start3A_57 : memref<1x128x128xf32, #tpu.memory_space<hbm>> -> memref<128x128xf32, #tpu.memory_space<hbm>>
      %dma_start3A_59 = arith.constant 0 : i32
      %dma_start3A_60 = tpu.memref_slice %arg6[%arg0, %multiple_of3A_46, %dma_start3A_59] : memref<2x10240x128xf32, #tpu.memory_space<hbm>> -> memref<1x128x128xf32, #tpu.memory_space<hbm>>
      %dma_start3A_61 = tpu.memref_squeeze %dma_start3A_60 : memref<1x128x128xf32, #tpu.memory_space<hbm>> -> memref<128x128xf32, #tpu.memory_space<hbm>>
      tpu.enqueue_dma source(%arg11 : memref<128x128xf32, #tpu.memory_space<vmem>>) target(%dma_start3A_61 : memref<128x128xf32, #tpu.memory_space<hbm>>) target_semaphore(%run_scoped3A : memref<!tpu.dma_semaphore, #tpu.memory_space<semaphore_mem>>)
      %dma_wait3A_62 = arith.constant 0 : i32
      %dma_wait3A_63 = tpu.memref_slice %arg6[%arg0, %multiple_of3A_46, %dma_wait3A_62] : memref<2x10240x128xf32, #tpu.memory_space<hbm>> -> memref<1x128x128xf32, #tpu.memory_space<hbm>>
      %dma_wait3A_64 = tpu.memref_squeeze %dma_wait3A_63 : memref<1x128x128xf32, #tpu.memory_space<hbm>> -> memref<128x128xf32, #tpu.memory_space<hbm>>
      %dma_wait3A_65 = arith.constant 0 : i32
      %dma_wait3A_66 = tpu.memref_slice %arg6[%arg0, %multiple_of3A_46, %dma_wait3A_65] : memref<2x10240x128xf32, #tpu.memory_space<hbm>> -> memref<1x128x128xf32, #tpu.memory_space<hbm>>
      %dma_wait3A_67 = tpu.memref_squeeze %dma_wait3A_66 : memref<1x128x128xf32, #tpu.memory_space<hbm>> -> memref<128x128xf32, #tpu.memory_space<hbm>>
      tpu.wait_dma2 semaphore(%run_scoped3A : memref<!tpu.dma_semaphore, #tpu.memory_space<semaphore_mem>>) src(%arg11 : memref<128x128xf32, #tpu.memory_space<vmem>>) dst(%dma_wait3A_67 : memref<128x128xf32, #tpu.memory_space<hbm>>)
      tpu.yield
    }) : () -> ()
    %mul3A_47 = arith.constant 640 : i32
    %mul3A_48 = arith.muli %arg1, %mul3A_47 : i32
    %add3A_49 = arith.constant 384 : i32
    %add3A_50 = arith.addi %mul3A_48, %add3A_49 : i32
    %multiple_of3A_51 = tpu.assume_multiple %add3A_50, 8 : i32
    "tpu.region"() ({
      %run_scoped3A = tpu.sem_alloc : memref<!tpu.dma_semaphore, #tpu.memory_space<semaphore_mem>>
      %dma_start3A = arith.constant 0 : i32
      %dma_start3A_57 = tpu.memref_slice %arg13[%multiple_of3A_51, %dma_start3A] : memref<10240x128xf32, #tpu.memory_space<vmem_shared>> -> memref<128x128xf32, #tpu.memory_space<vmem_shared>>
      %dma_start3A_58 = arith.constant 0 : i32
      %dma_start3A_59 = tpu.memref_slice %arg13[%multiple_of3A_51, %dma_start3A_58] : memref<10240x128xf32, #tpu.memory_space<vmem_shared>> -> memref<128x128xf32, #tpu.memory_space<vmem_shared>>
      tpu.enqueue_dma source(%dma_start3A_59 : memref<128x128xf32, #tpu.memory_space<vmem_shared>>) target(%arg11 : memref<128x128xf32, #tpu.memory_space<vmem>>) target_semaphore(%run_scoped3A : memref<!tpu.dma_semaphore, #tpu.memory_space<semaphore_mem>>)
      %dma_wait3A_60 = arith.constant 0 : i32
      %dma_wait3A_61 = tpu.memref_slice %arg13[%multiple_of3A_51, %dma_wait3A_60] : memref<10240x128xf32, #tpu.memory_space<vmem_shared>> -> memref<128x128xf32, #tpu.memory_space<vmem_shared>>
      %dma_wait3A_62 = arith.constant 0 : i32
      %dma_wait3A_63 = tpu.memref_slice %arg13[%multiple_of3A_51, %dma_wait3A_62] : memref<10240x128xf32, #tpu.memory_space<vmem_shared>> -> memref<128x128xf32, #tpu.memory_space<vmem_shared>>
      tpu.wait_dma2 semaphore(%run_scoped3A : memref<!tpu.dma_semaphore, #tpu.memory_space<semaphore_mem>>) src(%dma_wait3A_63 : memref<128x128xf32, #tpu.memory_space<vmem_shared>>) dst(%arg11 : memref<128x128xf32, #tpu.memory_space<vmem>>)
      tpu.yield
    }) : () -> ()
    "tpu.region"() ({
      %run_scoped3A = tpu.sem_alloc : memref<!tpu.dma_semaphore, #tpu.memory_space<semaphore_mem>>
      %dma_start3A = arith.constant 0 : i32
      %dma_start3A_57 = tpu.memref_slice %arg6[%arg0, %multiple_of3A_51, %dma_start3A] : memref<2x10240x128xf32, #tpu.memory_space<hbm>> -> memref<1x128x128xf32, #tpu.memory_space<hbm>>
      %dma_start3A_58 = tpu.memref_squeeze %dma_start3A_57 : memref<1x128x128xf32, #tpu.memory_space<hbm>> -> memref<128x128xf32, #tpu.memory_space<hbm>>
      %dma_start3A_59 = arith.constant 0 : i32
      %dma_start3A_60 = tpu.memref_slice %arg6[%arg0, %multiple_of3A_51, %dma_start3A_59] : memref<2x10240x128xf32, #tpu.memory_space<hbm>> -> memref<1x128x128xf32, #tpu.memory_space<hbm>>
      %dma_start3A_61 = tpu.memref_squeeze %dma_start3A_60 : memref<1x128x128xf32, #tpu.memory_space<hbm>> -> memref<128x128xf32, #tpu.memory_space<hbm>>
      tpu.enqueue_dma source(%arg11 : memref<128x128xf32, #tpu.memory_space<vmem>>) target(%dma_start3A_61 : memref<128x128xf32, #tpu.memory_space<hbm>>) target_semaphore(%run_scoped3A : memref<!tpu.dma_semaphore, #tpu.memory_space<semaphore_mem>>)
      %dma_wait3A_62 = arith.constant 0 : i32
      %dma_wait3A_63 = tpu.memref_slice %arg6[%arg0, %multiple_of3A_51, %dma_wait3A_62] : memref<2x10240x128xf32, #tpu.memory_space<hbm>> -> memref<1x128x128xf32, #tpu.memory_space<hbm>>
      %dma_wait3A_64 = tpu.memref_squeeze %dma_wait3A_63 : memref<1x128x128xf32, #tpu.memory_space<hbm>> -> memref<128x128xf32, #tpu.memory_space<hbm>>
      %dma_wait3A_65 = arith.constant 0 : i32
      %dma_wait3A_66 = tpu.memref_slice %arg6[%arg0, %multiple_of3A_51, %dma_wait3A_65] : memref<2x10240x128xf32, #tpu.memory_space<hbm>> -> memref<1x128x128xf32, #tpu.memory_space<hbm>>
      %dma_wait3A_67 = tpu.memref_squeeze %dma_wait3A_66 : memref<1x128x128xf32, #tpu.memory_space<hbm>> -> memref<128x128xf32, #tpu.memory_space<hbm>>
      tpu.wait_dma2 semaphore(%run_scoped3A : memref<!tpu.dma_semaphore, #tpu.memory_space<semaphore_mem>>) src(%arg11 : memref<128x128xf32, #tpu.memory_space<vmem>>) dst(%dma_wait3A_67 : memref<128x128xf32, #tpu.memory_space<hbm>>)
      tpu.yield
    }) : () -> ()
    %mul3A_52 = arith.constant 640 : i32
    %mul3A_53 = arith.muli %arg1, %mul3A_52 : i32
    %add3A_54 = arith.constant 512 : i32
    %add3A_55 = arith.addi %mul3A_53, %add3A_54 : i32
    %multiple_of3A_56 = tpu.assume_multiple %add3A_55, 8 : i32
    "tpu.region"() ({
      %run_scoped3A = tpu.sem_alloc : memref<!tpu.dma_semaphore, #tpu.memory_space<semaphore_mem>>
      %dma_start3A = arith.constant 0 : i32
      %dma_start3A_57 = tpu.memref_slice %arg13[%multiple_of3A_56, %dma_start3A] : memref<10240x128xf32, #tpu.memory_space<vmem_shared>> -> memref<128x128xf32, #tpu.memory_space<vmem_shared>>
      %dma_start3A_58 = arith.constant 0 : i32
      %dma_start3A_59 = tpu.memref_slice %arg13[%multiple_of3A_56, %dma_start3A_58] : memref<10240x128xf32, #tpu.memory_space<vmem_shared>> -> memref<128x128xf32, #tpu.memory_space<vmem_shared>>
      tpu.enqueue_dma source(%dma_start3A_59 : memref<128x128xf32, #tpu.memory_space<vmem_shared>>) target(%arg11 : memref<128x128xf32, #tpu.memory_space<vmem>>) target_semaphore(%run_scoped3A : memref<!tpu.dma_semaphore, #tpu.memory_space<semaphore_mem>>)
      %dma_wait3A_60 = arith.constant 0 : i32
      %dma_wait3A_61 = tpu.memref_slice %arg13[%multiple_of3A_56, %dma_wait3A_60] : memref<10240x128xf32, #tpu.memory_space<vmem_shared>> -> memref<128x128xf32, #tpu.memory_space<vmem_shared>>
      %dma_wait3A_62 = arith.constant 0 : i32
      %dma_wait3A_63 = tpu.memref_slice %arg13[%multiple_of3A_56, %dma_wait3A_62] : memref<10240x128xf32, #tpu.memory_space<vmem_shared>> -> memref<128x128xf32, #tpu.memory_space<vmem_shared>>
      tpu.wait_dma2 semaphore(%run_scoped3A : memref<!tpu.dma_semaphore, #tpu.memory_space<semaphore_mem>>) src(%dma_wait3A_63 : memref<128x128xf32, #tpu.memory_space<vmem_shared>>) dst(%arg11 : memref<128x128xf32, #tpu.memory_space<vmem>>)
      tpu.yield
    }) : () -> ()
    "tpu.region"() ({
      %run_scoped3A = tpu.sem_alloc : memref<!tpu.dma_semaphore, #tpu.memory_space<semaphore_mem>>
      %dma_start3A = arith.constant 0 : i32
      %dma_start3A_57 = tpu.memref_slice %arg6[%arg0, %multiple_of3A_56, %dma_start3A] : memref<2x10240x128xf32, #tpu.memory_space<hbm>> -> memref<1x128x128xf32, #tpu.memory_space<hbm>>
      %dma_start3A_58 = tpu.memref_squeeze %dma_start3A_57 : memref<1x128x128xf32, #tpu.memory_space<hbm>> -> memref<128x128xf32, #tpu.memory_space<hbm>>
      %dma_start3A_59 = arith.constant 0 : i32
      %dma_start3A_60 = tpu.memref_slice %arg6[%arg0, %multiple_of3A_56, %dma_start3A_59] : memref<2x10240x128xf32, #tpu.memory_space<hbm>> -> memref<1x128x128xf32, #tpu.memory_space<hbm>>
      %dma_start3A_61 = tpu.memref_squeeze %dma_start3A_60 : memref<1x128x128xf32, #tpu.memory_space<hbm>> -> memref<128x128xf32, #tpu.memory_space<hbm>>
      tpu.enqueue_dma source(%arg11 : memref<128x128xf32, #tpu.memory_space<vmem>>) target(%dma_start3A_61 : memref<128x128xf32, #tpu.memory_space<hbm>>) target_semaphore(%run_scoped3A : memref<!tpu.dma_semaphore, #tpu.memory_space<semaphore_mem>>)
      %dma_wait3A_62 = arith.constant 0 : i32
      %dma_wait3A_63 = tpu.memref_slice %arg6[%arg0, %multiple_of3A_56, %dma_wait3A_62] : memref<2x10240x128xf32, #tpu.memory_space<hbm>> -> memref<1x128x128xf32, #tpu.memory_space<hbm>>
      %dma_wait3A_64 = tpu.memref_squeeze %dma_wait3A_63 : memref<1x128x128xf32, #tpu.memory_space<hbm>> -> memref<128x128xf32, #tpu.memory_space<hbm>>
      %dma_wait3A_65 = arith.constant 0 : i32
      %dma_wait3A_66 = tpu.memref_slice %arg6[%arg0, %multiple_of3A_56, %dma_wait3A_65] : memref<2x10240x128xf32, #tpu.memory_space<hbm>> -> memref<1x128x128xf32, #tpu.memory_space<hbm>>
      %dma_wait3A_67 = tpu.memref_squeeze %dma_wait3A_66 : memref<1x128x128xf32, #tpu.memory_space<hbm>> -> memref<128x128xf32, #tpu.memory_space<hbm>>
      tpu.wait_dma2 semaphore(%run_scoped3A : memref<!tpu.dma_semaphore, #tpu.memory_space<semaphore_mem>>) src(%arg11 : memref<128x128xf32, #tpu.memory_space<vmem>>) dst(%dma_wait3A_67 : memref<128x128xf32, #tpu.memory_space<hbm>>)
      tpu.yield
    }) : () -> ()
    return
  }
}

#map = affine_map<(d0, d1) -> (0)>
#map1 = affine_map<(d0, d1) -> (0, 0)>
#map2 = affine_map<(d0, d1) -> (0, 0, 0)>
module attributes {stable_mosaic.version = 14 : i64} {
  func.func @_sc_deg(%arg0: i32, %arg1: i32, %arg2: memref<172032xi32, #tpu.memory_space<hbm>>, %arg3: memref<128x128xf32, #tpu.memory_space<hbm>>, %arg4: memref<128x128xf32, #tpu.memory_space<hbm>>, %arg5: memref<2x10240x128xf32, #tpu.memory_space<hbm>>, %arg6: memref<128xi32, #tpu.memory_space<vmem>>, %arg7: memref<128xi32, #tpu.memory_space<vmem>>, %arg8: memref<128x128xf32, #tpu.memory_space<vmem>>, %arg9: memref<10240x128xf32, #tpu.memory_space<vmem_shared>>, %arg10: memref<!tpu.dma_semaphore, #tpu.memory_space<semaphore_mem>>, %arg11: memref<!tpu.dma_semaphore, #tpu.memory_space<semaphore_mem>>) attributes {dimension_semantics = [#tpu.dimension_semantics<core_parallel>, #tpu.dimension_semantics<subcore_parallel>], iteration_bounds = array<i64: 2, 16>, scalar_prefetch = 0 : i64, scratch_operands = 6 : i64, tpu.core_type = #tpu.core_type<sc_vector_subcore>, window_params = [{transform_indices = #map}, {transform_indices = #map1}, {transform_indices = #map1}, {transform_indices = #map2}]} {
    "tpu.region"() ({
      %run_scoped3A = tpu.sem_alloc : memref<!tpu.dma_semaphore, #tpu.memory_space<semaphore_mem>>
      tpu.enqueue_dma source(%arg4 : memref<128x128xf32, #tpu.memory_space<hbm>>) target(%arg8 : memref<128x128xf32, #tpu.memory_space<vmem>>) target_semaphore(%run_scoped3A : memref<!tpu.dma_semaphore, #tpu.memory_space<semaphore_mem>>)
      tpu.wait_dma2 semaphore(%run_scoped3A : memref<!tpu.dma_semaphore, #tpu.memory_space<semaphore_mem>>) src(%arg4 : memref<128x128xf32, #tpu.memory_space<hbm>>) dst(%arg8 : memref<128x128xf32, #tpu.memory_space<vmem>>)
      tpu.yield
    }) : () -> ()
    %mul3A = arith.constant 640 : i32
    %mul3A_0 = arith.muli %arg1, %mul3A : i32
    %add3A = arith.constant 0 : i32
    %add3A_1 = arith.addi %mul3A_0, %add3A : i32
    %multiple_of3A = tpu.assume_multiple %add3A_1, 8 : i32
    "tpu.region"() ({
      %run_scoped3A = tpu.sem_alloc : memref<!tpu.dma_semaphore, #tpu.memory_space<semaphore_mem>>
      %dma_start3A = arith.constant 0 : i32
      %dma_start3A_57 = tpu.memref_slice %arg9[%multiple_of3A, %dma_start3A] : memref<10240x128xf32, #tpu.memory_space<vmem_shared>> -> memref<128x128xf32, #tpu.memory_space<vmem_shared>>
      %dma_start3A_58 = arith.constant 0 : i32
      %dma_start3A_59 = tpu.memref_slice %arg9[%multiple_of3A, %dma_start3A_58] : memref<10240x128xf32, #tpu.memory_space<vmem_shared>> -> memref<128x128xf32, #tpu.memory_space<vmem_shared>>
      tpu.enqueue_dma source(%arg8 : memref<128x128xf32, #tpu.memory_space<vmem>>) target(%dma_start3A_59 : memref<128x128xf32, #tpu.memory_space<vmem_shared>>) target_semaphore(%run_scoped3A : memref<!tpu.dma_semaphore, #tpu.memory_space<semaphore_mem>>)
      %dma_wait3A_60 = arith.constant 0 : i32
      %dma_wait3A_61 = tpu.memref_slice %arg9[%multiple_of3A, %dma_wait3A_60] : memref<10240x128xf32, #tpu.memory_space<vmem_shared>> -> memref<128x128xf32, #tpu.memory_space<vmem_shared>>
      %dma_wait3A_62 = arith.constant 0 : i32
      %dma_wait3A_63 = tpu.memref_slice %arg9[%multiple_of3A, %dma_wait3A_62] : memref<10240x128xf32, #tpu.memory_space<vmem_shared>> -> memref<128x128xf32, #tpu.memory_space<vmem_shared>>
      tpu.wait_dma2 semaphore(%run_scoped3A : memref<!tpu.dma_semaphore, #tpu.memory_space<semaphore_mem>>) src(%arg8 : memref<128x128xf32, #tpu.memory_space<vmem>>) dst(%dma_wait3A_63 : memref<128x128xf32, #tpu.memory_space<vmem_shared>>)
      tpu.yield
    }) : () -> ()
    %mul3A_2 = arith.constant 640 : i32
    %mul3A_3 = arith.muli %arg1, %mul3A_2 : i32
    %add3A_4 = arith.constant 128 : i32
    %add3A_5 = arith.addi %mul3A_3, %add3A_4 : i32
    %multiple_of3A_6 = tpu.assume_multiple %add3A_5, 8 : i32
    "tpu.region"() ({
      %run_scoped3A = tpu.sem_alloc : memref<!tpu.dma_semaphore, #tpu.memory_space<semaphore_mem>>
      %dma_start3A = arith.constant 0 : i32
      %dma_start3A_57 = tpu.memref_slice %arg9[%multiple_of3A_6, %dma_start3A] : memref<10240x128xf32, #tpu.memory_space<vmem_shared>> -> memref<128x128xf32, #tpu.memory_space<vmem_shared>>
      %dma_start3A_58 = arith.constant 0 : i32
      %dma_start3A_59 = tpu.memref_slice %arg9[%multiple_of3A_6, %dma_start3A_58] : memref<10240x128xf32, #tpu.memory_space<vmem_shared>> -> memref<128x128xf32, #tpu.memory_space<vmem_shared>>
      tpu.enqueue_dma source(%arg8 : memref<128x128xf32, #tpu.memory_space<vmem>>) target(%dma_start3A_59 : memref<128x128xf32, #tpu.memory_space<vmem_shared>>) target_semaphore(%run_scoped3A : memref<!tpu.dma_semaphore, #tpu.memory_space<semaphore_mem>>)
      %dma_wait3A_60 = arith.constant 0 : i32
      %dma_wait3A_61 = tpu.memref_slice %arg9[%multiple_of3A_6, %dma_wait3A_60] : memref<10240x128xf32, #tpu.memory_space<vmem_shared>> -> memref<128x128xf32, #tpu.memory_space<vmem_shared>>
      %dma_wait3A_62 = arith.constant 0 : i32
      %dma_wait3A_63 = tpu.memref_slice %arg9[%multiple_of3A_6, %dma_wait3A_62] : memref<10240x128xf32, #tpu.memory_space<vmem_shared>> -> memref<128x128xf32, #tpu.memory_space<vmem_shared>>
      tpu.wait_dma2 semaphore(%run_scoped3A : memref<!tpu.dma_semaphore, #tpu.memory_space<semaphore_mem>>) src(%arg8 : memref<128x128xf32, #tpu.memory_space<vmem>>) dst(%dma_wait3A_63 : memref<128x128xf32, #tpu.memory_space<vmem_shared>>)
      tpu.yield
    }) : () -> ()
    %mul3A_7 = arith.constant 640 : i32
    %mul3A_8 = arith.muli %arg1, %mul3A_7 : i32
    %add3A_9 = arith.constant 256 : i32
    %add3A_10 = arith.addi %mul3A_8, %add3A_9 : i32
    %multiple_of3A_11 = tpu.assume_multiple %add3A_10, 8 : i32
    "tpu.region"() ({
      %run_scoped3A = tpu.sem_alloc : memref<!tpu.dma_semaphore, #tpu.memory_space<semaphore_mem>>
      %dma_start3A = arith.constant 0 : i32
      %dma_start3A_57 = tpu.memref_slice %arg9[%multiple_of3A_11, %dma_start3A] : memref<10240x128xf32, #tpu.memory_space<vmem_shared>> -> memref<128x128xf32, #tpu.memory_space<vmem_shared>>
      %dma_start3A_58 = arith.constant 0 : i32
      %dma_start3A_59 = tpu.memref_slice %arg9[%multiple_of3A_11, %dma_start3A_58] : memref<10240x128xf32, #tpu.memory_space<vmem_shared>> -> memref<128x128xf32, #tpu.memory_space<vmem_shared>>
      tpu.enqueue_dma source(%arg8 : memref<128x128xf32, #tpu.memory_space<vmem>>) target(%dma_start3A_59 : memref<128x128xf32, #tpu.memory_space<vmem_shared>>) target_semaphore(%run_scoped3A : memref<!tpu.dma_semaphore, #tpu.memory_space<semaphore_mem>>)
      %dma_wait3A_60 = arith.constant 0 : i32
      %dma_wait3A_61 = tpu.memref_slice %arg9[%multiple_of3A_11, %dma_wait3A_60] : memref<10240x128xf32, #tpu.memory_space<vmem_shared>> -> memref<128x128xf32, #tpu.memory_space<vmem_shared>>
      %dma_wait3A_62 = arith.constant 0 : i32
      %dma_wait3A_63 = tpu.memref_slice %arg9[%multiple_of3A_11, %dma_wait3A_62] : memref<10240x128xf32, #tpu.memory_space<vmem_shared>> -> memref<128x128xf32, #tpu.memory_space<vmem_shared>>
      tpu.wait_dma2 semaphore(%run_scoped3A : memref<!tpu.dma_semaphore, #tpu.memory_space<semaphore_mem>>) src(%arg8 : memref<128x128xf32, #tpu.memory_space<vmem>>) dst(%dma_wait3A_63 : memref<128x128xf32, #tpu.memory_space<vmem_shared>>)
      tpu.yield
    }) : () -> ()
    %mul3A_12 = arith.constant 640 : i32
    %mul3A_13 = arith.muli %arg1, %mul3A_12 : i32
    %add3A_14 = arith.constant 384 : i32
    %add3A_15 = arith.addi %mul3A_13, %add3A_14 : i32
    %multiple_of3A_16 = tpu.assume_multiple %add3A_15, 8 : i32
    "tpu.region"() ({
      %run_scoped3A = tpu.sem_alloc : memref<!tpu.dma_semaphore, #tpu.memory_space<semaphore_mem>>
      %dma_start3A = arith.constant 0 : i32
      %dma_start3A_57 = tpu.memref_slice %arg9[%multiple_of3A_16, %dma_start3A] : memref<10240x128xf32, #tpu.memory_space<vmem_shared>> -> memref<128x128xf32, #tpu.memory_space<vmem_shared>>
      %dma_start3A_58 = arith.constant 0 : i32
      %dma_start3A_59 = tpu.memref_slice %arg9[%multiple_of3A_16, %dma_start3A_58] : memref<10240x128xf32, #tpu.memory_space<vmem_shared>> -> memref<128x128xf32, #tpu.memory_space<vmem_shared>>
      tpu.enqueue_dma source(%arg8 : memref<128x128xf32, #tpu.memory_space<vmem>>) target(%dma_start3A_59 : memref<128x128xf32, #tpu.memory_space<vmem_shared>>) target_semaphore(%run_scoped3A : memref<!tpu.dma_semaphore, #tpu.memory_space<semaphore_mem>>)
      %dma_wait3A_60 = arith.constant 0 : i32
      %dma_wait3A_61 = tpu.memref_slice %arg9[%multiple_of3A_16, %dma_wait3A_60] : memref<10240x128xf32, #tpu.memory_space<vmem_shared>> -> memref<128x128xf32, #tpu.memory_space<vmem_shared>>
      %dma_wait3A_62 = arith.constant 0 : i32
      %dma_wait3A_63 = tpu.memref_slice %arg9[%multiple_of3A_16, %dma_wait3A_62] : memref<10240x128xf32, #tpu.memory_space<vmem_shared>> -> memref<128x128xf32, #tpu.memory_space<vmem_shared>>
      tpu.wait_dma2 semaphore(%run_scoped3A : memref<!tpu.dma_semaphore, #tpu.memory_space<semaphore_mem>>) src(%arg8 : memref<128x128xf32, #tpu.memory_space<vmem>>) dst(%dma_wait3A_63 : memref<128x128xf32, #tpu.memory_space<vmem_shared>>)
      tpu.yield
    }) : () -> ()
    %mul3A_17 = arith.constant 640 : i32
    %mul3A_18 = arith.muli %arg1, %mul3A_17 : i32
    %add3A_19 = arith.constant 512 : i32
    %add3A_20 = arith.addi %mul3A_18, %add3A_19 : i32
    %multiple_of3A_21 = tpu.assume_multiple %add3A_20, 8 : i32
    "tpu.region"() ({
      %run_scoped3A = tpu.sem_alloc : memref<!tpu.dma_semaphore, #tpu.memory_space<semaphore_mem>>
      %dma_start3A = arith.constant 0 : i32
      %dma_start3A_57 = tpu.memref_slice %arg9[%multiple_of3A_21, %dma_start3A] : memref<10240x128xf32, #tpu.memory_space<vmem_shared>> -> memref<128x128xf32, #tpu.memory_space<vmem_shared>>
      %dma_start3A_58 = arith.constant 0 : i32
      %dma_start3A_59 = tpu.memref_slice %arg9[%multiple_of3A_21, %dma_start3A_58] : memref<10240x128xf32, #tpu.memory_space<vmem_shared>> -> memref<128x128xf32, #tpu.memory_space<vmem_shared>>
      tpu.enqueue_dma source(%arg8 : memref<128x128xf32, #tpu.memory_space<vmem>>) target(%dma_start3A_59 : memref<128x128xf32, #tpu.memory_space<vmem_shared>>) target_semaphore(%run_scoped3A : memref<!tpu.dma_semaphore, #tpu.memory_space<semaphore_mem>>)
      %dma_wait3A_60 = arith.constant 0 : i32
      %dma_wait3A_61 = tpu.memref_slice %arg9[%multiple_of3A_21, %dma_wait3A_60] : memref<10240x128xf32, #tpu.memory_space<vmem_shared>> -> memref<128x128xf32, #tpu.memory_space<vmem_shared>>
      %dma_wait3A_62 = arith.constant 0 : i32
      %dma_wait3A_63 = tpu.memref_slice %arg9[%multiple_of3A_21, %dma_wait3A_62] : memref<10240x128xf32, #tpu.memory_space<vmem_shared>> -> memref<128x128xf32, #tpu.memory_space<vmem_shared>>
      tpu.wait_dma2 semaphore(%run_scoped3A : memref<!tpu.dma_semaphore, #tpu.memory_space<semaphore_mem>>) src(%arg8 : memref<128x128xf32, #tpu.memory_space<vmem>>) dst(%dma_wait3A_63 : memref<128x128xf32, #tpu.memory_space<vmem_shared>>)
      tpu.yield
    }) : () -> ()
    "tpu.region"() ({
      %run_scoped3A = tpu.sem_alloc : memref<!tpu.dma_semaphore, #tpu.memory_space<semaphore_mem>>
      tpu.enqueue_dma source(%arg3 : memref<128x128xf32, #tpu.memory_space<hbm>>) target(%arg8 : memref<128x128xf32, #tpu.memory_space<vmem>>) target_semaphore(%run_scoped3A : memref<!tpu.dma_semaphore, #tpu.memory_space<semaphore_mem>>)
      tpu.wait_dma2 semaphore(%run_scoped3A : memref<!tpu.dma_semaphore, #tpu.memory_space<semaphore_mem>>) src(%arg3 : memref<128x128xf32, #tpu.memory_space<hbm>>) dst(%arg8 : memref<128x128xf32, #tpu.memory_space<vmem>>)
      tpu.yield
    }) : () -> ()
    %barrier3A = arith.constant 0 : index
    tpu.barrier barrier_id(%barrier3A)
    %scan3A = arith.constant 0 : i32
    %scan3A_22 = arith.constant 42 : i32
    %scan3A_23 = arith.addi %scan3A, %scan3A_22 : i32
    %scan3A_24 = arith.constant 1 : i32
    scf.for %scan3A_57 = %scan3A to %scan3A_23 step %scan3A_24  : i32 {
      %mul3A_58 = arith.constant 10752 : i32
      %mul3A_59 = arith.muli %arg1, %mul3A_58 : i32
      %mul3A_60 = arith.constant 2 : i32
      %mul3A_61 = arith.muli %mul3A_60, %scan3A_57 : i32
      %mul3A_62 = arith.constant 128 : i32
      %mul3A_63 = arith.muli %mul3A_61, %mul3A_62 : i32
      %add3A_64 = arith.addi %mul3A_59, %mul3A_63 : i32
      %multiple_of3A_65 = tpu.assume_multiple %add3A_64, 8 : i32
      %mul3A_66 = arith.constant 10752 : i32
      %mul3A_67 = arith.muli %arg1, %mul3A_66 : i32
      %mul3A_68 = arith.constant 2 : i32
      %mul3A_69 = arith.muli %mul3A_68, %scan3A_57 : i32
      %add3A_70 = arith.constant 1 : i32
      %add3A_71 = arith.addi %mul3A_69, %add3A_70 : i32
      %mul3A_72 = arith.constant 128 : i32
      %mul3A_73 = arith.muli %add3A_71, %mul3A_72 : i32
      %add3A_74 = arith.addi %mul3A_67, %mul3A_73 : i32
      %multiple_of3A_75 = tpu.assume_multiple %add3A_74, 8 : i32
      %gt3A = arith.constant 0 : i32
      %gt3A_76 = arith.cmpi sgt, %scan3A_57, %gt3A : i32
      %convert_element_type3A = arith.extui %gt3A_76 : i1 to i32
      %cond3A = arith.constant 0 : i32
      %cond3A_77 = arith.cmpi ne, %convert_element_type3A, %cond3A : i32
      scf.if %cond3A_77 {
        %dma_wait3A_88 = arith.constant 0 : i32
        %dma_wait3A_89 = arith.constant 0 : i32
        %dma_wait3A_90 = tpu.memref_slice %arg9[%dma_wait3A_88, %dma_wait3A_89] : memref<10240x128xf32, #tpu.memory_space<vmem_shared>> -> memref<10240x128xf32, #tpu.memory_space<vmem_shared>>
        tpu.wait_indirect_dma semaphore(%arg10 : memref<!tpu.dma_semaphore, #tpu.memory_space<semaphore_mem>>) src(%arg8 : memref<128x128xf32, #tpu.memory_space<vmem>>) dst(%dma_wait3A_90 : memref<10240x128xf32, #tpu.memory_space<vmem_shared>>)
      } else {
      }
      "tpu.region"() ({
        %run_scoped3A = tpu.sem_alloc : memref<!tpu.dma_semaphore, #tpu.memory_space<semaphore_mem>>
        %dma_start3A_88 = tpu.memref_slice %arg2[%multiple_of3A_65] : memref<172032xi32, #tpu.memory_space<hbm>> -> memref<128xi32, #tpu.memory_space<hbm>>
        %dma_start3A_89 = tpu.memref_slice %arg2[%multiple_of3A_65] : memref<172032xi32, #tpu.memory_space<hbm>> -> memref<128xi32, #tpu.memory_space<hbm>>
        tpu.enqueue_dma source(%dma_start3A_89 : memref<128xi32, #tpu.memory_space<hbm>>) target(%arg6 : memref<128xi32, #tpu.memory_space<vmem>>) target_semaphore(%run_scoped3A : memref<!tpu.dma_semaphore, #tpu.memory_space<semaphore_mem>>)
        %dma_wait3A_90 = tpu.memref_slice %arg2[%multiple_of3A_65] : memref<172032xi32, #tpu.memory_space<hbm>> -> memref<128xi32, #tpu.memory_space<hbm>>
        %dma_wait3A_91 = tpu.memref_slice %arg2[%multiple_of3A_65] : memref<172032xi32, #tpu.memory_space<hbm>> -> memref<128xi32, #tpu.memory_space<hbm>>
        tpu.wait_dma2 semaphore(%run_scoped3A : memref<!tpu.dma_semaphore, #tpu.memory_space<semaphore_mem>>) src(%dma_wait3A_91 : memref<128xi32, #tpu.memory_space<hbm>>) dst(%arg6 : memref<128xi32, #tpu.memory_space<vmem>>)
        tpu.yield
      }) : () -> ()
      %dma_start3A = arith.constant 0 : i32
      %dma_start3A_78 = arith.constant 0 : i32
      %dma_start3A_79 = tpu.memref_slice %arg9[%dma_start3A, %dma_start3A_78] : memref<10240x128xf32, #tpu.memory_space<vmem_shared>> -> memref<10240x128xf32, #tpu.memory_space<vmem_shared>>
      tpu.enqueue_indirect_dma source(%arg8 : memref<128x128xf32, #tpu.memory_space<vmem>>) target(%dma_start3A_79 : memref<10240x128xf32, #tpu.memory_space<vmem_shared>>) offsets(%arg6 : memref<128xi32, #tpu.memory_space<vmem>>) semaphore(%arg10 : memref<!tpu.dma_semaphore, #tpu.memory_space<semaphore_mem>>) {add = true}
      %gt3A_80 = arith.constant 0 : i32
      %gt3A_81 = arith.cmpi sgt, %scan3A_57, %gt3A_80 : i32
      %convert_element_type3A_82 = arith.extui %gt3A_81 : i1 to i32
      %cond3A_83 = arith.constant 0 : i32
      %cond3A_84 = arith.cmpi ne, %convert_element_type3A_82, %cond3A_83 : i32
      scf.if %cond3A_84 {
        %dma_wait3A_88 = arith.constant 0 : i32
        %dma_wait3A_89 = arith.constant 0 : i32
        %dma_wait3A_90 = tpu.memref_slice %arg9[%dma_wait3A_88, %dma_wait3A_89] : memref<10240x128xf32, #tpu.memory_space<vmem_shared>> -> memref<10240x128xf32, #tpu.memory_space<vmem_shared>>
        tpu.wait_indirect_dma semaphore(%arg11 : memref<!tpu.dma_semaphore, #tpu.memory_space<semaphore_mem>>) src(%arg8 : memref<128x128xf32, #tpu.memory_space<vmem>>) dst(%dma_wait3A_90 : memref<10240x128xf32, #tpu.memory_space<vmem_shared>>)
      } else {
      }
      "tpu.region"() ({
        %run_scoped3A = tpu.sem_alloc : memref<!tpu.dma_semaphore, #tpu.memory_space<semaphore_mem>>
        %dma_start3A_88 = tpu.memref_slice %arg2[%multiple_of3A_75] : memref<172032xi32, #tpu.memory_space<hbm>> -> memref<128xi32, #tpu.memory_space<hbm>>
        %dma_start3A_89 = tpu.memref_slice %arg2[%multiple_of3A_75] : memref<172032xi32, #tpu.memory_space<hbm>> -> memref<128xi32, #tpu.memory_space<hbm>>
        tpu.enqueue_dma source(%dma_start3A_89 : memref<128xi32, #tpu.memory_space<hbm>>) target(%arg7 : memref<128xi32, #tpu.memory_space<vmem>>) target_semaphore(%run_scoped3A : memref<!tpu.dma_semaphore, #tpu.memory_space<semaphore_mem>>)
        %dma_wait3A_90 = tpu.memref_slice %arg2[%multiple_of3A_75] : memref<172032xi32, #tpu.memory_space<hbm>> -> memref<128xi32, #tpu.memory_space<hbm>>
        %dma_wait3A_91 = tpu.memref_slice %arg2[%multiple_of3A_75] : memref<172032xi32, #tpu.memory_space<hbm>> -> memref<128xi32, #tpu.memory_space<hbm>>
        tpu.wait_dma2 semaphore(%run_scoped3A : memref<!tpu.dma_semaphore, #tpu.memory_space<semaphore_mem>>) src(%dma_wait3A_91 : memref<128xi32, #tpu.memory_space<hbm>>) dst(%arg7 : memref<128xi32, #tpu.memory_space<vmem>>)
        tpu.yield
      }) : () -> ()
      %dma_start3A_85 = arith.constant 0 : i32
      %dma_start3A_86 = arith.constant 0 : i32
      %dma_start3A_87 = tpu.memref_slice %arg9[%dma_start3A_85, %dma_start3A_86] : memref<10240x128xf32, #tpu.memory_space<vmem_shared>> -> memref<10240x128xf32, #tpu.memory_space<vmem_shared>>
      tpu.enqueue_indirect_dma source(%arg8 : memref<128x128xf32, #tpu.memory_space<vmem>>) target(%dma_start3A_87 : memref<10240x128xf32, #tpu.memory_space<vmem_shared>>) offsets(%arg7 : memref<128xi32, #tpu.memory_space<vmem>>) semaphore(%arg11 : memref<!tpu.dma_semaphore, #tpu.memory_space<semaphore_mem>>) {add = true}
    }
    %scan3A_25 = arith.constant 42 : i32
    %dma_wait3A = arith.constant 0 : i32
    %dma_wait3A_26 = arith.constant 0 : i32
    %dma_wait3A_27 = tpu.memref_slice %arg9[%dma_wait3A, %dma_wait3A_26] : memref<10240x128xf32, #tpu.memory_space<vmem_shared>> -> memref<10240x128xf32, #tpu.memory_space<vmem_shared>>
    tpu.wait_indirect_dma semaphore(%arg10 : memref<!tpu.dma_semaphore, #tpu.memory_space<semaphore_mem>>) src(%arg8 : memref<128x128xf32, #tpu.memory_space<vmem>>) dst(%dma_wait3A_27 : memref<10240x128xf32, #tpu.memory_space<vmem_shared>>)
    %dma_wait3A_28 = arith.constant 0 : i32
    %dma_wait3A_29 = arith.constant 0 : i32
    %dma_wait3A_30 = tpu.memref_slice %arg9[%dma_wait3A_28, %dma_wait3A_29] : memref<10240x128xf32, #tpu.memory_space<vmem_shared>> -> memref<10240x128xf32, #tpu.memory_space<vmem_shared>>
    tpu.wait_indirect_dma semaphore(%arg11 : memref<!tpu.dma_semaphore, #tpu.memory_space<semaphore_mem>>) src(%arg8 : memref<128x128xf32, #tpu.memory_space<vmem>>) dst(%dma_wait3A_30 : memref<10240x128xf32, #tpu.memory_space<vmem_shared>>)
    %barrier3A_31 = arith.constant 0 : index
    tpu.barrier barrier_id(%barrier3A_31)
    %mul3A_32 = arith.constant 640 : i32
    %mul3A_33 = arith.muli %arg1, %mul3A_32 : i32
    %add3A_34 = arith.constant 0 : i32
    %add3A_35 = arith.addi %mul3A_33, %add3A_34 : i32
    %multiple_of3A_36 = tpu.assume_multiple %add3A_35, 8 : i32
    "tpu.region"() ({
      %run_scoped3A = tpu.sem_alloc : memref<!tpu.dma_semaphore, #tpu.memory_space<semaphore_mem>>
      %dma_start3A = arith.constant 0 : i32
      %dma_start3A_57 = tpu.memref_slice %arg9[%multiple_of3A_36, %dma_start3A] : memref<10240x128xf32, #tpu.memory_space<vmem_shared>> -> memref<128x128xf32, #tpu.memory_space<vmem_shared>>
      %dma_start3A_58 = arith.constant 0 : i32
      %dma_start3A_59 = tpu.memref_slice %arg9[%multiple_of3A_36, %dma_start3A_58] : memref<10240x128xf32, #tpu.memory_space<vmem_shared>> -> memref<128x128xf32, #tpu.memory_space<vmem_shared>>
      tpu.enqueue_dma source(%dma_start3A_59 : memref<128x128xf32, #tpu.memory_space<vmem_shared>>) target(%arg8 : memref<128x128xf32, #tpu.memory_space<vmem>>) target_semaphore(%run_scoped3A : memref<!tpu.dma_semaphore, #tpu.memory_space<semaphore_mem>>)
      %dma_wait3A_60 = arith.constant 0 : i32
      %dma_wait3A_61 = tpu.memref_slice %arg9[%multiple_of3A_36, %dma_wait3A_60] : memref<10240x128xf32, #tpu.memory_space<vmem_shared>> -> memref<128x128xf32, #tpu.memory_space<vmem_shared>>
      %dma_wait3A_62 = arith.constant 0 : i32
      %dma_wait3A_63 = tpu.memref_slice %arg9[%multiple_of3A_36, %dma_wait3A_62] : memref<10240x128xf32, #tpu.memory_space<vmem_shared>> -> memref<128x128xf32, #tpu.memory_space<vmem_shared>>
      tpu.wait_dma2 semaphore(%run_scoped3A : memref<!tpu.dma_semaphore, #tpu.memory_space<semaphore_mem>>) src(%dma_wait3A_63 : memref<128x128xf32, #tpu.memory_space<vmem_shared>>) dst(%arg8 : memref<128x128xf32, #tpu.memory_space<vmem>>)
      tpu.yield
    }) : () -> ()
    "tpu.region"() ({
      %run_scoped3A = tpu.sem_alloc : memref<!tpu.dma_semaphore, #tpu.memory_space<semaphore_mem>>
      %dma_start3A = arith.constant 0 : i32
      %dma_start3A_57 = tpu.memref_slice %arg5[%arg0, %multiple_of3A_36, %dma_start3A] : memref<2x10240x128xf32, #tpu.memory_space<hbm>> -> memref<1x128x128xf32, #tpu.memory_space<hbm>>
      %dma_start3A_58 = tpu.memref_squeeze %dma_start3A_57 : memref<1x128x128xf32, #tpu.memory_space<hbm>> -> memref<128x128xf32, #tpu.memory_space<hbm>>
      %dma_start3A_59 = arith.constant 0 : i32
      %dma_start3A_60 = tpu.memref_slice %arg5[%arg0, %multiple_of3A_36, %dma_start3A_59] : memref<2x10240x128xf32, #tpu.memory_space<hbm>> -> memref<1x128x128xf32, #tpu.memory_space<hbm>>
      %dma_start3A_61 = tpu.memref_squeeze %dma_start3A_60 : memref<1x128x128xf32, #tpu.memory_space<hbm>> -> memref<128x128xf32, #tpu.memory_space<hbm>>
      tpu.enqueue_dma source(%arg8 : memref<128x128xf32, #tpu.memory_space<vmem>>) target(%dma_start3A_61 : memref<128x128xf32, #tpu.memory_space<hbm>>) target_semaphore(%run_scoped3A : memref<!tpu.dma_semaphore, #tpu.memory_space<semaphore_mem>>)
      %dma_wait3A_62 = arith.constant 0 : i32
      %dma_wait3A_63 = tpu.memref_slice %arg5[%arg0, %multiple_of3A_36, %dma_wait3A_62] : memref<2x10240x128xf32, #tpu.memory_space<hbm>> -> memref<1x128x128xf32, #tpu.memory_space<hbm>>
      %dma_wait3A_64 = tpu.memref_squeeze %dma_wait3A_63 : memref<1x128x128xf32, #tpu.memory_space<hbm>> -> memref<128x128xf32, #tpu.memory_space<hbm>>
      %dma_wait3A_65 = arith.constant 0 : i32
      %dma_wait3A_66 = tpu.memref_slice %arg5[%arg0, %multiple_of3A_36, %dma_wait3A_65] : memref<2x10240x128xf32, #tpu.memory_space<hbm>> -> memref<1x128x128xf32, #tpu.memory_space<hbm>>
      %dma_wait3A_67 = tpu.memref_squeeze %dma_wait3A_66 : memref<1x128x128xf32, #tpu.memory_space<hbm>> -> memref<128x128xf32, #tpu.memory_space<hbm>>
      tpu.wait_dma2 semaphore(%run_scoped3A : memref<!tpu.dma_semaphore, #tpu.memory_space<semaphore_mem>>) src(%arg8 : memref<128x128xf32, #tpu.memory_space<vmem>>) dst(%dma_wait3A_67 : memref<128x128xf32, #tpu.memory_space<hbm>>)
      tpu.yield
    }) : () -> ()
    %mul3A_37 = arith.constant 640 : i32
    %mul3A_38 = arith.muli %arg1, %mul3A_37 : i32
    %add3A_39 = arith.constant 128 : i32
    %add3A_40 = arith.addi %mul3A_38, %add3A_39 : i32
    %multiple_of3A_41 = tpu.assume_multiple %add3A_40, 8 : i32
    "tpu.region"() ({
      %run_scoped3A = tpu.sem_alloc : memref<!tpu.dma_semaphore, #tpu.memory_space<semaphore_mem>>
      %dma_start3A = arith.constant 0 : i32
      %dma_start3A_57 = tpu.memref_slice %arg9[%multiple_of3A_41, %dma_start3A] : memref<10240x128xf32, #tpu.memory_space<vmem_shared>> -> memref<128x128xf32, #tpu.memory_space<vmem_shared>>
      %dma_start3A_58 = arith.constant 0 : i32
      %dma_start3A_59 = tpu.memref_slice %arg9[%multiple_of3A_41, %dma_start3A_58] : memref<10240x128xf32, #tpu.memory_space<vmem_shared>> -> memref<128x128xf32, #tpu.memory_space<vmem_shared>>
      tpu.enqueue_dma source(%dma_start3A_59 : memref<128x128xf32, #tpu.memory_space<vmem_shared>>) target(%arg8 : memref<128x128xf32, #tpu.memory_space<vmem>>) target_semaphore(%run_scoped3A : memref<!tpu.dma_semaphore, #tpu.memory_space<semaphore_mem>>)
      %dma_wait3A_60 = arith.constant 0 : i32
      %dma_wait3A_61 = tpu.memref_slice %arg9[%multiple_of3A_41, %dma_wait3A_60] : memref<10240x128xf32, #tpu.memory_space<vmem_shared>> -> memref<128x128xf32, #tpu.memory_space<vmem_shared>>
      %dma_wait3A_62 = arith.constant 0 : i32
      %dma_wait3A_63 = tpu.memref_slice %arg9[%multiple_of3A_41, %dma_wait3A_62] : memref<10240x128xf32, #tpu.memory_space<vmem_shared>> -> memref<128x128xf32, #tpu.memory_space<vmem_shared>>
      tpu.wait_dma2 semaphore(%run_scoped3A : memref<!tpu.dma_semaphore, #tpu.memory_space<semaphore_mem>>) src(%dma_wait3A_63 : memref<128x128xf32, #tpu.memory_space<vmem_shared>>) dst(%arg8 : memref<128x128xf32, #tpu.memory_space<vmem>>)
      tpu.yield
    }) : () -> ()
    "tpu.region"() ({
      %run_scoped3A = tpu.sem_alloc : memref<!tpu.dma_semaphore, #tpu.memory_space<semaphore_mem>>
      %dma_start3A = arith.constant 0 : i32
      %dma_start3A_57 = tpu.memref_slice %arg5[%arg0, %multiple_of3A_41, %dma_start3A] : memref<2x10240x128xf32, #tpu.memory_space<hbm>> -> memref<1x128x128xf32, #tpu.memory_space<hbm>>
      %dma_start3A_58 = tpu.memref_squeeze %dma_start3A_57 : memref<1x128x128xf32, #tpu.memory_space<hbm>> -> memref<128x128xf32, #tpu.memory_space<hbm>>
      %dma_start3A_59 = arith.constant 0 : i32
      %dma_start3A_60 = tpu.memref_slice %arg5[%arg0, %multiple_of3A_41, %dma_start3A_59] : memref<2x10240x128xf32, #tpu.memory_space<hbm>> -> memref<1x128x128xf32, #tpu.memory_space<hbm>>
      %dma_start3A_61 = tpu.memref_squeeze %dma_start3A_60 : memref<1x128x128xf32, #tpu.memory_space<hbm>> -> memref<128x128xf32, #tpu.memory_space<hbm>>
      tpu.enqueue_dma source(%arg8 : memref<128x128xf32, #tpu.memory_space<vmem>>) target(%dma_start3A_61 : memref<128x128xf32, #tpu.memory_space<hbm>>) target_semaphore(%run_scoped3A : memref<!tpu.dma_semaphore, #tpu.memory_space<semaphore_mem>>)
      %dma_wait3A_62 = arith.constant 0 : i32
      %dma_wait3A_63 = tpu.memref_slice %arg5[%arg0, %multiple_of3A_41, %dma_wait3A_62] : memref<2x10240x128xf32, #tpu.memory_space<hbm>> -> memref<1x128x128xf32, #tpu.memory_space<hbm>>
      %dma_wait3A_64 = tpu.memref_squeeze %dma_wait3A_63 : memref<1x128x128xf32, #tpu.memory_space<hbm>> -> memref<128x128xf32, #tpu.memory_space<hbm>>
      %dma_wait3A_65 = arith.constant 0 : i32
      %dma_wait3A_66 = tpu.memref_slice %arg5[%arg0, %multiple_of3A_41, %dma_wait3A_65] : memref<2x10240x128xf32, #tpu.memory_space<hbm>> -> memref<1x128x128xf32, #tpu.memory_space<hbm>>
      %dma_wait3A_67 = tpu.memref_squeeze %dma_wait3A_66 : memref<1x128x128xf32, #tpu.memory_space<hbm>> -> memref<128x128xf32, #tpu.memory_space<hbm>>
      tpu.wait_dma2 semaphore(%run_scoped3A : memref<!tpu.dma_semaphore, #tpu.memory_space<semaphore_mem>>) src(%arg8 : memref<128x128xf32, #tpu.memory_space<vmem>>) dst(%dma_wait3A_67 : memref<128x128xf32, #tpu.memory_space<hbm>>)
      tpu.yield
    }) : () -> ()
    %mul3A_42 = arith.constant 640 : i32
    %mul3A_43 = arith.muli %arg1, %mul3A_42 : i32
    %add3A_44 = arith.constant 256 : i32
    %add3A_45 = arith.addi %mul3A_43, %add3A_44 : i32
    %multiple_of3A_46 = tpu.assume_multiple %add3A_45, 8 : i32
    "tpu.region"() ({
      %run_scoped3A = tpu.sem_alloc : memref<!tpu.dma_semaphore, #tpu.memory_space<semaphore_mem>>
      %dma_start3A = arith.constant 0 : i32
      %dma_start3A_57 = tpu.memref_slice %arg9[%multiple_of3A_46, %dma_start3A] : memref<10240x128xf32, #tpu.memory_space<vmem_shared>> -> memref<128x128xf32, #tpu.memory_space<vmem_shared>>
      %dma_start3A_58 = arith.constant 0 : i32
      %dma_start3A_59 = tpu.memref_slice %arg9[%multiple_of3A_46, %dma_start3A_58] : memref<10240x128xf32, #tpu.memory_space<vmem_shared>> -> memref<128x128xf32, #tpu.memory_space<vmem_shared>>
      tpu.enqueue_dma source(%dma_start3A_59 : memref<128x128xf32, #tpu.memory_space<vmem_shared>>) target(%arg8 : memref<128x128xf32, #tpu.memory_space<vmem>>) target_semaphore(%run_scoped3A : memref<!tpu.dma_semaphore, #tpu.memory_space<semaphore_mem>>)
      %dma_wait3A_60 = arith.constant 0 : i32
      %dma_wait3A_61 = tpu.memref_slice %arg9[%multiple_of3A_46, %dma_wait3A_60] : memref<10240x128xf32, #tpu.memory_space<vmem_shared>> -> memref<128x128xf32, #tpu.memory_space<vmem_shared>>
      %dma_wait3A_62 = arith.constant 0 : i32
      %dma_wait3A_63 = tpu.memref_slice %arg9[%multiple_of3A_46, %dma_wait3A_62] : memref<10240x128xf32, #tpu.memory_space<vmem_shared>> -> memref<128x128xf32, #tpu.memory_space<vmem_shared>>
      tpu.wait_dma2 semaphore(%run_scoped3A : memref<!tpu.dma_semaphore, #tpu.memory_space<semaphore_mem>>) src(%dma_wait3A_63 : memref<128x128xf32, #tpu.memory_space<vmem_shared>>) dst(%arg8 : memref<128x128xf32, #tpu.memory_space<vmem>>)
      tpu.yield
    }) : () -> ()
    "tpu.region"() ({
      %run_scoped3A = tpu.sem_alloc : memref<!tpu.dma_semaphore, #tpu.memory_space<semaphore_mem>>
      %dma_start3A = arith.constant 0 : i32
      %dma_start3A_57 = tpu.memref_slice %arg5[%arg0, %multiple_of3A_46, %dma_start3A] : memref<2x10240x128xf32, #tpu.memory_space<hbm>> -> memref<1x128x128xf32, #tpu.memory_space<hbm>>
      %dma_start3A_58 = tpu.memref_squeeze %dma_start3A_57 : memref<1x128x128xf32, #tpu.memory_space<hbm>> -> memref<128x128xf32, #tpu.memory_space<hbm>>
      %dma_start3A_59 = arith.constant 0 : i32
      %dma_start3A_60 = tpu.memref_slice %arg5[%arg0, %multiple_of3A_46, %dma_start3A_59] : memref<2x10240x128xf32, #tpu.memory_space<hbm>> -> memref<1x128x128xf32, #tpu.memory_space<hbm>>
      %dma_start3A_61 = tpu.memref_squeeze %dma_start3A_60 : memref<1x128x128xf32, #tpu.memory_space<hbm>> -> memref<128x128xf32, #tpu.memory_space<hbm>>
      tpu.enqueue_dma source(%arg8 : memref<128x128xf32, #tpu.memory_space<vmem>>) target(%dma_start3A_61 : memref<128x128xf32, #tpu.memory_space<hbm>>) target_semaphore(%run_scoped3A : memref<!tpu.dma_semaphore, #tpu.memory_space<semaphore_mem>>)
      %dma_wait3A_62 = arith.constant 0 : i32
      %dma_wait3A_63 = tpu.memref_slice %arg5[%arg0, %multiple_of3A_46, %dma_wait3A_62] : memref<2x10240x128xf32, #tpu.memory_space<hbm>> -> memref<1x128x128xf32, #tpu.memory_space<hbm>>
      %dma_wait3A_64 = tpu.memref_squeeze %dma_wait3A_63 : memref<1x128x128xf32, #tpu.memory_space<hbm>> -> memref<128x128xf32, #tpu.memory_space<hbm>>
      %dma_wait3A_65 = arith.constant 0 : i32
      %dma_wait3A_66 = tpu.memref_slice %arg5[%arg0, %multiple_of3A_46, %dma_wait3A_65] : memref<2x10240x128xf32, #tpu.memory_space<hbm>> -> memref<1x128x128xf32, #tpu.memory_space<hbm>>
      %dma_wait3A_67 = tpu.memref_squeeze %dma_wait3A_66 : memref<1x128x128xf32, #tpu.memory_space<hbm>> -> memref<128x128xf32, #tpu.memory_space<hbm>>
      tpu.wait_dma2 semaphore(%run_scoped3A : memref<!tpu.dma_semaphore, #tpu.memory_space<semaphore_mem>>) src(%arg8 : memref<128x128xf32, #tpu.memory_space<vmem>>) dst(%dma_wait3A_67 : memref<128x128xf32, #tpu.memory_space<hbm>>)
      tpu.yield
    }) : () -> ()
    %mul3A_47 = arith.constant 640 : i32
    %mul3A_48 = arith.muli %arg1, %mul3A_47 : i32
    %add3A_49 = arith.constant 384 : i32
    %add3A_50 = arith.addi %mul3A_48, %add3A_49 : i32
    %multiple_of3A_51 = tpu.assume_multiple %add3A_50, 8 : i32
    "tpu.region"() ({
      %run_scoped3A = tpu.sem_alloc : memref<!tpu.dma_semaphore, #tpu.memory_space<semaphore_mem>>
      %dma_start3A = arith.constant 0 : i32
      %dma_start3A_57 = tpu.memref_slice %arg9[%multiple_of3A_51, %dma_start3A] : memref<10240x128xf32, #tpu.memory_space<vmem_shared>> -> memref<128x128xf32, #tpu.memory_space<vmem_shared>>
      %dma_start3A_58 = arith.constant 0 : i32
      %dma_start3A_59 = tpu.memref_slice %arg9[%multiple_of3A_51, %dma_start3A_58] : memref<10240x128xf32, #tpu.memory_space<vmem_shared>> -> memref<128x128xf32, #tpu.memory_space<vmem_shared>>
      tpu.enqueue_dma source(%dma_start3A_59 : memref<128x128xf32, #tpu.memory_space<vmem_shared>>) target(%arg8 : memref<128x128xf32, #tpu.memory_space<vmem>>) target_semaphore(%run_scoped3A : memref<!tpu.dma_semaphore, #tpu.memory_space<semaphore_mem>>)
      %dma_wait3A_60 = arith.constant 0 : i32
      %dma_wait3A_61 = tpu.memref_slice %arg9[%multiple_of3A_51, %dma_wait3A_60] : memref<10240x128xf32, #tpu.memory_space<vmem_shared>> -> memref<128x128xf32, #tpu.memory_space<vmem_shared>>
      %dma_wait3A_62 = arith.constant 0 : i32
      %dma_wait3A_63 = tpu.memref_slice %arg9[%multiple_of3A_51, %dma_wait3A_62] : memref<10240x128xf32, #tpu.memory_space<vmem_shared>> -> memref<128x128xf32, #tpu.memory_space<vmem_shared>>
      tpu.wait_dma2 semaphore(%run_scoped3A : memref<!tpu.dma_semaphore, #tpu.memory_space<semaphore_mem>>) src(%dma_wait3A_63 : memref<128x128xf32, #tpu.memory_space<vmem_shared>>) dst(%arg8 : memref<128x128xf32, #tpu.memory_space<vmem>>)
      tpu.yield
    }) : () -> ()
    "tpu.region"() ({
      %run_scoped3A = tpu.sem_alloc : memref<!tpu.dma_semaphore, #tpu.memory_space<semaphore_mem>>
      %dma_start3A = arith.constant 0 : i32
      %dma_start3A_57 = tpu.memref_slice %arg5[%arg0, %multiple_of3A_51, %dma_start3A] : memref<2x10240x128xf32, #tpu.memory_space<hbm>> -> memref<1x128x128xf32, #tpu.memory_space<hbm>>
      %dma_start3A_58 = tpu.memref_squeeze %dma_start3A_57 : memref<1x128x128xf32, #tpu.memory_space<hbm>> -> memref<128x128xf32, #tpu.memory_space<hbm>>
      %dma_start3A_59 = arith.constant 0 : i32
      %dma_start3A_60 = tpu.memref_slice %arg5[%arg0, %multiple_of3A_51, %dma_start3A_59] : memref<2x10240x128xf32, #tpu.memory_space<hbm>> -> memref<1x128x128xf32, #tpu.memory_space<hbm>>
      %dma_start3A_61 = tpu.memref_squeeze %dma_start3A_60 : memref<1x128x128xf32, #tpu.memory_space<hbm>> -> memref<128x128xf32, #tpu.memory_space<hbm>>
      tpu.enqueue_dma source(%arg8 : memref<128x128xf32, #tpu.memory_space<vmem>>) target(%dma_start3A_61 : memref<128x128xf32, #tpu.memory_space<hbm>>) target_semaphore(%run_scoped3A : memref<!tpu.dma_semaphore, #tpu.memory_space<semaphore_mem>>)
      %dma_wait3A_62 = arith.constant 0 : i32
      %dma_wait3A_63 = tpu.memref_slice %arg5[%arg0, %multiple_of3A_51, %dma_wait3A_62] : memref<2x10240x128xf32, #tpu.memory_space<hbm>> -> memref<1x128x128xf32, #tpu.memory_space<hbm>>
      %dma_wait3A_64 = tpu.memref_squeeze %dma_wait3A_63 : memref<1x128x128xf32, #tpu.memory_space<hbm>> -> memref<128x128xf32, #tpu.memory_space<hbm>>
      %dma_wait3A_65 = arith.constant 0 : i32
      %dma_wait3A_66 = tpu.memref_slice %arg5[%arg0, %multiple_of3A_51, %dma_wait3A_65] : memref<2x10240x128xf32, #tpu.memory_space<hbm>> -> memref<1x128x128xf32, #tpu.memory_space<hbm>>
      %dma_wait3A_67 = tpu.memref_squeeze %dma_wait3A_66 : memref<1x128x128xf32, #tpu.memory_space<hbm>> -> memref<128x128xf32, #tpu.memory_space<hbm>>
      tpu.wait_dma2 semaphore(%run_scoped3A : memref<!tpu.dma_semaphore, #tpu.memory_space<semaphore_mem>>) src(%arg8 : memref<128x128xf32, #tpu.memory_space<vmem>>) dst(%dma_wait3A_67 : memref<128x128xf32, #tpu.memory_space<hbm>>)
      tpu.yield
    }) : () -> ()
    %mul3A_52 = arith.constant 640 : i32
    %mul3A_53 = arith.muli %arg1, %mul3A_52 : i32
    %add3A_54 = arith.constant 512 : i32
    %add3A_55 = arith.addi %mul3A_53, %add3A_54 : i32
    %multiple_of3A_56 = tpu.assume_multiple %add3A_55, 8 : i32
    "tpu.region"() ({
      %run_scoped3A = tpu.sem_alloc : memref<!tpu.dma_semaphore, #tpu.memory_space<semaphore_mem>>
      %dma_start3A = arith.constant 0 : i32
      %dma_start3A_57 = tpu.memref_slice %arg9[%multiple_of3A_56, %dma_start3A] : memref<10240x128xf32, #tpu.memory_space<vmem_shared>> -> memref<128x128xf32, #tpu.memory_space<vmem_shared>>
      %dma_start3A_58 = arith.constant 0 : i32
      %dma_start3A_59 = tpu.memref_slice %arg9[%multiple_of3A_56, %dma_start3A_58] : memref<10240x128xf32, #tpu.memory_space<vmem_shared>> -> memref<128x128xf32, #tpu.memory_space<vmem_shared>>
      tpu.enqueue_dma source(%dma_start3A_59 : memref<128x128xf32, #tpu.memory_space<vmem_shared>>) target(%arg8 : memref<128x128xf32, #tpu.memory_space<vmem>>) target_semaphore(%run_scoped3A : memref<!tpu.dma_semaphore, #tpu.memory_space<semaphore_mem>>)
      %dma_wait3A_60 = arith.constant 0 : i32
      %dma_wait3A_61 = tpu.memref_slice %arg9[%multiple_of3A_56, %dma_wait3A_60] : memref<10240x128xf32, #tpu.memory_space<vmem_shared>> -> memref<128x128xf32, #tpu.memory_space<vmem_shared>>
      %dma_wait3A_62 = arith.constant 0 : i32
      %dma_wait3A_63 = tpu.memref_slice %arg9[%multiple_of3A_56, %dma_wait3A_62] : memref<10240x128xf32, #tpu.memory_space<vmem_shared>> -> memref<128x128xf32, #tpu.memory_space<vmem_shared>>
      tpu.wait_dma2 semaphore(%run_scoped3A : memref<!tpu.dma_semaphore, #tpu.memory_space<semaphore_mem>>) src(%dma_wait3A_63 : memref<128x128xf32, #tpu.memory_space<vmem_shared>>) dst(%arg8 : memref<128x128xf32, #tpu.memory_space<vmem>>)
      tpu.yield
    }) : () -> ()
    "tpu.region"() ({
      %run_scoped3A = tpu.sem_alloc : memref<!tpu.dma_semaphore, #tpu.memory_space<semaphore_mem>>
      %dma_start3A = arith.constant 0 : i32
      %dma_start3A_57 = tpu.memref_slice %arg5[%arg0, %multiple_of3A_56, %dma_start3A] : memref<2x10240x128xf32, #tpu.memory_space<hbm>> -> memref<1x128x128xf32, #tpu.memory_space<hbm>>
      %dma_start3A_58 = tpu.memref_squeeze %dma_start3A_57 : memref<1x128x128xf32, #tpu.memory_space<hbm>> -> memref<128x128xf32, #tpu.memory_space<hbm>>
      %dma_start3A_59 = arith.constant 0 : i32
      %dma_start3A_60 = tpu.memref_slice %arg5[%arg0, %multiple_of3A_56, %dma_start3A_59] : memref<2x10240x128xf32, #tpu.memory_space<hbm>> -> memref<1x128x128xf32, #tpu.memory_space<hbm>>
      %dma_start3A_61 = tpu.memref_squeeze %dma_start3A_60 : memref<1x128x128xf32, #tpu.memory_space<hbm>> -> memref<128x128xf32, #tpu.memory_space<hbm>>
      tpu.enqueue_dma source(%arg8 : memref<128x128xf32, #tpu.memory_space<vmem>>) target(%dma_start3A_61 : memref<128x128xf32, #tpu.memory_space<hbm>>) target_semaphore(%run_scoped3A : memref<!tpu.dma_semaphore, #tpu.memory_space<semaphore_mem>>)
      %dma_wait3A_62 = arith.constant 0 : i32
      %dma_wait3A_63 = tpu.memref_slice %arg5[%arg0, %multiple_of3A_56, %dma_wait3A_62] : memref<2x10240x128xf32, #tpu.memory_space<hbm>> -> memref<1x128x128xf32, #tpu.memory_space<hbm>>
      %dma_wait3A_64 = tpu.memref_squeeze %dma_wait3A_63 : memref<1x128x128xf32, #tpu.memory_space<hbm>> -> memref<128x128xf32, #tpu.memory_space<hbm>>
      %dma_wait3A_65 = arith.constant 0 : i32
      %dma_wait3A_66 = tpu.memref_slice %arg5[%arg0, %multiple_of3A_56, %dma_wait3A_65] : memref<2x10240x128xf32, #tpu.memory_space<hbm>> -> memref<1x128x128xf32, #tpu.memory_space<hbm>>
      %dma_wait3A_67 = tpu.memref_squeeze %dma_wait3A_66 : memref<1x128x128xf32, #tpu.memory_space<hbm>> -> memref<128x128xf32, #tpu.memory_space<hbm>>
      tpu.wait_dma2 semaphore(%run_scoped3A : memref<!tpu.dma_semaphore, #tpu.memory_space<semaphore_mem>>) src(%arg8 : memref<128x128xf32, #tpu.memory_space<vmem>>) dst(%dma_wait3A_67 : memref<128x128xf32, #tpu.memory_space<hbm>>)
      tpu.yield
    }) : () -> ()
    return
  }
}

#map = affine_map<(d0, d1) -> (0)>
#map1 = affine_map<(d0, d1) -> (0, 0)>
module attributes {stable_mosaic.version = 14 : i64} {
  func.func @_sc_gather(%arg0: i32, %arg1: i32, %arg2: memref<10240xi32, #tpu.memory_space<hbm>>, %arg3: memref<30000x256xf32, #tpu.memory_space<hbm>>, %arg4: memref<4096xi32, #tpu.memory_space<hbm>>, %arg5: memref<30522x768xf32, #tpu.memory_space<hbm>>, %arg6: memref<10240x256xf32, #tpu.memory_space<hbm>>, %arg7: memref<4096x768xf32, #tpu.memory_space<hbm>>, %arg8: memref<64xi32, #tpu.memory_space<vmem>>, %arg9: memref<64x256xf32, #tpu.memory_space<vmem>>, %arg10: memref<64xi32, #tpu.memory_space<vmem>>, %arg11: memref<64x768xf32, #tpu.memory_space<vmem>>, %arg12: memref<!tpu.dma_semaphore, #tpu.memory_space<semaphore_mem>>) attributes {dimension_semantics = [#tpu.dimension_semantics<core_parallel>, #tpu.dimension_semantics<subcore_parallel>], iteration_bounds = array<i64: 2, 16>, scalar_prefetch = 0 : i64, scratch_operands = 5 : i64, tpu.core_type = #tpu.core_type<sc_vector_subcore>, window_params = [{transform_indices = #map}, {transform_indices = #map1}, {transform_indices = #map}, {transform_indices = #map1}, {transform_indices = #map1}, {transform_indices = #map1}]} {
    %mul3A = arith.constant 2 : i32
    %mul3A_0 = arith.muli %arg1, %mul3A : i32
    %add3A = arith.addi %mul3A_0, %arg0 : i32
    %scan3A = arith.constant 0 : i32
    %scan3A_1 = arith.constant 5 : i32
    %scan3A_2 = arith.addi %scan3A, %scan3A_1 : i32
    %scan3A_3 = arith.constant 1 : i32
    scf.for %scan3A_10 = %scan3A to %scan3A_2 step %scan3A_3  : i32 {
      %mul3A_11 = arith.constant 5 : i32
      %mul3A_12 = arith.muli %add3A, %mul3A_11 : i32
      %add3A_13 = arith.addi %mul3A_12, %scan3A_10 : i32
      %mul3A_14 = arith.constant 64 : i32
      %mul3A_15 = arith.muli %add3A_13, %mul3A_14 : i32
      %multiple_of3A = tpu.assume_multiple %mul3A_15, 8 : i32
      "tpu.region"() ({
        %run_scoped3A = tpu.sem_alloc : memref<!tpu.dma_semaphore, #tpu.memory_space<semaphore_mem>>
        %dma_start3A_20 = tpu.memref_slice %arg2[%multiple_of3A] : memref<10240xi32, #tpu.memory_space<hbm>> -> memref<64xi32, #tpu.memory_space<hbm>>
        %dma_start3A_21 = tpu.memref_slice %arg2[%multiple_of3A] : memref<10240xi32, #tpu.memory_space<hbm>> -> memref<64xi32, #tpu.memory_space<hbm>>
        tpu.enqueue_dma source(%dma_start3A_21 : memref<64xi32, #tpu.memory_space<hbm>>) target(%arg8 : memref<64xi32, #tpu.memory_space<vmem>>) target_semaphore(%run_scoped3A : memref<!tpu.dma_semaphore, #tpu.memory_space<semaphore_mem>>)
        %dma_wait3A_22 = tpu.memref_slice %arg2[%multiple_of3A] : memref<10240xi32, #tpu.memory_space<hbm>> -> memref<64xi32, #tpu.memory_space<hbm>>
        %dma_wait3A_23 = tpu.memref_slice %arg2[%multiple_of3A] : memref<10240xi32, #tpu.memory_space<hbm>> -> memref<64xi32, #tpu.memory_space<hbm>>
        tpu.wait_dma2 semaphore(%run_scoped3A : memref<!tpu.dma_semaphore, #tpu.memory_space<semaphore_mem>>) src(%dma_wait3A_23 : memref<64xi32, #tpu.memory_space<hbm>>) dst(%arg8 : memref<64xi32, #tpu.memory_space<vmem>>)
        tpu.yield
      }) : () -> ()
      %dma_start3A = arith.constant 0 : i32
      %dma_start3A_16 = arith.constant 0 : i32
      %dma_start3A_17 = tpu.memref_slice %arg3[%dma_start3A, %dma_start3A_16] : memref<30000x256xf32, #tpu.memory_space<hbm>> -> memref<30000x256xf32, #tpu.memory_space<hbm>>
      tpu.enqueue_indirect_dma source(%dma_start3A_17 : memref<30000x256xf32, #tpu.memory_space<hbm>>) target(%arg9 : memref<64x256xf32, #tpu.memory_space<vmem>>) offsets(%arg8 : memref<64xi32, #tpu.memory_space<vmem>>) semaphore(%arg12 : memref<!tpu.dma_semaphore, #tpu.memory_space<semaphore_mem>>)
      %dma_wait3A = arith.constant 0 : i32
      %dma_wait3A_18 = arith.constant 0 : i32
      %dma_wait3A_19 = tpu.memref_slice %arg3[%dma_wait3A, %dma_wait3A_18] : memref<30000x256xf32, #tpu.memory_space<hbm>> -> memref<30000x256xf32, #tpu.memory_space<hbm>>
      tpu.wait_indirect_dma semaphore(%arg12 : memref<!tpu.dma_semaphore, #tpu.memory_space<semaphore_mem>>) src(%dma_wait3A_19 : memref<30000x256xf32, #tpu.memory_space<hbm>>) dst(%arg9 : memref<64x256xf32, #tpu.memory_space<vmem>>)
      "tpu.region"() ({
        %run_scoped3A = tpu.sem_alloc : memref<!tpu.dma_semaphore, #tpu.memory_space<semaphore_mem>>
        %dma_start3A_20 = arith.constant 0 : i32
        %dma_start3A_21 = tpu.memref_slice %arg6[%multiple_of3A, %dma_start3A_20] : memref<10240x256xf32, #tpu.memory_space<hbm>> -> memref<64x256xf32, #tpu.memory_space<hbm>>
        %dma_start3A_22 = arith.constant 0 : i32
        %dma_start3A_23 = tpu.memref_slice %arg6[%multiple_of3A, %dma_start3A_22] : memref<10240x256xf32, #tpu.memory_space<hbm>> -> memref<64x256xf32, #tpu.memory_space<hbm>>
        tpu.enqueue_dma source(%arg9 : memref<64x256xf32, #tpu.memory_space<vmem>>) target(%dma_start3A_23 : memref<64x256xf32, #tpu.memory_space<hbm>>) target_semaphore(%run_scoped3A : memref<!tpu.dma_semaphore, #tpu.memory_space<semaphore_mem>>)
        %dma_wait3A_24 = arith.constant 0 : i32
        %dma_wait3A_25 = tpu.memref_slice %arg6[%multiple_of3A, %dma_wait3A_24] : memref<10240x256xf32, #tpu.memory_space<hbm>> -> memref<64x256xf32, #tpu.memory_space<hbm>>
        %dma_wait3A_26 = arith.constant 0 : i32
        %dma_wait3A_27 = tpu.memref_slice %arg6[%multiple_of3A, %dma_wait3A_26] : memref<10240x256xf32, #tpu.memory_space<hbm>> -> memref<64x256xf32, #tpu.memory_space<hbm>>
        tpu.wait_dma2 semaphore(%run_scoped3A : memref<!tpu.dma_semaphore, #tpu.memory_space<semaphore_mem>>) src(%arg9 : memref<64x256xf32, #tpu.memory_space<vmem>>) dst(%dma_wait3A_27 : memref<64x256xf32, #tpu.memory_space<hbm>>)
        tpu.yield
      }) : () -> ()
    }
    %scan3A_4 = arith.constant 5 : i32
    %scan3A_5 = arith.constant 0 : i32
    %scan3A_6 = arith.constant 2 : i32
    %scan3A_7 = arith.addi %scan3A_5, %scan3A_6 : i32
    %scan3A_8 = arith.constant 1 : i32
    scf.for %scan3A_10 = %scan3A_5 to %scan3A_7 step %scan3A_8  : i32 {
      %mul3A_11 = arith.constant 2 : i32
      %mul3A_12 = arith.muli %add3A, %mul3A_11 : i32
      %add3A_13 = arith.addi %mul3A_12, %scan3A_10 : i32
      %mul3A_14 = arith.constant 64 : i32
      %mul3A_15 = arith.muli %add3A_13, %mul3A_14 : i32
      %multiple_of3A = tpu.assume_multiple %mul3A_15, 8 : i32
      "tpu.region"() ({
        %run_scoped3A = tpu.sem_alloc : memref<!tpu.dma_semaphore, #tpu.memory_space<semaphore_mem>>
        %dma_start3A_20 = tpu.memref_slice %arg4[%multiple_of3A] : memref<4096xi32, #tpu.memory_space<hbm>> -> memref<64xi32, #tpu.memory_space<hbm>>
        %dma_start3A_21 = tpu.memref_slice %arg4[%multiple_of3A] : memref<4096xi32, #tpu.memory_space<hbm>> -> memref<64xi32, #tpu.memory_space<hbm>>
        tpu.enqueue_dma source(%dma_start3A_21 : memref<64xi32, #tpu.memory_space<hbm>>) target(%arg10 : memref<64xi32, #tpu.memory_space<vmem>>) target_semaphore(%run_scoped3A : memref<!tpu.dma_semaphore, #tpu.memory_space<semaphore_mem>>)
        %dma_wait3A_22 = tpu.memref_slice %arg4[%multiple_of3A] : memref<4096xi32, #tpu.memory_space<hbm>> -> memref<64xi32, #tpu.memory_space<hbm>>
        %dma_wait3A_23 = tpu.memref_slice %arg4[%multiple_of3A] : memref<4096xi32, #tpu.memory_space<hbm>> -> memref<64xi32, #tpu.memory_space<hbm>>
        tpu.wait_dma2 semaphore(%run_scoped3A : memref<!tpu.dma_semaphore, #tpu.memory_space<semaphore_mem>>) src(%dma_wait3A_23 : memref<64xi32, #tpu.memory_space<hbm>>) dst(%arg10 : memref<64xi32, #tpu.memory_space<vmem>>)
        tpu.yield
      }) : () -> ()
      %dma_start3A = arith.constant 0 : i32
      %dma_start3A_16 = arith.constant 0 : i32
      %dma_start3A_17 = tpu.memref_slice %arg5[%dma_start3A, %dma_start3A_16] : memref<30522x768xf32, #tpu.memory_space<hbm>> -> memref<30522x768xf32, #tpu.memory_space<hbm>>
      tpu.enqueue_indirect_dma source(%dma_start3A_17 : memref<30522x768xf32, #tpu.memory_space<hbm>>) target(%arg11 : memref<64x768xf32, #tpu.memory_space<vmem>>) offsets(%arg10 : memref<64xi32, #tpu.memory_space<vmem>>) semaphore(%arg12 : memref<!tpu.dma_semaphore, #tpu.memory_space<semaphore_mem>>)
      %dma_wait3A = arith.constant 0 : i32
      %dma_wait3A_18 = arith.constant 0 : i32
      %dma_wait3A_19 = tpu.memref_slice %arg5[%dma_wait3A, %dma_wait3A_18] : memref<30522x768xf32, #tpu.memory_space<hbm>> -> memref<30522x768xf32, #tpu.memory_space<hbm>>
      tpu.wait_indirect_dma semaphore(%arg12 : memref<!tpu.dma_semaphore, #tpu.memory_space<semaphore_mem>>) src(%dma_wait3A_19 : memref<30522x768xf32, #tpu.memory_space<hbm>>) dst(%arg11 : memref<64x768xf32, #tpu.memory_space<vmem>>)
      "tpu.region"() ({
        %run_scoped3A = tpu.sem_alloc : memref<!tpu.dma_semaphore, #tpu.memory_space<semaphore_mem>>
        %dma_start3A_20 = arith.constant 0 : i32
        %dma_start3A_21 = tpu.memref_slice %arg7[%multiple_of3A, %dma_start3A_20] : memref<4096x768xf32, #tpu.memory_space<hbm>> -> memref<64x768xf32, #tpu.memory_space<hbm>>
        %dma_start3A_22 = arith.constant 0 : i32
        %dma_start3A_23 = tpu.memref_slice %arg7[%multiple_of3A, %dma_start3A_22] : memref<4096x768xf32, #tpu.memory_space<hbm>> -> memref<64x768xf32, #tpu.memory_space<hbm>>
        tpu.enqueue_dma source(%arg11 : memref<64x768xf32, #tpu.memory_space<vmem>>) target(%dma_start3A_23 : memref<64x768xf32, #tpu.memory_space<hbm>>) target_semaphore(%run_scoped3A : memref<!tpu.dma_semaphore, #tpu.memory_space<semaphore_mem>>)
        %dma_wait3A_24 = arith.constant 0 : i32
        %dma_wait3A_25 = tpu.memref_slice %arg7[%multiple_of3A, %dma_wait3A_24] : memref<4096x768xf32, #tpu.memory_space<hbm>> -> memref<64x768xf32, #tpu.memory_space<hbm>>
        %dma_wait3A_26 = arith.constant 0 : i32
        %dma_wait3A_27 = tpu.memref_slice %arg7[%multiple_of3A, %dma_wait3A_26] : memref<4096x768xf32, #tpu.memory_space<hbm>> -> memref<64x768xf32, #tpu.memory_space<hbm>>
        tpu.wait_dma2 semaphore(%run_scoped3A : memref<!tpu.dma_semaphore, #tpu.memory_space<semaphore_mem>>) src(%arg11 : memref<64x768xf32, #tpu.memory_space<vmem>>) dst(%dma_wait3A_27 : memref<64x768xf32, #tpu.memory_space<hbm>>)
        tpu.yield
      }) : () -> ()
    }
    %scan3A_9 = arith.constant 2 : i32
    return
  }
}

#map = affine_map<(d0, d1) -> (0, 0)>
#map1 = affine_map<(d0, d1) -> (0)>
#map2 = affine_map<(d0, d1) -> (0, 0, 0)>
module attributes {stable_mosaic.version = 14 : i64} {
  func.func @_sc_msg_pass(%arg0: i32, %arg1: i32, %arg2: memref<20000x128xf32, #tpu.memory_space<hbm>>, %arg3: memref<2x172032xi32, #tpu.memory_space<hbm>>, %arg4: memref<172032xi32, #tpu.memory_space<hbm>>, %arg5: memref<128x128xf32, #tpu.memory_space<hbm>>, %arg6: memref<2x10240x128xf32, #tpu.memory_space<hbm>>, %arg7: memref<128xi32, #tpu.memory_space<vmem>>, %arg8: memref<128xi32, #tpu.memory_space<vmem>>, %arg9: memref<128xi32, #tpu.memory_space<vmem>>, %arg10: memref<128xi32, #tpu.memory_space<vmem>>, %arg11: memref<128x128xf32, #tpu.memory_space<vmem>>, %arg12: memref<128x128xf32, #tpu.memory_space<vmem>>, %arg13: memref<10240x128xf32, #tpu.memory_space<vmem_shared>>, %arg14: memref<!tpu.dma_semaphore, #tpu.memory_space<semaphore_mem>>, %arg15: memref<!tpu.dma_semaphore, #tpu.memory_space<semaphore_mem>>, %arg16: memref<!tpu.dma_semaphore, #tpu.memory_space<semaphore_mem>>, %arg17: memref<!tpu.dma_semaphore, #tpu.memory_space<semaphore_mem>>, %arg18: memref<!tpu.dma_semaphore, #tpu.memory_space<semaphore_mem>>, %arg19: memref<!tpu.dma_semaphore, #tpu.memory_space<semaphore_mem>>, %arg20: memref<!tpu.dma_semaphore, #tpu.memory_space<semaphore_mem>>, %arg21: memref<!tpu.dma_semaphore, #tpu.memory_space<semaphore_mem>>) attributes {dimension_semantics = [#tpu.dimension_semantics<core_parallel>, #tpu.dimension_semantics<subcore_parallel>], iteration_bounds = array<i64: 2, 16>, scalar_prefetch = 0 : i64, scratch_operands = 15 : i64, tpu.core_type = #tpu.core_type<sc_vector_subcore>, window_params = [{transform_indices = #map}, {transform_indices = #map}, {transform_indices = #map1}, {transform_indices = #map}, {transform_indices = #map2}]} {
    "tpu.region"() ({
      %run_scoped3A = tpu.sem_alloc : memref<!tpu.dma_semaphore, #tpu.memory_space<semaphore_mem>>
      tpu.enqueue_dma source(%arg5 : memref<128x128xf32, #tpu.memory_space<hbm>>) target(%arg11 : memref<128x128xf32, #tpu.memory_space<vmem>>) target_semaphore(%run_scoped3A : memref<!tpu.dma_semaphore, #tpu.memory_space<semaphore_mem>>)
      tpu.wait_dma2 semaphore(%run_scoped3A : memref<!tpu.dma_semaphore, #tpu.memory_space<semaphore_mem>>) src(%arg5 : memref<128x128xf32, #tpu.memory_space<hbm>>) dst(%arg11 : memref<128x128xf32, #tpu.memory_space<vmem>>)
      tpu.yield
    }) : () -> ()
    %mul3A = arith.constant 640 : i32
    %mul3A_0 = arith.muli %arg1, %mul3A : i32
    %add3A = arith.constant 0 : i32
    %add3A_1 = arith.addi %mul3A_0, %add3A : i32
    %multiple_of3A = tpu.assume_multiple %add3A_1, 8 : i32
    "tpu.region"() ({
      %run_scoped3A = tpu.sem_alloc : memref<!tpu.dma_semaphore, #tpu.memory_space<semaphore_mem>>
      %dma_start3A = arith.constant 0 : i32
      %dma_start3A_57 = tpu.memref_slice %arg13[%multiple_of3A, %dma_start3A] : memref<10240x128xf32, #tpu.memory_space<vmem_shared>> -> memref<128x128xf32, #tpu.memory_space<vmem_shared>>
      %dma_start3A_58 = arith.constant 0 : i32
      %dma_start3A_59 = tpu.memref_slice %arg13[%multiple_of3A, %dma_start3A_58] : memref<10240x128xf32, #tpu.memory_space<vmem_shared>> -> memref<128x128xf32, #tpu.memory_space<vmem_shared>>
      tpu.enqueue_dma source(%arg11 : memref<128x128xf32, #tpu.memory_space<vmem>>) target(%dma_start3A_59 : memref<128x128xf32, #tpu.memory_space<vmem_shared>>) target_semaphore(%run_scoped3A : memref<!tpu.dma_semaphore, #tpu.memory_space<semaphore_mem>>)
      %dma_wait3A_60 = arith.constant 0 : i32
      %dma_wait3A_61 = tpu.memref_slice %arg13[%multiple_of3A, %dma_wait3A_60] : memref<10240x128xf32, #tpu.memory_space<vmem_shared>> -> memref<128x128xf32, #tpu.memory_space<vmem_shared>>
      %dma_wait3A_62 = arith.constant 0 : i32
      %dma_wait3A_63 = tpu.memref_slice %arg13[%multiple_of3A, %dma_wait3A_62] : memref<10240x128xf32, #tpu.memory_space<vmem_shared>> -> memref<128x128xf32, #tpu.memory_space<vmem_shared>>
      tpu.wait_dma2 semaphore(%run_scoped3A : memref<!tpu.dma_semaphore, #tpu.memory_space<semaphore_mem>>) src(%arg11 : memref<128x128xf32, #tpu.memory_space<vmem>>) dst(%dma_wait3A_63 : memref<128x128xf32, #tpu.memory_space<vmem_shared>>)
      tpu.yield
    }) : () -> ()
    %mul3A_2 = arith.constant 640 : i32
    %mul3A_3 = arith.muli %arg1, %mul3A_2 : i32
    %add3A_4 = arith.constant 128 : i32
    %add3A_5 = arith.addi %mul3A_3, %add3A_4 : i32
    %multiple_of3A_6 = tpu.assume_multiple %add3A_5, 8 : i32
    "tpu.region"() ({
      %run_scoped3A = tpu.sem_alloc : memref<!tpu.dma_semaphore, #tpu.memory_space<semaphore_mem>>
      %dma_start3A = arith.constant 0 : i32
      %dma_start3A_57 = tpu.memref_slice %arg13[%multiple_of3A_6, %dma_start3A] : memref<10240x128xf32, #tpu.memory_space<vmem_shared>> -> memref<128x128xf32, #tpu.memory_space<vmem_shared>>
      %dma_start3A_58 = arith.constant 0 : i32
      %dma_start3A_59 = tpu.memref_slice %arg13[%multiple_of3A_6, %dma_start3A_58] : memref<10240x128xf32, #tpu.memory_space<vmem_shared>> -> memref<128x128xf32, #tpu.memory_space<vmem_shared>>
      tpu.enqueue_dma source(%arg11 : memref<128x128xf32, #tpu.memory_space<vmem>>) target(%dma_start3A_59 : memref<128x128xf32, #tpu.memory_space<vmem_shared>>) target_semaphore(%run_scoped3A : memref<!tpu.dma_semaphore, #tpu.memory_space<semaphore_mem>>)
      %dma_wait3A_60 = arith.constant 0 : i32
      %dma_wait3A_61 = tpu.memref_slice %arg13[%multiple_of3A_6, %dma_wait3A_60] : memref<10240x128xf32, #tpu.memory_space<vmem_shared>> -> memref<128x128xf32, #tpu.memory_space<vmem_shared>>
      %dma_wait3A_62 = arith.constant 0 : i32
      %dma_wait3A_63 = tpu.memref_slice %arg13[%multiple_of3A_6, %dma_wait3A_62] : memref<10240x128xf32, #tpu.memory_space<vmem_shared>> -> memref<128x128xf32, #tpu.memory_space<vmem_shared>>
      tpu.wait_dma2 semaphore(%run_scoped3A : memref<!tpu.dma_semaphore, #tpu.memory_space<semaphore_mem>>) src(%arg11 : memref<128x128xf32, #tpu.memory_space<vmem>>) dst(%dma_wait3A_63 : memref<128x128xf32, #tpu.memory_space<vmem_shared>>)
      tpu.yield
    }) : () -> ()
    %mul3A_7 = arith.constant 640 : i32
    %mul3A_8 = arith.muli %arg1, %mul3A_7 : i32
    %add3A_9 = arith.constant 256 : i32
    %add3A_10 = arith.addi %mul3A_8, %add3A_9 : i32
    %multiple_of3A_11 = tpu.assume_multiple %add3A_10, 8 : i32
    "tpu.region"() ({
      %run_scoped3A = tpu.sem_alloc : memref<!tpu.dma_semaphore, #tpu.memory_space<semaphore_mem>>
      %dma_start3A = arith.constant 0 : i32
      %dma_start3A_57 = tpu.memref_slice %arg13[%multiple_of3A_11, %dma_start3A] : memref<10240x128xf32, #tpu.memory_space<vmem_shared>> -> memref<128x128xf32, #tpu.memory_space<vmem_shared>>
      %dma_start3A_58 = arith.constant 0 : i32
      %dma_start3A_59 = tpu.memref_slice %arg13[%multiple_of3A_11, %dma_start3A_58] : memref<10240x128xf32, #tpu.memory_space<vmem_shared>> -> memref<128x128xf32, #tpu.memory_space<vmem_shared>>
      tpu.enqueue_dma source(%arg11 : memref<128x128xf32, #tpu.memory_space<vmem>>) target(%dma_start3A_59 : memref<128x128xf32, #tpu.memory_space<vmem_shared>>) target_semaphore(%run_scoped3A : memref<!tpu.dma_semaphore, #tpu.memory_space<semaphore_mem>>)
      %dma_wait3A_60 = arith.constant 0 : i32
      %dma_wait3A_61 = tpu.memref_slice %arg13[%multiple_of3A_11, %dma_wait3A_60] : memref<10240x128xf32, #tpu.memory_space<vmem_shared>> -> memref<128x128xf32, #tpu.memory_space<vmem_shared>>
      %dma_wait3A_62 = arith.constant 0 : i32
      %dma_wait3A_63 = tpu.memref_slice %arg13[%multiple_of3A_11, %dma_wait3A_62] : memref<10240x128xf32, #tpu.memory_space<vmem_shared>> -> memref<128x128xf32, #tpu.memory_space<vmem_shared>>
      tpu.wait_dma2 semaphore(%run_scoped3A : memref<!tpu.dma_semaphore, #tpu.memory_space<semaphore_mem>>) src(%arg11 : memref<128x128xf32, #tpu.memory_space<vmem>>) dst(%dma_wait3A_63 : memref<128x128xf32, #tpu.memory_space<vmem_shared>>)
      tpu.yield
    }) : () -> ()
    %mul3A_12 = arith.constant 640 : i32
    %mul3A_13 = arith.muli %arg1, %mul3A_12 : i32
    %add3A_14 = arith.constant 384 : i32
    %add3A_15 = arith.addi %mul3A_13, %add3A_14 : i32
    %multiple_of3A_16 = tpu.assume_multiple %add3A_15, 8 : i32
    "tpu.region"() ({
      %run_scoped3A = tpu.sem_alloc : memref<!tpu.dma_semaphore, #tpu.memory_space<semaphore_mem>>
      %dma_start3A = arith.constant 0 : i32
      %dma_start3A_57 = tpu.memref_slice %arg13[%multiple_of3A_16, %dma_start3A] : memref<10240x128xf32, #tpu.memory_space<vmem_shared>> -> memref<128x128xf32, #tpu.memory_space<vmem_shared>>
      %dma_start3A_58 = arith.constant 0 : i32
      %dma_start3A_59 = tpu.memref_slice %arg13[%multiple_of3A_16, %dma_start3A_58] : memref<10240x128xf32, #tpu.memory_space<vmem_shared>> -> memref<128x128xf32, #tpu.memory_space<vmem_shared>>
      tpu.enqueue_dma source(%arg11 : memref<128x128xf32, #tpu.memory_space<vmem>>) target(%dma_start3A_59 : memref<128x128xf32, #tpu.memory_space<vmem_shared>>) target_semaphore(%run_scoped3A : memref<!tpu.dma_semaphore, #tpu.memory_space<semaphore_mem>>)
      %dma_wait3A_60 = arith.constant 0 : i32
      %dma_wait3A_61 = tpu.memref_slice %arg13[%multiple_of3A_16, %dma_wait3A_60] : memref<10240x128xf32, #tpu.memory_space<vmem_shared>> -> memref<128x128xf32, #tpu.memory_space<vmem_shared>>
      %dma_wait3A_62 = arith.constant 0 : i32
      %dma_wait3A_63 = tpu.memref_slice %arg13[%multiple_of3A_16, %dma_wait3A_62] : memref<10240x128xf32, #tpu.memory_space<vmem_shared>> -> memref<128x128xf32, #tpu.memory_space<vmem_shared>>
      tpu.wait_dma2 semaphore(%run_scoped3A : memref<!tpu.dma_semaphore, #tpu.memory_space<semaphore_mem>>) src(%arg11 : memref<128x128xf32, #tpu.memory_space<vmem>>) dst(%dma_wait3A_63 : memref<128x128xf32, #tpu.memory_space<vmem_shared>>)
      tpu.yield
    }) : () -> ()
    %mul3A_17 = arith.constant 640 : i32
    %mul3A_18 = arith.muli %arg1, %mul3A_17 : i32
    %add3A_19 = arith.constant 512 : i32
    %add3A_20 = arith.addi %mul3A_18, %add3A_19 : i32
    %multiple_of3A_21 = tpu.assume_multiple %add3A_20, 8 : i32
    "tpu.region"() ({
      %run_scoped3A = tpu.sem_alloc : memref<!tpu.dma_semaphore, #tpu.memory_space<semaphore_mem>>
      %dma_start3A = arith.constant 0 : i32
      %dma_start3A_57 = tpu.memref_slice %arg13[%multiple_of3A_21, %dma_start3A] : memref<10240x128xf32, #tpu.memory_space<vmem_shared>> -> memref<128x128xf32, #tpu.memory_space<vmem_shared>>
      %dma_start3A_58 = arith.constant 0 : i32
      %dma_start3A_59 = tpu.memref_slice %arg13[%multiple_of3A_21, %dma_start3A_58] : memref<10240x128xf32, #tpu.memory_space<vmem_shared>> -> memref<128x128xf32, #tpu.memory_space<vmem_shared>>
      tpu.enqueue_dma source(%arg11 : memref<128x128xf32, #tpu.memory_space<vmem>>) target(%dma_start3A_59 : memref<128x128xf32, #tpu.memory_space<vmem_shared>>) target_semaphore(%run_scoped3A : memref<!tpu.dma_semaphore, #tpu.memory_space<semaphore_mem>>)
      %dma_wait3A_60 = arith.constant 0 : i32
      %dma_wait3A_61 = tpu.memref_slice %arg13[%multiple_of3A_21, %dma_wait3A_60] : memref<10240x128xf32, #tpu.memory_space<vmem_shared>> -> memref<128x128xf32, #tpu.memory_space<vmem_shared>>
      %dma_wait3A_62 = arith.constant 0 : i32
      %dma_wait3A_63 = tpu.memref_slice %arg13[%multiple_of3A_21, %dma_wait3A_62] : memref<10240x128xf32, #tpu.memory_space<vmem_shared>> -> memref<128x128xf32, #tpu.memory_space<vmem_shared>>
      tpu.wait_dma2 semaphore(%run_scoped3A : memref<!tpu.dma_semaphore, #tpu.memory_space<semaphore_mem>>) src(%arg11 : memref<128x128xf32, #tpu.memory_space<vmem>>) dst(%dma_wait3A_63 : memref<128x128xf32, #tpu.memory_space<vmem_shared>>)
      tpu.yield
    }) : () -> ()
    %barrier3A = arith.constant 0 : index
    tpu.barrier barrier_id(%barrier3A)
    %scan3A = arith.constant 0 : i32
    %scan3A_22 = arith.constant 42 : i32
    %scan3A_23 = arith.addi %scan3A, %scan3A_22 : i32
    %scan3A_24 = arith.constant 1 : i32
    scf.for %scan3A_57 = %scan3A to %scan3A_23 step %scan3A_24  : i32 {
      %mul3A_58 = arith.constant 10752 : i32
      %mul3A_59 = arith.muli %arg1, %mul3A_58 : i32
      %mul3A_60 = arith.constant 2 : i32
      %mul3A_61 = arith.muli %mul3A_60, %scan3A_57 : i32
      %mul3A_62 = arith.constant 128 : i32
      %mul3A_63 = arith.muli %mul3A_61, %mul3A_62 : i32
      %add3A_64 = arith.addi %mul3A_59, %mul3A_63 : i32
      %multiple_of3A_65 = tpu.assume_multiple %add3A_64, 8 : i32
      %mul3A_66 = arith.constant 10752 : i32
      %mul3A_67 = arith.muli %arg1, %mul3A_66 : i32
      %mul3A_68 = arith.constant 2 : i32
      %mul3A_69 = arith.muli %mul3A_68, %scan3A_57 : i32
      %add3A_70 = arith.constant 1 : i32
      %add3A_71 = arith.addi %mul3A_69, %add3A_70 : i32
      %mul3A_72 = arith.constant 128 : i32
      %mul3A_73 = arith.muli %add3A_71, %mul3A_72 : i32
      %add3A_74 = arith.addi %mul3A_67, %mul3A_73 : i32
      %multiple_of3A_75 = tpu.assume_multiple %add3A_74, 8 : i32
      %gt3A = arith.constant 0 : i32
      %gt3A_76 = arith.cmpi sgt, %scan3A_57, %gt3A : i32
      %convert_element_type3A = arith.extui %gt3A_76 : i1 to i32
      %cond3A = arith.constant 0 : i32
      %cond3A_77 = arith.cmpi ne, %convert_element_type3A, %cond3A : i32
      scf.if %cond3A_77 {
        %dma_wait3A_124 = arith.constant 0 : i32
        %dma_wait3A_125 = arith.constant 0 : i32
        %dma_wait3A_126 = tpu.memref_slice %arg13[%dma_wait3A_124, %dma_wait3A_125] : memref<10240x128xf32, #tpu.memory_space<vmem_shared>> -> memref<10240x128xf32, #tpu.memory_space<vmem_shared>>
        tpu.wait_indirect_dma semaphore(%arg16 : memref<!tpu.dma_semaphore, #tpu.memory_space<semaphore_mem>>) src(%arg11 : memref<128x128xf32, #tpu.memory_space<vmem>>) dst(%dma_wait3A_126 : memref<10240x128xf32, #tpu.memory_space<vmem_shared>>)
      } else {
      }
      %dma_start3A = tpu.memref_slice %arg3[%arg0, %multiple_of3A_65] : memref<2x172032xi32, #tpu.memory_space<hbm>> -> memref<1x128xi32, #tpu.memory_space<hbm>>
      %dma_start3A_78 = tpu.memref_squeeze %dma_start3A : memref<1x128xi32, #tpu.memory_space<hbm>> -> memref<128xi32, #tpu.memory_space<hbm>>
      %dma_start3A_79 = tpu.memref_slice %arg3[%arg0, %multiple_of3A_65] : memref<2x172032xi32, #tpu.memory_space<hbm>> -> memref<1x128xi32, #tpu.memory_space<hbm>>
      %dma_start3A_80 = tpu.memref_squeeze %dma_start3A_79 : memref<1x128xi32, #tpu.memory_space<hbm>> -> memref<128xi32, #tpu.memory_space<hbm>>
      tpu.enqueue_dma source(%dma_start3A_80 : memref<128xi32, #tpu.memory_space<hbm>>) target(%arg7 : memref<128xi32, #tpu.memory_space<vmem>>) target_semaphore(%arg18 : memref<!tpu.dma_semaphore, #tpu.memory_space<semaphore_mem>>)
      %dma_start3A_81 = tpu.memref_slice %arg4[%multiple_of3A_65] : memref<172032xi32, #tpu.memory_space<hbm>> -> memref<128xi32, #tpu.memory_space<hbm>>
      %dma_start3A_82 = tpu.memref_slice %arg4[%multiple_of3A_65] : memref<172032xi32, #tpu.memory_space<hbm>> -> memref<128xi32, #tpu.memory_space<hbm>>
      tpu.enqueue_dma source(%dma_start3A_82 : memref<128xi32, #tpu.memory_space<hbm>>) target(%arg8 : memref<128xi32, #tpu.memory_space<vmem>>) target_semaphore(%arg19 : memref<!tpu.dma_semaphore, #tpu.memory_space<semaphore_mem>>)
      %gt3A_83 = arith.constant 0 : i32
      %gt3A_84 = arith.cmpi sgt, %scan3A_57, %gt3A_83 : i32
      %convert_element_type3A_85 = arith.extui %gt3A_84 : i1 to i32
      %cond3A_86 = arith.constant 0 : i32
      %cond3A_87 = arith.cmpi ne, %convert_element_type3A_85, %cond3A_86 : i32
      scf.if %cond3A_87 {
        %dma_wait3A_124 = arith.constant 0 : i32
        %dma_wait3A_125 = arith.constant 0 : i32
        %dma_wait3A_126 = tpu.memref_slice %arg13[%dma_wait3A_124, %dma_wait3A_125] : memref<10240x128xf32, #tpu.memory_space<vmem_shared>> -> memref<10240x128xf32, #tpu.memory_space<vmem_shared>>
        tpu.wait_indirect_dma semaphore(%arg17 : memref<!tpu.dma_semaphore, #tpu.memory_space<semaphore_mem>>) src(%arg12 : memref<128x128xf32, #tpu.memory_space<vmem>>) dst(%dma_wait3A_126 : memref<10240x128xf32, #tpu.memory_space<vmem_shared>>)
      } else {
      }
      %dma_start3A_88 = tpu.memref_slice %arg3[%arg0, %multiple_of3A_75] : memref<2x172032xi32, #tpu.memory_space<hbm>> -> memref<1x128xi32, #tpu.memory_space<hbm>>
      %dma_start3A_89 = tpu.memref_squeeze %dma_start3A_88 : memref<1x128xi32, #tpu.memory_space<hbm>> -> memref<128xi32, #tpu.memory_space<hbm>>
      %dma_start3A_90 = tpu.memref_slice %arg3[%arg0, %multiple_of3A_75] : memref<2x172032xi32, #tpu.memory_space<hbm>> -> memref<1x128xi32, #tpu.memory_space<hbm>>
      %dma_start3A_91 = tpu.memref_squeeze %dma_start3A_90 : memref<1x128xi32, #tpu.memory_space<hbm>> -> memref<128xi32, #tpu.memory_space<hbm>>
      tpu.enqueue_dma source(%dma_start3A_91 : memref<128xi32, #tpu.memory_space<hbm>>) target(%arg9 : memref<128xi32, #tpu.memory_space<vmem>>) target_semaphore(%arg20 : memref<!tpu.dma_semaphore, #tpu.memory_space<semaphore_mem>>)
      %dma_start3A_92 = tpu.memref_slice %arg4[%multiple_of3A_75] : memref<172032xi32, #tpu.memory_space<hbm>> -> memref<128xi32, #tpu.memory_space<hbm>>
      %dma_start3A_93 = tpu.memref_slice %arg4[%multiple_of3A_75] : memref<172032xi32, #tpu.memory_space<hbm>> -> memref<128xi32, #tpu.memory_space<hbm>>
      tpu.enqueue_dma source(%dma_start3A_93 : memref<128xi32, #tpu.memory_space<hbm>>) target(%arg10 : memref<128xi32, #tpu.memory_space<vmem>>) target_semaphore(%arg21 : memref<!tpu.dma_semaphore, #tpu.memory_space<semaphore_mem>>)
      %dma_wait3A_94 = tpu.memref_slice %arg3[%arg0, %multiple_of3A_65] : memref<2x172032xi32, #tpu.memory_space<hbm>> -> memref<1x128xi32, #tpu.memory_space<hbm>>
      %dma_wait3A_95 = tpu.memref_squeeze %dma_wait3A_94 : memref<1x128xi32, #tpu.memory_space<hbm>> -> memref<128xi32, #tpu.memory_space<hbm>>
      %dma_wait3A_96 = tpu.memref_slice %arg3[%arg0, %multiple_of3A_65] : memref<2x172032xi32, #tpu.memory_space<hbm>> -> memref<1x128xi32, #tpu.memory_space<hbm>>
      %dma_wait3A_97 = tpu.memref_squeeze %dma_wait3A_96 : memref<1x128xi32, #tpu.memory_space<hbm>> -> memref<128xi32, #tpu.memory_space<hbm>>
      tpu.wait_dma2 semaphore(%arg18 : memref<!tpu.dma_semaphore, #tpu.memory_space<semaphore_mem>>) src(%dma_wait3A_97 : memref<128xi32, #tpu.memory_space<hbm>>) dst(%arg7 : memref<128xi32, #tpu.memory_space<vmem>>)
      %dma_start3A_98 = arith.constant 0 : i32
      %dma_start3A_99 = arith.constant 0 : i32
      %dma_start3A_100 = tpu.memref_slice %arg2[%dma_start3A_98, %dma_start3A_99] : memref<20000x128xf32, #tpu.memory_space<hbm>> -> memref<20000x128xf32, #tpu.memory_space<hbm>>
      tpu.enqueue_indirect_dma source(%dma_start3A_100 : memref<20000x128xf32, #tpu.memory_space<hbm>>) target(%arg11 : memref<128x128xf32, #tpu.memory_space<vmem>>) offsets(%arg7 : memref<128xi32, #tpu.memory_space<vmem>>) semaphore(%arg14 : memref<!tpu.dma_semaphore, #tpu.memory_space<semaphore_mem>>)
      %dma_wait3A_101 = tpu.memref_slice %arg3[%arg0, %multiple_of3A_75] : memref<2x172032xi32, #tpu.memory_space<hbm>> -> memref<1x128xi32, #tpu.memory_space<hbm>>
      %dma_wait3A_102 = tpu.memref_squeeze %dma_wait3A_101 : memref<1x128xi32, #tpu.memory_space<hbm>> -> memref<128xi32, #tpu.memory_space<hbm>>
      %dma_wait3A_103 = tpu.memref_slice %arg3[%arg0, %multiple_of3A_75] : memref<2x172032xi32, #tpu.memory_space<hbm>> -> memref<1x128xi32, #tpu.memory_space<hbm>>
      %dma_wait3A_104 = tpu.memref_squeeze %dma_wait3A_103 : memref<1x128xi32, #tpu.memory_space<hbm>> -> memref<128xi32, #tpu.memory_space<hbm>>
      tpu.wait_dma2 semaphore(%arg20 : memref<!tpu.dma_semaphore, #tpu.memory_space<semaphore_mem>>) src(%dma_wait3A_104 : memref<128xi32, #tpu.memory_space<hbm>>) dst(%arg9 : memref<128xi32, #tpu.memory_space<vmem>>)
      %dma_start3A_105 = arith.constant 0 : i32
      %dma_start3A_106 = arith.constant 0 : i32
      %dma_start3A_107 = tpu.memref_slice %arg2[%dma_start3A_105, %dma_start3A_106] : memref<20000x128xf32, #tpu.memory_space<hbm>> -> memref<20000x128xf32, #tpu.memory_space<hbm>>
      tpu.enqueue_indirect_dma source(%dma_start3A_107 : memref<20000x128xf32, #tpu.memory_space<hbm>>) target(%arg12 : memref<128x128xf32, #tpu.memory_space<vmem>>) offsets(%arg9 : memref<128xi32, #tpu.memory_space<vmem>>) semaphore(%arg15 : memref<!tpu.dma_semaphore, #tpu.memory_space<semaphore_mem>>)
      %dma_wait3A_108 = arith.constant 0 : i32
      %dma_wait3A_109 = arith.constant 0 : i32
      %dma_wait3A_110 = tpu.memref_slice %arg2[%dma_wait3A_108, %dma_wait3A_109] : memref<20000x128xf32, #tpu.memory_space<hbm>> -> memref<20000x128xf32, #tpu.memory_space<hbm>>
      tpu.wait_indirect_dma semaphore(%arg14 : memref<!tpu.dma_semaphore, #tpu.memory_space<semaphore_mem>>) src(%dma_wait3A_110 : memref<20000x128xf32, #tpu.memory_space<hbm>>) dst(%arg11 : memref<128x128xf32, #tpu.memory_space<vmem>>)
      %dma_wait3A_111 = tpu.memref_slice %arg4[%multiple_of3A_65] : memref<172032xi32, #tpu.memory_space<hbm>> -> memref<128xi32, #tpu.memory_space<hbm>>
      %dma_wait3A_112 = tpu.memref_slice %arg4[%multiple_of3A_65] : memref<172032xi32, #tpu.memory_space<hbm>> -> memref<128xi32, #tpu.memory_space<hbm>>
      tpu.wait_dma2 semaphore(%arg19 : memref<!tpu.dma_semaphore, #tpu.memory_space<semaphore_mem>>) src(%dma_wait3A_112 : memref<128xi32, #tpu.memory_space<hbm>>) dst(%arg8 : memref<128xi32, #tpu.memory_space<vmem>>)
      %dma_start3A_113 = arith.constant 0 : i32
      %dma_start3A_114 = arith.constant 0 : i32
      %dma_start3A_115 = tpu.memref_slice %arg13[%dma_start3A_113, %dma_start3A_114] : memref<10240x128xf32, #tpu.memory_space<vmem_shared>> -> memref<10240x128xf32, #tpu.memory_space<vmem_shared>>
      tpu.enqueue_indirect_dma source(%arg11 : memref<128x128xf32, #tpu.memory_space<vmem>>) target(%dma_start3A_115 : memref<10240x128xf32, #tpu.memory_space<vmem_shared>>) offsets(%arg8 : memref<128xi32, #tpu.memory_space<vmem>>) semaphore(%arg16 : memref<!tpu.dma_semaphore, #tpu.memory_space<semaphore_mem>>) {add = true}
      %dma_wait3A_116 = arith.constant 0 : i32
      %dma_wait3A_117 = arith.constant 0 : i32
      %dma_wait3A_118 = tpu.memref_slice %arg2[%dma_wait3A_116, %dma_wait3A_117] : memref<20000x128xf32, #tpu.memory_space<hbm>> -> memref<20000x128xf32, #tpu.memory_space<hbm>>
      tpu.wait_indirect_dma semaphore(%arg15 : memref<!tpu.dma_semaphore, #tpu.memory_space<semaphore_mem>>) src(%dma_wait3A_118 : memref<20000x128xf32, #tpu.memory_space<hbm>>) dst(%arg12 : memref<128x128xf32, #tpu.memory_space<vmem>>)
      %dma_wait3A_119 = tpu.memref_slice %arg4[%multiple_of3A_75] : memref<172032xi32, #tpu.memory_space<hbm>> -> memref<128xi32, #tpu.memory_space<hbm>>
      %dma_wait3A_120 = tpu.memref_slice %arg4[%multiple_of3A_75] : memref<172032xi32, #tpu.memory_space<hbm>> -> memref<128xi32, #tpu.memory_space<hbm>>
      tpu.wait_dma2 semaphore(%arg21 : memref<!tpu.dma_semaphore, #tpu.memory_space<semaphore_mem>>) src(%dma_wait3A_120 : memref<128xi32, #tpu.memory_space<hbm>>) dst(%arg10 : memref<128xi32, #tpu.memory_space<vmem>>)
      %dma_start3A_121 = arith.constant 0 : i32
      %dma_start3A_122 = arith.constant 0 : i32
      %dma_start3A_123 = tpu.memref_slice %arg13[%dma_start3A_121, %dma_start3A_122] : memref<10240x128xf32, #tpu.memory_space<vmem_shared>> -> memref<10240x128xf32, #tpu.memory_space<vmem_shared>>
      tpu.enqueue_indirect_dma source(%arg12 : memref<128x128xf32, #tpu.memory_space<vmem>>) target(%dma_start3A_123 : memref<10240x128xf32, #tpu.memory_space<vmem_shared>>) offsets(%arg10 : memref<128xi32, #tpu.memory_space<vmem>>) semaphore(%arg17 : memref<!tpu.dma_semaphore, #tpu.memory_space<semaphore_mem>>) {add = true}
    }
    %scan3A_25 = arith.constant 42 : i32
    %dma_wait3A = arith.constant 0 : i32
    %dma_wait3A_26 = arith.constant 0 : i32
    %dma_wait3A_27 = tpu.memref_slice %arg13[%dma_wait3A, %dma_wait3A_26] : memref<10240x128xf32, #tpu.memory_space<vmem_shared>> -> memref<10240x128xf32, #tpu.memory_space<vmem_shared>>
    tpu.wait_indirect_dma semaphore(%arg16 : memref<!tpu.dma_semaphore, #tpu.memory_space<semaphore_mem>>) src(%arg11 : memref<128x128xf32, #tpu.memory_space<vmem>>) dst(%dma_wait3A_27 : memref<10240x128xf32, #tpu.memory_space<vmem_shared>>)
    %dma_wait3A_28 = arith.constant 0 : i32
    %dma_wait3A_29 = arith.constant 0 : i32
    %dma_wait3A_30 = tpu.memref_slice %arg13[%dma_wait3A_28, %dma_wait3A_29] : memref<10240x128xf32, #tpu.memory_space<vmem_shared>> -> memref<10240x128xf32, #tpu.memory_space<vmem_shared>>
    tpu.wait_indirect_dma semaphore(%arg17 : memref<!tpu.dma_semaphore, #tpu.memory_space<semaphore_mem>>) src(%arg12 : memref<128x128xf32, #tpu.memory_space<vmem>>) dst(%dma_wait3A_30 : memref<10240x128xf32, #tpu.memory_space<vmem_shared>>)
    %barrier3A_31 = arith.constant 0 : index
    tpu.barrier barrier_id(%barrier3A_31)
    %mul3A_32 = arith.constant 640 : i32
    %mul3A_33 = arith.muli %arg1, %mul3A_32 : i32
    %add3A_34 = arith.constant 0 : i32
    %add3A_35 = arith.addi %mul3A_33, %add3A_34 : i32
    %multiple_of3A_36 = tpu.assume_multiple %add3A_35, 8 : i32
    "tpu.region"() ({
      %run_scoped3A = tpu.sem_alloc : memref<!tpu.dma_semaphore, #tpu.memory_space<semaphore_mem>>
      %dma_start3A = arith.constant 0 : i32
      %dma_start3A_57 = tpu.memref_slice %arg13[%multiple_of3A_36, %dma_start3A] : memref<10240x128xf32, #tpu.memory_space<vmem_shared>> -> memref<128x128xf32, #tpu.memory_space<vmem_shared>>
      %dma_start3A_58 = arith.constant 0 : i32
      %dma_start3A_59 = tpu.memref_slice %arg13[%multiple_of3A_36, %dma_start3A_58] : memref<10240x128xf32, #tpu.memory_space<vmem_shared>> -> memref<128x128xf32, #tpu.memory_space<vmem_shared>>
      tpu.enqueue_dma source(%dma_start3A_59 : memref<128x128xf32, #tpu.memory_space<vmem_shared>>) target(%arg11 : memref<128x128xf32, #tpu.memory_space<vmem>>) target_semaphore(%run_scoped3A : memref<!tpu.dma_semaphore, #tpu.memory_space<semaphore_mem>>)
      %dma_wait3A_60 = arith.constant 0 : i32
      %dma_wait3A_61 = tpu.memref_slice %arg13[%multiple_of3A_36, %dma_wait3A_60] : memref<10240x128xf32, #tpu.memory_space<vmem_shared>> -> memref<128x128xf32, #tpu.memory_space<vmem_shared>>
      %dma_wait3A_62 = arith.constant 0 : i32
      %dma_wait3A_63 = tpu.memref_slice %arg13[%multiple_of3A_36, %dma_wait3A_62] : memref<10240x128xf32, #tpu.memory_space<vmem_shared>> -> memref<128x128xf32, #tpu.memory_space<vmem_shared>>
      tpu.wait_dma2 semaphore(%run_scoped3A : memref<!tpu.dma_semaphore, #tpu.memory_space<semaphore_mem>>) src(%dma_wait3A_63 : memref<128x128xf32, #tpu.memory_space<vmem_shared>>) dst(%arg11 : memref<128x128xf32, #tpu.memory_space<vmem>>)
      tpu.yield
    }) : () -> ()
    "tpu.region"() ({
      %run_scoped3A = tpu.sem_alloc : memref<!tpu.dma_semaphore, #tpu.memory_space<semaphore_mem>>
      %dma_start3A = arith.constant 0 : i32
      %dma_start3A_57 = tpu.memref_slice %arg6[%arg0, %multiple_of3A_36, %dma_start3A] : memref<2x10240x128xf32, #tpu.memory_space<hbm>> -> memref<1x128x128xf32, #tpu.memory_space<hbm>>
      %dma_start3A_58 = tpu.memref_squeeze %dma_start3A_57 : memref<1x128x128xf32, #tpu.memory_space<hbm>> -> memref<128x128xf32, #tpu.memory_space<hbm>>
      %dma_start3A_59 = arith.constant 0 : i32
      %dma_start3A_60 = tpu.memref_slice %arg6[%arg0, %multiple_of3A_36, %dma_start3A_59] : memref<2x10240x128xf32, #tpu.memory_space<hbm>> -> memref<1x128x128xf32, #tpu.memory_space<hbm>>
      %dma_start3A_61 = tpu.memref_squeeze %dma_start3A_60 : memref<1x128x128xf32, #tpu.memory_space<hbm>> -> memref<128x128xf32, #tpu.memory_space<hbm>>
      tpu.enqueue_dma source(%arg11 : memref<128x128xf32, #tpu.memory_space<vmem>>) target(%dma_start3A_61 : memref<128x128xf32, #tpu.memory_space<hbm>>) target_semaphore(%run_scoped3A : memref<!tpu.dma_semaphore, #tpu.memory_space<semaphore_mem>>)
      %dma_wait3A_62 = arith.constant 0 : i32
      %dma_wait3A_63 = tpu.memref_slice %arg6[%arg0, %multiple_of3A_36, %dma_wait3A_62] : memref<2x10240x128xf32, #tpu.memory_space<hbm>> -> memref<1x128x128xf32, #tpu.memory_space<hbm>>
      %dma_wait3A_64 = tpu.memref_squeeze %dma_wait3A_63 : memref<1x128x128xf32, #tpu.memory_space<hbm>> -> memref<128x128xf32, #tpu.memory_space<hbm>>
      %dma_wait3A_65 = arith.constant 0 : i32
      %dma_wait3A_66 = tpu.memref_slice %arg6[%arg0, %multiple_of3A_36, %dma_wait3A_65] : memref<2x10240x128xf32, #tpu.memory_space<hbm>> -> memref<1x128x128xf32, #tpu.memory_space<hbm>>
      %dma_wait3A_67 = tpu.memref_squeeze %dma_wait3A_66 : memref<1x128x128xf32, #tpu.memory_space<hbm>> -> memref<128x128xf32, #tpu.memory_space<hbm>>
      tpu.wait_dma2 semaphore(%run_scoped3A : memref<!tpu.dma_semaphore, #tpu.memory_space<semaphore_mem>>) src(%arg11 : memref<128x128xf32, #tpu.memory_space<vmem>>) dst(%dma_wait3A_67 : memref<128x128xf32, #tpu.memory_space<hbm>>)
      tpu.yield
    }) : () -> ()
    %mul3A_37 = arith.constant 640 : i32
    %mul3A_38 = arith.muli %arg1, %mul3A_37 : i32
    %add3A_39 = arith.constant 128 : i32
    %add3A_40 = arith.addi %mul3A_38, %add3A_39 : i32
    %multiple_of3A_41 = tpu.assume_multiple %add3A_40, 8 : i32
    "tpu.region"() ({
      %run_scoped3A = tpu.sem_alloc : memref<!tpu.dma_semaphore, #tpu.memory_space<semaphore_mem>>
      %dma_start3A = arith.constant 0 : i32
      %dma_start3A_57 = tpu.memref_slice %arg13[%multiple_of3A_41, %dma_start3A] : memref<10240x128xf32, #tpu.memory_space<vmem_shared>> -> memref<128x128xf32, #tpu.memory_space<vmem_shared>>
      %dma_start3A_58 = arith.constant 0 : i32
      %dma_start3A_59 = tpu.memref_slice %arg13[%multiple_of3A_41, %dma_start3A_58] : memref<10240x128xf32, #tpu.memory_space<vmem_shared>> -> memref<128x128xf32, #tpu.memory_space<vmem_shared>>
      tpu.enqueue_dma source(%dma_start3A_59 : memref<128x128xf32, #tpu.memory_space<vmem_shared>>) target(%arg11 : memref<128x128xf32, #tpu.memory_space<vmem>>) target_semaphore(%run_scoped3A : memref<!tpu.dma_semaphore, #tpu.memory_space<semaphore_mem>>)
      %dma_wait3A_60 = arith.constant 0 : i32
      %dma_wait3A_61 = tpu.memref_slice %arg13[%multiple_of3A_41, %dma_wait3A_60] : memref<10240x128xf32, #tpu.memory_space<vmem_shared>> -> memref<128x128xf32, #tpu.memory_space<vmem_shared>>
      %dma_wait3A_62 = arith.constant 0 : i32
      %dma_wait3A_63 = tpu.memref_slice %arg13[%multiple_of3A_41, %dma_wait3A_62] : memref<10240x128xf32, #tpu.memory_space<vmem_shared>> -> memref<128x128xf32, #tpu.memory_space<vmem_shared>>
      tpu.wait_dma2 semaphore(%run_scoped3A : memref<!tpu.dma_semaphore, #tpu.memory_space<semaphore_mem>>) src(%dma_wait3A_63 : memref<128x128xf32, #tpu.memory_space<vmem_shared>>) dst(%arg11 : memref<128x128xf32, #tpu.memory_space<vmem>>)
      tpu.yield
    }) : () -> ()
    "tpu.region"() ({
      %run_scoped3A = tpu.sem_alloc : memref<!tpu.dma_semaphore, #tpu.memory_space<semaphore_mem>>
      %dma_start3A = arith.constant 0 : i32
      %dma_start3A_57 = tpu.memref_slice %arg6[%arg0, %multiple_of3A_41, %dma_start3A] : memref<2x10240x128xf32, #tpu.memory_space<hbm>> -> memref<1x128x128xf32, #tpu.memory_space<hbm>>
      %dma_start3A_58 = tpu.memref_squeeze %dma_start3A_57 : memref<1x128x128xf32, #tpu.memory_space<hbm>> -> memref<128x128xf32, #tpu.memory_space<hbm>>
      %dma_start3A_59 = arith.constant 0 : i32
      %dma_start3A_60 = tpu.memref_slice %arg6[%arg0, %multiple_of3A_41, %dma_start3A_59] : memref<2x10240x128xf32, #tpu.memory_space<hbm>> -> memref<1x128x128xf32, #tpu.memory_space<hbm>>
      %dma_start3A_61 = tpu.memref_squeeze %dma_start3A_60 : memref<1x128x128xf32, #tpu.memory_space<hbm>> -> memref<128x128xf32, #tpu.memory_space<hbm>>
      tpu.enqueue_dma source(%arg11 : memref<128x128xf32, #tpu.memory_space<vmem>>) target(%dma_start3A_61 : memref<128x128xf32, #tpu.memory_space<hbm>>) target_semaphore(%run_scoped3A : memref<!tpu.dma_semaphore, #tpu.memory_space<semaphore_mem>>)
      %dma_wait3A_62 = arith.constant 0 : i32
      %dma_wait3A_63 = tpu.memref_slice %arg6[%arg0, %multiple_of3A_41, %dma_wait3A_62] : memref<2x10240x128xf32, #tpu.memory_space<hbm>> -> memref<1x128x128xf32, #tpu.memory_space<hbm>>
      %dma_wait3A_64 = tpu.memref_squeeze %dma_wait3A_63 : memref<1x128x128xf32, #tpu.memory_space<hbm>> -> memref<128x128xf32, #tpu.memory_space<hbm>>
      %dma_wait3A_65 = arith.constant 0 : i32
      %dma_wait3A_66 = tpu.memref_slice %arg6[%arg0, %multiple_of3A_41, %dma_wait3A_65] : memref<2x10240x128xf32, #tpu.memory_space<hbm>> -> memref<1x128x128xf32, #tpu.memory_space<hbm>>
      %dma_wait3A_67 = tpu.memref_squeeze %dma_wait3A_66 : memref<1x128x128xf32, #tpu.memory_space<hbm>> -> memref<128x128xf32, #tpu.memory_space<hbm>>
      tpu.wait_dma2 semaphore(%run_scoped3A : memref<!tpu.dma_semaphore, #tpu.memory_space<semaphore_mem>>) src(%arg11 : memref<128x128xf32, #tpu.memory_space<vmem>>) dst(%dma_wait3A_67 : memref<128x128xf32, #tpu.memory_space<hbm>>)
      tpu.yield
    }) : () -> ()
    %mul3A_42 = arith.constant 640 : i32
    %mul3A_43 = arith.muli %arg1, %mul3A_42 : i32
    %add3A_44 = arith.constant 256 : i32
    %add3A_45 = arith.addi %mul3A_43, %add3A_44 : i32
    %multiple_of3A_46 = tpu.assume_multiple %add3A_45, 8 : i32
    "tpu.region"() ({
      %run_scoped3A = tpu.sem_alloc : memref<!tpu.dma_semaphore, #tpu.memory_space<semaphore_mem>>
      %dma_start3A = arith.constant 0 : i32
      %dma_start3A_57 = tpu.memref_slice %arg13[%multiple_of3A_46, %dma_start3A] : memref<10240x128xf32, #tpu.memory_space<vmem_shared>> -> memref<128x128xf32, #tpu.memory_space<vmem_shared>>
      %dma_start3A_58 = arith.constant 0 : i32
      %dma_start3A_59 = tpu.memref_slice %arg13[%multiple_of3A_46, %dma_start3A_58] : memref<10240x128xf32, #tpu.memory_space<vmem_shared>> -> memref<128x128xf32, #tpu.memory_space<vmem_shared>>
      tpu.enqueue_dma source(%dma_start3A_59 : memref<128x128xf32, #tpu.memory_space<vmem_shared>>) target(%arg11 : memref<128x128xf32, #tpu.memory_space<vmem>>) target_semaphore(%run_scoped3A : memref<!tpu.dma_semaphore, #tpu.memory_space<semaphore_mem>>)
      %dma_wait3A_60 = arith.constant 0 : i32
      %dma_wait3A_61 = tpu.memref_slice %arg13[%multiple_of3A_46, %dma_wait3A_60] : memref<10240x128xf32, #tpu.memory_space<vmem_shared>> -> memref<128x128xf32, #tpu.memory_space<vmem_shared>>
      %dma_wait3A_62 = arith.constant 0 : i32
      %dma_wait3A_63 = tpu.memref_slice %arg13[%multiple_of3A_46, %dma_wait3A_62] : memref<10240x128xf32, #tpu.memory_space<vmem_shared>> -> memref<128x128xf32, #tpu.memory_space<vmem_shared>>
      tpu.wait_dma2 semaphore(%run_scoped3A : memref<!tpu.dma_semaphore, #tpu.memory_space<semaphore_mem>>) src(%dma_wait3A_63 : memref<128x128xf32, #tpu.memory_space<vmem_shared>>) dst(%arg11 : memref<128x128xf32, #tpu.memory_space<vmem>>)
      tpu.yield
    }) : () -> ()
    "tpu.region"() ({
      %run_scoped3A = tpu.sem_alloc : memref<!tpu.dma_semaphore, #tpu.memory_space<semaphore_mem>>
      %dma_start3A = arith.constant 0 : i32
      %dma_start3A_57 = tpu.memref_slice %arg6[%arg0, %multiple_of3A_46, %dma_start3A] : memref<2x10240x128xf32, #tpu.memory_space<hbm>> -> memref<1x128x128xf32, #tpu.memory_space<hbm>>
      %dma_start3A_58 = tpu.memref_squeeze %dma_start3A_57 : memref<1x128x128xf32, #tpu.memory_space<hbm>> -> memref<128x128xf32, #tpu.memory_space<hbm>>
      %dma_start3A_59 = arith.constant 0 : i32
      %dma_start3A_60 = tpu.memref_slice %arg6[%arg0, %multiple_of3A_46, %dma_start3A_59] : memref<2x10240x128xf32, #tpu.memory_space<hbm>> -> memref<1x128x128xf32, #tpu.memory_space<hbm>>
      %dma_start3A_61 = tpu.memref_squeeze %dma_start3A_60 : memref<1x128x128xf32, #tpu.memory_space<hbm>> -> memref<128x128xf32, #tpu.memory_space<hbm>>
      tpu.enqueue_dma source(%arg11 : memref<128x128xf32, #tpu.memory_space<vmem>>) target(%dma_start3A_61 : memref<128x128xf32, #tpu.memory_space<hbm>>) target_semaphore(%run_scoped3A : memref<!tpu.dma_semaphore, #tpu.memory_space<semaphore_mem>>)
      %dma_wait3A_62 = arith.constant 0 : i32
      %dma_wait3A_63 = tpu.memref_slice %arg6[%arg0, %multiple_of3A_46, %dma_wait3A_62] : memref<2x10240x128xf32, #tpu.memory_space<hbm>> -> memref<1x128x128xf32, #tpu.memory_space<hbm>>
      %dma_wait3A_64 = tpu.memref_squeeze %dma_wait3A_63 : memref<1x128x128xf32, #tpu.memory_space<hbm>> -> memref<128x128xf32, #tpu.memory_space<hbm>>
      %dma_wait3A_65 = arith.constant 0 : i32
      %dma_wait3A_66 = tpu.memref_slice %arg6[%arg0, %multiple_of3A_46, %dma_wait3A_65] : memref<2x10240x128xf32, #tpu.memory_space<hbm>> -> memref<1x128x128xf32, #tpu.memory_space<hbm>>
      %dma_wait3A_67 = tpu.memref_squeeze %dma_wait3A_66 : memref<1x128x128xf32, #tpu.memory_space<hbm>> -> memref<128x128xf32, #tpu.memory_space<hbm>>
      tpu.wait_dma2 semaphore(%run_scoped3A : memref<!tpu.dma_semaphore, #tpu.memory_space<semaphore_mem>>) src(%arg11 : memref<128x128xf32, #tpu.memory_space<vmem>>) dst(%dma_wait3A_67 : memref<128x128xf32, #tpu.memory_space<hbm>>)
      tpu.yield
    }) : () -> ()
    %mul3A_47 = arith.constant 640 : i32
    %mul3A_48 = arith.muli %arg1, %mul3A_47 : i32
    %add3A_49 = arith.constant 384 : i32
    %add3A_50 = arith.addi %mul3A_48, %add3A_49 : i32
    %multiple_of3A_51 = tpu.assume_multiple %add3A_50, 8 : i32
    "tpu.region"() ({
      %run_scoped3A = tpu.sem_alloc : memref<!tpu.dma_semaphore, #tpu.memory_space<semaphore_mem>>
      %dma_start3A = arith.constant 0 : i32
      %dma_start3A_57 = tpu.memref_slice %arg13[%multiple_of3A_51, %dma_start3A] : memref<10240x128xf32, #tpu.memory_space<vmem_shared>> -> memref<128x128xf32, #tpu.memory_space<vmem_shared>>
      %dma_start3A_58 = arith.constant 0 : i32
      %dma_start3A_59 = tpu.memref_slice %arg13[%multiple_of3A_51, %dma_start3A_58] : memref<10240x128xf32, #tpu.memory_space<vmem_shared>> -> memref<128x128xf32, #tpu.memory_space<vmem_shared>>
      tpu.enqueue_dma source(%dma_start3A_59 : memref<128x128xf32, #tpu.memory_space<vmem_shared>>) target(%arg11 : memref<128x128xf32, #tpu.memory_space<vmem>>) target_semaphore(%run_scoped3A : memref<!tpu.dma_semaphore, #tpu.memory_space<semaphore_mem>>)
      %dma_wait3A_60 = arith.constant 0 : i32
      %dma_wait3A_61 = tpu.memref_slice %arg13[%multiple_of3A_51, %dma_wait3A_60] : memref<10240x128xf32, #tpu.memory_space<vmem_shared>> -> memref<128x128xf32, #tpu.memory_space<vmem_shared>>
      %dma_wait3A_62 = arith.constant 0 : i32
      %dma_wait3A_63 = tpu.memref_slice %arg13[%multiple_of3A_51, %dma_wait3A_62] : memref<10240x128xf32, #tpu.memory_space<vmem_shared>> -> memref<128x128xf32, #tpu.memory_space<vmem_shared>>
      tpu.wait_dma2 semaphore(%run_scoped3A : memref<!tpu.dma_semaphore, #tpu.memory_space<semaphore_mem>>) src(%dma_wait3A_63 : memref<128x128xf32, #tpu.memory_space<vmem_shared>>) dst(%arg11 : memref<128x128xf32, #tpu.memory_space<vmem>>)
      tpu.yield
    }) : () -> ()
    "tpu.region"() ({
      %run_scoped3A = tpu.sem_alloc : memref<!tpu.dma_semaphore, #tpu.memory_space<semaphore_mem>>
      %dma_start3A = arith.constant 0 : i32
      %dma_start3A_57 = tpu.memref_slice %arg6[%arg0, %multiple_of3A_51, %dma_start3A] : memref<2x10240x128xf32, #tpu.memory_space<hbm>> -> memref<1x128x128xf32, #tpu.memory_space<hbm>>
      %dma_start3A_58 = tpu.memref_squeeze %dma_start3A_57 : memref<1x128x128xf32, #tpu.memory_space<hbm>> -> memref<128x128xf32, #tpu.memory_space<hbm>>
      %dma_start3A_59 = arith.constant 0 : i32
      %dma_start3A_60 = tpu.memref_slice %arg6[%arg0, %multiple_of3A_51, %dma_start3A_59] : memref<2x10240x128xf32, #tpu.memory_space<hbm>> -> memref<1x128x128xf32, #tpu.memory_space<hbm>>
      %dma_start3A_61 = tpu.memref_squeeze %dma_start3A_60 : memref<1x128x128xf32, #tpu.memory_space<hbm>> -> memref<128x128xf32, #tpu.memory_space<hbm>>
      tpu.enqueue_dma source(%arg11 : memref<128x128xf32, #tpu.memory_space<vmem>>) target(%dma_start3A_61 : memref<128x128xf32, #tpu.memory_space<hbm>>) target_semaphore(%run_scoped3A : memref<!tpu.dma_semaphore, #tpu.memory_space<semaphore_mem>>)
      %dma_wait3A_62 = arith.constant 0 : i32
      %dma_wait3A_63 = tpu.memref_slice %arg6[%arg0, %multiple_of3A_51, %dma_wait3A_62] : memref<2x10240x128xf32, #tpu.memory_space<hbm>> -> memref<1x128x128xf32, #tpu.memory_space<hbm>>
      %dma_wait3A_64 = tpu.memref_squeeze %dma_wait3A_63 : memref<1x128x128xf32, #tpu.memory_space<hbm>> -> memref<128x128xf32, #tpu.memory_space<hbm>>
      %dma_wait3A_65 = arith.constant 0 : i32
      %dma_wait3A_66 = tpu.memref_slice %arg6[%arg0, %multiple_of3A_51, %dma_wait3A_65] : memref<2x10240x128xf32, #tpu.memory_space<hbm>> -> memref<1x128x128xf32, #tpu.memory_space<hbm>>
      %dma_wait3A_67 = tpu.memref_squeeze %dma_wait3A_66 : memref<1x128x128xf32, #tpu.memory_space<hbm>> -> memref<128x128xf32, #tpu.memory_space<hbm>>
      tpu.wait_dma2 semaphore(%run_scoped3A : memref<!tpu.dma_semaphore, #tpu.memory_space<semaphore_mem>>) src(%arg11 : memref<128x128xf32, #tpu.memory_space<vmem>>) dst(%dma_wait3A_67 : memref<128x128xf32, #tpu.memory_space<hbm>>)
      tpu.yield
    }) : () -> ()
    %mul3A_52 = arith.constant 640 : i32
    %mul3A_53 = arith.muli %arg1, %mul3A_52 : i32
    %add3A_54 = arith.constant 512 : i32
    %add3A_55 = arith.addi %mul3A_53, %add3A_54 : i32
    %multiple_of3A_56 = tpu.assume_multiple %add3A_55, 8 : i32
    "tpu.region"() ({
      %run_scoped3A = tpu.sem_alloc : memref<!tpu.dma_semaphore, #tpu.memory_space<semaphore_mem>>
      %dma_start3A = arith.constant 0 : i32
      %dma_start3A_57 = tpu.memref_slice %arg13[%multiple_of3A_56, %dma_start3A] : memref<10240x128xf32, #tpu.memory_space<vmem_shared>> -> memref<128x128xf32, #tpu.memory_space<vmem_shared>>
      %dma_start3A_58 = arith.constant 0 : i32
      %dma_start3A_59 = tpu.memref_slice %arg13[%multiple_of3A_56, %dma_start3A_58] : memref<10240x128xf32, #tpu.memory_space<vmem_shared>> -> memref<128x128xf32, #tpu.memory_space<vmem_shared>>
      tpu.enqueue_dma source(%dma_start3A_59 : memref<128x128xf32, #tpu.memory_space<vmem_shared>>) target(%arg11 : memref<128x128xf32, #tpu.memory_space<vmem>>) target_semaphore(%run_scoped3A : memref<!tpu.dma_semaphore, #tpu.memory_space<semaphore_mem>>)
      %dma_wait3A_60 = arith.constant 0 : i32
      %dma_wait3A_61 = tpu.memref_slice %arg13[%multiple_of3A_56, %dma_wait3A_60] : memref<10240x128xf32, #tpu.memory_space<vmem_shared>> -> memref<128x128xf32, #tpu.memory_space<vmem_shared>>
      %dma_wait3A_62 = arith.constant 0 : i32
      %dma_wait3A_63 = tpu.memref_slice %arg13[%multiple_of3A_56, %dma_wait3A_62] : memref<10240x128xf32, #tpu.memory_space<vmem_shared>> -> memref<128x128xf32, #tpu.memory_space<vmem_shared>>
      tpu.wait_dma2 semaphore(%run_scoped3A : memref<!tpu.dma_semaphore, #tpu.memory_space<semaphore_mem>>) src(%dma_wait3A_63 : memref<128x128xf32, #tpu.memory_space<vmem_shared>>) dst(%arg11 : memref<128x128xf32, #tpu.memory_space<vmem>>)
      tpu.yield
    }) : () -> ()
    "tpu.region"() ({
      %run_scoped3A = tpu.sem_alloc : memref<!tpu.dma_semaphore, #tpu.memory_space<semaphore_mem>>
      %dma_start3A = arith.constant 0 : i32
      %dma_start3A_57 = tpu.memref_slice %arg6[%arg0, %multiple_of3A_56, %dma_start3A] : memref<2x10240x128xf32, #tpu.memory_space<hbm>> -> memref<1x128x128xf32, #tpu.memory_space<hbm>>
      %dma_start3A_58 = tpu.memref_squeeze %dma_start3A_57 : memref<1x128x128xf32, #tpu.memory_space<hbm>> -> memref<128x128xf32, #tpu.memory_space<hbm>>
      %dma_start3A_59 = arith.constant 0 : i32
      %dma_start3A_60 = tpu.memref_slice %arg6[%arg0, %multiple_of3A_56, %dma_start3A_59] : memref<2x10240x128xf32, #tpu.memory_space<hbm>> -> memref<1x128x128xf32, #tpu.memory_space<hbm>>
      %dma_start3A_61 = tpu.memref_squeeze %dma_start3A_60 : memref<1x128x128xf32, #tpu.memory_space<hbm>> -> memref<128x128xf32, #tpu.memory_space<hbm>>
      tpu.enqueue_dma source(%arg11 : memref<128x128xf32, #tpu.memory_space<vmem>>) target(%dma_start3A_61 : memref<128x128xf32, #tpu.memory_space<hbm>>) target_semaphore(%run_scoped3A : memref<!tpu.dma_semaphore, #tpu.memory_space<semaphore_mem>>)
      %dma_wait3A_62 = arith.constant 0 : i32
      %dma_wait3A_63 = tpu.memref_slice %arg6[%arg0, %multiple_of3A_56, %dma_wait3A_62] : memref<2x10240x128xf32, #tpu.memory_space<hbm>> -> memref<1x128x128xf32, #tpu.memory_space<hbm>>
      %dma_wait3A_64 = tpu.memref_squeeze %dma_wait3A_63 : memref<1x128x128xf32, #tpu.memory_space<hbm>> -> memref<128x128xf32, #tpu.memory_space<hbm>>
      %dma_wait3A_65 = arith.constant 0 : i32
      %dma_wait3A_66 = tpu.memref_slice %arg6[%arg0, %multiple_of3A_56, %dma_wait3A_65] : memref<2x10240x128xf32, #tpu.memory_space<hbm>> -> memref<1x128x128xf32, #tpu.memory_space<hbm>>
      %dma_wait3A_67 = tpu.memref_squeeze %dma_wait3A_66 : memref<1x128x128xf32, #tpu.memory_space<hbm>> -> memref<128x128xf32, #tpu.memory_space<hbm>>
      tpu.wait_dma2 semaphore(%run_scoped3A : memref<!tpu.dma_semaphore, #tpu.memory_space<semaphore_mem>>) src(%arg11 : memref<128x128xf32, #tpu.memory_space<vmem>>) dst(%dma_wait3A_67 : memref<128x128xf32, #tpu.memory_space<hbm>>)
      tpu.yield
    }) : () -> ()
    return
  }
}

module attributes {stable_mosaic.version = 14 : i64} {
  func.func @_tc_hs1_body(%arg0: i32, %arg1: i32, %arg2: memref<1000x256xf32, #tpu.memory_space<vmem>>, %arg3: memref<256x128xf32, #tpu.memory_space<vmem>>, %arg4: memref<1x1000x128xf32, #tpu.memory_space<vmem>>, %arg5: memref<1x1000x128xf32, #tpu.memory_space<vmem>>) attributes {dimension_semantics = [#tpu.dimension_semantics<arbitrary>, #tpu.dimension_semantics<arbitrary>], iteration_bounds = array<i64: 10, 2>, scalar_prefetch = 0 : i64, scratch_operands = 0 : i64, tpu.core_type = #tpu.core_type<tc>, window_params = [{transform_indices = @transform_0, window_bounds = array<i64: 1000, 256>}, {transform_indices = @transform_1, window_bounds = array<i64: 256, 128>}, {transform_indices = @transform_2, window_bounds = array<i64: 1, 1000, 128>}, {transform_indices = @transform_3, window_bounds = array<i64: 1, 1000, 128>}]} {
    %get3A = arith.constant 0 : index
    %get3A_0 = arith.constant 0 : index
    %get3A_1 = arith.constant 0 : index
    %get3A_2 = vector.load %arg4[%get3A, %get3A_0, %get3A_1] : memref<1x1000x128xf32, #tpu.memory_space<vmem>>, vector<1x1000x128xf32>
    %get3A_3 = vector.shape_cast %get3A_2 : vector<1x1000x128xf32> to vector<1000x128xf32>
    %slice3A = vector.extract_strided_slice %get3A_3 {offsets = [0, 0], sizes = [1000, 1], strides = [1, 1]} : vector<1000x128xf32> to vector<1000x1xf32>
    %rsqrt3A = math.rsqrt %slice3A : vector<1000x1xf32>
    %get3A_4 = arith.constant 0 : index
    %get3A_5 = arith.constant 0 : index
    %get3A_6 = vector.load %arg2[%get3A_4, %get3A_5] : memref<1000x256xf32, #tpu.memory_space<vmem>>, vector<1000x256xf32>
    %get3A_7 = arith.constant 0 : index
    %get3A_8 = arith.constant 0 : index
    %get3A_9 = vector.load %arg3[%get3A_7, %get3A_8] : memref<256x128xf32, #tpu.memory_space<vmem>>, vector<256x128xf32>
    %dot_general3A = arith.constant dense<0.000000e+00> : vector<1000x128xf32>
    %dot_general3A_10 = tpu.matmul %get3A_6, %get3A_9, %dot_general3A {dimension_numbers = #tpu.dot_dimension_numbers<[1], [0], [0], [1], [0, 0, 1, 1], [], []>, transpose_lhs_hint = false} : vector<1000x256xf32>, vector<256x128xf32>, vector<1000x128xf32> -> vector<1000x128xf32>
    %mul3A = vector.broadcast %rsqrt3A : vector<1000x1xf32> to vector<1000x128xf32>
    %mul3A_11 = arith.mulf %dot_general3A_10, %mul3A : vector<1000x128xf32>
    %broadcast_in_dim3A = vector.shape_cast %mul3A_11 : vector<1000x128xf32> to vector<1x1000x128xf32>
    %swap3A = arith.constant 0 : index
    %swap3A_12 = arith.constant 0 : index
    %swap3A_13 = arith.constant 0 : index
    %swap3A_14 = vector.load %arg5[%swap3A, %swap3A_12, %swap3A_13] : memref<1x1000x128xf32, #tpu.memory_space<vmem>>, vector<1x1000x128xf32>
    tpu.vector_store %arg5[%swap3A, %swap3A_12, %swap3A_13], %broadcast_in_dim3A {strides = array<i32>} : memref<1x1000x128xf32, #tpu.memory_space<vmem>>, vector<1x1000x128xf32>,
    return
  }
  func.func @transform_0(%arg0: i32, %arg1: i32) -> (i32, i32) {
    %c0_i32 = arith.constant 0 : i32
    %c0_i32_0 = arith.constant 0 : i32
    return %arg0, %c0_i32 : i32, i32
  }
  func.func @transform_1(%arg0: i32, %arg1: i32) -> (i32, i32) {
    %c0_i32 = arith.constant 0 : i32
    %c0_i32_0 = arith.constant 0 : i32
    return %c0_i32, %arg1 : i32, i32
  }
  func.func @transform_2(%arg0: i32, %arg1: i32) -> (i32, i32, i32) {
    %c0_i32 = arith.constant 0 : i32
    %c0_i32_0 = arith.constant 0 : i32
    %c0_i32_1 = arith.constant 0 : i32
    return %c0_i32, %arg0, %c0_i32_0 : i32, i32, i32
  }
  func.func @transform_3(%arg0: i32, %arg1: i32) -> (i32, i32, i32) {
    %c0_i32 = arith.constant 0 : i32
    %c0_i32_0 = arith.constant 0 : i32
    return %arg1, %arg0, %c0_i32 : i32, i32, i32
  }
}

module attributes {stable_mosaic.version = 14 : i64} {
  func.func @_tc_hs2_body(%arg0: i32, %arg1: i32, %arg2: memref<2x1000x128xf32, #tpu.memory_space<vmem>>, %arg3: memref<1x1000x128xf32, #tpu.memory_space<vmem>>, %arg4: memref<1x256xf32, #tpu.memory_space<vmem>>, %arg5: memref<256x128xf32, #tpu.memory_space<vmem>>, %arg6: memref<1x1000x128xf32, #tpu.memory_space<vmem>>) attributes {dimension_semantics = [#tpu.dimension_semantics<arbitrary>, #tpu.dimension_semantics<arbitrary>], iteration_bounds = array<i64: 10, 2>, scalar_prefetch = 0 : i64, scratch_operands = 0 : i64, tpu.core_type = #tpu.core_type<tc>, window_params = [{transform_indices = @transform_0, window_bounds = array<i64: 2, 1000, 128>}, {transform_indices = @transform_1, window_bounds = array<i64: 1, 1000, 128>}, {pipeline_mode = #tpu.pipeline_mode<synchronous>, transform_indices = @transform_2, window_bounds = array<i64: 1, 256>}, {transform_indices = @transform_3, window_bounds = array<i64: 256, 128>}, {transform_indices = @transform_4, window_bounds = array<i64: 1, 1000, 128>}]} {
    %get3A = arith.constant 0 : index
    %get3A_0 = arith.constant 0 : index
    %get3A_1 = arith.constant 0 : index
    %get3A_2 = vector.load %arg3[%get3A, %get3A_0, %get3A_1] : memref<1x1000x128xf32, #tpu.memory_space<vmem>>, vector<1x1000x128xf32>
    %get3A_3 = vector.shape_cast %get3A_2 : vector<1x1000x128xf32> to vector<1000x128xf32>
    %slice3A = vector.extract_strided_slice %get3A_3 {offsets = [0, 0], sizes = [1000, 1], strides = [1, 1]} : vector<1000x128xf32> to vector<1000x1xf32>
    %rsqrt3A = math.rsqrt %slice3A : vector<1000x1xf32>
    %get3A_4 = arith.constant 0 : index
    %get3A_5 = arith.constant 0 : index
    %get3A_6 = arith.constant 0 : index
    %get3A_7 = vector.load %arg2[%get3A_4, %get3A_5, %get3A_6] : memref<2x1000x128xf32, #tpu.memory_space<vmem>>, vector<1x1000x128xf32>
    %get3A_8 = vector.shape_cast %get3A_7 : vector<1x1000x128xf32> to vector<1000x128xf32>
    %get3A_9 = arith.constant 1 : index
    %get3A_10 = arith.constant 0 : index
    %get3A_11 = arith.constant 0 : index
    %get3A_12 = vector.load %arg2[%get3A_9, %get3A_10, %get3A_11] : memref<2x1000x128xf32, #tpu.memory_space<vmem>>, vector<1x1000x128xf32>
    %get3A_13 = vector.shape_cast %get3A_12 : vector<1x1000x128xf32> to vector<1000x128xf32>
    %concatenate3A = tpu.concatenate %get3A_8, %get3A_13 in 1 : vector<1000x128xf32>, vector<1000x128xf32> -> vector<1000x256xf32>
    %mul3A = vector.broadcast %rsqrt3A : vector<1000x1xf32> to vector<1000x256xf32>
    %mul3A_14 = arith.mulf %concatenate3A, %mul3A : vector<1000x256xf32>
    %get3A_15 = arith.constant 0 : index
    %get3A_16 = arith.constant 0 : index
    %get3A_17 = vector.load %arg4[%get3A_15, %get3A_16] : memref<1x256xf32, #tpu.memory_space<vmem>>, vector<1x256xf32>
    %add3A = vector.broadcast %get3A_17 : vector<1x256xf32> to vector<1000x256xf32>
    %add3A_18 = arith.addf %mul3A_14, %add3A : vector<1000x256xf32>
    %max3A = arith.constant 0.000000e+00 : f32
    %max3A_19 = vector.broadcast %max3A : f32 to vector<1000x256xf32>
    %max3A_20 = arith.maximumf %add3A_18, %max3A_19 : vector<1000x256xf32>
    %get3A_21 = arith.constant 0 : index
    %get3A_22 = arith.constant 0 : index
    %get3A_23 = vector.load %arg5[%get3A_21, %get3A_22] : memref<256x128xf32, #tpu.memory_space<vmem>>, vector<256x128xf32>
    %dot_general3A = arith.constant dense<0.000000e+00> : vector<1000x128xf32>
    %dot_general3A_24 = tpu.matmul %max3A_20, %get3A_23, %dot_general3A {dimension_numbers = #tpu.dot_dimension_numbers<[1], [0], [0], [1], [0, 0, 1, 1], [], []>, transpose_lhs_hint = false} : vector<1000x256xf32>, vector<256x128xf32>, vector<1000x128xf32> -> vector<1000x128xf32>
    %mul3A_25 = vector.broadcast %rsqrt3A : vector<1000x1xf32> to vector<1000x128xf32>
    %mul3A_26 = arith.mulf %dot_general3A_24, %mul3A_25 : vector<1000x128xf32>
    %broadcast_in_dim3A = vector.shape_cast %mul3A_26 : vector<1000x128xf32> to vector<1x1000x128xf32>
    %swap3A = arith.constant 0 : index
    %swap3A_27 = arith.constant 0 : index
    %swap3A_28 = arith.constant 0 : index
    %swap3A_29 = vector.load %arg6[%swap3A, %swap3A_27, %swap3A_28] : memref<1x1000x128xf32, #tpu.memory_space<vmem>>, vector<1x1000x128xf32>
    tpu.vector_store %arg6[%swap3A, %swap3A_27, %swap3A_28], %broadcast_in_dim3A {strides = array<i32>} : memref<1x1000x128xf32, #tpu.memory_space<vmem>>, vector<1x1000x128xf32>,
    return
  }
  func.func @transform_0(%arg0: i32, %arg1: i32) -> (i32, i32, i32) {
    %c0_i32 = arith.constant 0 : i32
    %c0_i32_0 = arith.constant 0 : i32
    %c0_i32_1 = arith.constant 0 : i32
    return %c0_i32, %arg0, %c0_i32_0 : i32, i32, i32
  }
  func.func @transform_1(%arg0: i32, %arg1: i32) -> (i32, i32, i32) {
    %c0_i32 = arith.constant 0 : i32
    %c0_i32_0 = arith.constant 0 : i32
    %c0_i32_1 = arith.constant 0 : i32
    return %c0_i32, %arg0, %c0_i32_0 : i32, i32, i32
  }
  func.func @transform_2(%arg0: i32, %arg1: i32) -> (i32, i32) {
    %c0_i32 = arith.constant 0 : i32
    %c0_i32_0 = arith.constant 0 : i32
    %c0_i32_1 = arith.constant 0 : i32
    return %c0_i32, %c0_i32_0 : i32, i32
  }
  func.func @transform_3(%arg0: i32, %arg1: i32) -> (i32, i32) {
    %c0_i32 = arith.constant 0 : i32
    %c0_i32_0 = arith.constant 0 : i32
    return %c0_i32, %arg1 : i32, i32
  }
  func.func @transform_4(%arg0: i32, %arg1: i32) -> (i32, i32, i32) {
    %c0_i32 = arith.constant 0 : i32
    %c0_i32_0 = arith.constant 0 : i32
    return %arg1, %arg0, %c0_i32 : i32, i32, i32
  }
}

module attributes {stable_mosaic.version = 14 : i64} {
  func.func @_tc_attn_body(%arg0: i32, %arg1: memref<1x128x768xf32, #tpu.memory_space<vmem>>, %arg2: memref<128x768xf32, #tpu.memory_space<vmem>>, %arg3: memref<1x1x128xi32, #tpu.memory_space<vmem>>, %arg4: memref<1x768xf32, #tpu.memory_space<vmem>>, %arg5: memref<1x768xf32, #tpu.memory_space<vmem>>, %arg6: memref<768x768xf32, #tpu.memory_space<vmem>>, %arg7: memref<1x768xf32, #tpu.memory_space<vmem>>, %arg8: memref<768x768xf32, #tpu.memory_space<vmem>>, %arg9: memref<1x768xf32, #tpu.memory_space<vmem>>, %arg10: memref<768x768xf32, #tpu.memory_space<vmem>>, %arg11: memref<1x768xf32, #tpu.memory_space<vmem>>, %arg12: memref<768x768xf32, #tpu.memory_space<vmem>>, %arg13: memref<1x768xf32, #tpu.memory_space<vmem>>, %arg14: memref<1x768xf32, #tpu.memory_space<vmem>>, %arg15: memref<1x768xf32, #tpu.memory_space<vmem>>, %arg16: memref<1x128x768xf32, #tpu.memory_space<vmem>>) attributes {dimension_semantics = [#tpu.dimension_semantics<arbitrary>], iteration_bounds = array<i64: 32>, scalar_prefetch = 0 : i64, scratch_operands = 0 : i64, tpu.core_type = #tpu.core_type<tc>, window_params = [{transform_indices = @transform_0, window_bounds = array<i64: 1, 128, 768>}, {pipeline_mode = #tpu.pipeline_mode<synchronous>, transform_indices = @transform_1, window_bounds = array<i64: 128, 768>}, {transform_indices = @transform_2, window_bounds = array<i64: 1, 1, 128>}, {pipeline_mode = #tpu.pipeline_mode<synchronous>, transform_indices = @transform_3, window_bounds = array<i64: 1, 768>}, {pipeline_mode = #tpu.pipeline_mode<synchronous>, transform_indices = @transform_4, window_bounds = array<i64: 1, 768>}, {pipeline_mode = #tpu.pipeline_mode<synchronous>, transform_indices = @transform_5, window_bounds = array<i64: 768, 768>}, {pipeline_mode = #tpu.pipeline_mode<synchronous>, transform_indices = @transform_6, window_bounds = array<i64: 1, 768>}, {pipeline_mode = #tpu.pipeline_mode<synchronous>, transform_indices = @transform_7, window_bounds = array<i64: 768, 768>}, {pipeline_mode = #tpu.pipeline_mode<synchronous>, transform_indices = @transform_8, window_bounds = array<i64: 1, 768>}, {pipeline_mode = #tpu.pipeline_mode<synchronous>, transform_indices = @transform_9, window_bounds = array<i64: 768, 768>}, {pipeline_mode = #tpu.pipeline_mode<synchronous>, transform_indices = @transform_10, window_bounds = array<i64: 1, 768>}, {pipeline_mode = #tpu.pipeline_mode<synchronous>, transform_indices = @transform_11, window_bounds = array<i64: 768, 768>}, {pipeline_mode = #tpu.pipeline_mode<synchronous>, transform_indices = @transform_12, window_bounds = array<i64: 1, 768>}, {pipeline_mode = #tpu.pipeline_mode<synchronous>, transform_indices = @transform_13, window_bounds = array<i64: 1, 768>}, {pipeline_mode = #tpu.pipeline_mode<synchronous>, transform_indices = @transform_14, window_bounds = array<i64: 1, 768>}, {transform_indices = @transform_15, window_bounds = array<i64: 1, 128, 768>}]} {
    %get3A = arith.constant 0 : index
    %get3A_0 = arith.constant 0 : index
    %get3A_1 = arith.constant 0 : index
    %get3A_2 = vector.load %arg1[%get3A, %get3A_0, %get3A_1] : memref<1x128x768xf32, #tpu.memory_space<vmem>>, vector<1x128x768xf32>
    %get3A_3 = vector.shape_cast %get3A_2 : vector<1x128x768xf32> to vector<128x768xf32>
    %get3A_4 = arith.constant 0 : index
    %get3A_5 = arith.constant 0 : index
    %get3A_6 = vector.load %arg2[%get3A_4, %get3A_5] : memref<128x768xf32, #tpu.memory_space<vmem>>, vector<128x768xf32>
    %add3A = arith.addf %get3A_3, %get3A_6 : vector<128x768xf32>
    %get3A_7 = arith.constant 0 : index
    %get3A_8 = arith.constant 0 : index
    %get3A_9 = vector.load %arg4[%get3A_7, %get3A_8] : memref<1x768xf32, #tpu.memory_space<vmem>>, vector<1x768xf32>
    %get3A_10 = arith.constant 0 : index
    %get3A_11 = arith.constant 0 : index
    %get3A_12 = vector.load %arg5[%get3A_10, %get3A_11] : memref<1x768xf32, #tpu.memory_space<vmem>>, vector<1x768xf32>
    %reduce_sum3A = arith.constant dense<0.000000e+00> : vector<128xf32>
    %reduce_sum3A_13 = vector.multi_reduction <add>, %add3A, %reduce_sum3A [1] : vector<128x768xf32> to vector<128xf32>
    %broadcast_in_dim3A = vector.shape_cast %reduce_sum3A_13 : vector<128xf32> to vector<128x1xf32>
    %div3A = arith.constant 7.680000e+02 : f32
    %div3A_14 = vector.broadcast %div3A : f32 to vector<128x1xf32>
    %div3A_15 = arith.divf %broadcast_in_dim3A, %div3A_14 : vector<128x1xf32>
    %jit3A = arith.constant 0 : i32
    %reduce_sum3A_16 = arith.constant dense<0.000000e+00> : vector<128xf32>
    %reduce_sum3A_17 = vector.multi_reduction <add>, %add3A, %reduce_sum3A_16 [1] : vector<128x768xf32> to vector<128xf32>
    %broadcast_in_dim3A_18 = vector.shape_cast %reduce_sum3A_17 : vector<128xf32> to vector<128x1xf32>
    %div3A_19 = arith.constant 7.680000e+02 : f32
    %div3A_20 = vector.broadcast %div3A_19 : f32 to vector<128x1xf32>
    %div3A_21 = arith.divf %broadcast_in_dim3A_18, %div3A_20 : vector<128x1xf32>
    %sub3A = vector.broadcast %div3A_21 : vector<128x1xf32> to vector<128x768xf32>
    %sub3A_22 = arith.subf %add3A, %sub3A : vector<128x768xf32>
    %square3A = arith.mulf %sub3A_22, %sub3A_22 : vector<128x768xf32>
    %convert_element_type3A = arith.sitofp %jit3A : i32 to f32
    %sub3A_23 = arith.constant 7.680000e+02 : f32
    %sub3A_24 = arith.subf %sub3A_23, %convert_element_type3A : f32
    %reduce_sum3A_25 = arith.constant dense<0.000000e+00> : vector<128xf32>
    %reduce_sum3A_26 = vector.multi_reduction <add>, %square3A, %reduce_sum3A_25 [1] : vector<128x768xf32> to vector<128xf32>
    %broadcast_in_dim3A_27 = vector.shape_cast %reduce_sum3A_26 : vector<128xf32> to vector<128x1xf32>
    %div3A_28 = vector.broadcast %sub3A_24 : f32 to vector<128x1xf32>
    %div3A_29 = arith.divf %broadcast_in_dim3A_27, %div3A_28 : vector<128x1xf32>
    %gt3A = arith.constant 0.000000e+00 : f32
    %gt3A_30 = arith.cmpf ogt, %sub3A_24, %gt3A : f32
    %jit3A_31 = arith.constant 0x7FC00000 : f32
    %broadcast_in_dim3A_32 = vector.broadcast %jit3A_31 : f32 to vector<128x1xf32>
    %select_n3A = arith.select %gt3A_30, %div3A_29, %broadcast_in_dim3A_32 : vector<128x1xf32>
    %sub3A_33 = vector.broadcast %div3A_15 : vector<128x1xf32> to vector<128x768xf32>
    %sub3A_34 = arith.subf %add3A, %sub3A_33 : vector<128x768xf32>
    %add3A_35 = arith.constant 9.99999996E-13 : f32
    %add3A_36 = vector.broadcast %add3A_35 : f32 to vector<128x1xf32>
    %add3A_37 = arith.addf %select_n3A, %add3A_36 : vector<128x1xf32>
    %sqrt3A = math.sqrt %add3A_37 : vector<128x1xf32>
    %div3A_38 = vector.broadcast %sqrt3A : vector<128x1xf32> to vector<128x768xf32>
    %div3A_39 = arith.divf %sub3A_34, %div3A_38 : vector<128x768xf32>
    %mul3A = vector.broadcast %get3A_9 : vector<1x768xf32> to vector<128x768xf32>
    %mul3A_40 = arith.mulf %div3A_39, %mul3A : vector<128x768xf32>
    %add3A_41 = vector.broadcast %get3A_12 : vector<1x768xf32> to vector<128x768xf32>
    %add3A_42 = arith.addf %mul3A_40, %add3A_41 : vector<128x768xf32>
    %get3A_43 = arith.constant 0 : index
    %get3A_44 = arith.constant 0 : index
    %get3A_45 = vector.load %arg6[%get3A_43, %get3A_44] : memref<768x768xf32, #tpu.memory_space<vmem>>, vector<768x768xf32>
    %dot_general3A = arith.constant dense<0.000000e+00> : vector<128x768xf32>
    %dot_general3A_46 = tpu.matmul %add3A_42, %get3A_45, %dot_general3A {dimension_numbers = #tpu.dot_dimension_numbers<[1], [0], [0], [1], [0, 0, 1, 1], [], []>, transpose_lhs_hint = false} : vector<128x768xf32>, vector<768x768xf32>, vector<128x768xf32> -> vector<128x768xf32>
    %get3A_47 = arith.constant 0 : index
    %get3A_48 = arith.constant 0 : index
    %get3A_49 = vector.load %arg7[%get3A_47, %get3A_48] : memref<1x768xf32, #tpu.memory_space<vmem>>, vector<1x768xf32>
    %add3A_50 = vector.broadcast %get3A_49 : vector<1x768xf32> to vector<128x768xf32>
    %add3A_51 = arith.addf %dot_general3A_46, %add3A_50 : vector<128x768xf32>
    %get3A_52 = arith.constant 0 : index
    %get3A_53 = arith.constant 0 : index
    %get3A_54 = vector.load %arg8[%get3A_52, %get3A_53] : memref<768x768xf32, #tpu.memory_space<vmem>>, vector<768x768xf32>
    %dot_general3A_55 = arith.constant dense<0.000000e+00> : vector<128x768xf32>
    %dot_general3A_56 = tpu.matmul %add3A_42, %get3A_54, %dot_general3A_55 {dimension_numbers = #tpu.dot_dimension_numbers<[1], [0], [0], [1], [0, 0, 1, 1], [], []>, transpose_lhs_hint = false} : vector<128x768xf32>, vector<768x768xf32>, vector<128x768xf32> -> vector<128x768xf32>
    %get3A_57 = arith.constant 0 : index
    %get3A_58 = arith.constant 0 : index
    %get3A_59 = vector.load %arg9[%get3A_57, %get3A_58] : memref<1x768xf32, #tpu.memory_space<vmem>>, vector<1x768xf32>
    %add3A_60 = vector.broadcast %get3A_59 : vector<1x768xf32> to vector<128x768xf32>
    %add3A_61 = arith.addf %dot_general3A_56, %add3A_60 : vector<128x768xf32>
    %get3A_62 = arith.constant 0 : index
    %get3A_63 = arith.constant 0 : index
    %get3A_64 = vector.load %arg10[%get3A_62, %get3A_63] : memref<768x768xf32, #tpu.memory_space<vmem>>, vector<768x768xf32>
    %dot_general3A_65 = arith.constant dense<0.000000e+00> : vector<128x768xf32>
    %dot_general3A_66 = tpu.matmul %add3A_42, %get3A_64, %dot_general3A_65 {dimension_numbers = #tpu.dot_dimension_numbers<[1], [0], [0], [1], [0, 0, 1, 1], [], []>, transpose_lhs_hint = false} : vector<128x768xf32>, vector<768x768xf32>, vector<128x768xf32> -> vector<128x768xf32>
    %get3A_67 = arith.constant 0 : index
    %get3A_68 = arith.constant 0 : index
    %get3A_69 = vector.load %arg11[%get3A_67, %get3A_68] : memref<1x768xf32, #tpu.memory_space<vmem>>, vector<1x768xf32>
    %add3A_70 = vector.broadcast %get3A_69 : vector<1x768xf32> to vector<128x768xf32>
    %add3A_71 = arith.addf %dot_general3A_66, %add3A_70 : vector<128x768xf32>
    %get3A_72 = arith.constant 0 : index
    %get3A_73 = arith.constant 0 : index
    %get3A_74 = arith.constant 0 : index
    %get3A_75 = vector.load %arg3[%get3A_72, %get3A_73, %get3A_74] : memref<1x1x128xi32, #tpu.memory_space<vmem>>, vector<1x1x128xi32>
    %get3A_76 = vector.shape_cast %get3A_75 : vector<1x1x128xi32> to vector<1x128xi32>
    %gt3A_77 = arith.constant 0 : i32
    %gt3A_78 = vector.broadcast %gt3A_77 : i32 to vector<1x128xi32>
    %gt3A_79 = arith.cmpi sgt, %get3A_76, %gt3A_78 : vector<1x128xi32>
    %jit3A_80 = arith.constant 0.000000e+00 : f32
    %jit3A_81 = arith.constant -1.000000e+09 : f32
    %broadcast_in_dim3A_82 = vector.broadcast %jit3A_80 : f32 to vector<1x128xf32>
    %broadcast_in_dim3A_83 = vector.broadcast %jit3A_81 : f32 to vector<1x128xf32>
    %select_n3A_84 = arith.select %gt3A_79, %broadcast_in_dim3A_82, %broadcast_in_dim3A_83 : vector<1x128xi1>, vector<1x128xf32>
    %slice3A = vector.extract_strided_slice %add3A_51 {offsets = [0, 0], sizes = [128, 64], strides = [1, 1]} : vector<128x768xf32> to vector<128x64xf32>
    %slice3A_85 = vector.extract_strided_slice %add3A_61 {offsets = [0, 0], sizes = [128, 64], strides = [1, 1]} : vector<128x768xf32> to vector<128x64xf32>
    %slice3A_86 = vector.extract_strided_slice %add3A_71 {offsets = [0, 0], sizes = [128, 64], strides = [1, 1]} : vector<128x768xf32> to vector<128x64xf32>
    %dot_general3A_87 = arith.constant dense<0.000000e+00> : vector<128x128xf32>
    %dot_general3A_88 = tpu.matmul %slice3A, %slice3A_85, %dot_general3A_87 {dimension_numbers = #tpu.dot_dimension_numbers<[1], [1], [0], [0], [0, 0, 1, 0], [], []>, transpose_lhs_hint = false} : vector<128x64xf32>, vector<128x64xf32>, vector<128x128xf32> -> vector<128x128xf32>
    %mul3A_89 = arith.constant 1.250000e-01 : f32
    %mul3A_90 = vector.broadcast %mul3A_89 : f32 to vector<128x128xf32>
    %mul3A_91 = arith.mulf %dot_general3A_88, %mul3A_90 : vector<128x128xf32>
    %add3A_92 = vector.broadcast %select_n3A_84 : vector<1x128xf32> to vector<128x128xf32>
    %add3A_93 = arith.addf %mul3A_91, %add3A_92 : vector<128x128xf32>
    %reduce_max3A = arith.constant dense<0xFF800000> : vector<128xf32>
    %reduce_max3A_94 = vector.multi_reduction <maximumf>, %add3A_93, %reduce_max3A [1] : vector<128x128xf32> to vector<128xf32>
    %max3A = arith.constant 0xFF800000 : f32
    %max3A_95 = vector.broadcast %max3A : f32 to vector<128xf32>
    %max3A_96 = arith.maximumf %max3A_95, %reduce_max3A_94 : vector<128xf32>
    %broadcast_in_dim3A_97 = vector.shape_cast %max3A_96 : vector<128xf32> to vector<128x1xf32>
    %sub3A_98 = vector.broadcast %broadcast_in_dim3A_97 : vector<128x1xf32> to vector<128x128xf32>
    %sub3A_99 = arith.subf %add3A_93, %sub3A_98 : vector<128x128xf32>
    %exp3A = math.exp %sub3A_99 : vector<128x128xf32>
    %reduce_sum3A_100 = arith.constant dense<0.000000e+00> : vector<128xf32>
    %reduce_sum3A_101 = vector.multi_reduction <add>, %exp3A, %reduce_sum3A_100 [1] : vector<128x128xf32> to vector<128xf32>
    %broadcast_in_dim3A_102 = vector.shape_cast %reduce_sum3A_101 : vector<128xf32> to vector<128x1xf32>
    %div3A_103 = vector.broadcast %broadcast_in_dim3A_102 : vector<128x1xf32> to vector<128x128xf32>
    %div3A_104 = arith.divf %exp3A, %div3A_103 : vector<128x128xf32>
    %dot_general3A_105 = arith.constant dense<0.000000e+00> : vector<128x64xf32>
    %dot_general3A_106 = tpu.matmul %div3A_104, %slice3A_86, %dot_general3A_105 {dimension_numbers = #tpu.dot_dimension_numbers<[1], [0], [0], [1], [0, 0, 1, 1], [], []>, transpose_lhs_hint = false} : vector<128x128xf32>, vector<128x64xf32>, vector<128x64xf32> -> vector<128x64xf32>
    %slice3A_107 = vector.extract_strided_slice %add3A_51 {offsets = [0, 64], sizes = [128, 64], strides = [1, 1]} : vector<128x768xf32> to vector<128x64xf32>
    %slice3A_108 = vector.extract_strided_slice %add3A_61 {offsets = [0, 64], sizes = [128, 64], strides = [1, 1]} : vector<128x768xf32> to vector<128x64xf32>
    %slice3A_109 = vector.extract_strided_slice %add3A_71 {offsets = [0, 64], sizes = [128, 64], strides = [1, 1]} : vector<128x768xf32> to vector<128x64xf32>
    %dot_general3A_110 = arith.constant dense<0.000000e+00> : vector<128x128xf32>
    %dot_general3A_111 = tpu.matmul %slice3A_107, %slice3A_108, %dot_general3A_110 {dimension_numbers = #tpu.dot_dimension_numbers<[1], [1], [0], [0], [0, 0, 1, 0], [], []>, transpose_lhs_hint = false} : vector<128x64xf32>, vector<128x64xf32>, vector<128x128xf32> -> vector<128x128xf32>
    %mul3A_112 = arith.constant 1.250000e-01 : f32
    %mul3A_113 = vector.broadcast %mul3A_112 : f32 to vector<128x128xf32>
    %mul3A_114 = arith.mulf %dot_general3A_111, %mul3A_113 : vector<128x128xf32>
    %add3A_115 = vector.broadcast %select_n3A_84 : vector<1x128xf32> to vector<128x128xf32>
    %add3A_116 = arith.addf %mul3A_114, %add3A_115 : vector<128x128xf32>
    %reduce_max3A_117 = arith.constant dense<0xFF800000> : vector<128xf32>
    %reduce_max3A_118 = vector.multi_reduction <maximumf>, %add3A_116, %reduce_max3A_117 [1] : vector<128x128xf32> to vector<128xf32>
    %max3A_119 = arith.constant 0xFF800000 : f32
    %max3A_120 = vector.broadcast %max3A_119 : f32 to vector<128xf32>
    %max3A_121 = arith.maximumf %max3A_120, %reduce_max3A_118 : vector<128xf32>
    %broadcast_in_dim3A_122 = vector.shape_cast %max3A_121 : vector<128xf32> to vector<128x1xf32>
    %sub3A_123 = vector.broadcast %broadcast_in_dim3A_122 : vector<128x1xf32> to vector<128x128xf32>
    %sub3A_124 = arith.subf %add3A_116, %sub3A_123 : vector<128x128xf32>
    %exp3A_125 = math.exp %sub3A_124 : vector<128x128xf32>
    %reduce_sum3A_126 = arith.constant dense<0.000000e+00> : vector<128xf32>
    %reduce_sum3A_127 = vector.multi_reduction <add>, %exp3A_125, %reduce_sum3A_126 [1] : vector<128x128xf32> to vector<128xf32>
    %broadcast_in_dim3A_128 = vector.shape_cast %reduce_sum3A_127 : vector<128xf32> to vector<128x1xf32>
    %div3A_129 = vector.broadcast %broadcast_in_dim3A_128 : vector<128x1xf32> to vector<128x128xf32>
    %div3A_130 = arith.divf %exp3A_125, %div3A_129 : vector<128x128xf32>
    %dot_general3A_131 = arith.constant dense<0.000000e+00> : vector<128x64xf32>
    %dot_general3A_132 = tpu.matmul %div3A_130, %slice3A_109, %dot_general3A_131 {dimension_numbers = #tpu.dot_dimension_numbers<[1], [0], [0], [1], [0, 0, 1, 1], [], []>, transpose_lhs_hint = false} : vector<128x128xf32>, vector<128x64xf32>, vector<128x64xf32> -> vector<128x64xf32>
    %slice3A_133 = vector.extract_strided_slice %add3A_51 {offsets = [0, 128], sizes = [128, 64], strides = [1, 1]} : vector<128x768xf32> to vector<128x64xf32>
    %slice3A_134 = vector.extract_strided_slice %add3A_61 {offsets = [0, 128], sizes = [128, 64], strides = [1, 1]} : vector<128x768xf32> to vector<128x64xf32>
    %slice3A_135 = vector.extract_strided_slice %add3A_71 {offsets = [0, 128], sizes = [128, 64], strides = [1, 1]} : vector<128x768xf32> to vector<128x64xf32>
    %dot_general3A_136 = arith.constant dense<0.000000e+00> : vector<128x128xf32>
    %dot_general3A_137 = tpu.matmul %slice3A_133, %slice3A_134, %dot_general3A_136 {dimension_numbers = #tpu.dot_dimension_numbers<[1], [1], [0], [0], [0, 0, 1, 0], [], []>, transpose_lhs_hint = false} : vector<128x64xf32>, vector<128x64xf32>, vector<128x128xf32> -> vector<128x128xf32>
    %mul3A_138 = arith.constant 1.250000e-01 : f32
    %mul3A_139 = vector.broadcast %mul3A_138 : f32 to vector<128x128xf32>
    %mul3A_140 = arith.mulf %dot_general3A_137, %mul3A_139 : vector<128x128xf32>
    %add3A_141 = vector.broadcast %select_n3A_84 : vector<1x128xf32> to vector<128x128xf32>
    %add3A_142 = arith.addf %mul3A_140, %add3A_141 : vector<128x128xf32>
    %reduce_max3A_143 = arith.constant dense<0xFF800000> : vector<128xf32>
    %reduce_max3A_144 = vector.multi_reduction <maximumf>, %add3A_142, %reduce_max3A_143 [1] : vector<128x128xf32> to vector<128xf32>
    %max3A_145 = arith.constant 0xFF800000 : f32
    %max3A_146 = vector.broadcast %max3A_145 : f32 to vector<128xf32>
    %max3A_147 = arith.maximumf %max3A_146, %reduce_max3A_144 : vector<128xf32>
    %broadcast_in_dim3A_148 = vector.shape_cast %max3A_147 : vector<128xf32> to vector<128x1xf32>
    %sub3A_149 = vector.broadcast %broadcast_in_dim3A_148 : vector<128x1xf32> to vector<128x128xf32>
    %sub3A_150 = arith.subf %add3A_142, %sub3A_149 : vector<128x128xf32>
    %exp3A_151 = math.exp %sub3A_150 : vector<128x128xf32>
    %reduce_sum3A_152 = arith.constant dense<0.000000e+00> : vector<128xf32>
    %reduce_sum3A_153 = vector.multi_reduction <add>, %exp3A_151, %reduce_sum3A_152 [1] : vector<128x128xf32> to vector<128xf32>
    %broadcast_in_dim3A_154 = vector.shape_cast %reduce_sum3A_153 : vector<128xf32> to vector<128x1xf32>
    %div3A_155 = vector.broadcast %broadcast_in_dim3A_154 : vector<128x1xf32> to vector<128x128xf32>
    %div3A_156 = arith.divf %exp3A_151, %div3A_155 : vector<128x128xf32>
    %dot_general3A_157 = arith.constant dense<0.000000e+00> : vector<128x64xf32>
    %dot_general3A_158 = tpu.matmul %div3A_156, %slice3A_135, %dot_general3A_157 {dimension_numbers = #tpu.dot_dimension_numbers<[1], [0], [0], [1], [0, 0, 1, 1], [], []>, transpose_lhs_hint = false} : vector<128x128xf32>, vector<128x64xf32>, vector<128x64xf32> -> vector<128x64xf32>
    %slice3A_159 = vector.extract_strided_slice %add3A_51 {offsets = [0, 192], sizes = [128, 64], strides = [1, 1]} : vector<128x768xf32> to vector<128x64xf32>
    %slice3A_160 = vector.extract_strided_slice %add3A_61 {offsets = [0, 192], sizes = [128, 64], strides = [1, 1]} : vector<128x768xf32> to vector<128x64xf32>
    %slice3A_161 = vector.extract_strided_slice %add3A_71 {offsets = [0, 192], sizes = [128, 64], strides = [1, 1]} : vector<128x768xf32> to vector<128x64xf32>
    %dot_general3A_162 = arith.constant dense<0.000000e+00> : vector<128x128xf32>
    %dot_general3A_163 = tpu.matmul %slice3A_159, %slice3A_160, %dot_general3A_162 {dimension_numbers = #tpu.dot_dimension_numbers<[1], [1], [0], [0], [0, 0, 1, 0], [], []>, transpose_lhs_hint = false} : vector<128x64xf32>, vector<128x64xf32>, vector<128x128xf32> -> vector<128x128xf32>
    %mul3A_164 = arith.constant 1.250000e-01 : f32
    %mul3A_165 = vector.broadcast %mul3A_164 : f32 to vector<128x128xf32>
    %mul3A_166 = arith.mulf %dot_general3A_163, %mul3A_165 : vector<128x128xf32>
    %add3A_167 = vector.broadcast %select_n3A_84 : vector<1x128xf32> to vector<128x128xf32>
    %add3A_168 = arith.addf %mul3A_166, %add3A_167 : vector<128x128xf32>
    %reduce_max3A_169 = arith.constant dense<0xFF800000> : vector<128xf32>
    %reduce_max3A_170 = vector.multi_reduction <maximumf>, %add3A_168, %reduce_max3A_169 [1] : vector<128x128xf32> to vector<128xf32>
    %max3A_171 = arith.constant 0xFF800000 : f32
    %max3A_172 = vector.broadcast %max3A_171 : f32 to vector<128xf32>
    %max3A_173 = arith.maximumf %max3A_172, %reduce_max3A_170 : vector<128xf32>
    %broadcast_in_dim3A_174 = vector.shape_cast %max3A_173 : vector<128xf32> to vector<128x1xf32>
    %sub3A_175 = vector.broadcast %broadcast_in_dim3A_174 : vector<128x1xf32> to vector<128x128xf32>
    %sub3A_176 = arith.subf %add3A_168, %sub3A_175 : vector<128x128xf32>
    %exp3A_177 = math.exp %sub3A_176 : vector<128x128xf32>
    %reduce_sum3A_178 = arith.constant dense<0.000000e+00> : vector<128xf32>
    %reduce_sum3A_179 = vector.multi_reduction <add>, %exp3A_177, %reduce_sum3A_178 [1] : vector<128x128xf32> to vector<128xf32>
    %broadcast_in_dim3A_180 = vector.shape_cast %reduce_sum3A_179 : vector<128xf32> to vector<128x1xf32>
    %div3A_181 = vector.broadcast %broadcast_in_dim3A_180 : vector<128x1xf32> to vector<128x128xf32>
    %div3A_182 = arith.divf %exp3A_177, %div3A_181 : vector<128x128xf32>
    %dot_general3A_183 = arith.constant dense<0.000000e+00> : vector<128x64xf32>
    %dot_general3A_184 = tpu.matmul %div3A_182, %slice3A_161, %dot_general3A_183 {dimension_numbers = #tpu.dot_dimension_numbers<[1], [0], [0], [1], [0, 0, 1, 1], [], []>, transpose_lhs_hint = false} : vector<128x128xf32>, vector<128x64xf32>, vector<128x64xf32> -> vector<128x64xf32>
    %slice3A_185 = vector.extract_strided_slice %add3A_51 {offsets = [0, 256], sizes = [128, 64], strides = [1, 1]} : vector<128x768xf32> to vector<128x64xf32>
    %slice3A_186 = vector.extract_strided_slice %add3A_61 {offsets = [0, 256], sizes = [128, 64], strides = [1, 1]} : vector<128x768xf32> to vector<128x64xf32>
    %slice3A_187 = vector.extract_strided_slice %add3A_71 {offsets = [0, 256], sizes = [128, 64], strides = [1, 1]} : vector<128x768xf32> to vector<128x64xf32>
    %dot_general3A_188 = arith.constant dense<0.000000e+00> : vector<128x128xf32>
    %dot_general3A_189 = tpu.matmul %slice3A_185, %slice3A_186, %dot_general3A_188 {dimension_numbers = #tpu.dot_dimension_numbers<[1], [1], [0], [0], [0, 0, 1, 0], [], []>, transpose_lhs_hint = false} : vector<128x64xf32>, vector<128x64xf32>, vector<128x128xf32> -> vector<128x128xf32>
    %mul3A_190 = arith.constant 1.250000e-01 : f32
    %mul3A_191 = vector.broadcast %mul3A_190 : f32 to vector<128x128xf32>
    %mul3A_192 = arith.mulf %dot_general3A_189, %mul3A_191 : vector<128x128xf32>
    %add3A_193 = vector.broadcast %select_n3A_84 : vector<1x128xf32> to vector<128x128xf32>
    %add3A_194 = arith.addf %mul3A_192, %add3A_193 : vector<128x128xf32>
    %reduce_max3A_195 = arith.constant dense<0xFF800000> : vector<128xf32>
    %reduce_max3A_196 = vector.multi_reduction <maximumf>, %add3A_194, %reduce_max3A_195 [1] : vector<128x128xf32> to vector<128xf32>
    %max3A_197 = arith.constant 0xFF800000 : f32
    %max3A_198 = vector.broadcast %max3A_197 : f32 to vector<128xf32>
    %max3A_199 = arith.maximumf %max3A_198, %reduce_max3A_196 : vector<128xf32>
    %broadcast_in_dim3A_200 = vector.shape_cast %max3A_199 : vector<128xf32> to vector<128x1xf32>
    %sub3A_201 = vector.broadcast %broadcast_in_dim3A_200 : vector<128x1xf32> to vector<128x128xf32>
    %sub3A_202 = arith.subf %add3A_194, %sub3A_201 : vector<128x128xf32>
    %exp3A_203 = math.exp %sub3A_202 : vector<128x128xf32>
    %reduce_sum3A_204 = arith.constant dense<0.000000e+00> : vector<128xf32>
    %reduce_sum3A_205 = vector.multi_reduction <add>, %exp3A_203, %reduce_sum3A_204 [1] : vector<128x128xf32> to vector<128xf32>
    %broadcast_in_dim3A_206 = vector.shape_cast %reduce_sum3A_205 : vector<128xf32> to vector<128x1xf32>
    %div3A_207 = vector.broadcast %broadcast_in_dim3A_206 : vector<128x1xf32> to vector<128x128xf32>
    %div3A_208 = arith.divf %exp3A_203, %div3A_207 : vector<128x128xf32>
    %dot_general3A_209 = arith.constant dense<0.000000e+00> : vector<128x64xf32>
    %dot_general3A_210 = tpu.matmul %div3A_208, %slice3A_187, %dot_general3A_209 {dimension_numbers = #tpu.dot_dimension_numbers<[1], [0], [0], [1], [0, 0, 1, 1], [], []>, transpose_lhs_hint = false} : vector<128x128xf32>, vector<128x64xf32>, vector<128x64xf32> -> vector<128x64xf32>
    %slice3A_211 = vector.extract_strided_slice %add3A_51 {offsets = [0, 320], sizes = [128, 64], strides = [1, 1]} : vector<128x768xf32> to vector<128x64xf32>
    %slice3A_212 = vector.extract_strided_slice %add3A_61 {offsets = [0, 320], sizes = [128, 64], strides = [1, 1]} : vector<128x768xf32> to vector<128x64xf32>
    %slice3A_213 = vector.extract_strided_slice %add3A_71 {offsets = [0, 320], sizes = [128, 64], strides = [1, 1]} : vector<128x768xf32> to vector<128x64xf32>
    %dot_general3A_214 = arith.constant dense<0.000000e+00> : vector<128x128xf32>
    %dot_general3A_215 = tpu.matmul %slice3A_211, %slice3A_212, %dot_general3A_214 {dimension_numbers = #tpu.dot_dimension_numbers<[1], [1], [0], [0], [0, 0, 1, 0], [], []>, transpose_lhs_hint = false} : vector<128x64xf32>, vector<128x64xf32>, vector<128x128xf32> -> vector<128x128xf32>
    %mul3A_216 = arith.constant 1.250000e-01 : f32
    %mul3A_217 = vector.broadcast %mul3A_216 : f32 to vector<128x128xf32>
    %mul3A_218 = arith.mulf %dot_general3A_215, %mul3A_217 : vector<128x128xf32>
    %add3A_219 = vector.broadcast %select_n3A_84 : vector<1x128xf32> to vector<128x128xf32>
    %add3A_220 = arith.addf %mul3A_218, %add3A_219 : vector<128x128xf32>
    %reduce_max3A_221 = arith.constant dense<0xFF800000> : vector<128xf32>
    %reduce_max3A_222 = vector.multi_reduction <maximumf>, %add3A_220, %reduce_max3A_221 [1] : vector<128x128xf32> to vector<128xf32>
    %max3A_223 = arith.constant 0xFF800000 : f32
    %max3A_224 = vector.broadcast %max3A_223 : f32 to vector<128xf32>
    %max3A_225 = arith.maximumf %max3A_224, %reduce_max3A_222 : vector<128xf32>
    %broadcast_in_dim3A_226 = vector.shape_cast %max3A_225 : vector<128xf32> to vector<128x1xf32>
    %sub3A_227 = vector.broadcast %broadcast_in_dim3A_226 : vector<128x1xf32> to vector<128x128xf32>
    %sub3A_228 = arith.subf %add3A_220, %sub3A_227 : vector<128x128xf32>
    %exp3A_229 = math.exp %sub3A_228 : vector<128x128xf32>
    %reduce_sum3A_230 = arith.constant dense<0.000000e+00> : vector<128xf32>
    %reduce_sum3A_231 = vector.multi_reduction <add>, %exp3A_229, %reduce_sum3A_230 [1] : vector<128x128xf32> to vector<128xf32>
    %broadcast_in_dim3A_232 = vector.shape_cast %reduce_sum3A_231 : vector<128xf32> to vector<128x1xf32>
    %div3A_233 = vector.broadcast %broadcast_in_dim3A_232 : vector<128x1xf32> to vector<128x128xf32>
    %div3A_234 = arith.divf %exp3A_229, %div3A_233 : vector<128x128xf32>
    %dot_general3A_235 = arith.constant dense<0.000000e+00> : vector<128x64xf32>
    %dot_general3A_236 = tpu.matmul %div3A_234, %slice3A_213, %dot_general3A_235 {dimension_numbers = #tpu.dot_dimension_numbers<[1], [0], [0], [1], [0, 0, 1, 1], [], []>, transpose_lhs_hint = false} : vector<128x128xf32>, vector<128x64xf32>, vector<128x64xf32> -> vector<128x64xf32>
    %slice3A_237 = vector.extract_strided_slice %add3A_51 {offsets = [0, 384], sizes = [128, 64], strides = [1, 1]} : vector<128x768xf32> to vector<128x64xf32>
    %slice3A_238 = vector.extract_strided_slice %add3A_61 {offsets = [0, 384], sizes = [128, 64], strides = [1, 1]} : vector<128x768xf32> to vector<128x64xf32>
    %slice3A_239 = vector.extract_strided_slice %add3A_71 {offsets = [0, 384], sizes = [128, 64], strides = [1, 1]} : vector<128x768xf32> to vector<128x64xf32>
    %dot_general3A_240 = arith.constant dense<0.000000e+00> : vector<128x128xf32>
    %dot_general3A_241 = tpu.matmul %slice3A_237, %slice3A_238, %dot_general3A_240 {dimension_numbers = #tpu.dot_dimension_numbers<[1], [1], [0], [0], [0, 0, 1, 0], [], []>, transpose_lhs_hint = false} : vector<128x64xf32>, vector<128x64xf32>, vector<128x128xf32> -> vector<128x128xf32>
    %mul3A_242 = arith.constant 1.250000e-01 : f32
    %mul3A_243 = vector.broadcast %mul3A_242 : f32 to vector<128x128xf32>
    %mul3A_244 = arith.mulf %dot_general3A_241, %mul3A_243 : vector<128x128xf32>
    %add3A_245 = vector.broadcast %select_n3A_84 : vector<1x128xf32> to vector<128x128xf32>
    %add3A_246 = arith.addf %mul3A_244, %add3A_245 : vector<128x128xf32>
    %reduce_max3A_247 = arith.constant dense<0xFF800000> : vector<128xf32>
    %reduce_max3A_248 = vector.multi_reduction <maximumf>, %add3A_246, %reduce_max3A_247 [1] : vector<128x128xf32> to vector<128xf32>
    %max3A_249 = arith.constant 0xFF800000 : f32
    %max3A_250 = vector.broadcast %max3A_249 : f32 to vector<128xf32>
    %max3A_251 = arith.maximumf %max3A_250, %reduce_max3A_248 : vector<128xf32>
    %broadcast_in_dim3A_252 = vector.shape_cast %max3A_251 : vector<128xf32> to vector<128x1xf32>
    %sub3A_253 = vector.broadcast %broadcast_in_dim3A_252 : vector<128x1xf32> to vector<128x128xf32>
    %sub3A_254 = arith.subf %add3A_246, %sub3A_253 : vector<128x128xf32>
    %exp3A_255 = math.exp %sub3A_254 : vector<128x128xf32>
    %reduce_sum3A_256 = arith.constant dense<0.000000e+00> : vector<128xf32>
    %reduce_sum3A_257 = vector.multi_reduction <add>, %exp3A_255, %reduce_sum3A_256 [1] : vector<128x128xf32> to vector<128xf32>
    %broadcast_in_dim3A_258 = vector.shape_cast %reduce_sum3A_257 : vector<128xf32> to vector<128x1xf32>
    %div3A_259 = vector.broadcast %broadcast_in_dim3A_258 : vector<128x1xf32> to vector<128x128xf32>
    %div3A_260 = arith.divf %exp3A_255, %div3A_259 : vector<128x128xf32>
    %dot_general3A_261 = arith.constant dense<0.000000e+00> : vector<128x64xf32>
    %dot_general3A_262 = tpu.matmul %div3A_260, %slice3A_239, %dot_general3A_261 {dimension_numbers = #tpu.dot_dimension_numbers<[1], [0], [0], [1], [0, 0, 1, 1], [], []>, transpose_lhs_hint = false} : vector<128x128xf32>, vector<128x64xf32>, vector<128x64xf32> -> vector<128x64xf32>
    %slice3A_263 = vector.extract_strided_slice %add3A_51 {offsets = [0, 448], sizes = [128, 64], strides = [1, 1]} : vector<128x768xf32> to vector<128x64xf32>
    %slice3A_264 = vector.extract_strided_slice %add3A_61 {offsets = [0, 448], sizes = [128, 64], strides = [1, 1]} : vector<128x768xf32> to vector<128x64xf32>
    %slice3A_265 = vector.extract_strided_slice %add3A_71 {offsets = [0, 448], sizes = [128, 64], strides = [1, 1]} : vector<128x768xf32> to vector<128x64xf32>
    %dot_general3A_266 = arith.constant dense<0.000000e+00> : vector<128x128xf32>
    %dot_general3A_267 = tpu.matmul %slice3A_263, %slice3A_264, %dot_general3A_266 {dimension_numbers = #tpu.dot_dimension_numbers<[1], [1], [0], [0], [0, 0, 1, 0], [], []>, transpose_lhs_hint = false} : vector<128x64xf32>, vector<128x64xf32>, vector<128x128xf32> -> vector<128x128xf32>
    %mul3A_268 = arith.constant 1.250000e-01 : f32
    %mul3A_269 = vector.broadcast %mul3A_268 : f32 to vector<128x128xf32>
    %mul3A_270 = arith.mulf %dot_general3A_267, %mul3A_269 : vector<128x128xf32>
    %add3A_271 = vector.broadcast %select_n3A_84 : vector<1x128xf32> to vector<128x128xf32>
    %add3A_272 = arith.addf %mul3A_270, %add3A_271 : vector<128x128xf32>
    %reduce_max3A_273 = arith.constant dense<0xFF800000> : vector<128xf32>
    %reduce_max3A_274 = vector.multi_reduction <maximumf>, %add3A_272, %reduce_max3A_273 [1] : vector<128x128xf32> to vector<128xf32>
    %max3A_275 = arith.constant 0xFF800000 : f32
    %max3A_276 = vector.broadcast %max3A_275 : f32 to vector<128xf32>
    %max3A_277 = arith.maximumf %max3A_276, %reduce_max3A_274 : vector<128xf32>
    %broadcast_in_dim3A_278 = vector.shape_cast %max3A_277 : vector<128xf32> to vector<128x1xf32>
    %sub3A_279 = vector.broadcast %broadcast_in_dim3A_278 : vector<128x1xf32> to vector<128x128xf32>
    %sub3A_280 = arith.subf %add3A_272, %sub3A_279 : vector<128x128xf32>
    %exp3A_281 = math.exp %sub3A_280 : vector<128x128xf32>
    %reduce_sum3A_282 = arith.constant dense<0.000000e+00> : vector<128xf32>
    %reduce_sum3A_283 = vector.multi_reduction <add>, %exp3A_281, %reduce_sum3A_282 [1] : vector<128x128xf32> to vector<128xf32>
    %broadcast_in_dim3A_284 = vector.shape_cast %reduce_sum3A_283 : vector<128xf32> to vector<128x1xf32>
    %div3A_285 = vector.broadcast %broadcast_in_dim3A_284 : vector<128x1xf32> to vector<128x128xf32>
    %div3A_286 = arith.divf %exp3A_281, %div3A_285 : vector<128x128xf32>
    %dot_general3A_287 = arith.constant dense<0.000000e+00> : vector<128x64xf32>
    %dot_general3A_288 = tpu.matmul %div3A_286, %slice3A_265, %dot_general3A_287 {dimension_numbers = #tpu.dot_dimension_numbers<[1], [0], [0], [1], [0, 0, 1, 1], [], []>, transpose_lhs_hint = false} : vector<128x128xf32>, vector<128x64xf32>, vector<128x64xf32> -> vector<128x64xf32>
    %slice3A_289 = vector.extract_strided_slice %add3A_51 {offsets = [0, 512], sizes = [128, 64], strides = [1, 1]} : vector<128x768xf32> to vector<128x64xf32>
    %slice3A_290 = vector.extract_strided_slice %add3A_61 {offsets = [0, 512], sizes = [128, 64], strides = [1, 1]} : vector<128x768xf32> to vector<128x64xf32>
    %slice3A_291 = vector.extract_strided_slice %add3A_71 {offsets = [0, 512], sizes = [128, 64], strides = [1, 1]} : vector<128x768xf32> to vector<128x64xf32>
    %dot_general3A_292 = arith.constant dense<0.000000e+00> : vector<128x128xf32>
    %dot_general3A_293 = tpu.matmul %slice3A_289, %slice3A_290, %dot_general3A_292 {dimension_numbers = #tpu.dot_dimension_numbers<[1], [1], [0], [0], [0, 0, 1, 0], [], []>, transpose_lhs_hint = false} : vector<128x64xf32>, vector<128x64xf32>, vector<128x128xf32> -> vector<128x128xf32>
    %mul3A_294 = arith.constant 1.250000e-01 : f32
    %mul3A_295 = vector.broadcast %mul3A_294 : f32 to vector<128x128xf32>
    %mul3A_296 = arith.mulf %dot_general3A_293, %mul3A_295 : vector<128x128xf32>
    %add3A_297 = vector.broadcast %select_n3A_84 : vector<1x128xf32> to vector<128x128xf32>
    %add3A_298 = arith.addf %mul3A_296, %add3A_297 : vector<128x128xf32>
    %reduce_max3A_299 = arith.constant dense<0xFF800000> : vector<128xf32>
    %reduce_max3A_300 = vector.multi_reduction <maximumf>, %add3A_298, %reduce_max3A_299 [1] : vector<128x128xf32> to vector<128xf32>
    %max3A_301 = arith.constant 0xFF800000 : f32
    %max3A_302 = vector.broadcast %max3A_301 : f32 to vector<128xf32>
    %max3A_303 = arith.maximumf %max3A_302, %reduce_max3A_300 : vector<128xf32>
    %broadcast_in_dim3A_304 = vector.shape_cast %max3A_303 : vector<128xf32> to vector<128x1xf32>
    %sub3A_305 = vector.broadcast %broadcast_in_dim3A_304 : vector<128x1xf32> to vector<128x128xf32>
    %sub3A_306 = arith.subf %add3A_298, %sub3A_305 : vector<128x128xf32>
    %exp3A_307 = math.exp %sub3A_306 : vector<128x128xf32>
    %reduce_sum3A_308 = arith.constant dense<0.000000e+00> : vector<128xf32>
    %reduce_sum3A_309 = vector.multi_reduction <add>, %exp3A_307, %reduce_sum3A_308 [1] : vector<128x128xf32> to vector<128xf32>
    %broadcast_in_dim3A_310 = vector.shape_cast %reduce_sum3A_309 : vector<128xf32> to vector<128x1xf32>
    %div3A_311 = vector.broadcast %broadcast_in_dim3A_310 : vector<128x1xf32> to vector<128x128xf32>
    %div3A_312 = arith.divf %exp3A_307, %div3A_311 : vector<128x128xf32>
    %dot_general3A_313 = arith.constant dense<0.000000e+00> : vector<128x64xf32>
    %dot_general3A_314 = tpu.matmul %div3A_312, %slice3A_291, %dot_general3A_313 {dimension_numbers = #tpu.dot_dimension_numbers<[1], [0], [0], [1], [0, 0, 1, 1], [], []>, transpose_lhs_hint = false} : vector<128x128xf32>, vector<128x64xf32>, vector<128x64xf32> -> vector<128x64xf32>
    %slice3A_315 = vector.extract_strided_slice %add3A_51 {offsets = [0, 576], sizes = [128, 64], strides = [1, 1]} : vector<128x768xf32> to vector<128x64xf32>
    %slice3A_316 = vector.extract_strided_slice %add3A_61 {offsets = [0, 576], sizes = [128, 64], strides = [1, 1]} : vector<128x768xf32> to vector<128x64xf32>
    %slice3A_317 = vector.extract_strided_slice %add3A_71 {offsets = [0, 576], sizes = [128, 64], strides = [1, 1]} : vector<128x768xf32> to vector<128x64xf32>
    %dot_general3A_318 = arith.constant dense<0.000000e+00> : vector<128x128xf32>
    %dot_general3A_319 = tpu.matmul %slice3A_315, %slice3A_316, %dot_general3A_318 {dimension_numbers = #tpu.dot_dimension_numbers<[1], [1], [0], [0], [0, 0, 1, 0], [], []>, transpose_lhs_hint = false} : vector<128x64xf32>, vector<128x64xf32>, vector<128x128xf32> -> vector<128x128xf32>
    %mul3A_320 = arith.constant 1.250000e-01 : f32
    %mul3A_321 = vector.broadcast %mul3A_320 : f32 to vector<128x128xf32>
    %mul3A_322 = arith.mulf %dot_general3A_319, %mul3A_321 : vector<128x128xf32>
    %add3A_323 = vector.broadcast %select_n3A_84 : vector<1x128xf32> to vector<128x128xf32>
    %add3A_324 = arith.addf %mul3A_322, %add3A_323 : vector<128x128xf32>
    %reduce_max3A_325 = arith.constant dense<0xFF800000> : vector<128xf32>
    %reduce_max3A_326 = vector.multi_reduction <maximumf>, %add3A_324, %reduce_max3A_325 [1] : vector<128x128xf32> to vector<128xf32>
    %max3A_327 = arith.constant 0xFF800000 : f32
    %max3A_328 = vector.broadcast %max3A_327 : f32 to vector<128xf32>
    %max3A_329 = arith.maximumf %max3A_328, %reduce_max3A_326 : vector<128xf32>
    %broadcast_in_dim3A_330 = vector.shape_cast %max3A_329 : vector<128xf32> to vector<128x1xf32>
    %sub3A_331 = vector.broadcast %broadcast_in_dim3A_330 : vector<128x1xf32> to vector<128x128xf32>
    %sub3A_332 = arith.subf %add3A_324, %sub3A_331 : vector<128x128xf32>
    %exp3A_333 = math.exp %sub3A_332 : vector<128x128xf32>
    %reduce_sum3A_334 = arith.constant dense<0.000000e+00> : vector<128xf32>
    %reduce_sum3A_335 = vector.multi_reduction <add>, %exp3A_333, %reduce_sum3A_334 [1] : vector<128x128xf32> to vector<128xf32>
    %broadcast_in_dim3A_336 = vector.shape_cast %reduce_sum3A_335 : vector<128xf32> to vector<128x1xf32>
    %div3A_337 = vector.broadcast %broadcast_in_dim3A_336 : vector<128x1xf32> to vector<128x128xf32>
    %div3A_338 = arith.divf %exp3A_333, %div3A_337 : vector<128x128xf32>
    %dot_general3A_339 = arith.constant dense<0.000000e+00> : vector<128x64xf32>
    %dot_general3A_340 = tpu.matmul %div3A_338, %slice3A_317, %dot_general3A_339 {dimension_numbers = #tpu.dot_dimension_numbers<[1], [0], [0], [1], [0, 0, 1, 1], [], []>, transpose_lhs_hint = false} : vector<128x128xf32>, vector<128x64xf32>, vector<128x64xf32> -> vector<128x64xf32>
    %slice3A_341 = vector.extract_strided_slice %add3A_51 {offsets = [0, 640], sizes = [128, 64], strides = [1, 1]} : vector<128x768xf32> to vector<128x64xf32>
    %slice3A_342 = vector.extract_strided_slice %add3A_61 {offsets = [0, 640], sizes = [128, 64], strides = [1, 1]} : vector<128x768xf32> to vector<128x64xf32>
    %slice3A_343 = vector.extract_strided_slice %add3A_71 {offsets = [0, 640], sizes = [128, 64], strides = [1, 1]} : vector<128x768xf32> to vector<128x64xf32>
    %dot_general3A_344 = arith.constant dense<0.000000e+00> : vector<128x128xf32>
    %dot_general3A_345 = tpu.matmul %slice3A_341, %slice3A_342, %dot_general3A_344 {dimension_numbers = #tpu.dot_dimension_numbers<[1], [1], [0], [0], [0, 0, 1, 0], [], []>, transpose_lhs_hint = false} : vector<128x64xf32>, vector<128x64xf32>, vector<128x128xf32> -> vector<128x128xf32>
    %mul3A_346 = arith.constant 1.250000e-01 : f32
    %mul3A_347 = vector.broadcast %mul3A_346 : f32 to vector<128x128xf32>
    %mul3A_348 = arith.mulf %dot_general3A_345, %mul3A_347 : vector<128x128xf32>
    %add3A_349 = vector.broadcast %select_n3A_84 : vector<1x128xf32> to vector<128x128xf32>
    %add3A_350 = arith.addf %mul3A_348, %add3A_349 : vector<128x128xf32>
    %reduce_max3A_351 = arith.constant dense<0xFF800000> : vector<128xf32>
    %reduce_max3A_352 = vector.multi_reduction <maximumf>, %add3A_350, %reduce_max3A_351 [1] : vector<128x128xf32> to vector<128xf32>
    %max3A_353 = arith.constant 0xFF800000 : f32
    %max3A_354 = vector.broadcast %max3A_353 : f32 to vector<128xf32>
    %max3A_355 = arith.maximumf %max3A_354, %reduce_max3A_352 : vector<128xf32>
    %broadcast_in_dim3A_356 = vector.shape_cast %max3A_355 : vector<128xf32> to vector<128x1xf32>
    %sub3A_357 = vector.broadcast %broadcast_in_dim3A_356 : vector<128x1xf32> to vector<128x128xf32>
    %sub3A_358 = arith.subf %add3A_350, %sub3A_357 : vector<128x128xf32>
    %exp3A_359 = math.exp %sub3A_358 : vector<128x128xf32>
    %reduce_sum3A_360 = arith.constant dense<0.000000e+00> : vector<128xf32>
    %reduce_sum3A_361 = vector.multi_reduction <add>, %exp3A_359, %reduce_sum3A_360 [1] : vector<128x128xf32> to vector<128xf32>
    %broadcast_in_dim3A_362 = vector.shape_cast %reduce_sum3A_361 : vector<128xf32> to vector<128x1xf32>
    %div3A_363 = vector.broadcast %broadcast_in_dim3A_362 : vector<128x1xf32> to vector<128x128xf32>
    %div3A_364 = arith.divf %exp3A_359, %div3A_363 : vector<128x128xf32>
    %dot_general3A_365 = arith.constant dense<0.000000e+00> : vector<128x64xf32>
    %dot_general3A_366 = tpu.matmul %div3A_364, %slice3A_343, %dot_general3A_365 {dimension_numbers = #tpu.dot_dimension_numbers<[1], [0], [0], [1], [0, 0, 1, 1], [], []>, transpose_lhs_hint = false} : vector<128x128xf32>, vector<128x64xf32>, vector<128x64xf32> -> vector<128x64xf32>
    %slice3A_367 = vector.extract_strided_slice %add3A_51 {offsets = [0, 704], sizes = [128, 64], strides = [1, 1]} : vector<128x768xf32> to vector<128x64xf32>
    %slice3A_368 = vector.extract_strided_slice %add3A_61 {offsets = [0, 704], sizes = [128, 64], strides = [1, 1]} : vector<128x768xf32> to vector<128x64xf32>
    %slice3A_369 = vector.extract_strided_slice %add3A_71 {offsets = [0, 704], sizes = [128, 64], strides = [1, 1]} : vector<128x768xf32> to vector<128x64xf32>
    %dot_general3A_370 = arith.constant dense<0.000000e+00> : vector<128x128xf32>
    %dot_general3A_371 = tpu.matmul %slice3A_367, %slice3A_368, %dot_general3A_370 {dimension_numbers = #tpu.dot_dimension_numbers<[1], [1], [0], [0], [0, 0, 1, 0], [], []>, transpose_lhs_hint = false} : vector<128x64xf32>, vector<128x64xf32>, vector<128x128xf32> -> vector<128x128xf32>
    %mul3A_372 = arith.constant 1.250000e-01 : f32
    %mul3A_373 = vector.broadcast %mul3A_372 : f32 to vector<128x128xf32>
    %mul3A_374 = arith.mulf %dot_general3A_371, %mul3A_373 : vector<128x128xf32>
    %add3A_375 = vector.broadcast %select_n3A_84 : vector<1x128xf32> to vector<128x128xf32>
    %add3A_376 = arith.addf %mul3A_374, %add3A_375 : vector<128x128xf32>
    %reduce_max3A_377 = arith.constant dense<0xFF800000> : vector<128xf32>
    %reduce_max3A_378 = vector.multi_reduction <maximumf>, %add3A_376, %reduce_max3A_377 [1] : vector<128x128xf32> to vector<128xf32>
    %max3A_379 = arith.constant 0xFF800000 : f32
    %max3A_380 = vector.broadcast %max3A_379 : f32 to vector<128xf32>
    %max3A_381 = arith.maximumf %max3A_380, %reduce_max3A_378 : vector<128xf32>
    %broadcast_in_dim3A_382 = vector.shape_cast %max3A_381 : vector<128xf32> to vector<128x1xf32>
    %sub3A_383 = vector.broadcast %broadcast_in_dim3A_382 : vector<128x1xf32> to vector<128x128xf32>
    %sub3A_384 = arith.subf %add3A_376, %sub3A_383 : vector<128x128xf32>
    %exp3A_385 = math.exp %sub3A_384 : vector<128x128xf32>
    %reduce_sum3A_386 = arith.constant dense<0.000000e+00> : vector<128xf32>
    %reduce_sum3A_387 = vector.multi_reduction <add>, %exp3A_385, %reduce_sum3A_386 [1] : vector<128x128xf32> to vector<128xf32>
    %broadcast_in_dim3A_388 = vector.shape_cast %reduce_sum3A_387 : vector<128xf32> to vector<128x1xf32>
    %div3A_389 = vector.broadcast %broadcast_in_dim3A_388 : vector<128x1xf32> to vector<128x128xf32>
    %div3A_390 = arith.divf %exp3A_385, %div3A_389 : vector<128x128xf32>
    %dot_general3A_391 = arith.constant dense<0.000000e+00> : vector<128x64xf32>
    %dot_general3A_392 = tpu.matmul %div3A_390, %slice3A_369, %dot_general3A_391 {dimension_numbers = #tpu.dot_dimension_numbers<[1], [0], [0], [1], [0, 0, 1, 1], [], []>, transpose_lhs_hint = false} : vector<128x128xf32>, vector<128x64xf32>, vector<128x64xf32> -> vector<128x64xf32>
    %concatenate3A = tpu.concatenate %dot_general3A_106, %dot_general3A_132, %dot_general3A_158, %dot_general3A_184, %dot_general3A_210, %dot_general3A_236, %dot_general3A_262, %dot_general3A_288, %dot_general3A_314, %dot_general3A_340, %dot_general3A_366, %dot_general3A_392 in 1 : vector<128x64xf32>, vector<128x64xf32>, vector<128x64xf32>, vector<128x64xf32>, vector<128x64xf32>, vector<128x64xf32>, vector<128x64xf32>, vector<128x64xf32>, vector<128x64xf32>, vector<128x64xf32>, vector<128x64xf32>, vector<128x64xf32> -> vector<128x768xf32>
    %get3A_393 = arith.constant 0 : index
    %get3A_394 = arith.constant 0 : index
    %get3A_395 = vector.load %arg12[%get3A_393, %get3A_394] : memref<768x768xf32, #tpu.memory_space<vmem>>, vector<768x768xf32>
    %dot_general3A_396 = arith.constant dense<0.000000e+00> : vector<128x768xf32>
    %dot_general3A_397 = tpu.matmul %concatenate3A, %get3A_395, %dot_general3A_396 {dimension_numbers = #tpu.dot_dimension_numbers<[1], [0], [0], [1], [0, 0, 1, 1], [], []>, transpose_lhs_hint = false} : vector<128x768xf32>, vector<768x768xf32>, vector<128x768xf32> -> vector<128x768xf32>
    %get3A_398 = arith.constant 0 : index
    %get3A_399 = arith.constant 0 : index
    %get3A_400 = vector.load %arg13[%get3A_398, %get3A_399] : memref<1x768xf32, #tpu.memory_space<vmem>>, vector<1x768xf32>
    %add3A_401 = vector.broadcast %get3A_400 : vector<1x768xf32> to vector<128x768xf32>
    %add3A_402 = arith.addf %dot_general3A_397, %add3A_401 : vector<128x768xf32>
    %add3A_403 = arith.addf %add3A_42, %add3A_402 : vector<128x768xf32>
    %get3A_404 = arith.constant 0 : index
    %get3A_405 = arith.constant 0 : index
    %get3A_406 = vector.load %arg14[%get3A_404, %get3A_405] : memref<1x768xf32, #tpu.memory_space<vmem>>, vector<1x768xf32>
    %get3A_407 = arith.constant 0 : index
    %get3A_408 = arith.constant 0 : index
    %get3A_409 = vector.load %arg15[%get3A_407, %get3A_408] : memref<1x768xf32, #tpu.memory_space<vmem>>, vector<1x768xf32>
    %reduce_sum3A_410 = arith.constant dense<0.000000e+00> : vector<128xf32>
    %reduce_sum3A_411 = vector.multi_reduction <add>, %add3A_403, %reduce_sum3A_410 [1] : vector<128x768xf32> to vector<128xf32>
    %broadcast_in_dim3A_412 = vector.shape_cast %reduce_sum3A_411 : vector<128xf32> to vector<128x1xf32>
    %div3A_413 = arith.constant 7.680000e+02 : f32
    %div3A_414 = vector.broadcast %div3A_413 : f32 to vector<128x1xf32>
    %div3A_415 = arith.divf %broadcast_in_dim3A_412, %div3A_414 : vector<128x1xf32>
    %jit3A_416 = arith.constant 0 : i32
    %reduce_sum3A_417 = arith.constant dense<0.000000e+00> : vector<128xf32>
    %reduce_sum3A_418 = vector.multi_reduction <add>, %add3A_403, %reduce_sum3A_417 [1] : vector<128x768xf32> to vector<128xf32>
    %broadcast_in_dim3A_419 = vector.shape_cast %reduce_sum3A_418 : vector<128xf32> to vector<128x1xf32>
    %div3A_420 = arith.constant 7.680000e+02 : f32
    %div3A_421 = vector.broadcast %div3A_420 : f32 to vector<128x1xf32>
    %div3A_422 = arith.divf %broadcast_in_dim3A_419, %div3A_421 : vector<128x1xf32>
    %sub3A_423 = vector.broadcast %div3A_422 : vector<128x1xf32> to vector<128x768xf32>
    %sub3A_424 = arith.subf %add3A_403, %sub3A_423 : vector<128x768xf32>
    %square3A_425 = arith.mulf %sub3A_424, %sub3A_424 : vector<128x768xf32>
    %convert_element_type3A_426 = arith.sitofp %jit3A_416 : i32 to f32
    %sub3A_427 = arith.constant 7.680000e+02 : f32
    %sub3A_428 = arith.subf %sub3A_427, %convert_element_type3A_426 : f32
    %reduce_sum3A_429 = arith.constant dense<0.000000e+00> : vector<128xf32>
    %reduce_sum3A_430 = vector.multi_reduction <add>, %square3A_425, %reduce_sum3A_429 [1] : vector<128x768xf32> to vector<128xf32>
    %broadcast_in_dim3A_431 = vector.shape_cast %reduce_sum3A_430 : vector<128xf32> to vector<128x1xf32>
    %div3A_432 = vector.broadcast %sub3A_428 : f32 to vector<128x1xf32>
    %div3A_433 = arith.divf %broadcast_in_dim3A_431, %div3A_432 : vector<128x1xf32>
    %gt3A_434 = arith.constant 0.000000e+00 : f32
    %gt3A_435 = arith.cmpf ogt, %sub3A_428, %gt3A_434 : f32
    %jit3A_436 = arith.constant 0x7FC00000 : f32
    %broadcast_in_dim3A_437 = vector.broadcast %jit3A_436 : f32 to vector<128x1xf32>
    %select_n3A_438 = arith.select %gt3A_435, %div3A_433, %broadcast_in_dim3A_437 : vector<128x1xf32>
    %sub3A_439 = vector.broadcast %div3A_415 : vector<128x1xf32> to vector<128x768xf32>
    %sub3A_440 = arith.subf %add3A_403, %sub3A_439 : vector<128x768xf32>
    %add3A_441 = arith.constant 9.99999996E-13 : f32
    %add3A_442 = vector.broadcast %add3A_441 : f32 to vector<128x1xf32>
    %add3A_443 = arith.addf %select_n3A_438, %add3A_442 : vector<128x1xf32>
    %sqrt3A_444 = math.sqrt %add3A_443 : vector<128x1xf32>
    %div3A_445 = vector.broadcast %sqrt3A_444 : vector<128x1xf32> to vector<128x768xf32>
    %div3A_446 = arith.divf %sub3A_440, %div3A_445 : vector<128x768xf32>
    %mul3A_447 = vector.broadcast %get3A_406 : vector<1x768xf32> to vector<128x768xf32>
    %mul3A_448 = arith.mulf %div3A_446, %mul3A_447 : vector<128x768xf32>
    %add3A_449 = vector.broadcast %get3A_409 : vector<1x768xf32> to vector<128x768xf32>
    %add3A_450 = arith.addf %mul3A_448, %add3A_449 : vector<128x768xf32>
    %broadcast_in_dim3A_451 = vector.shape_cast %add3A_450 : vector<128x768xf32> to vector<1x128x768xf32>
    %swap3A = arith.constant 0 : index
    %swap3A_452 = arith.constant 0 : index
    %swap3A_453 = arith.constant 0 : index
    %swap3A_454 = vector.load %arg16[%swap3A, %swap3A_452, %swap3A_453] : memref<1x128x768xf32, #tpu.memory_space<vmem>>, vector<1x128x768xf32>
    tpu.vector_store %arg16[%swap3A, %swap3A_452, %swap3A_453], %broadcast_in_dim3A_451 {strides = array<i32>} : memref<1x128x768xf32, #tpu.memory_space<vmem>>, vector<1x128x768xf32>,
    return
  }
  func.func @transform_0(%arg0: i32) -> (i32, i32, i32) {
    %c0_i32 = arith.constant 0 : i32
    %c0_i32_0 = arith.constant 0 : i32
    %c0_i32_1 = arith.constant 0 : i32
    return %arg0, %c0_i32, %c0_i32_0 : i32, i32, i32
  }
  func.func @transform_1(%arg0: i32) -> (i32, i32) {
    %c0_i32 = arith.constant 0 : i32
    %c0_i32_0 = arith.constant 0 : i32
    %c0_i32_1 = arith.constant 0 : i32
    return %c0_i32, %c0_i32_0 : i32, i32
  }
  func.func @transform_2(%arg0: i32) -> (i32, i32, i32) {
    %c0_i32 = arith.constant 0 : i32
    %c0_i32_0 = arith.constant 0 : i32
    %c0_i32_1 = arith.constant 0 : i32
    return %arg0, %c0_i32, %c0_i32_0 : i32, i32, i32
  }
  func.func @transform_3(%arg0: i32) -> (i32, i32) {
    %c0_i32 = arith.constant 0 : i32
    %c0_i32_0 = arith.constant 0 : i32
    %c0_i32_1 = arith.constant 0 : i32
    return %c0_i32, %c0_i32_0 : i32, i32
  }
  func.func @transform_4(%arg0: i32) -> (i32, i32) {
    %c0_i32 = arith.constant 0 : i32
    %c0_i32_0 = arith.constant 0 : i32
    %c0_i32_1 = arith.constant 0 : i32
    return %c0_i32, %c0_i32_0 : i32, i32
  }
  func.func @transform_5(%arg0: i32) -> (i32, i32) {
    %c0_i32 = arith.constant 0 : i32
    %c0_i32_0 = arith.constant 0 : i32
    %c0_i32_1 = arith.constant 0 : i32
    return %c0_i32, %c0_i32_0 : i32, i32
  }
  func.func @transform_6(%arg0: i32) -> (i32, i32) {
    %c0_i32 = arith.constant 0 : i32
    %c0_i32_0 = arith.constant 0 : i32
    %c0_i32_1 = arith.constant 0 : i32
    return %c0_i32, %c0_i32_0 : i32, i32
  }
  func.func @transform_7(%arg0: i32) -> (i32, i32) {
    %c0_i32 = arith.constant 0 : i32
    %c0_i32_0 = arith.constant 0 : i32
    %c0_i32_1 = arith.constant 0 : i32
    return %c0_i32, %c0_i32_0 : i32, i32
  }
  func.func @transform_8(%arg0: i32) -> (i32, i32) {
    %c0_i32 = arith.constant 0 : i32
    %c0_i32_0 = arith.constant 0 : i32
    %c0_i32_1 = arith.constant 0 : i32
    return %c0_i32, %c0_i32_0 : i32, i32
  }
  func.func @transform_9(%arg0: i32) -> (i32, i32) {
    %c0_i32 = arith.constant 0 : i32
    %c0_i32_0 = arith.constant 0 : i32
    %c0_i32_1 = arith.constant 0 : i32
    return %c0_i32, %c0_i32_0 : i32, i32
  }
  func.func @transform_10(%arg0: i32) -> (i32, i32) {
    %c0_i32 = arith.constant 0 : i32
    %c0_i32_0 = arith.constant 0 : i32
    %c0_i32_1 = arith.constant 0 : i32
    return %c0_i32, %c0_i32_0 : i32, i32
  }
  func.func @transform_11(%arg0: i32) -> (i32, i32) {
    %c0_i32 = arith.constant 0 : i32
    %c0_i32_0 = arith.constant 0 : i32
    %c0_i32_1 = arith.constant 0 : i32
    return %c0_i32, %c0_i32_0 : i32, i32
  }
  func.func @transform_12(%arg0: i32) -> (i32, i32) {
    %c0_i32 = arith.constant 0 : i32
    %c0_i32_0 = arith.constant 0 : i32
    %c0_i32_1 = arith.constant 0 : i32
    return %c0_i32, %c0_i32_0 : i32, i32
  }
  func.func @transform_13(%arg0: i32) -> (i32, i32) {
    %c0_i32 = arith.constant 0 : i32
    %c0_i32_0 = arith.constant 0 : i32
    %c0_i32_1 = arith.constant 0 : i32
    return %c0_i32, %c0_i32_0 : i32, i32
  }
  func.func @transform_14(%arg0: i32) -> (i32, i32) {
    %c0_i32 = arith.constant 0 : i32
    %c0_i32_0 = arith.constant 0 : i32
    %c0_i32_1 = arith.constant 0 : i32
    return %c0_i32, %c0_i32_0 : i32, i32
  }
  func.func @transform_15(%arg0: i32) -> (i32, i32, i32) {
    %c0_i32 = arith.constant 0 : i32
    %c0_i32_0 = arith.constant 0 : i32
    %c0_i32_1 = arith.constant 0 : i32
    return %arg0, %c0_i32, %c0_i32_0 : i32, i32, i32
  }
}

module attributes {stable_mosaic.version = 14 : i64} {
  func.func @_tc_ffn_body(%arg0: i32, %arg1: i32, %arg2: memref<1x128x768xf32, #tpu.memory_space<vmem>>, %arg3: memref<768x768xf32, #tpu.memory_space<vmem>>, %arg4: memref<1x768xf32, #tpu.memory_space<vmem>>, %arg5: memref<768x768xf32, #tpu.memory_space<vmem>>, %arg6: memref<1x768xf32, #tpu.memory_space<vmem>>, %arg7: memref<1x768xf32, #tpu.memory_space<vmem>>, %arg8: memref<1x768xf32, #tpu.memory_space<vmem>>, %arg9: memref<768x768xf32, #tpu.memory_space<vmem>>, %arg10: memref<1x768xf32, #tpu.memory_space<vmem>>, %arg11: memref<1x1x768xf32, #tpu.memory_space<vmem>>, %arg12: memref<128x768xf32, #tpu.memory_space<vmem>>) attributes {dimension_semantics = [#tpu.dimension_semantics<arbitrary>, #tpu.dimension_semantics<arbitrary>], iteration_bounds = array<i64: 32, 4>, scalar_prefetch = 0 : i64, scratch_operands = 1 : i64, tpu.core_type = #tpu.core_type<tc>, window_params = [{transform_indices = @transform_0, window_bounds = array<i64: 1, 128, 768>}, {transform_indices = @transform_1, window_bounds = array<i64: 768, 768>}, {transform_indices = @transform_2, window_bounds = array<i64: 1, 768>}, {transform_indices = @transform_3, window_bounds = array<i64: 768, 768>}, {pipeline_mode = #tpu.pipeline_mode<synchronous>, transform_indices = @transform_4, window_bounds = array<i64: 1, 768>}, {pipeline_mode = #tpu.pipeline_mode<synchronous>, transform_indices = @transform_5, window_bounds = array<i64: 1, 768>}, {pipeline_mode = #tpu.pipeline_mode<synchronous>, transform_indices = @transform_6, window_bounds = array<i64: 1, 768>}, {pipeline_mode = #tpu.pipeline_mode<synchronous>, transform_indices = @transform_7, window_bounds = array<i64: 768, 768>}, {pipeline_mode = #tpu.pipeline_mode<synchronous>, transform_indices = @transform_8, window_bounds = array<i64: 1, 768>}, {transform_indices = @transform_9, window_bounds = array<i64: 1, 1, 768>}]} {
    %get3A = arith.constant 0 : index
    %get3A_0 = arith.constant 0 : index
    %get3A_1 = arith.constant 0 : index
    %get3A_2 = vector.load %arg2[%get3A, %get3A_0, %get3A_1] : memref<1x128x768xf32, #tpu.memory_space<vmem>>, vector<1x128x768xf32>
    %get3A_3 = vector.shape_cast %get3A_2 : vector<1x128x768xf32> to vector<128x768xf32>
    %get3A_4 = arith.constant 0 : index
    %get3A_5 = arith.constant 0 : index
    %get3A_6 = vector.load %arg3[%get3A_4, %get3A_5] : memref<768x768xf32, #tpu.memory_space<vmem>>, vector<768x768xf32>
    %dot_general3A = arith.constant dense<0.000000e+00> : vector<128x768xf32>
    %dot_general3A_7 = tpu.matmul %get3A_3, %get3A_6, %dot_general3A {dimension_numbers = #tpu.dot_dimension_numbers<[1], [0], [0], [1], [0, 0, 1, 1], [], []>, transpose_lhs_hint = false} : vector<128x768xf32>, vector<768x768xf32>, vector<128x768xf32> -> vector<128x768xf32>
    %get3A_8 = arith.constant 0 : index
    %get3A_9 = arith.constant 0 : index
    %get3A_10 = vector.load %arg4[%get3A_8, %get3A_9] : memref<1x768xf32, #tpu.memory_space<vmem>>, vector<1x768xf32>
    %add3A = vector.broadcast %get3A_10 : vector<1x768xf32> to vector<128x768xf32>
    %add3A_11 = arith.addf %dot_general3A_7, %add3A : vector<128x768xf32>
    %integer_pow3A = arith.mulf %add3A_11, %add3A_11 : vector<128x768xf32>
    %integer_pow3A_12 = arith.mulf %add3A_11, %integer_pow3A : vector<128x768xf32>
    %mul3A = arith.constant 4.471500e-02 : f32
    %mul3A_13 = vector.broadcast %mul3A : f32 to vector<128x768xf32>
    %mul3A_14 = arith.mulf %mul3A_13, %integer_pow3A_12 : vector<128x768xf32>
    %add3A_15 = arith.addf %add3A_11, %mul3A_14 : vector<128x768xf32>
    %mul3A_16 = arith.constant 0.797884583 : f32
    %mul3A_17 = vector.broadcast %mul3A_16 : f32 to vector<128x768xf32>
    %mul3A_18 = arith.mulf %mul3A_17, %add3A_15 : vector<128x768xf32>
    %tanh3A = math.tanh %mul3A_18 : vector<128x768xf32>
    %add3A_19 = arith.constant 1.000000e+00 : f32
    %add3A_20 = vector.broadcast %add3A_19 : f32 to vector<128x768xf32>
    %add3A_21 = arith.addf %add3A_20, %tanh3A : vector<128x768xf32>
    %mul3A_22 = arith.constant 5.000000e-01 : f32
    %mul3A_23 = vector.broadcast %mul3A_22 : f32 to vector<128x768xf32>
    %mul3A_24 = arith.mulf %mul3A_23, %add3A_21 : vector<128x768xf32>
    %mul3A_25 = arith.mulf %add3A_11, %mul3A_24 : vector<128x768xf32>
    %get3A_26 = arith.constant 0 : index
    %get3A_27 = arith.constant 0 : index
    %get3A_28 = vector.load %arg5[%get3A_26, %get3A_27] : memref<768x768xf32, #tpu.memory_space<vmem>>, vector<768x768xf32>
    %dot_general3A_29 = arith.constant dense<0.000000e+00> : vector<128x768xf32>
    %dot_general3A_30 = tpu.matmul %mul3A_25, %get3A_28, %dot_general3A_29 {dimension_numbers = #tpu.dot_dimension_numbers<[1], [0], [0], [1], [0, 0, 1, 1], [], []>, transpose_lhs_hint = false} : vector<128x768xf32>, vector<768x768xf32>, vector<128x768xf32> -> vector<128x768xf32>
    %eq3A = arith.constant 0 : i32
    %eq3A_31 = arith.cmpi eq, %arg1, %eq3A : i32
    %convert_element_type3A = arith.extui %eq3A_31 : i1 to i32
    %cond3A = arith.constant 0 : i32
    %cond3A_32 = arith.cmpi ne, %convert_element_type3A, %cond3A : i32
    scf.if %cond3A_32 {
      %swap3A = arith.constant 0 : index
      %swap3A_42 = arith.constant 0 : index
      %swap3A_43 = vector.load %arg12[%swap3A, %swap3A_42] : memref<128x768xf32, #tpu.memory_space<vmem>>, vector<128x768xf32>
      tpu.vector_store %arg12[%swap3A, %swap3A_42], %dot_general3A_30 {strides = array<i32>} : memref<128x768xf32, #tpu.memory_space<vmem>>, vector<128x768xf32>,
    } else {
    }
    %gt3A = arith.constant 0 : i32
    %gt3A_33 = arith.cmpi sgt, %arg1, %gt3A : i32
    %convert_element_type3A_34 = arith.extui %gt3A_33 : i1 to i32
    %cond3A_35 = arith.constant 0 : i32
    %cond3A_36 = arith.cmpi ne, %convert_element_type3A_34, %cond3A_35 : i32
    scf.if %cond3A_36 {
      %get3A_42 = arith.constant 0 : index
      %get3A_43 = arith.constant 0 : index
      %get3A_44 = vector.load %arg12[%get3A_42, %get3A_43] : memref<128x768xf32, #tpu.memory_space<vmem>>, vector<128x768xf32>
      %add3A_45 = arith.addf %get3A_44, %dot_general3A_30 : vector<128x768xf32>
      %swap3A = arith.constant 0 : index
      %swap3A_46 = arith.constant 0 : index
      %swap3A_47 = vector.load %arg12[%swap3A, %swap3A_46] : memref<128x768xf32, #tpu.memory_space<vmem>>, vector<128x768xf32>
      tpu.vector_store %arg12[%swap3A, %swap3A_46], %add3A_45 {strides = array<i32>} : memref<128x768xf32, #tpu.memory_space<vmem>>, vector<128x768xf32>,
    } else {
    }
    %eq3A_37 = arith.constant 3 : i32
    %eq3A_38 = arith.cmpi eq, %arg1, %eq3A_37 : i32
    %convert_element_type3A_39 = arith.extui %eq3A_38 : i1 to i32
    %cond3A_40 = arith.constant 0 : i32
    %cond3A_41 = arith.cmpi ne, %convert_element_type3A_39, %cond3A_40 : i32
    scf.if %cond3A_41 {
      %get3A_42 = arith.constant 0 : index
      %get3A_43 = arith.constant 0 : index
      %get3A_44 = vector.load %arg12[%get3A_42, %get3A_43] : memref<128x768xf32, #tpu.memory_space<vmem>>, vector<128x768xf32>
      %add3A_45 = arith.addf %get3A_3, %get3A_44 : vector<128x768xf32>
      %get3A_46 = arith.constant 0 : index
      %get3A_47 = arith.constant 0 : index
      %get3A_48 = vector.load %arg6[%get3A_46, %get3A_47] : memref<1x768xf32, #tpu.memory_space<vmem>>, vector<1x768xf32>
      %add3A_49 = vector.broadcast %get3A_48 : vector<1x768xf32> to vector<128x768xf32>
      %add3A_50 = arith.addf %add3A_45, %add3A_49 : vector<128x768xf32>
      %get3A_51 = arith.constant 0 : index
      %get3A_52 = arith.constant 0 : index
      %get3A_53 = vector.load %arg7[%get3A_51, %get3A_52] : memref<1x768xf32, #tpu.memory_space<vmem>>, vector<1x768xf32>
      %get3A_54 = arith.constant 0 : index
      %get3A_55 = arith.constant 0 : index
      %get3A_56 = vector.load %arg8[%get3A_54, %get3A_55] : memref<1x768xf32, #tpu.memory_space<vmem>>, vector<1x768xf32>
      %reduce_sum3A = arith.constant dense<0.000000e+00> : vector<128xf32>
      %reduce_sum3A_57 = vector.multi_reduction <add>, %add3A_50, %reduce_sum3A [1] : vector<128x768xf32> to vector<128xf32>
      %broadcast_in_dim3A = vector.shape_cast %reduce_sum3A_57 : vector<128xf32> to vector<128x1xf32>
      %div3A = arith.constant 7.680000e+02 : f32
      %div3A_58 = vector.broadcast %div3A : f32 to vector<128x1xf32>
      %div3A_59 = arith.divf %broadcast_in_dim3A, %div3A_58 : vector<128x1xf32>
      %jit3A = arith.constant 0 : i32
      %reduce_sum3A_60 = arith.constant dense<0.000000e+00> : vector<128xf32>
      %reduce_sum3A_61 = vector.multi_reduction <add>, %add3A_50, %reduce_sum3A_60 [1] : vector<128x768xf32> to vector<128xf32>
      %broadcast_in_dim3A_62 = vector.shape_cast %reduce_sum3A_61 : vector<128xf32> to vector<128x1xf32>
      %div3A_63 = arith.constant 7.680000e+02 : f32
      %div3A_64 = vector.broadcast %div3A_63 : f32 to vector<128x1xf32>
      %div3A_65 = arith.divf %broadcast_in_dim3A_62, %div3A_64 : vector<128x1xf32>
      %sub3A = vector.broadcast %div3A_65 : vector<128x1xf32> to vector<128x768xf32>
      %sub3A_66 = arith.subf %add3A_50, %sub3A : vector<128x768xf32>
      %square3A = arith.mulf %sub3A_66, %sub3A_66 : vector<128x768xf32>
      %convert_element_type3A_67 = arith.sitofp %jit3A : i32 to f32
      %sub3A_68 = arith.constant 7.680000e+02 : f32
      %sub3A_69 = arith.subf %sub3A_68, %convert_element_type3A_67 : f32
      %reduce_sum3A_70 = arith.constant dense<0.000000e+00> : vector<128xf32>
      %reduce_sum3A_71 = vector.multi_reduction <add>, %square3A, %reduce_sum3A_70 [1] : vector<128x768xf32> to vector<128xf32>
      %broadcast_in_dim3A_72 = vector.shape_cast %reduce_sum3A_71 : vector<128xf32> to vector<128x1xf32>
      %div3A_73 = vector.broadcast %sub3A_69 : f32 to vector<128x1xf32>
      %div3A_74 = arith.divf %broadcast_in_dim3A_72, %div3A_73 : vector<128x1xf32>
      %gt3A_75 = arith.constant 0.000000e+00 : f32
      %gt3A_76 = arith.cmpf ogt, %sub3A_69, %gt3A_75 : f32
      %jit3A_77 = arith.constant 0x7FC00000 : f32
      %broadcast_in_dim3A_78 = vector.broadcast %jit3A_77 : f32 to vector<128x1xf32>
      %select_n3A = arith.select %gt3A_76, %div3A_74, %broadcast_in_dim3A_78 : vector<128x1xf32>
      %sub3A_79 = vector.broadcast %div3A_59 : vector<128x1xf32> to vector<128x768xf32>
      %sub3A_80 = arith.subf %add3A_50, %sub3A_79 : vector<128x768xf32>
      %add3A_81 = arith.constant 9.99999996E-13 : f32
      %add3A_82 = vector.broadcast %add3A_81 : f32 to vector<128x1xf32>
      %add3A_83 = arith.addf %select_n3A, %add3A_82 : vector<128x1xf32>
      %sqrt3A = math.sqrt %add3A_83 : vector<128x1xf32>
      %div3A_84 = vector.broadcast %sqrt3A : vector<128x1xf32> to vector<128x768xf32>
      %div3A_85 = arith.divf %sub3A_80, %div3A_84 : vector<128x768xf32>
      %mul3A_86 = vector.broadcast %get3A_53 : vector<1x768xf32> to vector<128x768xf32>
      %mul3A_87 = arith.mulf %div3A_85, %mul3A_86 : vector<128x768xf32>
      %add3A_88 = vector.broadcast %get3A_56 : vector<1x768xf32> to vector<128x768xf32>
      %add3A_89 = arith.addf %mul3A_87, %add3A_88 : vector<128x768xf32>
      %slice3A = vector.extract_strided_slice %add3A_89 {offsets = [0, 0], sizes = [1, 768], strides = [1, 1]} : vector<128x768xf32> to vector<1x768xf32>
      %get3A_90 = arith.constant 0 : index
      %get3A_91 = arith.constant 0 : index
      %get3A_92 = vector.load %arg9[%get3A_90, %get3A_91] : memref<768x768xf32, #tpu.memory_space<vmem>>, vector<768x768xf32>
      %dot_general3A_93 = arith.constant dense<0.000000e+00> : vector<1x768xf32>
      %dot_general3A_94 = tpu.matmul %slice3A, %get3A_92, %dot_general3A_93 {dimension_numbers = #tpu.dot_dimension_numbers<[1], [0], [0], [1], [0, 0, 1, 1], [], []>, transpose_lhs_hint = false} : vector<1x768xf32>, vector<768x768xf32>, vector<1x768xf32> -> vector<1x768xf32>
      %get3A_95 = arith.constant 0 : index
      %get3A_96 = arith.constant 0 : index
      %get3A_97 = vector.load %arg10[%get3A_95, %get3A_96] : memref<1x768xf32, #tpu.memory_space<vmem>>, vector<1x768xf32>
      %add3A_98 = arith.addf %dot_general3A_94, %get3A_97 : vector<1x768xf32>
      %tanh3A_99 = math.tanh %add3A_98 : vector<1x768xf32>
      %broadcast_in_dim3A_100 = vector.shape_cast %tanh3A_99 : vector<1x768xf32> to vector<1x1x768xf32>
      %swap3A = arith.constant 0 : index
      %swap3A_101 = arith.constant 0 : index
      %swap3A_102 = arith.constant 0 : index
      %swap3A_103 = vector.load %arg11[%swap3A, %swap3A_101, %swap3A_102] : memref<1x1x768xf32, #tpu.memory_space<vmem>>, vector<1x1x768xf32>
      tpu.vector_store %arg11[%swap3A, %swap3A_101, %swap3A_102], %broadcast_in_dim3A_100 {strides = array<i32>} : memref<1x1x768xf32, #tpu.memory_space<vmem>>, vector<1x1x768xf32>,
    } else {
    }
    return
  }
  func.func @transform_0(%arg0: i32, %arg1: i32) -> (i32, i32, i32) {
    %c0_i32 = arith.constant 0 : i32
    %c0_i32_0 = arith.constant 0 : i32
    %c0_i32_1 = arith.constant 0 : i32
    return %arg0, %c0_i32, %c0_i32_0 : i32, i32, i32
  }
  func.func @transform_1(%arg0: i32, %arg1: i32) -> (i32, i32) {
    %c0_i32 = arith.constant 0 : i32
    %c0_i32_0 = arith.constant 0 : i32
    return %c0_i32, %arg1 : i32, i32
  }
  func.func @transform_2(%arg0: i32, %arg1: i32) -> (i32, i32) {
    %c0_i32 = arith.constant 0 : i32
    %c0_i32_0 = arith.constant 0 : i32
    return %c0_i32, %arg1 : i32, i32
  }
  func.func @transform_3(%arg0: i32, %arg1: i32) -> (i32, i32) {
    %c0_i32 = arith.constant 0 : i32
    %c0_i32_0 = arith.constant 0 : i32
    return %arg1, %c0_i32 : i32, i32
  }
  func.func @transform_4(%arg0: i32, %arg1: i32) -> (i32, i32) {
    %c0_i32 = arith.constant 0 : i32
    %c0_i32_0 = arith.constant 0 : i32
    %c0_i32_1 = arith.constant 0 : i32
    return %c0_i32, %c0_i32_0 : i32, i32
  }
  func.func @transform_5(%arg0: i32, %arg1: i32) -> (i32, i32) {
    %c0_i32 = arith.constant 0 : i32
    %c0_i32_0 = arith.constant 0 : i32
    %c0_i32_1 = arith.constant 0 : i32
    return %c0_i32, %c0_i32_0 : i32, i32
  }
  func.func @transform_6(%arg0: i32, %arg1: i32) -> (i32, i32) {
    %c0_i32 = arith.constant 0 : i32
    %c0_i32_0 = arith.constant 0 : i32
    %c0_i32_1 = arith.constant 0 : i32
    return %c0_i32, %c0_i32_0 : i32, i32
  }
  func.func @transform_7(%arg0: i32, %arg1: i32) -> (i32, i32) {
    %c0_i32 = arith.constant 0 : i32
    %c0_i32_0 = arith.constant 0 : i32
    %c0_i32_1 = arith.constant 0 : i32
    return %c0_i32, %c0_i32_0 : i32, i32
  }
  func.func @transform_8(%arg0: i32, %arg1: i32) -> (i32, i32) {
    %c0_i32 = arith.constant 0 : i32
    %c0_i32_0 = arith.constant 0 : i32
    %c0_i32_1 = arith.constant 0 : i32
    return %c0_i32, %c0_i32_0 : i32, i32
  }
  func.func @transform_9(%arg0: i32, %arg1: i32) -> (i32, i32, i32) {
    %c0_i32 = arith.constant 0 : i32
    %c0_i32_0 = arith.constant 0 : i32
    %c0_i32_1 = arith.constant 0 : i32
    return %arg0, %c0_i32, %c0_i32_0 : i32, i32, i32
  }
}

module attributes {stable_mosaic.version = 14 : i64} {
  func.func @_tc_pool_body(%arg0: i32, %arg1: memref<2x1000x128xf32, #tpu.memory_space<vmem>>, %arg2: memref<1x1000x128xf32, #tpu.memory_space<vmem>>, %arg3: memref<1x256xf32, #tpu.memory_space<vmem>>, %arg4: memref<1x1x1000xi32, #tpu.memory_space<vmem>>, %arg5: memref<32x256xf32, #tpu.memory_space<vmem>>, %arg6: memref<32x128xf32, #tpu.memory_space<vmem>>) attributes {dimension_semantics = [#tpu.dimension_semantics<arbitrary>], iteration_bounds = array<i64: 10>, scalar_prefetch = 0 : i64, scratch_operands = 0 : i64, tpu.core_type = #tpu.core_type<tc>, window_params = [{transform_indices = @transform_0, window_bounds = array<i64: 2, 1000, 128>}, {transform_indices = @transform_1, window_bounds = array<i64: 1, 1000, 128>}, {pipeline_mode = #tpu.pipeline_mode<synchronous>, transform_indices = @transform_2, window_bounds = array<i64: 1, 256>}, {transform_indices = @transform_3, window_bounds = array<i64: 1, 1, 1000>}, {pipeline_mode = #tpu.pipeline_mode<synchronous>, transform_indices = @transform_4, window_bounds = array<i64: 32, 256>}, {pipeline_mode = #tpu.pipeline_mode<synchronous>, transform_indices = @transform_5, window_bounds = array<i64: 32, 128>}]} {
    %get3A = arith.constant 0 : index
    %get3A_0 = arith.constant 0 : index
    %get3A_1 = arith.constant 0 : index
    %get3A_2 = vector.load %arg2[%get3A, %get3A_0, %get3A_1] : memref<1x1000x128xf32, #tpu.memory_space<vmem>>, vector<1x1000x128xf32>
    %get3A_3 = vector.shape_cast %get3A_2 : vector<1x1000x128xf32> to vector<1000x128xf32>
    %slice3A = vector.extract_strided_slice %get3A_3 {offsets = [0, 0], sizes = [1000, 1], strides = [1, 1]} : vector<1000x128xf32> to vector<1000x1xf32>
    %rsqrt3A = math.rsqrt %slice3A : vector<1000x1xf32>
    %get3A_4 = arith.constant 0 : index
    %get3A_5 = arith.constant 0 : index
    %get3A_6 = arith.constant 0 : index
    %get3A_7 = vector.load %arg1[%get3A_4, %get3A_5, %get3A_6] : memref<2x1000x128xf32, #tpu.memory_space<vmem>>, vector<1x1000x128xf32>
    %get3A_8 = vector.shape_cast %get3A_7 : vector<1x1000x128xf32> to vector<1000x128xf32>
    %get3A_9 = arith.constant 1 : index
    %get3A_10 = arith.constant 0 : index
    %get3A_11 = arith.constant 0 : index
    %get3A_12 = vector.load %arg1[%get3A_9, %get3A_10, %get3A_11] : memref<2x1000x128xf32, #tpu.memory_space<vmem>>, vector<1x1000x128xf32>
    %get3A_13 = vector.shape_cast %get3A_12 : vector<1x1000x128xf32> to vector<1000x128xf32>
    %concatenate3A = tpu.concatenate %get3A_8, %get3A_13 in 1 : vector<1000x128xf32>, vector<1000x128xf32> -> vector<1000x256xf32>
    %mul3A = vector.broadcast %rsqrt3A : vector<1000x1xf32> to vector<1000x256xf32>
    %mul3A_14 = arith.mulf %concatenate3A, %mul3A : vector<1000x256xf32>
    %get3A_15 = arith.constant 0 : index
    %get3A_16 = arith.constant 0 : index
    %get3A_17 = vector.load %arg3[%get3A_15, %get3A_16] : memref<1x256xf32, #tpu.memory_space<vmem>>, vector<1x256xf32>
    %add3A = vector.broadcast %get3A_17 : vector<1x256xf32> to vector<1000x256xf32>
    %add3A_18 = arith.addf %mul3A_14, %add3A : vector<1000x256xf32>
    %max3A = arith.constant 0.000000e+00 : f32
    %max3A_19 = vector.broadcast %max3A : f32 to vector<1000x256xf32>
    %max3A_20 = arith.maximumf %add3A_18, %max3A_19 : vector<1000x256xf32>
    %get3A_21 = arith.constant 0 : index
    %get3A_22 = arith.constant 0 : index
    %get3A_23 = arith.constant 0 : index
    %get3A_24 = vector.load %arg4[%get3A_21, %get3A_22, %get3A_23] : memref<1x1x1000xi32, #tpu.memory_space<vmem>>, vector<1x1x1000xi32>
    %get3A_25 = vector.shape_cast %get3A_24 : vector<1x1x1000xi32> to vector<1000xi32>
    %broadcast_in_dim3A = vector.shape_cast %get3A_25 : vector<1000xi32> to vector<1000x1xi32>
    %iota3A = tpu.iota {dimensions = array<i32: 1>} : vector<1000x32xi32>
    %eq3A = vector.broadcast %broadcast_in_dim3A : vector<1000x1xi32> to vector<1000x32xi32>
    %eq3A_26 = arith.cmpi eq, %eq3A, %iota3A : vector<1000x32xi32>
    %convert_element_type3A = arith.extui %eq3A_26 : vector<1000x32xi1> to vector<1000x32xi32>
    %convert_element_type3A_27 = arith.sitofp %convert_element_type3A : vector<1000x32xi32> to vector<1000x32xf32>
    %dot_general3A = arith.constant dense<0.000000e+00> : vector<32x256xf32>
    %dot_general3A_28 = tpu.matmul %convert_element_type3A_27, %max3A_20, %dot_general3A {dimension_numbers = #tpu.dot_dimension_numbers<[0], [0], [1], [1], [0, 1, 1, 1], [], []>, transpose_lhs_hint = false} : vector<1000x32xf32>, vector<1000x256xf32>, vector<32x256xf32> -> vector<32x256xf32>
    %broadcast_in_dim3A_29 = arith.constant 1.000000e+00 : f32
    %broadcast_in_dim3A_30 = vector.broadcast %broadcast_in_dim3A_29 : f32 to vector<1000x128xf32>
    %dot_general3A_31 = arith.constant dense<0.000000e+00> : vector<32x128xf32>
    %dot_general3A_32 = tpu.matmul %convert_element_type3A_27, %broadcast_in_dim3A_30, %dot_general3A_31 {dimension_numbers = #tpu.dot_dimension_numbers<[0], [0], [1], [1], [0, 1, 1, 1], [], []>, transpose_lhs_hint = false} : vector<1000x32xf32>, vector<1000x128xf32>, vector<32x128xf32> -> vector<32x128xf32>
    %eq3A_33 = arith.constant 0 : i32
    %eq3A_34 = arith.cmpi eq, %arg0, %eq3A_33 : i32
    %convert_element_type3A_35 = arith.extui %eq3A_34 : i1 to i32
    %cond3A = arith.constant 0 : i32
    %cond3A_36 = arith.cmpi ne, %convert_element_type3A_35, %cond3A : i32
    scf.if %cond3A_36 {
      %swap3A = arith.constant 0 : index
      %swap3A_41 = arith.constant 0 : index
      %swap3A_42 = vector.load %arg5[%swap3A, %swap3A_41] : memref<32x256xf32, #tpu.memory_space<vmem>>, vector<32x256xf32>
      tpu.vector_store %arg5[%swap3A, %swap3A_41], %dot_general3A_28 {strides = array<i32>} : memref<32x256xf32, #tpu.memory_space<vmem>>, vector<32x256xf32>,
      %swap3A_43 = arith.constant 0 : index
      %swap3A_44 = arith.constant 0 : index
      %swap3A_45 = vector.load %arg6[%swap3A_43, %swap3A_44] : memref<32x128xf32, #tpu.memory_space<vmem>>, vector<32x128xf32>
      tpu.vector_store %arg6[%swap3A_43, %swap3A_44], %dot_general3A_32 {strides = array<i32>} : memref<32x128xf32, #tpu.memory_space<vmem>>, vector<32x128xf32>,
    } else {
    }
    %gt3A = arith.constant 0 : i32
    %gt3A_37 = arith.cmpi sgt, %arg0, %gt3A : i32
    %convert_element_type3A_38 = arith.extui %gt3A_37 : i1 to i32
    %cond3A_39 = arith.constant 0 : i32
    %cond3A_40 = arith.cmpi ne, %convert_element_type3A_38, %cond3A_39 : i32
    scf.if %cond3A_40 {
      %get3A_41 = arith.constant 0 : index
      %get3A_42 = arith.constant 0 : index
      %get3A_43 = vector.load %arg5[%get3A_41, %get3A_42] : memref<32x256xf32, #tpu.memory_space<vmem>>, vector<32x256xf32>
      %add3A_44 = arith.addf %get3A_43, %dot_general3A_28 : vector<32x256xf32>
      %swap3A = arith.constant 0 : index
      %swap3A_45 = arith.constant 0 : index
      %swap3A_46 = vector.load %arg5[%swap3A, %swap3A_45] : memref<32x256xf32, #tpu.memory_space<vmem>>, vector<32x256xf32>
      tpu.vector_store %arg5[%swap3A, %swap3A_45], %add3A_44 {strides = array<i32>} : memref<32x256xf32, #tpu.memory_space<vmem>>, vector<32x256xf32>,
      %get3A_47 = arith.constant 0 : index
      %get3A_48 = arith.constant 0 : index
      %get3A_49 = vector.load %arg6[%get3A_47, %get3A_48] : memref<32x128xf32, #tpu.memory_space<vmem>>, vector<32x128xf32>
      %add3A_50 = arith.addf %get3A_49, %dot_general3A_32 : vector<32x128xf32>
      %swap3A_51 = arith.constant 0 : index
      %swap3A_52 = arith.constant 0 : index
      %swap3A_53 = vector.load %arg6[%swap3A_51, %swap3A_52] : memref<32x128xf32, #tpu.memory_space<vmem>>, vector<32x128xf32>
      tpu.vector_store %arg6[%swap3A_51, %swap3A_52], %add3A_50 {strides = array<i32>} : memref<32x128xf32, #tpu.memory_space<vmem>>, vector<32x128xf32>,
    } else {
    }
    return
  }
  func.func @transform_0(%arg0: i32) -> (i32, i32, i32) {
    %c0_i32 = arith.constant 0 : i32
    %c0_i32_0 = arith.constant 0 : i32
    %c0_i32_1 = arith.constant 0 : i32
    return %c0_i32, %arg0, %c0_i32_0 : i32, i32, i32
  }
  func.func @transform_1(%arg0: i32) -> (i32, i32, i32) {
    %c0_i32 = arith.constant 0 : i32
    %c0_i32_0 = arith.constant 0 : i32
    %c0_i32_1 = arith.constant 0 : i32
    return %c0_i32, %arg0, %c0_i32_0 : i32, i32, i32
  }
  func.func @transform_2(%arg0: i32) -> (i32, i32) {
    %c0_i32 = arith.constant 0 : i32
    %c0_i32_0 = arith.constant 0 : i32
    %c0_i32_1 = arith.constant 0 : i32
    return %c0_i32, %c0_i32_0 : i32, i32
  }
  func.func @transform_3(%arg0: i32) -> (i32, i32, i32) {
    %c0_i32 = arith.constant 0 : i32
    %c0_i32_0 = arith.constant 0 : i32
    %c0_i32_1 = arith.constant 0 : i32
    return %arg0, %c0_i32, %c0_i32_0 : i32, i32, i32
  }
  func.func @transform_4(%arg0: i32) -> (i32, i32) {
    %c0_i32 = arith.constant 0 : i32
    %c0_i32_0 = arith.constant 0 : i32
    %c0_i32_1 = arith.constant 0 : i32
    return %c0_i32, %c0_i32_0 : i32, i32
  }
  func.func @transform_5(%arg0: i32) -> (i32, i32) {
    %c0_i32 = arith.constant 0 : i32
    %c0_i32_0 = arith.constant 0 : i32
    %c0_i32_1 = arith.constant 0 : i32
    return %c0_i32, %c0_i32_0 : i32, i32
  }
}

module attributes {stable_mosaic.version = 14 : i64} {
  func.func @_tc_cls_body(%arg0: memref<32x256xf32, #tpu.memory_space<vmem>>, %arg1: memref<32x128xf32, #tpu.memory_space<vmem>>, %arg2: memref<32x768xf32, #tpu.memory_space<vmem>>, %arg3: memref<1024x128xf32, #tpu.memory_space<vmem>>, %arg4: memref<1x128xf32, #tpu.memory_space<vmem>>, %arg5: memref<128x128xf32, #tpu.memory_space<vmem>>, %arg6: memref<1x128xf32, #tpu.memory_space<vmem>>, %arg7: memref<32x128xf32, #tpu.memory_space<vmem>>) attributes {dimension_semantics = [], scalar_prefetch = 0 : i64, scratch_operands = 0 : i64, tpu.core_type = #tpu.core_type<tc>} {
    %get3A = arith.constant 0 : index
    %get3A_0 = arith.constant 0 : index
    %get3A_1 = vector.load %arg0[%get3A, %get3A_0] : memref<32x256xf32, #tpu.memory_space<vmem>>, vector<32x256xf32>
    %get3A_2 = arith.constant 0 : index
    %get3A_3 = arith.constant 0 : index
    %get3A_4 = vector.load %arg1[%get3A_2, %get3A_3] : memref<32x128xf32, #tpu.memory_space<vmem>>, vector<32x1xf32>
    %max3A = arith.constant 1.000000e+00 : f32
    %max3A_5 = vector.broadcast %max3A : f32 to vector<32x1xf32>
    %max3A_6 = arith.maximumf %get3A_4, %max3A_5 : vector<32x1xf32>
    %div3A = vector.broadcast %max3A_6 : vector<32x1xf32> to vector<32x256xf32>
    %div3A_7 = arith.divf %get3A_1, %div3A : vector<32x256xf32>
    %get3A_8 = arith.constant 0 : index
    %get3A_9 = arith.constant 0 : index
    %get3A_10 = vector.load %arg2[%get3A_8, %get3A_9] : memref<32x768xf32, #tpu.memory_space<vmem>>, vector<32x768xf32>
    %concatenate3A = tpu.concatenate %div3A_7, %get3A_10 in 1 : vector<32x256xf32>, vector<32x768xf32> -> vector<32x1024xf32>
    %get3A_11 = arith.constant 0 : index
    %get3A_12 = arith.constant 0 : index
    %get3A_13 = vector.load %arg3[%get3A_11, %get3A_12] : memref<1024x128xf32, #tpu.memory_space<vmem>>, vector<1024x128xf32>
    %dot_general3A = arith.constant dense<0.000000e+00> : vector<32x128xf32>
    %dot_general3A_14 = tpu.matmul %concatenate3A, %get3A_13, %dot_general3A {dimension_numbers = #tpu.dot_dimension_numbers<[1], [0], [0], [1], [0, 0, 1, 1], [], []>, transpose_lhs_hint = false} : vector<32x1024xf32>, vector<1024x128xf32>, vector<32x128xf32> -> vector<32x128xf32>
    %get3A_15 = arith.constant 0 : index
    %get3A_16 = arith.constant 0 : index
    %get3A_17 = vector.load %arg4[%get3A_15, %get3A_16] : memref<1x128xf32, #tpu.memory_space<vmem>>, vector<1x128xf32>
    %add3A = vector.broadcast %get3A_17 : vector<1x128xf32> to vector<32x128xf32>
    %add3A_18 = arith.addf %dot_general3A_14, %add3A : vector<32x128xf32>
    %max3A_19 = arith.constant 0.000000e+00 : f32
    %max3A_20 = vector.broadcast %max3A_19 : f32 to vector<32x128xf32>
    %max3A_21 = arith.maximumf %add3A_18, %max3A_20 : vector<32x128xf32>
    %get3A_22 = arith.constant 0 : index
    %get3A_23 = arith.constant 0 : index
    %get3A_24 = vector.load %arg5[%get3A_22, %get3A_23] : memref<128x128xf32, #tpu.memory_space<vmem>>, vector<128x128xf32>
    %dot_general3A_25 = arith.constant dense<0.000000e+00> : vector<32x128xf32>
    %dot_general3A_26 = tpu.matmul %max3A_21, %get3A_24, %dot_general3A_25 {dimension_numbers = #tpu.dot_dimension_numbers<[1], [0], [0], [1], [0, 0, 1, 1], [], []>, transpose_lhs_hint = false} : vector<32x128xf32>, vector<128x128xf32>, vector<32x128xf32> -> vector<32x128xf32>
    %get3A_27 = arith.constant 0 : index
    %get3A_28 = arith.constant 0 : index
    %get3A_29 = vector.load %arg6[%get3A_27, %get3A_28] : memref<1x128xf32, #tpu.memory_space<vmem>>, vector<1x128xf32>
    %add3A_30 = vector.broadcast %get3A_29 : vector<1x128xf32> to vector<32x128xf32>
    %add3A_31 = arith.addf %dot_general3A_26, %add3A_30 : vector<32x128xf32>
    %swap3A = arith.constant 0 : index
    %swap3A_32 = arith.constant 0 : index
    %swap3A_33 = vector.load %arg7[%swap3A, %swap3A_32] : memref<32x128xf32, #tpu.memory_space<vmem>>, vector<32x128xf32>
    tpu.vector_store %arg7[%swap3A, %swap3A_32], %add3A_31 {strides = array<i32>} : memref<32x128xf32, #tpu.memory_space<vmem>>, vector<32x128xf32>,
    return
  }
}

</mosaic_0001>

<sc_bundles>
// kernel: kernel.12.cloned.1.call-start
scs
__scs_entry_jumppad:
0x0: {  	(pc) =	sbr.rel $0x88, $3  }
0x1: {  	(tag) =	ssettag $0x0;
	lr =	simm.s32 $0x1  }
0x2: {  	[smem:$0x3F7D] =	sst lr;
	_ =	strace $0xD0000000  }
0x3: {  	_ = 	snop  }
0x4: {  	_ = 	snop  }
0x5: {  	_ = 	snop  }
0x6: {  	_ = 	snop  }
0x7: {  	_ = 	snop  }
__scs_overlays_trampoline_lowered:
0x8: {  	[smem:$0x3F8C] =	sst s0  }
0x9: {  	[smem:$0x3F8D] =	sst s1  }
0xa: {  	[smem:$0x3F8E] =	sst s2  }
0xb: {  	[smem:$0x3F8F] =	sst s3  }
0xc: {  	[smem:$0x3F90] =	sst s4  }
0xd: {  	[smem:$0x3F91] =	sst s5  }
0xe: {  	[smem:$0x3F92] =	sst s6  }
0xf: {  	[smem:$0x3F93] =	sst s7  }
0x10: {  	[smem:$0x3F94] =	sst s8  }
0x11: {  	[smem:$0x3F95] =	sst s9;
	s0 =	simm.s32 @!p0 $0x0  }
0x12: {  	s1 =	sld [smem:$0x3F7B];
	s0 =	simm.s32 @p0 $0x1  }
0x13: {  	[smem:$0x3F96] =	sst s0;
	s0 =	simm.s32 @!p1 $0x0  }
0x14: {  	s2 =	sld [smem:$0x3F7A];
	s0 =	simm.s32 @p1 $0x1  }
0x15: {  	[smem:$0x3F97] =	sst s0;
	s0 =	simm.s32 @!p2 $0x0  }
0x16: {  	s3 =	sld [smem:$0x3FDB];
	s0 =	simm.s32 @p2 $0x1  }
0x17: {  	s4 =	simm.s32 $0x1BF5;
	[smem:$0x3F99] =	sst s0  }
0x18: {  	s0 =	sld [smem:$0x3F7C];
	_ =	swait.ge [sflag:s4], $0x0  }
0x19: {  	s7 =	sld [smem:$0x3F7D]  }
0x1a: {  	s8 =	sadd.s32 $0xFFFFE003, lr  }
0x1b: {  	s9 =	sadd.s32 $0xFFFFFEF7, lr;
	s5 =	simm.s32 $0xFFFFFFFF;
	p2 =	slt.u32 s8, $0xFFFFF086  }
0x1c: {  	p1 =	slt.u32 s9, $0xF7A;
	s5 =	simm.s32 @!p2 $0x0  }
0x1d: {  	s5 =	simm.s32 @p1 $0x1;
	p0 =	seq.s32 s7, s2  }
0x1e: {  	s7 =	smul.u32 @!p0 $0xF7A, s2;
	p2 =	seq.s32 @!p0 s5, $0x0  }
0x1f: {  	s9 =	smul.u32 $0xF7A, s1;
	s8 =	simm.s32 @!p0 $0x1BF5;
	p2 =	por !p2, p0  }
0x20: {  	[sflag:s8] =	ssyncset.s32 @!p0 $0xFFFFF086;
	s6 =	sadd.s32 @!p0 s3, s7;
	s7 =	simm.s32 @!p0 $0x108  }
0x21: {  	s3 =	sadd.s32 s3, s9;
	s6 =	sadd.s32 @!p0 $0x88, s6;
	s7 =	simm.s32 @p2 $0x1082  }
0x22: {  	[simem:s7], [sflag:s8] =	dma.local @!p0 [hbm:s6], $0xF7A  }
0x23: {  	s9 =	sor.u32 $0xD0000000, s2;
	s6 =	simm.s32 $0x108;
	_ =	swait.ge @!p0 [sflag:s8], $0x0  }
0x24: {  	s3 =	sadd.s32 $0x88, s3;
	s6 =	simm.s32 @!p1 $0x1082;
	[sflag:s4] =	ssyncset.s32 $0xFFFFF086  }
0x25: {  	[simem:s6], [sflag:s4] =	dma.local [hbm:s3], $0xF7A  }
0x26: {  	[smem:$0x3F7D] =	sst s1;
	(tag) =	ssettag s2;
	_ =	strace s9  }
0x27: {  	s1 =	sld [smem:$0x3F8D]  }
0x28: {  	s2 =	sld [smem:$0x3F8E]  }
0x29: {  	s4 =	sld [smem:$0x3F90]  }
0x2a: {  	p0 =	seq.s32 s5, $0x0;
	s5 =	sld [smem:$0x3F91]  }
0x2b: {  	s6 =	sld [smem:$0x3F92]  }
0x2c: {  	s7 =	sld [smem:$0x3F93]  }
0x2d: {  	s3 =	simm.s32 $0x108;
	s8 =	sld [smem:$0x3F94]  }
0x2e: {  	s3 =	simm.s32 @!p0 $0x1082;
	s9 =	sld [smem:$0x3F95]  }
0x2f: {  	lr =	sadd.s32 s0, s3;
	s0 =	sld [smem:$0x3F8C]  }
0x30: {  	s3 =	sld [smem:$0x3F8F]  }
0x31: {  	[smem:$0x3F98] =	sst s10  }
0x32: {  	s10 =	sld [smem:$0x3F96];
	_ =	sdelay $0x3  }
0x33: {  	p0 =	seq.s32 s10, $0x1;
	s10 =	sld [smem:$0x3F98];
	_ =	sdelay $0x3  }
0x34: {  	[smem:$0x3F98] =	sst s10  }
0x35: {  	s10 =	sld [smem:$0x3F97];
	_ =	sdelay $0x3  }
0x36: {  	p1 =	seq.s32 s10, $0x1;
	s10 =	sld [smem:$0x3F98];
	_ =	sdelay $0x3  }
0x37: {  	[smem:$0x3F98] =	sst s10  }
0x38: {  	s10 =	sld [smem:$0x3F99]  }
0x39: {  	_ = 	snop;
	(pc) =	sbr.ind lr, $3  }
0x3a: {  	_ = 	snop  }
0x3b: {  	_ = 	snop  }
0x3c: {  	p2 =	seq.s32 s10, $0x1;
	s10 =	sld [smem:$0x3F98]  }
0x3d: {  	_ =	shalt  }
0x3e: {  	_ =	shalt  }
0x3f: {  	_ =	shalt  }
0x40: {  	_ =	shalt  }
0x41: {  	_ =	shalt  }
0x42: {  	_ =	shalt  }
0x43: {  	_ =	shalt  }
0x44: {  	_ =	shalt  }
0x45: {  	_ =	shalt  }
0x46: {  	_ =	shalt  }
0x47: {  	_ =	shalt  }
0x48: {  	_ =	shalt  }
0x49: {  	_ =	shalt  }
0x4a: {  	_ =	shalt  }
0x4b: {  	_ =	shalt  }
0x4c: {  	_ =	shalt  }
0x4d: {  	_ =	shalt  }
0x4e: {  	_ =	shalt  }
0x4f: {  	_ =	shalt  }
0x50: {  	_ =	shalt  }
0x51: {  	_ =	shalt  }
0x52: {  	_ =	shalt  }
0x53: {  	_ =	shalt  }
0x54: {  	_ =	shalt  }
0x55: {  	_ =	shalt  }
0x56: {  	_ =	shalt  }
0x57: {  	_ =	shalt  }
0x58: {  	_ =	shalt  }
0x59: {  	_ =	shalt  }
0x5a: {  	_ =	shalt  }
0x5b: {  	_ =	shalt  }
0x5c: {  	_ =	shalt  }
0x5d: {  	_ =	shalt  }
0x5e: {  	_ =	shalt  }
0x5f: {  	_ =	shalt  }
0x60: {  	_ =	shalt  }
0x61: {  	_ =	shalt  }
0x62: {  	_ =	shalt  }
0x63: {  	_ =	shalt  }
0x64: {  	_ =	shalt  }
0x65: {  	_ =	shalt  }
0x66: {  	_ =	shalt  }
0x67: {  	_ =	shalt  }
0x68: {  	_ =	shalt  }
0x69: {  	_ =	shalt  }
0x6a: {  	_ =	shalt  }
0x6b: {  	_ =	shalt  }
0x6c: {  	_ =	shalt  }
0x6d: {  	_ =	shalt  }
0x6e: {  	_ =	shalt  }
0x6f: {  	_ =	shalt  }
0x70: {  	_ =	shalt  }
0x71: {  	_ =	shalt  }
0x72: {  	_ =	shalt  }
0x73: {  	_ =	shalt  }
0x74: {  	_ =	shalt  }
0x75: {  	_ =	shalt  }
0x76: {  	_ =	shalt  }
0x77: {  	_ =	shalt  }
0x78: {  	_ =	shalt  }
0x79: {  	_ =	shalt  }
0x7a: {  	_ =	shalt  }
0x7b: {  	_ =	shalt  }
0x7c: {  	_ =	shalt  }
0x7d: {  	_ =	shalt  }
0x7e: {  	_ =	shalt  }
0x7f: {  	_ =	shalt  }
0x80: {  	_ =	shalt  }
0x81: {  	_ =	shalt  }
0x82: {  	_ =	shalt  }
0x83: {  	_ =	shalt  }
0x84: {  	_ =	shalt  }
0x85: {  	_ =	shalt  }
0x86: {  	_ =	shalt  }
0x87: {  	_ =	shalt  }
.Lfunc_end0:
.L_simem_size_0:
called_computation_lowered:
.L_overlay_start_0:
0x88: {  	s2 =	sld [smem:$0x3FD9]  }
0x89: {  	s3 =	sld [smem:$0x3FFE];
	_ =	sdelay $0x1  }
0x8a: {  	s1 =	srdreg.scid  }
0x8b: {  	s0 =	sand.u32 $0x1, s1  }
0x8c: {  	s17 =	sshll.u32 s0, $0xA;
	s2 =	sadd.s32 s3, s2  }
0x8d: {  	s2 =	sadd.s32 s2, s17  }
0x8e: {  	[smem:$0x3FA4] =	sst s2  }
0x8f: {  	_ = 	snop  }
0x90: {  	s18 =	sld [smem:$0x3FC9]  }
0x91: {  	s5 =	sld [smem:$0x3FC4]  }
0x92: {  	s4 =	sld [smem:$0x3FBF];
	(tm) =	ssettm $0x1  }
0x93: {  	s19 =	sld [smem:$0x3FFB];
	_ =	sdelay $0x3  }
0x94: {  	_ =	strace s19  }
0x95: {  	s2 =	sld [smem:$0x3FFC];
	_ =	sdelay $0x3  }
0x96: {  	_ =	strace s2  }
0x97: {  	s2 =	sld [smem:$0x3FFD];
	_ =	sdelay $0x3  }
0x98: {  	_ =	strace s2  }
0x99: {  	_ =	strace $0x8FFFFFFF  }
0x9a: {  	s20 =	sld [smem:$0x3FDB];
	_ =	sdelay $0x1  }
0x9b: {  	s6 =	simm.s32 $_scs_section_size  }
0x9c: {  	s7 =	simm.s32 $_size__tile_overlayer_lowered;
	s8 =	simm.s32 $_tile_overlayer_lowered  }
0x9d: {  	s9 =	simm.s32 $0x1BFF;
	s21 =	sshll.u32 s8, $0x1;
	s6 =	sadd.s32 s6, s20  }
0x9e: {  	s22 =	simm.s32 $0x0;
	s7 =	sshll.u32 s7, $0x1;
	s8 =	sadd.s32 s21, s6  }
0x9f: {  	[timem:s22], [sflag:s9] =	dma.local [hbm:s8], s7  }
0xa0: {  	_ =	swait.ge [sflag:s9], s7  }
0xa1: {  	s7 =	ssub.s32 $0x0, s7;
	[sflag:s9] =	ssyncset.done $0x0  }
0xa2: {  	[sflag:s9] =	ssyncadd.s32 s7;
	_ =	sdelay $0x1  }
0xa3: {  	s23 =	simm.s32 $0x1B8B  }
0xa4: {  	_ =	swait.ge [sflag:s23], $0x1  }
0xa5: {  	[sflag:s23] =	ssyncset.done $0x0  }
0xa6: {  	[sflag:s23] =	ssyncadd.s32 $0xFFFFFFFF  }
0xa7: {  	s7 =	sld [smem:$0x0]  }
0xa8: {  	s8 =	sand.u32 $0xFFFFFFFE, s1  }
0xa9: {  	p0 =	sne.s32 s1, s8  }
0xaa: {  	s8 =	sshll.u32 @p0 s8, $0xE  }
0xab: {  	s8 =	sadd.s32 @p0 $0x11B8D, s8;
	s9 =	sshll.u32 @p0 s7, $0x11  }
0xac: {  	s8 =	sor.u32 @p0 s9, s8  }
0xad: {  	[sflag:s8] =	ssyncadd.remote.s32 @p0 $0x1;
	_ =	sdelay $0x1  }
0xae: {  	s8 =	simm.s32 @p0 $0x1B8D  }
0xaf: {  	_ =	swait.eq @p0 [sflag:s8], $0x1  }
0xb0: {  	[sflag:s8] =	ssyncadd.s32 @p0 $0xFFFFFFFF  }
0xb1: {  	s9 =	sshll.u32 @!p0 s1, $0xE  }
0xb2: {  	s9 =	sor.u32 @!p0 $0x4000, s9;
	s8 =	simm.s32 @!p0 $0x1B8D  }
0xb3: {  	s7 =	sshll.u32 @!p0 s7, $0x11;
	s9 =	sadd.s32 @!p0 $0x11B8D, s9;
	_ =	swait.eq @!p0 [sflag:s8], $0x1  }
0xb4: {  	s7 =	sor.u32 @!p0 s7, s9;
	[sflag:s8] =	ssyncadd.s32 @!p0 $0xFFFFFFFF  }
0xb5: {  	s25 =	simm.s32 $0x1B8E;
	s24 =	sld [smem:$0x3FFE];
	[sflag:s7] =	ssyncadd.remote.s32 @!p0 $0x1  }
0xb6: {  	s26 =	simm.s32 $execute0_lowered;
	[smem:$0x3FD2] =	sst s25  }
0xb7: {  	s8 =	sshll.u32 s26, $0x1;
	_ =	strace $0x80000049;
	[dreg:$0x1] =	wrdreg $0xFFFFFFFF  }
0xb8: {  	s28 =	simm.s32 $_size_execute0_lowered;
	s6 =	sadd.s32 s6, s8;
	[dreg:$0x0] =	wrdreg $0x0  }
0xb9: {  	s8 =	sshll.u32 s28, $0x1;
	[dreg:$0x2] =	wrdreg s6  }
0xba: {  	[dreg:$0x3] =	wrdreg s8  }
0xbb: {  	[dreg:$0x4] =	wrdreg $0xC0  }
0xbc: {  	_ =	task [dreg:s22], $0x5FFFF  }
0xbd: {  	[dreg:$0x1] =	wrdreg $0xFFFFFFFF  }
0xbe: {  	[dreg:$0x0] =	wrdreg $0x60  }
0xbf: {  	[dreg:$0x2] =	wrdreg s24  }
0xc0: {  	[dreg:$0x3] =	wrdreg s5  }
0xc1: {  	[dreg:$0x4] =	wrdreg s18  }
0xc2: {  	[dreg:$0x5] =	wrdreg s4  }
0xc3: {  	[dreg:$0x6] =	wrdreg $0x9  }
0xc4: {  	_ =	task.clear_ibuf [dreg:s22], $0x7FFFF;
	_ =	strace $0x90000049  }
0xc5: {  	s29 =	simm.s32 $0x9;
	_ =	strace $0x8000004B  }
0xc6: {  	_ =	swait.ge [sflag:s29], $0x1  }
0xc7: {  	[sflag:s29] =	ssyncadd.s32 $0xFFFFFFFF  }
0xc8: {  	_ =	strace $0x9000004B  }
0xc9: {  	_ =	sfence  }
0xca: {  	s30 =	sld [smem:$0x0];
	_ =	sdelay $0x2  }
0xcb: {  	s31 =	sshll.u32 s1, $0xD;
	s1 =	sshrl.u32 s1, $0x2  }
0xcc: {  	s4 =	sand.u32 $0x4000, s31;
	s1 =	sadd.s32 s1, s30  }
0xcd: {  	s0 =	sor.u32 s4, s0;
	s1 =	sshll.u32 s1, $0x11  }
0xce: {  	s0 =	sor.u32 s1, s0  }
0xcf: {  	s0 =	sadd.s32 $0x8F2B, s0  }
0xd0: {  	[sflag:s0] =	ssyncadd.remote.s32 $0x1  }
0xd1: {  	_ =	sfence.sel $0xFFFF  }
0xd2: {  	[dreg:$0x0] =	wrdreg $0xFFFFFFFF;
	(pc) =	sbr.abs _section_cstart, $3  }
0xd3: {  	[dreg:$0x1] =	wrdreg $0xFFFFFFFF  }
0xd4: {  	_ =	task.clear_ibuf [dreg:s22], $0x2FFFF;
	_ =	strace $0x9FFFFFFF  }
0xd5: {  	(tm) =	ssettm $0x7FFFFFFF  }
tec
execute0_lowered:
.L_overlay_start_1:
0x0: {  	(tag) =	ssettag $0x1  }
0x1: {  	s0 =	rddreg [dreg:$0x0]  }
0x2: {  	s1 =	rddreg [dreg:$0x1]  }
0x3: {  	s4 =	rddreg [dreg:$0x3]  }
0x4: {  	s5 =	simm.s32 $0x0;
	s9 =	stileid.u32;
	s6 =	srdreg.scid  }
0x5: {  	s13 =	simm.s32 $0x2;
	s22 =	simm.s32 $0x1;
	s19 =	simm.s32 $0x8100  }
0x6: {  	s20 =	simm.s32 $0x8900;
	s21 =	simm.s32 $0x9100;
	s23 =	simm.s32 $0x9900  }
0x7: {  	s25 =	simm.s32 $0xA100;
	s28 =	simm.s32 $0xB100;
	s29 =	simm.s32 $0xB900  }
0x8: {  	s14 =	simm.s32 $0xC900;
	s24 =	simm.s32 $0xD100;
	s2 =	smul.u32 $0x50, s9  }
0x9: {  	[smem:$0x7FF] =	sst s5;
	s3 =	smul.u32 $0x5000, s9;
	s7 =	sand.u32 $0x1, s6  }
0xa: {  	s9 =	sshll.u32 s9, $0x5;
	_ =	strace $0x8000004A;
	s10 =	smul.u32 $0x2800, s7  }
0xb: {  	s8 =	ssub.s32 $0x2, s7;
	s11 =	sshll.u32 s7, $0x4;
	s12 =	smul.u32 $0x28, s7  }
0xc: {  	s7 =	simm.s32 $0x80;
	s2 =	sadd.s32 s2, s0;
	s3 =	sadd.s32 s3, s0  }
0xd: {  	s0 =	sadd.s32 $0xAC400, s0;
	s26 =	sshrl.u32 s8, $0x1;
	s30 =	sor.u32 s11, s9  }
0xe: {  	s9 =	sadd.s32 $0x200, s4;
	[dreg:$0x7] =	wrdreg s0;
	s0 =	ssub.s32 s8, s26  }
0xf: {  	[dreg:$0x8] =	wrdreg s30;
	s3 =	sadd.s32 s10, s3;
	s0 =	smax.u32 s0, $0x1  }
0x10: {  	v2 =	vlaneseq.u32;
	s2 =	sadd.s32 s12, s2;
	s31 =	sadd.s32 $0x5C400, s3;
	[dreg:$0x5] =	wrdreg s0  }
0x11: {  	vm0 =	vmmov $0xffff;
	v1 =	vshrl.u32 v2, $0x3;
	s8 =	sadd.s32 $0x100, s4;
	s6 =	sadd.s32 $0x5BE00, s2;
	[dreg:$0x6] =	wrdreg s31  }
0x12: {  	v0 =	vand.u32 $0x7, v2;
	v2 =	vor.u32 $0x8, v2;
	v1 =	vmul.u32 $0x8, v1;
	s26 =	simm.s32 $0xA900;
	s2 =	simm.s32 $0x0;
	[dreg:$0x9] =	wrdreg s6  }
.LBB2_1:
0x13: {  	[dreg:$0xa] =	wrdreg s2  }
0x14: {  	s31 =	rddreg [dreg:$0x6];
	s0 =	simm.s32 $0x0;
	s10 =	simm.s32 $0x880  }
0x15: {  	s11 =	simm.s32 $0x1080;
	s3 =	simm.s32 $0x1880;
	s15 =	simm.s32 $0x2080  }
0x16: {  	s16 =	simm.s32 $0x2880;
	s17 =	simm.s32 $0x3080;
	s18 =	simm.s32 $0x3880  }
.LBB2_2:
0x17: {  	s2 =	sadd.s32 s0, s6;
	s30 =	simm.s32 $0x0  }
0x18: {  	[tilespmem:s30], [sflag:$0x2] =	stream.linear.gather [hbm4b:s2+s30], $0x40, $0x38;
	[tilespmem:$0x10100] =	vst v63  }
0x19: {  	_ =	swait.ge [sflag:s13], $0x40  }
0x1a: {  	[sflag:s13] =	ssyncset.done $0x0  }
0x1b: {  	[sflag:s13] =	ssyncadd.s32 $0xFFFFFFC0  }
0x1c: {  	v3 =	vld [tilespmem:$0x0];
	_ =	sdelay $0x4  }
0x1d: {  	v4 =	vshll.u32 v3, $0x1  }
0x1e: {  	v3 =	vand.u32 $0x7, v3;
	v4 =	vand.u32 $0xFFFFFFF0, v4  }
0x1f: {  	v3 =	vor.u32 v3, v4  }
0x20: {  	v4 =	vperm.xlane v3, v0;
	_ =	sdelay $0x1  }
0x21: {  	v3 =	vperm.xlane v3, v2;
	v4 =	vadd.s32 v1, v4;
	_ =	sdelay $0x1  }
0x22: {  	v3 =	vadd.s32 v1, v3;
	_ =	sdelay $0x2  }
0x23: {  	[tilespmem:s7], [sflag:$0x1] =	stream.indirect_vreg.gather [hbm4b:s1+s30], $0x80, v4, vm0, $0xb8;
	[tilespmem:$0x10100] =	vst v63  }
0x24: {  	_ = 	snop  }
0x25: {  	[tilespmem:s10], [sflag:$0x1] =	stream.indirect_vreg.gather [hbm4b:s1+s30], $0x80, v3, vm0, $0xb8;
	[tilespmem:$0x10100] =	vst v63  }
0x26: {  	v3 =	vld [tilespmem:$0x10];
	_ =	sdelay $0x4  }
0x27: {  	v61 =	vshll.u32 v3, $0x1  }
0x28: {  	v3 =	vand.u32 $0x7, v3;
	v4 =	vand.u32 $0xFFFFFFF0, v61  }
0x29: {  	v3 =	vor.u32 v3, v4  }
0x2a: {  	v4 =	vperm.xlane v3, v0;
	_ =	sdelay $0x1  }
0x2b: {  	v3 =	vperm.xlane v3, v2;
	v4 =	vadd.s32 v1, v4;
	_ =	sdelay $0x1  }
0x2c: {  	v3 =	vadd.s32 v1, v3;
	_ =	sdelay $0x2  }
0x2d: {  	[tilespmem:s11], [sflag:$0x1] =	stream.indirect_vreg.gather [hbm4b:s1+s30], $0x80, v4, vm0, $0xb8;
	[tilespmem:$0x10100] =	vst v63  }
0x2e: {  	_ = 	snop  }
0x2f: {  	[tilespmem:s3], [sflag:$0x1] =	stream.indirect_vreg.gather [hbm4b:s1+s30], $0x80, v3, vm0, $0xb8;
	[tilespmem:$0x10100] =	vst v63  }
0x30: {  	v3 =	vld [tilespmem:$0x20];
	_ =	sdelay $0x4  }
0x31: {  	v62 =	vshll.u32 v3, $0x1  }
0x32: {  	v3 =	vand.u32 $0x7, v3;
	v4 =	vand.u32 $0xFFFFFFF0, v62  }
0x33: {  	v3 =	vor.u32 v3, v4  }
0x34: {  	v4 =	vperm.xlane v3, v0;
	_ =	sdelay $0x1  }
0x35: {  	v3 =	vperm.xlane v3, v2;
	v4 =	vadd.s32 v1, v4;
	_ =	sdelay $0x1  }
0x36: {  	v3 =	vadd.s32 v1, v3;
	_ =	sdelay $0x2  }
0x37: {  	[tilespmem:s15], [sflag:$0x1] =	stream.indirect_vreg.gather [hbm4b:s1+s30], $0x80, v4, vm0, $0xb8;
	[tilespmem:$0x10100] =	vst v63  }
0x38: {  	_ = 	snop  }
0x39: {  	[tilespmem:s16], [sflag:$0x1] =	stream.indirect_vreg.gather [hbm4b:s1+s30], $0x80, v3, vm0, $0xb8;
	[tilespmem:$0x10100] =	vst v63  }
0x3a: {  	v3 =	vld [tilespmem:$0x30];
	_ =	sdelay $0x4  }
0x3b: {  	v63 =	vshll.u32 v3, $0x1  }
0x3c: {  	v3 =	vand.u32 $0x7, v3;
	v4 =	vand.u32 $0xFFFFFFF0, v63  }
0x3d: {  	v3 =	vor.u32 v3, v4  }
0x3e: {  	v4 =	vperm.xlane v3, v0;
	_ =	sdelay $0x1  }
0x3f: {  	v3 =	vperm.xlane v3, v2;
	v4 =	vadd.s32 v1, v4;
	_ =	sdelay $0x1  }
0x40: {  	v3 =	vadd.s32 v1, v3;
	_ =	sdelay $0x2  }
0x41: {  	[tilespmem:s17], [sflag:$0x1] =	stream.indirect_vreg.gather [hbm4b:s1+s30], $0x80, v4, vm0, $0xb8;
	[tilespmem:$0x10100] =	vst v63  }
0x42: {  	_ = 	snop  }
0x43: {  	[tilespmem:s18], [sflag:$0x1] =	stream.indirect_vreg.gather [hbm4b:s1+s30], $0x80, v3, vm0, $0xb8;
	[tilespmem:$0x10100] =	vst v63  }
0x44: {  	_ =	swait.ge [sflag:s22], $0x4000  }
0x45: {  	p0 =	sne.s32 s0, $0x20;
	[sflag:s22] =	ssyncset.done $0x0  }
.Ltmp0:
0x46: {  	[sflag:s22] =	ssyncadd.s32 $0xFFFFC000;
	(pc) =	sbr.rel @p0 .LBB2_2-.Ltmp0, $4  }
0x47: {  	[hbm4b:s31+s30] =	stream.linear.scatter [tilespmem:s7], [sflag:$0x2], $0x4000, $0x38;
	[tilespmem:$0x10100] =	vst v63  }
0x48: {  	_ =	swait.ge [sflag:s13], $0x4000  }
0x49: {  	[sflag:s13] =	ssyncset.done $0x0  }
0x4a: {  	s0 =	sadd.s32 $0x8, s0;
	s31 =	sadd.s32 $0x800, s31;
	[sflag:s13] =	ssyncadd.s32 $0xFFFFC000  }
0x4b: {  	p0 =	por $0x1, $0x1;
	s18 =	simm.s32 $0x7100;
	s7 =	rddreg [dreg:$0x7]  }
0x4c: {  	s31 =	simm.s32 $0x7900;
	s6 =	simm.s32 $0xC100;
	s12 =	rddreg [dreg:$0x8]  }
0x4d: {  	s3 =	simm.s32 $0x4100;
	s2 =	simm.s32 $0xD900;
	s10 =	simm.s32 $0xE100  }
0x4e: {  	s11 =	simm.s32 $0xE900;
	s15 =	simm.s32 $0xF100;
	s16 =	simm.s32 $0xF900  }
.LBB2_4:
0x4f: {  	s30 =	sor.u32 s12, s30;
	s0 =	rddreg [dreg:$0x2]  }
0x50: {  	s17 =	simm.s32 $0x4080;
	s0 =	sadd.s32 s0, s30  }
0x51: {  	[tilespmem:s17], [sflag:$0x2] =	stream.linear.gather [hbm4b:s0+s5], $0x40, $0x38;
	[tilespmem:$0x10100] =	vst v63  }
0x52: {  	_ =	swait.ge [sflag:s13], $0x40  }
0x53: {  	[sflag:s13] =	ssyncset.done $0x0  }
0x54: {  	[sflag:s13] =	ssyncadd.s32 $0xFFFFFFC0  }
0x55: {  	v3 =	vld [tilespmem:$0x4080];
	_ =	sdelay $0x4  }
0x56: {  	v4 =	vshrl.u32 v3, $0x3  }
0x57: {  	v4 =	vmul.u32 $0x30, v4  }
0x58: {  	v3 =	vand.u32 $0x7, v3  }
0x59: {  	v3 =	vor.u32 v3, v4  }
0x5a: {  	v4 =	vperm.xlane v3, v0;
	_ =	sdelay $0x1  }
0x5b: {  	v4 =	vadd.s32 v1, v4;
	_ =	sdelay $0x3  }
0x5c: {  	v3 =	vperm.xlane v3, v2  }
0x5d: {  	[tilespmem:s3], [sflag:$0x1] =	stream.indirect_vreg.gather [hbm4b:s4+s5], $0x80, v4, vm0, $0xb8;
	[tilespmem:$0x10100] =	vst v63  }
0x5e: {  	s17 =	simm.s32 $0x4900;
	v3 =	vadd.s32 v1, v3  }
0x5f: {  	[tilespmem:s17], [sflag:$0x1] =	stream.indirect_vreg.gather [hbm4b:s8+s5], $0x80, v4, vm0, $0xb8;
	[tilespmem:$0x10100] =	vst v63  }
0x60: {  	s17 =	simm.s32 $0x5100  }
0x61: {  	[tilespmem:s17], [sflag:$0x1] =	stream.indirect_vreg.gather [hbm4b:s9+s5], $0x80, v4, vm0, $0xb8;
	[tilespmem:$0x10100] =	vst v63  }
0x62: {  	s17 =	simm.s32 $0x5900  }
0x63: {  	[tilespmem:s17], [sflag:$0x1] =	stream.indirect_vreg.gather [hbm4b:s4+s5], $0x80, v3, vm0, $0xb8;
	[tilespmem:$0x10100] =	vst v63  }
0x64: {  	s17 =	simm.s32 $0x6100  }
0x65: {  	[tilespmem:s17], [sflag:$0x1] =	stream.indirect_vreg.gather [hbm4b:s8+s5], $0x80, v3, vm0, $0xb8;
	[tilespmem:$0x10100] =	vst v63  }
0x66: {  	s17 =	simm.s32 $0x6900  }
0x67: {  	[tilespmem:s17], [sflag:$0x1] =	stream.indirect_vreg.gather [hbm4b:s9+s5], $0x80, v3, vm0, $0xb8;
	[tilespmem:$0x10100] =	vst v63  }
0x68: {  	v3 =	vld [tilespmem:$0x4090];
	_ =	sdelay $0x4  }
0x69: {  	v61 =	vshrl.u32 v3, $0x3  }
0x6a: {  	v4 =	vmul.u32 $0x30, v61  }
0x6b: {  	v3 =	vand.u32 $0x7, v3  }
0x6c: {  	v3 =	vor.u32 v3, v4  }
0x6d: {  	v4 =	vperm.xlane v3, v0;
	_ =	sdelay $0x1  }
0x6e: {  	v4 =	vadd.s32 v1, v4;
	_ =	sdelay $0x3  }
0x6f: {  	v3 =	vperm.xlane v3, v2  }
0x70: {  	[tilespmem:s18], [sflag:$0x1] =	stream.indirect_vreg.gather [hbm4b:s4+s5], $0x80, v4, vm0, $0xb8;
	[tilespmem:$0x10100] =	vst v63  }
0x71: {  	v3 =	vadd.s32 v1, v3  }
0x72: {  	[tilespmem:s31], [sflag:$0x1] =	stream.indirect_vreg.gather [hbm4b:s8+s5], $0x80, v4, vm0, $0xb8;
	[tilespmem:$0x10100] =	vst v63  }
0x73: {  	_ = 	snop  }
0x74: {  	[tilespmem:s19], [sflag:$0x1] =	stream.indirect_vreg.gather [hbm4b:s9+s5], $0x80, v4, vm0, $0xb8;
	[tilespmem:$0x10100] =	vst v63  }
0x75: {  	_ = 	snop  }
0x76: {  	[tilespmem:s20], [sflag:$0x1] =	stream.indirect_vreg.gather [hbm4b:s4+s5], $0x80, v3, vm0, $0xb8;
	[tilespmem:$0x10100] =	vst v63  }
0x77: {  	_ = 	snop  }
0x78: {  	[tilespmem:s21], [sflag:$0x1] =	stream.indirect_vreg.gather [hbm4b:s8+s5], $0x80, v3, vm0, $0xb8;
	[tilespmem:$0x10100] =	vst v63  }
0x79: {  	_ = 	snop  }
0x7a: {  	[tilespmem:s23], [sflag:$0x1] =	stream.indirect_vreg.gather [hbm4b:s9+s5], $0x80, v3, vm0, $0xb8;
	[tilespmem:$0x10100] =	vst v63  }
0x7b: {  	v3 =	vld [tilespmem:$0x40A0];
	_ =	sdelay $0x4  }
0x7c: {  	v62 =	vshrl.u32 v3, $0x3  }
0x7d: {  	v4 =	vmul.u32 $0x30, v62  }
0x7e: {  	v3 =	vand.u32 $0x7, v3  }
0x7f: {  	v3 =	vor.u32 v3, v4  }
0x80: {  	v4 =	vperm.xlane v3, v0;
	_ =	sdelay $0x1  }
0x81: {  	v4 =	vadd.s32 v1, v4;
	_ =	sdelay $0x3  }
0x82: {  	v3 =	vperm.xlane v3, v2  }
0x83: {  	[tilespmem:s25], [sflag:$0x1] =	stream.indirect_vreg.gather [hbm4b:s4+s5], $0x80, v4, vm0, $0xb8;
	[tilespmem:$0x10100] =	vst v63  }
0x84: {  	v3 =	vadd.s32 v1, v3  }
0x85: {  	[tilespmem:s26], [sflag:$0x1] =	stream.indirect_vreg.gather [hbm4b:s8+s5], $0x80, v4, vm0, $0xb8;
	[tilespmem:$0x10100] =	vst v63  }
0x86: {  	_ = 	snop  }
0x87: {  	[tilespmem:s28], [sflag:$0x1] =	stream.indirect_vreg.gather [hbm4b:s9+s5], $0x80, v4, vm0, $0xb8;
	[tilespmem:$0x10100] =	vst v63  }
0x88: {  	_ = 	snop  }
0x89: {  	[tilespmem:s29], [sflag:$0x1] =	stream.indirect_vreg.gather [hbm4b:s4+s5], $0x80, v3, vm0, $0xb8;
	[tilespmem:$0x10100] =	vst v63  }
0x8a: {  	_ = 	snop  }
0x8b: {  	[tilespmem:s6], [sflag:$0x1] =	stream.indirect_vreg.gather [hbm4b:s8+s5], $0x80, v3, vm0, $0xb8;
	[tilespmem:$0x10100] =	vst v63  }
0x8c: {  	_ = 	snop  }
0x8d: {  	[tilespmem:s14], [sflag:$0x1] =	stream.indirect_vreg.gather [hbm4b:s9+s5], $0x80, v3, vm0, $0xb8;
	[tilespmem:$0x10100] =	vst v63  }
0x8e: {  	v3 =	vld [tilespmem:$0x40B0];
	_ =	sdelay $0x4  }
0x8f: {  	v63 =	vshrl.u32 v3, $0x3  }
0x90: {  	v4 =	vmul.u32 $0x30, v63  }
0x91: {  	v3 =	vand.u32 $0x7, v3  }
0x92: {  	v3 =	vor.u32 v3, v4  }
0x93: {  	v4 =	vperm.xlane v3, v0;
	_ =	sdelay $0x1  }
0x94: {  	v4 =	vadd.s32 v1, v4;
	_ =	sdelay $0x3  }
0x95: {  	v3 =	vperm.xlane v3, v2  }
0x96: {  	[tilespmem:s24], [sflag:$0x1] =	stream.indirect_vreg.gather [hbm4b:s4+s5], $0x80, v4, vm0, $0xb8;
	[tilespmem:$0x10100] =	vst v63  }
0x97: {  	v3 =	vadd.s32 v1, v3  }
0x98: {  	[tilespmem:s2], [sflag:$0x1] =	stream.indirect_vreg.gather [hbm4b:s8+s5], $0x80, v4, vm0, $0xb8;
	[tilespmem:$0x10100] =	vst v63  }
0x99: {  	_ = 	snop  }
0x9a: {  	[tilespmem:s10], [sflag:$0x1] =	stream.indirect_vreg.gather [hbm4b:s9+s5], $0x80, v4, vm0, $0xb8;
	[tilespmem:$0x10100] =	vst v63  }
0x9b: {  	_ = 	snop  }
0x9c: {  	[tilespmem:s11], [sflag:$0x1] =	stream.indirect_vreg.gather [hbm4b:s4+s5], $0x80, v3, vm0, $0xb8;
	[tilespmem:$0x10100] =	vst v63  }
0x9d: {  	_ = 	snop  }
0x9e: {  	[tilespmem:s15], [sflag:$0x1] =	stream.indirect_vreg.gather [hbm4b:s8+s5], $0x80, v3, vm0, $0xb8;
	[tilespmem:$0x10100] =	vst v63  }
0x9f: {  	_ = 	snop  }
0xa0: {  	[tilespmem:s16], [sflag:$0x1] =	stream.indirect_vreg.gather [hbm4b:s9+s5], $0x80, v3, vm0, $0xb8;
	[tilespmem:$0x10100] =	vst v63  }
0xa1: {  	s17 =	smul.u32 $0x300, s30;
	_ =	swait.ge [sflag:s22], $0xC000  }
0xa2: {  	p1 =	por p0, p0;
	[sflag:s22] =	ssyncset.done $0x0  }
.Ltmp1:
0xa3: {  	s0 =	sadd.s32 s7, s17;
	[sflag:s22] =	ssyncadd.s32 $0xFFFF4000;
	(pc) =	sbr.rel @p1 .LBB2_4-.Ltmp1, $4  }
0xa4: {  	[hbm4b:s0+s5] =	stream.linear.scatter [tilespmem:s3], [sflag:$0x2], $0xC000, $0x38;
	[tilespmem:$0x10100] =	vst v63  }
0xa5: {  	_ =	swait.ge [sflag:s13], $0xC000  }
0xa6: {  	[sflag:s13] =	ssyncset.done $0x0  }
0xa7: {  	p0 =	por $0x0, $0x0;
	s30 =	simm.s32 $0x8;
	[sflag:s13] =	ssyncadd.s32 $0xFFFF4000  }
0xa8: {  	s2 =	rddreg [dreg:$0xa]  }
0xa9: {  	s0 =	rddreg [dreg:$0x5];
	s2 =	sadd.s32 $0x1, s2  }
0xaa: {  	p0 =	sne.s32 s2, s0  }
.Ltmp2:
0xab: {  	_ = 	snop;
	(pc) =	sbr.rel @p0 .LBB2_1-.Ltmp2, $2  }
0xac: {  	_ =	sdelay $0x2  }
0xad: {  	s6 =	rddreg [dreg:$0x9];
	s7 =	simm.s32 $0x80  }
0xae: {  	_ =	sfence.sel $0x180000  }
0xaf: {  	[bflag:$0x0] =	sbarrier.arrive $0xFFFF  }
0xb0: {  	_ =	strace $0x9000004A  }
0xb1: {  	s0 =	stileid.u32;
	[bflag:$0x2] =	sbarrier.arrive $0xFFFF  }
0xb2: {  	p0 =	sne.s32 s0, $0x0;
	s0 =	rddreg [dreg:$0x4]  }
0xb3: {  	s0 =	sadd.s32 @!p0 $0x100000, s0  }
0xb4: {  	[sflag:s0] =	ssyncadd.tile.s32 @!p0 $0x1;
	_ =	shalt  }
.Lfunc_end2:
_tile_overlayer_lowered:
.L_overlay_start_2:
0xb5: {  	(tag) =	ssettag $0x2  }
0xb6: {  	s0 =	rddreg [dreg:$0x0];
	s2 =	stileid.u32  }
0xb7: {  	s1 =	rddreg [dreg:$0x1];
	p0 =	sne.s32 s2, $0x0  }
0xb8: {  	s3 =	rddreg [dreg:$0x2];
	[bflag:$0x3] =	sbarrier.arrive $0xFFFF;
	s2 =	simm.s32 @!p0 $0x1C02  }
0xb9: {  	[timem:s3], [sflag:s2] =	dma.local @!p0 [hbm:s0], s1  }
0xba: {  	s0 =	simm.s32 @!p0 $0x2  }
0xbb: {  	_ =	swait.ge @!p0 [sflag:s0], s1  }
0xbc: {  	s1 =	ssub.s32 @!p0 $0x0, s1;
	[sflag:s0] =	ssyncset.done @!p0 $0x0  }
0xbd: {  	[sflag:s0] =	ssyncadd.s32 @!p0 s1  }
0xbe: {  	[bflag:$0x3] =	sbarrier.arrive $0xFFFF  }
0xbf: {  	_ =	shalt  }

// kernel: kernel.15.cloned.1.call-start
scs
__scs_entry_jumppad:
0x0: {  	(pc) =	sbr.rel $0x88, $3  }
0x1: {  	(tag) =	ssettag $0x0;
	lr =	simm.s32 $0x1  }
0x2: {  	[smem:$0x3F7D] =	sst lr;
	_ =	strace $0xD0000000  }
0x3: {  	_ = 	snop  }
0x4: {  	_ = 	snop  }
0x5: {  	_ = 	snop  }
0x6: {  	_ = 	snop  }
0x7: {  	_ = 	snop  }
__scs_overlays_trampoline_lowered:
0x8: {  	[smem:$0x3F8C] =	sst s0  }
0x9: {  	[smem:$0x3F8D] =	sst s1  }
0xa: {  	[smem:$0x3F8E] =	sst s2  }
0xb: {  	[smem:$0x3F8F] =	sst s3  }
0xc: {  	[smem:$0x3F90] =	sst s4  }
0xd: {  	[smem:$0x3F91] =	sst s5  }
0xe: {  	[smem:$0x3F92] =	sst s6  }
0xf: {  	[smem:$0x3F93] =	sst s7  }
0x10: {  	[smem:$0x3F94] =	sst s8  }
0x11: {  	[smem:$0x3F95] =	sst s9;
	s0 =	simm.s32 @!p0 $0x0  }
0x12: {  	s1 =	sld [smem:$0x3F7B];
	s0 =	simm.s32 @p0 $0x1  }
0x13: {  	[smem:$0x3F96] =	sst s0;
	s0 =	simm.s32 @!p1 $0x0  }
0x14: {  	s2 =	sld [smem:$0x3F7A];
	s0 =	simm.s32 @p1 $0x1  }
0x15: {  	[smem:$0x3F97] =	sst s0;
	s0 =	simm.s32 @!p2 $0x0  }
0x16: {  	s3 =	sld [smem:$0x3FDB];
	s0 =	simm.s32 @p2 $0x1  }
0x17: {  	s4 =	simm.s32 $0x1BF5;
	[smem:$0x3F99] =	sst s0  }
0x18: {  	s0 =	sld [smem:$0x3F7C];
	_ =	swait.ge [sflag:s4], $0x0  }
0x19: {  	s7 =	sld [smem:$0x3F7D]  }
0x1a: {  	s8 =	sadd.s32 $0xFFFFE003, lr  }
0x1b: {  	s9 =	sadd.s32 $0xFFFFFEF7, lr;
	s5 =	simm.s32 $0xFFFFFFFF;
	p2 =	slt.u32 s8, $0xFFFFF086  }
0x1c: {  	p1 =	slt.u32 s9, $0xF7A;
	s5 =	simm.s32 @!p2 $0x0  }
0x1d: {  	s5 =	simm.s32 @p1 $0x1;
	p0 =	seq.s32 s7, s2  }
0x1e: {  	s7 =	smul.u32 @!p0 $0xF7A, s2;
	p2 =	seq.s32 @!p0 s5, $0x0  }
0x1f: {  	s9 =	smul.u32 $0xF7A, s1;
	s8 =	simm.s32 @!p0 $0x1BF5;
	p2 =	por !p2, p0  }
0x20: {  	[sflag:s8] =	ssyncset.s32 @!p0 $0xFFFFF086;
	s6 =	sadd.s32 @!p0 s3, s7;
	s7 =	simm.s32 @!p0 $0x108  }
0x21: {  	s3 =	sadd.s32 s3, s9;
	s6 =	sadd.s32 @!p0 $0x88, s6;
	s7 =	simm.s32 @p2 $0x1082  }
0x22: {  	[simem:s7], [sflag:s8] =	dma.local @!p0 [hbm:s6], $0xF7A  }
0x23: {  	s9 =	sor.u32 $0xD0000000, s2;
	s6 =	simm.s32 $0x108;
	_ =	swait.ge @!p0 [sflag:s8], $0x0  }
0x24: {  	s3 =	sadd.s32 $0x88, s3;
	s6 =	simm.s32 @!p1 $0x1082;
	[sflag:s4] =	ssyncset.s32 $0xFFFFF086  }
0x25: {  	[simem:s6], [sflag:s4] =	dma.local [hbm:s3], $0xF7A  }
0x26: {  	[smem:$0x3F7D] =	sst s1;
	(tag) =	ssettag s2;
	_ =	strace s9  }
0x27: {  	s1 =	sld [smem:$0x3F8D]  }
0x28: {  	s2 =	sld [smem:$0x3F8E]  }
0x29: {  	s4 =	sld [smem:$0x3F90]  }
0x2a: {  	p0 =	seq.s32 s5, $0x0;
	s5 =	sld [smem:$0x3F91]  }
0x2b: {  	s6 =	sld [smem:$0x3F92]  }
0x2c: {  	s7 =	sld [smem:$0x3F93]  }
0x2d: {  	s3 =	simm.s32 $0x108;
	s8 =	sld [smem:$0x3F94]  }
0x2e: {  	s3 =	simm.s32 @!p0 $0x1082;
	s9 =	sld [smem:$0x3F95]  }
0x2f: {  	lr =	sadd.s32 s0, s3;
	s0 =	sld [smem:$0x3F8C]  }
0x30: {  	s3 =	sld [smem:$0x3F8F]  }
0x31: {  	[smem:$0x3F98] =	sst s10  }
0x32: {  	s10 =	sld [smem:$0x3F96];
	_ =	sdelay $0x3  }
0x33: {  	p0 =	seq.s32 s10, $0x1;
	s10 =	sld [smem:$0x3F98];
	_ =	sdelay $0x3  }
0x34: {  	[smem:$0x3F98] =	sst s10  }
0x35: {  	s10 =	sld [smem:$0x3F97];
	_ =	sdelay $0x3  }
0x36: {  	p1 =	seq.s32 s10, $0x1;
	s10 =	sld [smem:$0x3F98];
	_ =	sdelay $0x3  }
0x37: {  	[smem:$0x3F98] =	sst s10  }
0x38: {  	s10 =	sld [smem:$0x3F99]  }
0x39: {  	_ = 	snop;
	(pc) =	sbr.ind lr, $3  }
0x3a: {  	_ = 	snop  }
0x3b: {  	_ = 	snop  }
0x3c: {  	p2 =	seq.s32 s10, $0x1;
	s10 =	sld [smem:$0x3F98]  }
0x3d: {  	_ =	shalt  }
0x3e: {  	_ =	shalt  }
0x3f: {  	_ =	shalt  }
0x40: {  	_ =	shalt  }
0x41: {  	_ =	shalt  }
0x42: {  	_ =	shalt  }
0x43: {  	_ =	shalt  }
0x44: {  	_ =	shalt  }
0x45: {  	_ =	shalt  }
0x46: {  	_ =	shalt  }
0x47: {  	_ =	shalt  }
0x48: {  	_ =	shalt  }
0x49: {  	_ =	shalt  }
0x4a: {  	_ =	shalt  }
0x4b: {  	_ =	shalt  }
0x4c: {  	_ =	shalt  }
0x4d: {  	_ =	shalt  }
0x4e: {  	_ =	shalt  }
0x4f: {  	_ =	shalt  }
0x50: {  	_ =	shalt  }
0x51: {  	_ =	shalt  }
0x52: {  	_ =	shalt  }
0x53: {  	_ =	shalt  }
0x54: {  	_ =	shalt  }
0x55: {  	_ =	shalt  }
0x56: {  	_ =	shalt  }
0x57: {  	_ =	shalt  }
0x58: {  	_ =	shalt  }
0x59: {  	_ =	shalt  }
0x5a: {  	_ =	shalt  }
0x5b: {  	_ =	shalt  }
0x5c: {  	_ =	shalt  }
0x5d: {  	_ =	shalt  }
0x5e: {  	_ =	shalt  }
0x5f: {  	_ =	shalt  }
0x60: {  	_ =	shalt  }
0x61: {  	_ =	shalt  }
0x62: {  	_ =	shalt  }
0x63: {  	_ =	shalt  }
0x64: {  	_ =	shalt  }
0x65: {  	_ =	shalt  }
0x66: {  	_ =	shalt  }
0x67: {  	_ =	shalt  }
0x68: {  	_ =	shalt  }
0x69: {  	_ =	shalt  }
0x6a: {  	_ =	shalt  }
0x6b: {  	_ =	shalt  }
0x6c: {  	_ =	shalt  }
0x6d: {  	_ =	shalt  }
0x6e: {  	_ =	shalt  }
0x6f: {  	_ =	shalt  }
0x70: {  	_ =	shalt  }
0x71: {  	_ =	shalt  }
0x72: {  	_ =	shalt  }
0x73: {  	_ =	shalt  }
0x74: {  	_ =	shalt  }
0x75: {  	_ =	shalt  }
0x76: {  	_ =	shalt  }
0x77: {  	_ =	shalt  }
0x78: {  	_ =	shalt  }
0x79: {  	_ =	shalt  }
0x7a: {  	_ =	shalt  }
0x7b: {  	_ =	shalt  }
0x7c: {  	_ =	shalt  }
0x7d: {  	_ =	shalt  }
0x7e: {  	_ =	shalt  }
0x7f: {  	_ =	shalt  }
0x80: {  	_ =	shalt  }
0x81: {  	_ =	shalt  }
0x82: {  	_ =	shalt  }
0x83: {  	_ =	shalt  }
0x84: {  	_ =	shalt  }
0x85: {  	_ =	shalt  }
0x86: {  	_ =	shalt  }
0x87: {  	_ =	shalt  }
.Lfunc_end0:
.L_simem_size_0:
called_computation.1_lowered:
.L_overlay_start_0:
0x88: {  	s2 =	sld [smem:$0x3FD9]  }
0x89: {  	s3 =	sld [smem:$0x3FFE];
	_ =	sdelay $0x1  }
0x8a: {  	s1 =	srdreg.scid  }
0x8b: {  	s0 =	sand.u32 $0x1, s1  }
0x8c: {  	s16 =	sshll.u32 s0, $0xA;
	s2 =	sadd.s32 s3, s2  }
0x8d: {  	s2 =	sadd.s32 s2, s16  }
0x8e: {  	[smem:$0x3FA4] =	sst s2  }
0x8f: {  	_ = 	snop  }
0x90: {  	(tm) =	ssettm $0x1  }
0x91: {  	s17 =	sld [smem:$0x3FFB];
	_ =	sdelay $0x3  }
0x92: {  	_ =	strace s17  }
0x93: {  	s2 =	sld [smem:$0x3FFC];
	_ =	sdelay $0x3  }
0x94: {  	_ =	strace s2  }
0x95: {  	s2 =	sld [smem:$0x3FFD];
	_ =	sdelay $0x3  }
0x96: {  	_ =	strace s2  }
0x97: {  	_ =	strace $0x8FFFFFFF  }
0x98: {  	s18 =	sld [smem:$0x3FDB];
	_ =	sdelay $0x1  }
0x99: {  	s19 =	simm.s32 $_scs_section_size  }
0x9a: {  	s4 =	simm.s32 $_size__tile_overlayer_lowered;
	s5 =	simm.s32 $_tile_overlayer_lowered  }
0x9b: {  	s22 =	simm.s32 $0x1BFF;
	s21 =	sshll.u32 s5, $0x1;
	s2 =	sadd.s32 s19, s18  }
0x9c: {  	s6 =	simm.s32 $0x0;
	s20 =	sshll.u32 s4, $0x1;
	s4 =	sadd.s32 s21, s2  }
0x9d: {  	[timem:s6], [sflag:s22] =	dma.local [hbm:s4], s20  }
0x9e: {  	_ =	swait.ge [sflag:s22], s20  }
0x9f: {  	s3 =	ssub.s32 $0x0, s20;
	[sflag:s22] =	ssyncset.done $0x0  }
0xa0: {  	[sflag:s22] =	ssyncadd.s32 s3;
	_ =	sdelay $0x1  }
0xa1: {  	s23 =	simm.s32 $0x1B8B  }
0xa2: {  	_ =	swait.ge [sflag:s23], $0x1  }
0xa3: {  	[sflag:s23] =	ssyncset.done $0x0  }
0xa4: {  	s25 =	simm.s32 $0x1B8E;
	s24 =	sld [smem:$0x3FFE];
	[sflag:s23] =	ssyncadd.s32 $0xFFFFFFFF  }
0xa5: {  	s26 =	simm.s32 $execute0_lowered;
	[smem:$0x3FD2] =	sst s25  }
0xa6: {  	s4 =	sshll.u32 s26, $0x1;
	_ =	strace $0x80000046;
	[dreg:$0x1] =	wrdreg $0xFFFFFFFF  }
0xa7: {  	s28 =	simm.s32 $_size_execute0_lowered;
	s2 =	sadd.s32 s2, s4;
	[dreg:$0x0] =	wrdreg $0x0  }
0xa8: {  	s4 =	sshll.u32 s28, $0x1;
	[dreg:$0x2] =	wrdreg s2  }
0xa9: {  	[dreg:$0x3] =	wrdreg s4  }
0xaa: {  	[dreg:$0x4] =	wrdreg $0xC0  }
0xab: {  	_ =	task [dreg:s6], $0x5FFFF  }
0xac: {  	[dreg:$0x1] =	wrdreg $0xFFFFFFFF  }
0xad: {  	[dreg:$0x0] =	wrdreg $0x60  }
0xae: {  	[dreg:$0x2] =	wrdreg s24  }
0xaf: {  	[dreg:$0x3] =	wrdreg $0x41000  }
0xb0: {  	[dreg:$0x4] =	wrdreg $0xA  }
0xb1: {  	_ =	task.clear_ibuf [dreg:s6], $0x5FFFF;
	_ =	strace $0x90000046  }
0xb2: {  	s29 =	simm.s32 $0xA;
	_ =	strace $0x80000048  }
0xb3: {  	_ =	swait.ge [sflag:s29], $0x1  }
0xb4: {  	[sflag:s29] =	ssyncadd.s32 $0xFFFFFFFF  }
0xb5: {  	_ =	strace $0x90000048  }
0xb6: {  	_ =	sfence  }
0xb7: {  	s30 =	sld [smem:$0x0];
	_ =	sdelay $0x2  }
0xb8: {  	s31 =	sshll.u32 s1, $0xD;
	s1 =	sshrl.u32 s1, $0x2  }
0xb9: {  	s3 =	sand.u32 $0x4000, s31;
	s1 =	sadd.s32 s1, s30  }
0xba: {  	s0 =	sor.u32 s3, s0;
	s1 =	sshll.u32 s1, $0x11  }
0xbb: {  	s0 =	sor.u32 s1, s0  }
0xbc: {  	s0 =	sadd.s32 $0x8F2B, s0  }
0xbd: {  	[sflag:s0] =	ssyncadd.remote.s32 $0x1  }
0xbe: {  	_ =	sfence.sel $0xFFFF  }
0xbf: {  	[dreg:$0x0] =	wrdreg $0xFFFFFFFF;
	(pc) =	sbr.abs _section_cstart, $3  }
0xc0: {  	[dreg:$0x1] =	wrdreg $0xFFFFFFFF  }
0xc1: {  	_ =	task.clear_ibuf [dreg:s6], $0x2FFFF;
	_ =	strace $0x9FFFFFFF  }
0xc2: {  	(tm) =	ssettm $0x7FFFFFFF  }
0xc3: {  	_ =	shalt  }
tec
execute0_lowered:
.L_overlay_start_1:
0x0: {  	(tag) =	ssettag $0x1  }
0x1: {  	s6 =	rddreg [dreg:$0x0]  }
0x2: {  	s1 =	rddreg [dreg:$0x1]  }
0x3: {  	s0 =	rddreg [dreg:$0x2];
	s3 =	simm.s32 $0x0;
	s4 =	srdreg.scid  }
0x4: {  	s2 =	stileid.u32;
	s22 =	simm.s32 $0x80;
	s23 =	simm.s32 $0x1  }
0x5: {  	s24 =	simm.s32 $0x2;
	s25 =	simm.s32 $0x0;
	s7 =	smul.u32 $0x50000, s2  }
0x6: {  	[smem:$0x7FF] =	sst s3;
	s19 =	sadd.s32 $0x5A00, s6;
	s12 =	smul.u32 $0x14000, s2  }
0x7: {  	s10 =	sand.u32 $0x1, s4;
	s4 =	sadd.s32 $0xB600, s6;
	s11 =	smul.u32 $0x2A00, s2  }
0x8: {  	s5 =	sadd.s32 $0xAE00, s6;
	s16 =	sadd.s32 $0xBE00, s6;
	s30 =	smul.u32 $0x540, s2  }
0x9: {  	_ =	strace $0x80000047;
	s8 =	ssub.s32 $0x2, s10;
	s20 =	smul.u32 $0x140000, s10  }
0xa: {  	s28 =	sshrl.u32 s8, $0x1;
	s29 =	sshrl.u32 s7, $0x2;
	s13 =	sadd.s32 $0x4000, s12  }
0xb: {  	s14 =	sadd.s32 $0x8000, s12;
	s15 =	sadd.s32 $0xC000, s12;
	s18 =	sadd.s32 $0x10000, s12  }
0xc: {  	s21 =	sor.u32 $0x80, s11;
	s11 =	sshrl.u32 s11, $0x3;
	s17 =	ssub.s32 s8, s28  }
0xd: {  	s6 =	sadd.s32 s29, s1;
	s7 =	sadd.s32 s13, s1;
	s8 =	sadd.s32 s14, s1  }
0xe: {  	s9 =	sadd.s32 s15, s1;
	s10 =	sadd.s32 s18, s1;
	s11 =	sadd.s32 s19, s11  }
0xf: {  	s12 =	sadd.s32 s12, s20;
	s13 =	sadd.s32 s20, s13;
	s14 =	sadd.s32 s20, s14  }
0x10: {  	s15 =	sadd.s32 s20, s15;
	s18 =	sadd.s32 s20, s18;
	s31 =	sshrl.u32 s21, $0x3  }
0x11: {  	s20 =	simm.s32 $0x100;
	s21 =	simm.s32 $0x3;
	s12 =	sshrl.u32 s12, $0x3  }
0x12: {  	s13 =	sshrl.u32 s13, $0x3;
	s14 =	sshrl.u32 s14, $0x3;
	s15 =	sshrl.u32 s15, $0x3  }
0x13: {  	s18 =	sshrl.u32 s18, $0x3;
	s17 =	smax.u32 s17, $0x1;
	s12 =	sadd.s32 s16, s12  }
0x14: {  	s13 =	sadd.s32 s16, s13;
	s14 =	sadd.s32 s16, s14;
	s15 =	sadd.s32 s16, s15  }
0x15: {  	s16 =	sadd.s32 s16, s18;
	s18 =	sadd.s32 s19, s31;
	s19 =	sadd.s32 s30, s19  }
.LBB2_1:
0x16: {  	[tilespmem:s20], [sflag:$0x3] =	stream.linear.gather [hbm4b:s5+s3], $0x4000, $0x38;
	[tilespmem:$0x18100] =	vst v63  }
0x17: {  	_ =	swait.ge [sflag:s21], $0x4000  }
0x18: {  	[sflag:s21] =	ssyncset.done $0x0  }
0x19: {  	[sflag:s21] =	ssyncadd.s32 $0xFFFFC000  }
0x1a: {  	[spmem:s6] =	stream.linear.scatter [tilespmem:s20], [sflag:$0x3], $0x4000, $0x38;
	[tilespmem:$0x18100] =	vst v63  }
0x1b: {  	_ =	swait.ge [sflag:s21], $0x4000  }
0x1c: {  	[sflag:s21] =	ssyncset.done $0x0  }
0x1d: {  	[sflag:s21] =	ssyncadd.s32 $0xFFFFC000  }
0x1e: {  	[spmem:s7] =	stream.linear.scatter [tilespmem:s20], [sflag:$0x3], $0x4000, $0x38;
	[tilespmem:$0x18100] =	vst v63  }
0x1f: {  	_ =	swait.ge [sflag:s21], $0x4000  }
0x20: {  	[sflag:s21] =	ssyncset.done $0x0  }
0x21: {  	[sflag:s21] =	ssyncadd.s32 $0xFFFFC000  }
0x22: {  	[spmem:s8] =	stream.linear.scatter [tilespmem:s20], [sflag:$0x3], $0x4000, $0x38;
	[tilespmem:$0x18100] =	vst v63  }
0x23: {  	_ =	swait.ge [sflag:s21], $0x4000  }
0x24: {  	[sflag:s21] =	ssyncset.done $0x0  }
0x25: {  	[sflag:s21] =	ssyncadd.s32 $0xFFFFC000  }
0x26: {  	[spmem:s9] =	stream.linear.scatter [tilespmem:s20], [sflag:$0x3], $0x4000, $0x38;
	[tilespmem:$0x18100] =	vst v63  }
0x27: {  	_ =	swait.ge [sflag:s21], $0x4000  }
0x28: {  	[sflag:s21] =	ssyncset.done $0x0  }
0x29: {  	[sflag:s21] =	ssyncadd.s32 $0xFFFFC000  }
0x2a: {  	[spmem:s10] =	stream.linear.scatter [tilespmem:s20], [sflag:$0x3], $0x4000, $0x38;
	[tilespmem:$0x18100] =	vst v63  }
0x2b: {  	_ =	swait.ge [sflag:s21], $0x4000  }
0x2c: {  	[sflag:s21] =	ssyncset.done $0x0  }
0x2d: {  	[sflag:s21] =	ssyncadd.s32 $0xFFFFC000  }
0x2e: {  	[tilespmem:s20], [sflag:$0x3] =	stream.linear.gather [hbm4b:s4+s3], $0x4000, $0x38;
	[tilespmem:$0x18100] =	vst v63  }
0x2f: {  	_ =	swait.ge [sflag:s21], $0x4000  }
0x30: {  	[sflag:s21] =	ssyncset.done $0x0  }
0x31: {  	[sflag:s21] =	ssyncadd.s32 $0xFFFFC000  }
0x32: {  	[bflag:$0x0] =	sbarrier.arrive $0xFFFF  }
0x33: {  	[tilespmem:s3], [sflag:$0x3] =	stream.linear.gather [hbm4b:s11+s3], $0x80, $0x38;
	[tilespmem:$0x18100] =	vst v63  }
0x34: {  	_ =	swait.ge [sflag:s21], $0x80  }
0x35: {  	[sflag:s21] =	ssyncset.done $0x0  }
0x36: {  	[sflag:s21] =	ssyncadd.s32 $0xFFFFFF80  }
0x37: {  	[spmem:s1] =	stream.indirect.scatter.add.f32 [tilespmem:s20], [sflag:$0x1], $0x80, s3, s22, $0xb8;
	[tilespmem:$0x18100] =	vst v63  }
0x38: {  	_ = 	snop  }
0x39: {  	[tilespmem:s22], [sflag:$0x3] =	stream.linear.gather [hbm4b:s18+s3], $0x80, $0x38;
	[tilespmem:$0x18100] =	vst v63  }
0x3a: {  	_ =	swait.ge [sflag:s21], $0x80  }
0x3b: {  	[sflag:s21] =	ssyncset.done $0x0  }
0x3c: {  	[sflag:s21] =	ssyncadd.s32 $0xFFFFFF80  }
0x3d: {  	[spmem:s1] =	stream.indirect.scatter.add.f32 [tilespmem:s20], [sflag:$0x2], $0x80, s22, s22, $0xb8;
	[tilespmem:$0x18100] =	vst v63  }
0x3e: {  	_ =	swait.ge [sflag:s23], $0x4000  }
0x3f: {  	s26 =	sadd.s32 $0xFFFFFAE0, s19;
	[sflag:s23] =	ssyncset.done $0x0  }
0x40: {  	s28 =	sadd.s32 $0x540, s26;
	[sflag:s23] =	ssyncadd.s32 $0xFFFFC000  }
0x41: {  	[tilespmem:s3], [sflag:$0x3] =	stream.linear.gather [hbm4b:s28+s3], $0x80, $0x38;
	[tilespmem:$0x18100] =	vst v63  }
0x42: {  	_ =	swait.ge [sflag:s21], $0x80  }
0x43: {  	[sflag:s21] =	ssyncset.done $0x0  }
0x44: {  	[sflag:s21] =	ssyncadd.s32 $0xFFFFFF80  }
0x45: {  	[spmem:s1] =	stream.indirect.scatter.add.f32 [tilespmem:s20], [sflag:$0x1], $0x80, s3, s22, $0xb8;
	[tilespmem:$0x18100] =	vst v63  }
0x46: {  	_ =	swait.ge [sflag:s24], $0x4000  }
0x47: {  	[sflag:s24] =	ssyncset.done $0x0  }
0x48: {  	s26 =	sadd.s32 $0x550, s26;
	[sflag:s24] =	ssyncadd.s32 $0xFFFFC000  }
0x49: {  	[tilespmem:s22], [sflag:$0x3] =	stream.linear.gather [hbm4b:s26+s3], $0x80, $0x38;
	[tilespmem:$0x18100] =	vst v63  }
0x4a: {  	_ =	swait.ge [sflag:s21], $0x80  }
0x4b: {  	[sflag:s21] =	ssyncset.done $0x0  }
0x4c: {  	s26 =	simm.s32 $0xFFFFFB00;
	[sflag:s21] =	ssyncadd.s32 $0xFFFFFF80  }
.LBB2_2:
0x4d: {  	[spmem:s1] =	stream.indirect.scatter.add.f32 [tilespmem:s20], [sflag:$0x2], $0x80, s22, s22, $0xb8;
	[tilespmem:$0x18100] =	vst v63  }
0x4e: {  	s28 =	smov.u32 s26  }
0x4f: {  	p0 =	sne.s32 s26, $0xFFFFFFE0;
	s26 =	sadd.s32 $0x20, s26;
	_ =	swait.ge [sflag:s23], $0x4000  }
0x50: {  	s28 =	sadd.s32 s28, s19;
	[sflag:s23] =	ssyncset.done $0x0  }
0x51: {  	s29 =	sadd.s32 $0x540, s28;
	[sflag:s23] =	ssyncadd.s32 $0xFFFFC000  }
0x52: {  	[tilespmem:s3], [sflag:$0x3] =	stream.linear.gather [hbm4b:s29+s3], $0x80, $0x38;
	[tilespmem:$0x18100] =	vst v63  }
0x53: {  	_ =	swait.ge [sflag:s21], $0x80  }
0x54: {  	[sflag:s21] =	ssyncset.done $0x0  }
0x55: {  	[sflag:s21] =	ssyncadd.s32 $0xFFFFFF80  }
0x56: {  	[spmem:s1] =	stream.indirect.scatter.add.f32 [tilespmem:s20], [sflag:$0x1], $0x80, s3, s22, $0xb8;
	[tilespmem:$0x18100] =	vst v63  }
0x57: {  	_ =	swait.ge [sflag:s24], $0x4000  }
0x58: {  	[sflag:s24] =	ssyncset.done $0x0  }
.Ltmp0:
0x59: {  	s28 =	sadd.s32 $0x550, s28;
	[sflag:s24] =	ssyncadd.s32 $0xFFFFC000;
	(pc) =	sbr.rel @p0 .LBB2_2-.Ltmp0, $4  }
0x5a: {  	[tilespmem:s22], [sflag:$0x3] =	stream.linear.gather [hbm4b:s28+s3], $0x80, $0x38;
	[tilespmem:$0x18100] =	vst v63  }
0x5b: {  	_ =	swait.ge [sflag:s21], $0x80  }
0x5c: {  	[sflag:s21] =	ssyncset.done $0x0  }
0x5d: {  	[sflag:s21] =	ssyncadd.s32 $0xFFFFFF80  }
0x5e: {  	[spmem:s1] =	stream.indirect.scatter.add.f32 [tilespmem:s20], [sflag:$0x2], $0x80, s22, s22, $0xb8;
	[tilespmem:$0x18100] =	vst v63  }
0x5f: {  	_ =	swait.ge [sflag:s23], $0x4000  }
0x60: {  	[sflag:s23] =	ssyncset.done $0x0  }
0x61: {  	[sflag:s23] =	ssyncadd.s32 $0xFFFFC000  }
0x62: {  	_ =	swait.ge [sflag:s24], $0x4000  }
0x63: {  	[sflag:s24] =	ssyncset.done $0x0  }
0x64: {  	[sflag:s24] =	ssyncadd.s32 $0xFFFFC000  }
0x65: {  	[bflag:$0x0] =	sbarrier.arrive $0xFFFF  }
0x66: {  	[tilespmem:s20], [sflag:$0x3] =	stream.linear.gather [spmem:s6], $0x4000, $0x38;
	[tilespmem:$0x18100] =	vst v63  }
0x67: {  	_ =	swait.ge [sflag:s21], $0x4000  }
0x68: {  	[sflag:s21] =	ssyncset.done $0x0  }
0x69: {  	[sflag:s21] =	ssyncadd.s32 $0xFFFFC000  }
0x6a: {  	[hbm4b:s12+s3] =	stream.linear.scatter [tilespmem:s20], [sflag:$0x3], $0x4000, $0x38;
	[tilespmem:$0x18100] =	vst v63  }
0x6b: {  	_ =	swait.ge [sflag:s21], $0x4000  }
0x6c: {  	[sflag:s21] =	ssyncset.done $0x0  }
0x6d: {  	[sflag:s21] =	ssyncadd.s32 $0xFFFFC000  }
0x6e: {  	[tilespmem:s20], [sflag:$0x3] =	stream.linear.gather [spmem:s7], $0x4000, $0x38;
	[tilespmem:$0x18100] =	vst v63  }
0x6f: {  	_ =	swait.ge [sflag:s21], $0x4000  }
0x70: {  	[sflag:s21] =	ssyncset.done $0x0  }
0x71: {  	[sflag:s21] =	ssyncadd.s32 $0xFFFFC000  }
0x72: {  	[hbm4b:s13+s3] =	stream.linear.scatter [tilespmem:s20], [sflag:$0x3], $0x4000, $0x38;
	[tilespmem:$0x18100] =	vst v63  }
0x73: {  	_ =	swait.ge [sflag:s21], $0x4000  }
0x74: {  	[sflag:s21] =	ssyncset.done $0x0  }
0x75: {  	[sflag:s21] =	ssyncadd.s32 $0xFFFFC000  }
0x76: {  	[tilespmem:s20], [sflag:$0x3] =	stream.linear.gather [spmem:s8], $0x4000, $0x38;
	[tilespmem:$0x18100] =	vst v63  }
0x77: {  	_ =	swait.ge [sflag:s21], $0x4000  }
0x78: {  	[sflag:s21] =	ssyncset.done $0x0  }
0x79: {  	[sflag:s21] =	ssyncadd.s32 $0xFFFFC000  }
0x7a: {  	[hbm4b:s14+s3] =	stream.linear.scatter [tilespmem:s20], [sflag:$0x3], $0x4000, $0x38;
	[tilespmem:$0x18100] =	vst v63  }
0x7b: {  	_ =	swait.ge [sflag:s21], $0x4000  }
0x7c: {  	[sflag:s21] =	ssyncset.done $0x0  }
0x7d: {  	[sflag:s21] =	ssyncadd.s32 $0xFFFFC000  }
0x7e: {  	[tilespmem:s20], [sflag:$0x3] =	stream.linear.gather [spmem:s9], $0x4000, $0x38;
	[tilespmem:$0x18100] =	vst v63  }
0x7f: {  	_ =	swait.ge [sflag:s21], $0x4000  }
0x80: {  	[sflag:s21] =	ssyncset.done $0x0  }
0x81: {  	[sflag:s21] =	ssyncadd.s32 $0xFFFFC000  }
0x82: {  	[hbm4b:s15+s3] =	stream.linear.scatter [tilespmem:s20], [sflag:$0x3], $0x4000, $0x38;
	[tilespmem:$0x18100] =	vst v63  }
0x83: {  	_ =	swait.ge [sflag:s21], $0x4000  }
0x84: {  	[sflag:s21] =	ssyncset.done $0x0  }
0x85: {  	[sflag:s21] =	ssyncadd.s32 $0xFFFFC000  }
0x86: {  	[tilespmem:s20], [sflag:$0x3] =	stream.linear.gather [spmem:s10], $0x4000, $0x38;
	[tilespmem:$0x18100] =	vst v63  }
0x87: {  	s25 =	sadd.s32 $0x1, s25;
	_ =	swait.ge [sflag:s21], $0x4000  }
0x88: {  	p0 =	sne.s32 s25, s17;
	[sflag:s21] =	ssyncset.done $0x0  }
.Ltmp1:
0x89: {  	[sflag:s21] =	ssyncadd.s32 $0xFFFFC000;
	(pc) =	sbr.rel @p0 .LBB2_1-.Ltmp1, $4  }
0x8a: {  	[hbm4b:s16+s3] =	stream.linear.scatter [tilespmem:s20], [sflag:$0x3], $0x4000, $0x38;
	[tilespmem:$0x18100] =	vst v63  }
0x8b: {  	_ =	swait.ge [sflag:s21], $0x4000  }
0x8c: {  	[sflag:s21] =	ssyncset.done $0x0  }
0x8d: {  	[sflag:s21] =	ssyncadd.s32 $0xFFFFC000  }
0x8e: {  	_ =	sfence.sel $0x180000  }
0x8f: {  	[bflag:$0x0] =	sbarrier.arrive $0xFFFF  }
0x90: {  	p0 =	sne.s32 s2, $0x0;
	_ =	strace $0x90000047  }
0x91: {  	s0 =	sadd.s32 @!p0 $0x100000, s0;
	[bflag:$0x2] =	sbarrier.arrive $0xFFFF  }
0x92: {  	[sflag:s0] =	ssyncadd.tile.s32 @!p0 $0x1;
	_ =	shalt  }
.Lfunc_end2:
_tile_overlayer_lowered:
.L_overlay_start_2:
0x93: {  	(tag) =	ssettag $0x2  }
0x94: {  	s0 =	rddreg [dreg:$0x0];
	s2 =	stileid.u32  }
0x95: {  	s1 =	rddreg [dreg:$0x1];
	p0 =	sne.s32 s2, $0x0  }
0x96: {  	s3 =	rddreg [dreg:$0x2];
	[bflag:$0x3] =	sbarrier.arrive $0xFFFF;
	s2 =	simm.s32 @!p0 $0x1C03  }
0x97: {  	[timem:s3], [sflag:s2] =	dma.local @!p0 [hbm:s0], s1  }
0x98: {  	s0 =	simm.s32 @!p0 $0x3  }
0x99: {  	_ =	swait.ge @!p0 [sflag:s0], s1  }
0x9a: {  	s1 =	ssub.s32 @!p0 $0x0, s1;
	[sflag:s0] =	ssyncset.done @!p0 $0x0  }
0x9b: {  	[sflag:s0] =	ssyncadd.s32 @!p0 s1  }
0x9c: {  	[bflag:$0x3] =	sbarrier.arrive $0xFFFF  }
0x9d: {  	_ =	shalt  }

// kernel: kernel.18.cloned.1.call-start
scs
__scs_entry_jumppad:
0x0: {  	(pc) =	sbr.rel $0x88, $3  }
0x1: {  	(tag) =	ssettag $0x0;
	lr =	simm.s32 $0x1  }
0x2: {  	[smem:$0x3F7D] =	sst lr;
	_ =	strace $0xD0000000  }
0x3: {  	_ = 	snop  }
0x4: {  	_ = 	snop  }
0x5: {  	_ = 	snop  }
0x6: {  	_ = 	snop  }
0x7: {  	_ = 	snop  }
__scs_overlays_trampoline_lowered:
0x8: {  	[smem:$0x3F8C] =	sst s0  }
0x9: {  	[smem:$0x3F8D] =	sst s1  }
0xa: {  	[smem:$0x3F8E] =	sst s2  }
0xb: {  	[smem:$0x3F8F] =	sst s3  }
0xc: {  	[smem:$0x3F90] =	sst s4  }
0xd: {  	[smem:$0x3F91] =	sst s5  }
0xe: {  	[smem:$0x3F92] =	sst s6  }
0xf: {  	[smem:$0x3F93] =	sst s7  }
0x10: {  	[smem:$0x3F94] =	sst s8  }
0x11: {  	[smem:$0x3F95] =	sst s9;
	s0 =	simm.s32 @!p0 $0x0  }
0x12: {  	s1 =	sld [smem:$0x3F7B];
	s0 =	simm.s32 @p0 $0x1  }
0x13: {  	[smem:$0x3F96] =	sst s0;
	s0 =	simm.s32 @!p1 $0x0  }
0x14: {  	s2 =	sld [smem:$0x3F7A];
	s0 =	simm.s32 @p1 $0x1  }
0x15: {  	[smem:$0x3F97] =	sst s0;
	s0 =	simm.s32 @!p2 $0x0  }
0x16: {  	s3 =	sld [smem:$0x3FDB];
	s0 =	simm.s32 @p2 $0x1  }
0x17: {  	s4 =	simm.s32 $0x1BF5;
	[smem:$0x3F99] =	sst s0  }
0x18: {  	s0 =	sld [smem:$0x3F7C];
	_ =	swait.ge [sflag:s4], $0x0  }
0x19: {  	s7 =	sld [smem:$0x3F7D]  }
0x1a: {  	s8 =	sadd.s32 $0xFFFFE003, lr  }
0x1b: {  	s9 =	sadd.s32 $0xFFFFFEF7, lr;
	s5 =	simm.s32 $0xFFFFFFFF;
	p2 =	slt.u32 s8, $0xFFFFF086  }
0x1c: {  	p1 =	slt.u32 s9, $0xF7A;
	s5 =	simm.s32 @!p2 $0x0  }
0x1d: {  	s5 =	simm.s32 @p1 $0x1;
	p0 =	seq.s32 s7, s2  }
0x1e: {  	s7 =	smul.u32 @!p0 $0xF7A, s2;
	p2 =	seq.s32 @!p0 s5, $0x0  }
0x1f: {  	s9 =	smul.u32 $0xF7A, s1;
	s8 =	simm.s32 @!p0 $0x1BF5;
	p2 =	por !p2, p0  }
0x20: {  	[sflag:s8] =	ssyncset.s32 @!p0 $0xFFFFF086;
	s6 =	sadd.s32 @!p0 s3, s7;
	s7 =	simm.s32 @!p0 $0x108  }
0x21: {  	s3 =	sadd.s32 s3, s9;
	s6 =	sadd.s32 @!p0 $0x88, s6;
	s7 =	simm.s32 @p2 $0x1082  }
0x22: {  	[simem:s7], [sflag:s8] =	dma.local @!p0 [hbm:s6], $0xF7A  }
0x23: {  	s9 =	sor.u32 $0xD0000000, s2;
	s6 =	simm.s32 $0x108;
	_ =	swait.ge @!p0 [sflag:s8], $0x0  }
0x24: {  	s3 =	sadd.s32 $0x88, s3;
	s6 =	simm.s32 @!p1 $0x1082;
	[sflag:s4] =	ssyncset.s32 $0xFFFFF086  }
0x25: {  	[simem:s6], [sflag:s4] =	dma.local [hbm:s3], $0xF7A  }
0x26: {  	[smem:$0x3F7D] =	sst s1;
	(tag) =	ssettag s2;
	_ =	strace s9  }
0x27: {  	s1 =	sld [smem:$0x3F8D]  }
0x28: {  	s2 =	sld [smem:$0x3F8E]  }
0x29: {  	s4 =	sld [smem:$0x3F90]  }
0x2a: {  	p0 =	seq.s32 s5, $0x0;
	s5 =	sld [smem:$0x3F91]  }
0x2b: {  	s6 =	sld [smem:$0x3F92]  }
0x2c: {  	s7 =	sld [smem:$0x3F93]  }
0x2d: {  	s3 =	simm.s32 $0x108;
	s8 =	sld [smem:$0x3F94]  }
0x2e: {  	s3 =	simm.s32 @!p0 $0x1082;
	s9 =	sld [smem:$0x3F95]  }
0x2f: {  	lr =	sadd.s32 s0, s3;
	s0 =	sld [smem:$0x3F8C]  }
0x30: {  	s3 =	sld [smem:$0x3F8F]  }
0x31: {  	[smem:$0x3F98] =	sst s10  }
0x32: {  	s10 =	sld [smem:$0x3F96];
	_ =	sdelay $0x3  }
0x33: {  	p0 =	seq.s32 s10, $0x1;
	s10 =	sld [smem:$0x3F98];
	_ =	sdelay $0x3  }
0x34: {  	[smem:$0x3F98] =	sst s10  }
0x35: {  	s10 =	sld [smem:$0x3F97];
	_ =	sdelay $0x3  }
0x36: {  	p1 =	seq.s32 s10, $0x1;
	s10 =	sld [smem:$0x3F98];
	_ =	sdelay $0x3  }
0x37: {  	[smem:$0x3F98] =	sst s10  }
0x38: {  	s10 =	sld [smem:$0x3F99]  }
0x39: {  	_ = 	snop;
	(pc) =	sbr.ind lr, $3  }
0x3a: {  	_ = 	snop  }
0x3b: {  	_ = 	snop  }
0x3c: {  	p2 =	seq.s32 s10, $0x1;
	s10 =	sld [smem:$0x3F98]  }
0x3d: {  	_ =	shalt  }
0x3e: {  	_ =	shalt  }
0x3f: {  	_ =	shalt  }
0x40: {  	_ =	shalt  }
0x41: {  	_ =	shalt  }
0x42: {  	_ =	shalt  }
0x43: {  	_ =	shalt  }
0x44: {  	_ =	shalt  }
0x45: {  	_ =	shalt  }
0x46: {  	_ =	shalt  }
0x47: {  	_ =	shalt  }
0x48: {  	_ =	shalt  }
0x49: {  	_ =	shalt  }
0x4a: {  	_ =	shalt  }
0x4b: {  	_ =	shalt  }
0x4c: {  	_ =	shalt  }
0x4d: {  	_ =	shalt  }
0x4e: {  	_ =	shalt  }
0x4f: {  	_ =	shalt  }
0x50: {  	_ =	shalt  }
0x51: {  	_ =	shalt  }
0x52: {  	_ =	shalt  }
0x53: {  	_ =	shalt  }
0x54: {  	_ =	shalt  }
0x55: {  	_ =	shalt  }
0x56: {  	_ =	shalt  }
0x57: {  	_ =	shalt  }
0x58: {  	_ =	shalt  }
0x59: {  	_ =	shalt  }
0x5a: {  	_ =	shalt  }
0x5b: {  	_ =	shalt  }
0x5c: {  	_ =	shalt  }
0x5d: {  	_ =	shalt  }
0x5e: {  	_ =	shalt  }
0x5f: {  	_ =	shalt  }
0x60: {  	_ =	shalt  }
0x61: {  	_ =	shalt  }
0x62: {  	_ =	shalt  }
0x63: {  	_ =	shalt  }
0x64: {  	_ =	shalt  }
0x65: {  	_ =	shalt  }
0x66: {  	_ =	shalt  }
0x67: {  	_ =	shalt  }
0x68: {  	_ =	shalt  }
0x69: {  	_ =	shalt  }
0x6a: {  	_ =	shalt  }
0x6b: {  	_ =	shalt  }
0x6c: {  	_ =	shalt  }
0x6d: {  	_ =	shalt  }
0x6e: {  	_ =	shalt  }
0x6f: {  	_ =	shalt  }
0x70: {  	_ =	shalt  }
0x71: {  	_ =	shalt  }
0x72: {  	_ =	shalt  }
0x73: {  	_ =	shalt  }
0x74: {  	_ =	shalt  }
0x75: {  	_ =	shalt  }
0x76: {  	_ =	shalt  }
0x77: {  	_ =	shalt  }
0x78: {  	_ =	shalt  }
0x79: {  	_ =	shalt  }
0x7a: {  	_ =	shalt  }
0x7b: {  	_ =	shalt  }
0x7c: {  	_ =	shalt  }
0x7d: {  	_ =	shalt  }
0x7e: {  	_ =	shalt  }
0x7f: {  	_ =	shalt  }
0x80: {  	_ =	shalt  }
0x81: {  	_ =	shalt  }
0x82: {  	_ =	shalt  }
0x83: {  	_ =	shalt  }
0x84: {  	_ =	shalt  }
0x85: {  	_ =	shalt  }
0x86: {  	_ =	shalt  }
0x87: {  	_ =	shalt  }
.Lfunc_end0:
.L_simem_size_0:
called_computation.2_lowered:
.L_overlay_start_0:
0x88: {  	s2 =	sld [smem:$0x3FD9]  }
0x89: {  	s3 =	sld [smem:$0x3FFE];
	_ =	sdelay $0x1  }
0x8a: {  	s1 =	srdreg.scid  }
0x8b: {  	s0 =	sand.u32 $0x1, s1  }
0x8c: {  	s16 =	sshll.u32 s0, $0xA;
	s2 =	sadd.s32 s3, s2  }
0x8d: {  	s2 =	sadd.s32 s2, s16  }
0x8e: {  	[smem:$0x3FA4] =	sst s2  }
0x8f: {  	_ = 	snop  }
0x90: {  	(tm) =	ssettm $0x1  }
0x91: {  	s17 =	sld [smem:$0x3FFB];
	_ =	sdelay $0x3  }
0x92: {  	_ =	strace s17  }
0x93: {  	s2 =	sld [smem:$0x3FFC];
	_ =	sdelay $0x3  }
0x94: {  	_ =	strace s2  }
0x95: {  	s2 =	sld [smem:$0x3FFD];
	_ =	sdelay $0x3  }
0x96: {  	_ =	strace s2  }
0x97: {  	_ =	strace $0x8FFFFFFF  }
0x98: {  	s18 =	sld [smem:$0x3FDB];
	_ =	sdelay $0x1  }
0x99: {  	s19 =	simm.s32 $_scs_section_size  }
0x9a: {  	s4 =	simm.s32 $_size__tile_overlayer_lowered;
	s5 =	simm.s32 $_tile_overlayer_lowered  }
0x9b: {  	s22 =	simm.s32 $0x1BFF;
	s21 =	sshll.u32 s5, $0x1;
	s2 =	sadd.s32 s19, s18  }
0x9c: {  	s6 =	simm.s32 $0x0;
	s20 =	sshll.u32 s4, $0x1;
	s4 =	sadd.s32 s21, s2  }
0x9d: {  	[timem:s6], [sflag:s22] =	dma.local [hbm:s4], s20  }
0x9e: {  	_ =	swait.ge [sflag:s22], s20  }
0x9f: {  	s3 =	ssub.s32 $0x0, s20;
	[sflag:s22] =	ssyncset.done $0x0  }
0xa0: {  	[sflag:s22] =	ssyncadd.s32 s3;
	_ =	sdelay $0x1  }
0xa1: {  	s23 =	simm.s32 $0x1B8B  }
0xa2: {  	_ =	swait.ge [sflag:s23], $0x1  }
0xa3: {  	[sflag:s23] =	ssyncset.done $0x0  }
0xa4: {  	s25 =	simm.s32 $0x1B8E;
	s24 =	sld [smem:$0x3FFE];
	[sflag:s23] =	ssyncadd.s32 $0xFFFFFFFF  }
0xa5: {  	s26 =	simm.s32 $execute0_lowered;
	[smem:$0x3FD2] =	sst s25  }
0xa6: {  	s4 =	sshll.u32 s26, $0x1;
	_ =	strace $0x8000004C;
	[dreg:$0x1] =	wrdreg $0xFFFFFFFF  }
0xa7: {  	s28 =	simm.s32 $_size_execute0_lowered;
	s2 =	sadd.s32 s2, s4;
	[dreg:$0x0] =	wrdreg $0x0  }
0xa8: {  	s4 =	sshll.u32 s28, $0x1;
	[dreg:$0x2] =	wrdreg s2  }
0xa9: {  	[dreg:$0x3] =	wrdreg s4  }
0xaa: {  	[dreg:$0x4] =	wrdreg $0xC0  }
0xab: {  	_ =	task [dreg:s6], $0x5FFFF  }
0xac: {  	[dreg:$0x1] =	wrdreg $0xFFFFFFFF  }
0xad: {  	[dreg:$0x0] =	wrdreg $0x60  }
0xae: {  	[dreg:$0x2] =	wrdreg s24  }
0xaf: {  	[dreg:$0x3] =	wrdreg $0x82000  }
0xb0: {  	[dreg:$0x4] =	wrdreg $0x9  }
0xb1: {  	_ =	task.clear_ibuf [dreg:s6], $0x5FFFF;
	_ =	strace $0x9000004C  }
0xb2: {  	s29 =	simm.s32 $0x9;
	_ =	strace $0x8000004E  }
0xb3: {  	_ =	swait.ge [sflag:s29], $0x1  }
0xb4: {  	[sflag:s29] =	ssyncadd.s32 $0xFFFFFFFF  }
0xb5: {  	_ =	strace $0x9000004E  }
0xb6: {  	_ =	sfence  }
0xb7: {  	s30 =	sld [smem:$0x0];
	_ =	sdelay $0x2  }
0xb8: {  	s31 =	sshll.u32 s1, $0xD;
	s1 =	sshrl.u32 s1, $0x2  }
0xb9: {  	s3 =	sand.u32 $0x4000, s31;
	s1 =	sadd.s32 s1, s30  }
0xba: {  	s0 =	sor.u32 s3, s0;
	s1 =	sshll.u32 s1, $0x11  }
0xbb: {  	s0 =	sor.u32 s1, s0  }
0xbc: {  	s0 =	sadd.s32 $0x8F2B, s0  }
0xbd: {  	[sflag:s0] =	ssyncadd.remote.s32 $0x1  }
0xbe: {  	_ =	sfence.sel $0xFFFF  }
0xbf: {  	[dreg:$0x0] =	wrdreg $0xFFFFFFFF;
	(pc) =	sbr.abs _section_cstart, $3  }
0xc0: {  	[dreg:$0x1] =	wrdreg $0xFFFFFFFF  }
0xc1: {  	_ =	task.clear_ibuf [dreg:s6], $0x2FFFF;
	_ =	strace $0x9FFFFFFF  }
0xc2: {  	(tm) =	ssettm $0x7FFFFFFF  }
0xc3: {  	_ =	shalt  }
tec
execute0_lowered:
.L_overlay_start_1:
0x0: {  	(tag) =	ssettag $0x1  }
0x1: {  	s0 =	rddreg [dreg:$0x0]  }
0x2: {  	s1 =	rddreg [dreg:$0x1];
	s3 =	simm.s32 $0x0;
	s20 =	stileid.u32  }
0x3: {  	s2 =	srdreg.scid;
	s28 =	simm.s32 $0x80;
	s29 =	simm.s32 $0x100  }
0x4: {  	s30 =	simm.s32 $0x180;
	s31 =	simm.s32 $0x5;
	[smem:$0x7FF] =	sst s3  }
0x5: {  	s4 =	sadd.s32 $0x5BE00, s0;
	s5 =	sadd.s32 $0x10C400, s0;
	s6 =	smul.u32 $0x50000, s20  }
0x6: {  	s12 =	sadd.s32 $0x5A00, s0;
	s2 =	sand.u32 $0x1, s2;
	s13 =	smul.u32 $0x14000, s20  }
0x7: {  	s7 =	sadd.s32 $0xAE00, s0;
	s0 =	sadd.s32 $0x116C00, s0;
	s19 =	smul.u32 $0x2A00, s20  }
0x8: {  	_ =	strace $0x8000004D;
	[dreg:$0x3] =	wrdreg s7;
	s24 =	ssub.s32 $0x2, s2  }
0x9: {  	s17 =	smul.u32 $0x140000, s2;
	s2 =	sshll.u32 s2, $0x7;
	s8 =	sshrl.u32 s24, $0x1  }
0xa: {  	s6 =	sshrl.u32 s6, $0x2;
	s14 =	sadd.s32 $0x4000, s13;
	s26 =	sadd.s32 $0x8000, s13  }
0xb: {  	s16 =	sadd.s32 $0xC000, s13;
	s18 =	sadd.s32 $0x10000, s13;
	s15 =	ssub.s32 s24, s8  }
0xc: {  	s21 =	sadd.s32 s6, s1;
	s25 =	sadd.s32 s14, s1;
	s8 =	sadd.s32 s26, s1  }
0xd: {  	s9 =	sadd.s32 s16, s1;
	s24 =	sadd.s32 s18, s1;
	s13 =	sadd.s32 s13, s17  }
0xe: {  	s14 =	sadd.s32 s17, s14;
	s6 =	sadd.s32 s17, s26;
	s13 =	sshrl.u32 s13, $0x3  }
0xf: {  	s11 =	sshrl.u32 s14, $0x3;
	s6 =	sshrl.u32 s6, $0x3;
	s14 =	sadd.s32 s17, s16  }
0x10: {  	s16 =	sadd.s32 s17, s18;
	s18 =	smov.u32 s25;
	s17 =	smul.u32 $0x5400, s20  }
0x11: {  	s25 =	sor.u32 $0x80, s19;
	s26 =	smax.u32 s15, $0x1;
	s10 =	sadd.s32 s0, s13  }
0x12: {  	s13 =	sadd.s32 s0, s11;
	s6 =	sadd.s32 s0, s6;
	[dreg:$0x9] =	wrdreg s26  }
0x13: {  	s23 =	sshrl.u32 s16, $0x3;
	s11 =	sshll.u32 s25, $0x1;
	[dreg:$0x4] =	wrdreg s10  }
0x14: {  	s16 =	sshrl.u32 s19, $0x3;
	s19 =	smov.u32 s8;
	[dreg:$0x5] =	wrdreg s13  }
0x15: {  	s13 =	sshrl.u32 s14, $0x3;
	[dreg:$0x6] =	wrdreg s6;
	s6 =	sor.u32 s2, s17  }
0x16: {  	s2 =	sor.u32 s2, s11;
	s17 =	sadd.s32 s12, s16;
	s14 =	simm.s32 $0x8  }
0x17: {  	s16 =	simm.s32 $0x4;
	s22 =	sadd.s32 s0, s13;
	s0 =	sadd.s32 s0, s23  }
0x18: {  	s10 =	sshrl.u32 s6, $0x3;
	[dreg:$0xb] =	wrdreg s17;
	s2 =	sshrl.u32 s2, $0x3  }
0x19: {  	s23 =	sor.u32 $0x300, s6;
	s26 =	sor.u32 $0x200, s6;
	s6 =	simm.s32 $0x1  }
0x1a: {  	s13 =	simm.s32 $0x2;
	s17 =	simm.s32 $0x0;
	[dreg:$0x7] =	wrdreg s22  }
0x1b: {  	[dreg:$0x8] =	wrdreg s0;
	s15 =	sadd.s32 s5, s10;
	s22 =	smul.u32 $0x540, s20  }
0x1c: {  	s20 =	smov.u32 s9;
	s2 =	sadd.s32 s5, s2;
	[dreg:$0xe] =	wrdreg s26  }
0x1d: {  	s0 =	sshrl.u32 s25, $0x3;
	s26 =	simm.s32 $0x9;
	[dreg:$0xa] =	wrdreg s15  }
0x1e: {  	[dreg:$0xc] =	wrdreg s2;
	s0 =	sadd.s32 s12, s0;
	s2 =	sshrl.u32 s23, $0x3  }
0x1f: {  	s15 =	simm.s32 $0x3;
	[dreg:$0xd] =	wrdreg s0;
	s25 =	sadd.s32 s22, s12  }
0x20: {  	s23 =	sadd.s32 s2, s5;
	s0 =	simm.s32 $0x7;
	s2 =	simm.s32 $0x4200  }
0x21: {  	s12 =	simm.s32 $0x6;
	s22 =	sadd.s32 $0x30, s25;
	s25 =	simm.s32 $0x200  }
.LBB2_1:
0x22: {  	s7 =	rddreg [dreg:$0x3]  }
0x23: {  	[tilespmem:s25], [sflag:$0x9] =	stream.linear.gather [hbm4b:s7+s3], $0x4000, $0x38;
	[tilespmem:$0x1C200] =	vst v63  }
0x24: {  	_ =	swait.ge [sflag:s26], $0x4000  }
0x25: {  	[sflag:s26] =	ssyncset.done $0x0  }
0x26: {  	[sflag:s26] =	ssyncadd.s32 $0xFFFFC000  }
0x27: {  	[spmem:s21] =	stream.linear.scatter [tilespmem:s25], [sflag:$0x9], $0x4000, $0x38;
	[tilespmem:$0x1C200] =	vst v63  }
0x28: {  	_ =	swait.ge [sflag:s26], $0x4000  }
0x29: {  	[sflag:s26] =	ssyncset.done $0x0  }
0x2a: {  	[sflag:s26] =	ssyncadd.s32 $0xFFFFC000  }
0x2b: {  	[spmem:s18] =	stream.linear.scatter [tilespmem:s25], [sflag:$0x9], $0x4000, $0x38;
	[tilespmem:$0x1C200] =	vst v63  }
0x2c: {  	_ =	swait.ge [sflag:s26], $0x4000  }
0x2d: {  	[sflag:s26] =	ssyncset.done $0x0  }
0x2e: {  	[sflag:s26] =	ssyncadd.s32 $0xFFFFC000  }
0x2f: {  	[spmem:s19] =	stream.linear.scatter [tilespmem:s25], [sflag:$0x9], $0x4000, $0x38;
	[tilespmem:$0x1C200] =	vst v63  }
0x30: {  	_ =	swait.ge [sflag:s26], $0x4000  }
0x31: {  	[sflag:s26] =	ssyncset.done $0x0  }
0x32: {  	[sflag:s26] =	ssyncadd.s32 $0xFFFFC000  }
0x33: {  	[spmem:s20] =	stream.linear.scatter [tilespmem:s25], [sflag:$0x9], $0x4000, $0x38;
	[tilespmem:$0x1C200] =	vst v63  }
0x34: {  	_ =	swait.ge [sflag:s26], $0x4000  }
0x35: {  	[sflag:s26] =	ssyncset.done $0x0  }
0x36: {  	[sflag:s26] =	ssyncadd.s32 $0xFFFFC000  }
0x37: {  	[spmem:s24] =	stream.linear.scatter [tilespmem:s25], [sflag:$0x9], $0x4000, $0x38;
	[tilespmem:$0x1C200] =	vst v63  }
0x38: {  	_ =	swait.ge [sflag:s26], $0x4000  }
0x39: {  	[sflag:s26] =	ssyncset.done $0x0  }
0x3a: {  	[sflag:s26] =	ssyncadd.s32 $0xFFFFC000  }
0x3b: {  	[bflag:$0x0] =	sbarrier.arrive $0xFFFF  }
0x3c: {  	s10 =	smov.u32 s19;
	s19 =	rddreg [dreg:$0xa]  }
0x3d: {  	[tilespmem:s3], [sflag:$0x5] =	stream.linear.gather [hbm4b:s19+s3], $0x80, $0x38;
	[tilespmem:$0x1C200] =	vst v63  }
0x3e: {  	s11 =	smov.u32 s20;
	s20 =	rddreg [dreg:$0xb]  }
0x3f: {  	[tilespmem:s28], [sflag:$0x6] =	stream.linear.gather [hbm4b:s20+s3], $0x80, $0x38;
	[tilespmem:$0x1C200] =	vst v63  }
0x40: {  	s8 =	smov.u32 s21;
	s21 =	rddreg [dreg:$0xc]  }
0x41: {  	[tilespmem:s29], [sflag:$0x7] =	stream.linear.gather [hbm4b:s21+s3], $0x80, $0x38;
	[tilespmem:$0x1C200] =	vst v63  }
0x42: {  	s9 =	smov.u32 s18;
	s18 =	rddreg [dreg:$0xd]  }
0x43: {  	[tilespmem:s30], [sflag:$0x8] =	stream.linear.gather [hbm4b:s18+s3], $0x80, $0x38;
	[tilespmem:$0x1C200] =	vst v63  }
0x44: {  	_ =	swait.ge [sflag:s31], $0x80  }
0x45: {  	[sflag:s31] =	ssyncset.done $0x0  }
0x46: {  	[sflag:s31] =	ssyncadd.s32 $0xFFFFFF80  }
0x47: {  	[tilespmem:s25], [sflag:$0x1] =	stream.indirect.gather [hbm4b:s4+s28], $0x80, s3, s28, $0xb8;
	[tilespmem:$0x1C200] =	vst v63  }
0x48: {  	_ =	swait.ge [sflag:s0], $0x80  }
0x49: {  	[sflag:s0] =	ssyncset.done $0x0  }
0x4a: {  	[sflag:s0] =	ssyncadd.s32 $0xFFFFFF80  }
0x4b: {  	[tilespmem:s2], [sflag:$0x2] =	stream.indirect.gather [hbm4b:s4+s28], $0x80, s29, s28, $0xb8;
	[tilespmem:$0x1C200] =	vst v63  }
0x4c: {  	_ =	swait.ge [sflag:s6], $0x4000  }
0x4d: {  	[sflag:s6] =	ssyncset.done $0x0  }
0x4e: {  	[sflag:s6] =	ssyncadd.s32 $0xFFFFC000  }
0x4f: {  	_ =	swait.ge [sflag:s12], $0x80  }
0x50: {  	[sflag:s12] =	ssyncset.done $0x0  }
0x51: {  	[sflag:s12] =	ssyncadd.s32 $0xFFFFFF80  }
0x52: {  	[spmem:s1] =	stream.indirect.scatter.add.f32 [tilespmem:s25], [sflag:$0x3], $0x80, s28, s28, $0xb8;
	[tilespmem:$0x1C200] =	vst v63  }
0x53: {  	_ =	swait.ge [sflag:s13], $0x4000  }
0x54: {  	[sflag:s13] =	ssyncset.done $0x0  }
0x55: {  	[sflag:s13] =	ssyncadd.s32 $0xFFFFC000  }
0x56: {  	_ =	swait.ge [sflag:s14], $0x80  }
0x57: {  	[sflag:s14] =	ssyncset.done $0x0  }
0x58: {  	[sflag:s14] =	ssyncadd.s32 $0xFFFFFF80  }
0x59: {  	[spmem:s1] =	stream.indirect.scatter.add.f32 [tilespmem:s2], [sflag:$0x4], $0x80, s30, s28, $0xb8;
	[tilespmem:$0x1C200] =	vst v63  }
0x5a: {  	_ =	swait.ge [sflag:s15], $0x4000  }
0x5b: {  	s7 =	rddreg [dreg:$0xe]  }
0x5c: {  	[sflag:s15] =	ssyncset.done $0x0;
	s19 =	sshrl.u32 s7, $0x3  }
0x5d: {  	[sflag:s15] =	ssyncadd.s32 $0xFFFFC000;
	s18 =	sadd.s32 s5, s19  }
0x5e: {  	[tilespmem:s3], [sflag:$0x5] =	stream.linear.gather [hbm4b:s18+s3], $0x80, $0x38;
	[tilespmem:$0x1C200] =	vst v63  }
0x5f: {  	s20 =	sadd.s32 $0xFFFFFFF0, s22  }
0x60: {  	[tilespmem:s28], [sflag:$0x6] =	stream.linear.gather [hbm4b:s20+s3], $0x80, $0x38;
	[tilespmem:$0x1C200] =	vst v63  }
0x61: {  	_ =	swait.ge [sflag:s16], $0x4000  }
0x62: {  	[sflag:s16] =	ssyncset.done $0x0  }
0x63: {  	s21 =	sadd.s32 $0x0, s23;
	[sflag:s16] =	ssyncadd.s32 $0xFFFFC000  }
0x64: {  	[tilespmem:s29], [sflag:$0x7] =	stream.linear.gather [hbm4b:s21+s3], $0x80, $0x38;
	[tilespmem:$0x1C200] =	vst v63  }
0x65: {  	_ = 	snop  }
0x66: {  	[tilespmem:s30], [sflag:$0x8] =	stream.linear.gather [hbm4b:s22+s3], $0x80, $0x38;
	[tilespmem:$0x1C200] =	vst v63  }
0x67: {  	_ =	swait.ge [sflag:s31], $0x80  }
0x68: {  	[sflag:s31] =	ssyncset.done $0x0  }
0x69: {  	[sflag:s31] =	ssyncadd.s32 $0xFFFFFF80  }
0x6a: {  	[tilespmem:s25], [sflag:$0x1] =	stream.indirect.gather [hbm4b:s4+s28], $0x80, s3, s28, $0xb8;
	[tilespmem:$0x1C200] =	vst v63  }
0x6b: {  	_ =	swait.ge [sflag:s0], $0x80  }
0x6c: {  	[sflag:s0] =	ssyncset.done $0x0  }
0x6d: {  	[sflag:s0] =	ssyncadd.s32 $0xFFFFFF80  }
0x6e: {  	[tilespmem:s2], [sflag:$0x2] =	stream.indirect.gather [hbm4b:s4+s28], $0x80, s29, s28, $0xb8;
	[tilespmem:$0x1C200] =	vst v63  }
0x6f: {  	_ =	swait.ge [sflag:s6], $0x4000  }
0x70: {  	[sflag:s6] =	ssyncset.done $0x0  }
0x71: {  	[sflag:s6] =	ssyncadd.s32 $0xFFFFC000  }
0x72: {  	_ =	swait.ge [sflag:s12], $0x80  }
0x73: {  	[sflag:s12] =	ssyncset.done $0x0  }
0x74: {  	[sflag:s12] =	ssyncadd.s32 $0xFFFFFF80  }
0x75: {  	[spmem:s1] =	stream.indirect.scatter.add.f32 [tilespmem:s25], [sflag:$0x3], $0x80, s28, s28, $0xb8;
	[tilespmem:$0x1C200] =	vst v63  }
0x76: {  	_ =	swait.ge [sflag:s13], $0x4000  }
0x77: {  	[sflag:s13] =	ssyncset.done $0x0  }
0x78: {  	[sflag:s13] =	ssyncadd.s32 $0xFFFFC000  }
0x79: {  	_ =	swait.ge [sflag:s14], $0x80  }
0x7a: {  	s19 =	sadd.s32 $0x20, s22;
	[sflag:s14] =	ssyncset.done $0x0  }
0x7b: {  	s18 =	simm.s32 $0x40;
	s20 =	sadd.s32 $0x200, s7;
	[sflag:s14] =	ssyncadd.s32 $0xFFFFFF80  }
.LBB2_2:
0x7c: {  	[spmem:s1] =	stream.indirect.scatter.add.f32 [tilespmem:s2], [sflag:$0x4], $0x80, s30, s28, $0xb8;
	[tilespmem:$0x1C200] =	vst v63  }
0x7d: {  	s21 =	smov.u32 s18  }
0x7e: {  	p0 =	sne.s32 s18, $0xA00;
	s18 =	sadd.s32 $0x40, s18;
	_ =	swait.ge [sflag:s15], $0x4000  }
0x7f: {  	s7 =	sshrl.u32 s20, $0x3;
	[sflag:s15] =	ssyncset.done $0x0  }
0x80: {  	s7 =	sadd.s32 s5, s7;
	[sflag:s15] =	ssyncadd.s32 $0xFFFFC000  }
0x81: {  	[tilespmem:s3], [sflag:$0x5] =	stream.linear.gather [hbm4b:s7+s3], $0x80, $0x38;
	[tilespmem:$0x1C200] =	vst v63  }
0x82: {  	s7 =	sadd.s32 $0xFFFFFFF0, s19  }
0x83: {  	[tilespmem:s28], [sflag:$0x6] =	stream.linear.gather [hbm4b:s7+s3], $0x80, $0x38;
	[tilespmem:$0x1C200] =	vst v63  }
0x84: {  	_ =	swait.ge [sflag:s16], $0x4000  }
0x85: {  	[sflag:s16] =	ssyncset.done $0x0  }
0x86: {  	s7 =	sadd.s32 s21, s23;
	[sflag:s16] =	ssyncadd.s32 $0xFFFFC000  }
0x87: {  	[tilespmem:s29], [sflag:$0x7] =	stream.linear.gather [hbm4b:s7+s3], $0x80, $0x38;
	[tilespmem:$0x1C200] =	vst v63  }
0x88: {  	_ = 	snop  }
0x89: {  	[tilespmem:s30], [sflag:$0x8] =	stream.linear.gather [hbm4b:s19+s3], $0x80, $0x38;
	[tilespmem:$0x1C200] =	vst v63  }
0x8a: {  	_ =	swait.ge [sflag:s31], $0x80  }
0x8b: {  	[sflag:s31] =	ssyncset.done $0x0  }
0x8c: {  	[sflag:s31] =	ssyncadd.s32 $0xFFFFFF80  }
0x8d: {  	[tilespmem:s25], [sflag:$0x1] =	stream.indirect.gather [hbm4b:s4+s28], $0x80, s3, s28, $0xb8;
	[tilespmem:$0x1C200] =	vst v63  }
0x8e: {  	_ =	swait.ge [sflag:s0], $0x80  }
0x8f: {  	[sflag:s0] =	ssyncset.done $0x0  }
0x90: {  	[sflag:s0] =	ssyncadd.s32 $0xFFFFFF80  }
0x91: {  	[tilespmem:s2], [sflag:$0x2] =	stream.indirect.gather [hbm4b:s4+s28], $0x80, s29, s28, $0xb8;
	[tilespmem:$0x1C200] =	vst v63  }
0x92: {  	_ =	swait.ge [sflag:s6], $0x4000  }
0x93: {  	[sflag:s6] =	ssyncset.done $0x0  }
0x94: {  	[sflag:s6] =	ssyncadd.s32 $0xFFFFC000  }
0x95: {  	_ =	swait.ge [sflag:s12], $0x80  }
0x96: {  	[sflag:s12] =	ssyncset.done $0x0  }
0x97: {  	[sflag:s12] =	ssyncadd.s32 $0xFFFFFF80  }
0x98: {  	[spmem:s1] =	stream.indirect.scatter.add.f32 [tilespmem:s25], [sflag:$0x3], $0x80, s28, s28, $0xb8;
	[tilespmem:$0x1C200] =	vst v63  }
0x99: {  	_ =	swait.ge [sflag:s13], $0x4000  }
.Ltmp0:
0x9a: {  	[sflag:s13] =	ssyncset.done $0x0;
	(pc) =	sbr.rel @p0 .LBB2_2-.Ltmp0, $4  }
0x9b: {  	[sflag:s13] =	ssyncadd.s32 $0xFFFFC000  }
0x9c: {  	_ =	swait.ge [sflag:s14], $0x80  }
0x9d: {  	[sflag:s14] =	ssyncset.done $0x0  }
0x9e: {  	s20 =	sadd.s32 $0x200, s20;
	s19 =	sadd.s32 $0x20, s19;
	[sflag:s14] =	ssyncadd.s32 $0xFFFFFF80  }
0x9f: {  	[spmem:s1] =	stream.indirect.scatter.add.f32 [tilespmem:s2], [sflag:$0x4], $0x80, s30, s28, $0xb8;
	[tilespmem:$0x1C200] =	vst v63  }
0xa0: {  	_ =	swait.ge [sflag:s15], $0x4000  }
0xa1: {  	[sflag:s15] =	ssyncset.done $0x0  }
0xa2: {  	[sflag:s15] =	ssyncadd.s32 $0xFFFFC000  }
0xa3: {  	_ =	swait.ge [sflag:s16], $0x4000  }
0xa4: {  	[sflag:s16] =	ssyncset.done $0x0  }
0xa5: {  	[sflag:s16] =	ssyncadd.s32 $0xFFFFC000  }
0xa6: {  	[bflag:$0x0] =	sbarrier.arrive $0xFFFF  }
0xa7: {  	[tilespmem:s25], [sflag:$0x9] =	stream.linear.gather [spmem:s8], $0x4000, $0x38;
	[tilespmem:$0x1C200] =	vst v63  }
0xa8: {  	_ =	swait.ge [sflag:s26], $0x4000  }
0xa9: {  	[sflag:s26] =	ssyncset.done $0x0  }
0xaa: {  	s7 =	rddreg [dreg:$0x4];
	[sflag:s26] =	ssyncadd.s32 $0xFFFFC000  }
0xab: {  	[hbm4b:s7+s3] =	stream.linear.scatter [tilespmem:s25], [sflag:$0x9], $0x4000, $0x38;
	[tilespmem:$0x1C200] =	vst v63  }
0xac: {  	_ =	swait.ge [sflag:s26], $0x4000  }
0xad: {  	[sflag:s26] =	ssyncset.done $0x0  }
0xae: {  	[sflag:s26] =	ssyncadd.s32 $0xFFFFC000  }
0xaf: {  	[tilespmem:s25], [sflag:$0x9] =	stream.linear.gather [spmem:s9], $0x4000, $0x38;
	[tilespmem:$0x1C200] =	vst v63  }
0xb0: {  	_ =	swait.ge [sflag:s26], $0x4000  }
0xb1: {  	[sflag:s26] =	ssyncset.done $0x0  }
0xb2: {  	s20 =	rddreg [dreg:$0x5];
	[sflag:s26] =	ssyncadd.s32 $0xFFFFC000  }
0xb3: {  	[hbm4b:s20+s3] =	stream.linear.scatter [tilespmem:s25], [sflag:$0x9], $0x4000, $0x38;
	[tilespmem:$0x1C200] =	vst v63  }
0xb4: {  	_ =	swait.ge [sflag:s26], $0x4000  }
0xb5: {  	[sflag:s26] =	ssyncset.done $0x0  }
0xb6: {  	[sflag:s26] =	ssyncadd.s32 $0xFFFFC000  }
0xb7: {  	[tilespmem:s25], [sflag:$0x9] =	stream.linear.gather [spmem:s10], $0x4000, $0x38;
	[tilespmem:$0x1C200] =	vst v63  }
0xb8: {  	_ =	swait.ge [sflag:s26], $0x4000  }
0xb9: {  	[sflag:s26] =	ssyncset.done $0x0  }
0xba: {  	s21 =	smov.u32 s8;
	s8 =	rddreg [dreg:$0x6];
	[sflag:s26] =	ssyncadd.s32 $0xFFFFC000  }
0xbb: {  	[hbm4b:s8+s3] =	stream.linear.scatter [tilespmem:s25], [sflag:$0x9], $0x4000, $0x38;
	[tilespmem:$0x1C200] =	vst v63  }
0xbc: {  	_ =	swait.ge [sflag:s26], $0x4000  }
0xbd: {  	[sflag:s26] =	ssyncset.done $0x0  }
0xbe: {  	[sflag:s26] =	ssyncadd.s32 $0xFFFFC000  }
0xbf: {  	[tilespmem:s25], [sflag:$0x9] =	stream.linear.gather [spmem:s11], $0x4000, $0x38;
	[tilespmem:$0x1C200] =	vst v63  }
0xc0: {  	_ =	swait.ge [sflag:s26], $0x4000  }
0xc1: {  	[sflag:s26] =	ssyncset.done $0x0  }
0xc2: {  	s18 =	smov.u32 s9;
	s9 =	rddreg [dreg:$0x7];
	[sflag:s26] =	ssyncadd.s32 $0xFFFFC000  }
0xc3: {  	[hbm4b:s9+s3] =	stream.linear.scatter [tilespmem:s25], [sflag:$0x9], $0x4000, $0x38;
	[tilespmem:$0x1C200] =	vst v63  }
0xc4: {  	_ =	swait.ge [sflag:s26], $0x4000  }
0xc5: {  	[sflag:s26] =	ssyncset.done $0x0  }
0xc6: {  	[sflag:s26] =	ssyncadd.s32 $0xFFFFC000  }
0xc7: {  	[tilespmem:s25], [sflag:$0x9] =	stream.linear.gather [spmem:s24], $0x4000, $0x38;
	[tilespmem:$0x1C200] =	vst v63  }
0xc8: {  	_ =	swait.ge [sflag:s26], $0x4000  }
0xc9: {  	[sflag:s26] =	ssyncset.done $0x0  }
0xca: {  	s19 =	smov.u32 s10;
	s10 =	rddreg [dreg:$0x8];
	[sflag:s26] =	ssyncadd.s32 $0xFFFFC000  }
0xcb: {  	[hbm4b:s10+s3] =	stream.linear.scatter [tilespmem:s25], [sflag:$0x9], $0x4000, $0x38;
	[tilespmem:$0x1C200] =	vst v63  }
0xcc: {  	_ =	swait.ge [sflag:s26], $0x4000  }
0xcd: {  	s17 =	sadd.s32 $0x1, s17;
	s20 =	smov.u32 s11;
	s11 =	rddreg [dreg:$0x9]  }
0xce: {  	p0 =	sne.s32 s17, s11  }
.Ltmp1:
0xcf: {  	_ = 	snop;
	(pc) =	sbr.rel @p0 .LBB2_1-.Ltmp1, $3  }
0xd0: {  	_ =	sdelay $0x1  }
0xd1: {  	[sflag:s26] =	ssyncset.done $0x0  }
0xd2: {  	[sflag:s26] =	ssyncadd.s32 $0xFFFFC000  }
0xd3: {  	_ =	sfence.sel $0x180000  }
0xd4: {  	[bflag:$0x0] =	sbarrier.arrive $0xFFFF  }
0xd5: {  	_ =	strace $0x9000004D  }
0xd6: {  	s0 =	stileid.u32;
	[bflag:$0x2] =	sbarrier.arrive $0xFFFF  }
0xd7: {  	p0 =	sne.s32 s0, $0x0;
	s0 =	rddreg [dreg:$0x2]  }
0xd8: {  	s0 =	sadd.s32 @!p0 $0x100000, s0  }
0xd9: {  	[sflag:s0] =	ssyncadd.tile.s32 @!p0 $0x1;
	_ =	shalt  }
.Lfunc_end2:
_tile_overlayer_lowered:
.L_overlay_start_2:
0xda: {  	(tag) =	ssettag $0x2  }
0xdb: {  	s0 =	rddreg [dreg:$0x0];
	s2 =	stileid.u32  }
0xdc: {  	s1 =	rddreg [dreg:$0x1];
	p0 =	sne.s32 s2, $0x0  }
0xdd: {  	s3 =	rddreg [dreg:$0x2];
	[bflag:$0x3] =	sbarrier.arrive $0xFFFF;
	s2 =	simm.s32 @!p0 $0x1C09  }
0xde: {  	[timem:s3], [sflag:s2] =	dma.local @!p0 [hbm:s0], s1  }
0xdf: {  	s0 =	simm.s32 @!p0 $0x9  }
0xe0: {  	_ =	swait.ge @!p0 [sflag:s0], s1  }
0xe1: {  	s1 =	ssub.s32 @!p0 $0x0, s1;
	[sflag:s0] =	ssyncset.done @!p0 $0x0  }
0xe2: {  	[sflag:s0] =	ssyncadd.s32 @!p0 s1  }
0xe3: {  	[bflag:$0x3] =	sbarrier.arrive $0xFFFF  }
0xe4: {  	_ =	shalt  }

// kernel: kernel.21.cloned.1.call-start
scs
__scs_entry_jumppad:
0x0: {  	(pc) =	sbr.rel $0x88, $3  }
0x1: {  	(tag) =	ssettag $0x0;
	lr =	simm.s32 $0x1  }
0x2: {  	[smem:$0x3F7D] =	sst lr;
	_ =	strace $0xD0000000  }
0x3: {  	_ = 	snop  }
0x4: {  	_ = 	snop  }
0x5: {  	_ = 	snop  }
0x6: {  	_ = 	snop  }
0x7: {  	_ = 	snop  }
__scs_overlays_trampoline_lowered:
0x8: {  	[smem:$0x3F8C] =	sst s0  }
0x9: {  	[smem:$0x3F8D] =	sst s1  }
0xa: {  	[smem:$0x3F8E] =	sst s2  }
0xb: {  	[smem:$0x3F8F] =	sst s3  }
0xc: {  	[smem:$0x3F90] =	sst s4  }
0xd: {  	[smem:$0x3F91] =	sst s5  }
0xe: {  	[smem:$0x3F92] =	sst s6  }
0xf: {  	[smem:$0x3F93] =	sst s7  }
0x10: {  	[smem:$0x3F94] =	sst s8  }
0x11: {  	[smem:$0x3F95] =	sst s9;
	s0 =	simm.s32 @!p0 $0x0  }
0x12: {  	s1 =	sld [smem:$0x3F7B];
	s0 =	simm.s32 @p0 $0x1  }
0x13: {  	[smem:$0x3F96] =	sst s0;
	s0 =	simm.s32 @!p1 $0x0  }
0x14: {  	s2 =	sld [smem:$0x3F7A];
	s0 =	simm.s32 @p1 $0x1  }
0x15: {  	[smem:$0x3F97] =	sst s0;
	s0 =	simm.s32 @!p2 $0x0  }
0x16: {  	s3 =	sld [smem:$0x3FDB];
	s0 =	simm.s32 @p2 $0x1  }
0x17: {  	s4 =	simm.s32 $0x1BF5;
	[smem:$0x3F99] =	sst s0  }
0x18: {  	s0 =	sld [smem:$0x3F7C];
	_ =	swait.ge [sflag:s4], $0x0  }
0x19: {  	s7 =	sld [smem:$0x3F7D]  }
0x1a: {  	s8 =	sadd.s32 $0xFFFFE003, lr  }
0x1b: {  	s9 =	sadd.s32 $0xFFFFFEF7, lr;
	s5 =	simm.s32 $0xFFFFFFFF;
	p2 =	slt.u32 s8, $0xFFFFF086  }
0x1c: {  	p1 =	slt.u32 s9, $0xF7A;
	s5 =	simm.s32 @!p2 $0x0  }
0x1d: {  	s5 =	simm.s32 @p1 $0x1;
	p0 =	seq.s32 s7, s2  }
0x1e: {  	s7 =	smul.u32 @!p0 $0xF7A, s2;
	p2 =	seq.s32 @!p0 s5, $0x0  }
0x1f: {  	s9 =	smul.u32 $0xF7A, s1;
	s8 =	simm.s32 @!p0 $0x1BF5;
	p2 =	por !p2, p0  }
0x20: {  	[sflag:s8] =	ssyncset.s32 @!p0 $0xFFFFF086;
	s6 =	sadd.s32 @!p0 s3, s7;
	s7 =	simm.s32 @!p0 $0x108  }
0x21: {  	s3 =	sadd.s32 s3, s9;
	s6 =	sadd.s32 @!p0 $0x88, s6;
	s7 =	simm.s32 @p2 $0x1082  }
0x22: {  	[simem:s7], [sflag:s8] =	dma.local @!p0 [hbm:s6], $0xF7A  }
0x23: {  	s9 =	sor.u32 $0xD0000000, s2;
	s6 =	simm.s32 $0x108;
	_ =	swait.ge @!p0 [sflag:s8], $0x0  }
0x24: {  	s3 =	sadd.s32 $0x88, s3;
	s6 =	simm.s32 @!p1 $0x1082;
	[sflag:s4] =	ssyncset.s32 $0xFFFFF086  }
0x25: {  	[simem:s6], [sflag:s4] =	dma.local [hbm:s3], $0xF7A  }
0x26: {  	[smem:$0x3F7D] =	sst s1;
	(tag) =	ssettag s2;
	_ =	strace s9  }
0x27: {  	s1 =	sld [smem:$0x3F8D]  }
0x28: {  	s2 =	sld [smem:$0x3F8E]  }
0x29: {  	s4 =	sld [smem:$0x3F90]  }
0x2a: {  	p0 =	seq.s32 s5, $0x0;
	s5 =	sld [smem:$0x3F91]  }
0x2b: {  	s6 =	sld [smem:$0x3F92]  }
0x2c: {  	s7 =	sld [smem:$0x3F93]  }
0x2d: {  	s3 =	simm.s32 $0x108;
	s8 =	sld [smem:$0x3F94]  }
0x2e: {  	s3 =	simm.s32 @!p0 $0x1082;
	s9 =	sld [smem:$0x3F95]  }
0x2f: {  	lr =	sadd.s32 s0, s3;
	s0 =	sld [smem:$0x3F8C]  }
0x30: {  	s3 =	sld [smem:$0x3F8F]  }
0x31: {  	[smem:$0x3F98] =	sst s10  }
0x32: {  	s10 =	sld [smem:$0x3F96];
	_ =	sdelay $0x3  }
0x33: {  	p0 =	seq.s32 s10, $0x1;
	s10 =	sld [smem:$0x3F98];
	_ =	sdelay $0x3  }
0x34: {  	[smem:$0x3F98] =	sst s10  }
0x35: {  	s10 =	sld [smem:$0x3F97];
	_ =	sdelay $0x3  }
0x36: {  	p1 =	seq.s32 s10, $0x1;
	s10 =	sld [smem:$0x3F98];
	_ =	sdelay $0x3  }
0x37: {  	[smem:$0x3F98] =	sst s10  }
0x38: {  	s10 =	sld [smem:$0x3F99]  }
0x39: {  	_ = 	snop;
	(pc) =	sbr.ind lr, $3  }
0x3a: {  	_ = 	snop  }
0x3b: {  	_ = 	snop  }
0x3c: {  	p2 =	seq.s32 s10, $0x1;
	s10 =	sld [smem:$0x3F98]  }
0x3d: {  	_ =	shalt  }
0x3e: {  	_ =	shalt  }
0x3f: {  	_ =	shalt  }
0x40: {  	_ =	shalt  }
0x41: {  	_ =	shalt  }
0x42: {  	_ =	shalt  }
0x43: {  	_ =	shalt  }
0x44: {  	_ =	shalt  }
0x45: {  	_ =	shalt  }
0x46: {  	_ =	shalt  }
0x47: {  	_ =	shalt  }
0x48: {  	_ =	shalt  }
0x49: {  	_ =	shalt  }
0x4a: {  	_ =	shalt  }
0x4b: {  	_ =	shalt  }
0x4c: {  	_ =	shalt  }
0x4d: {  	_ =	shalt  }
0x4e: {  	_ =	shalt  }
0x4f: {  	_ =	shalt  }
0x50: {  	_ =	shalt  }
0x51: {  	_ =	shalt  }
0x52: {  	_ =	shalt  }
0x53: {  	_ =	shalt  }
0x54: {  	_ =	shalt  }
0x55: {  	_ =	shalt  }
0x56: {  	_ =	shalt  }
0x57: {  	_ =	shalt  }
0x58: {  	_ =	shalt  }
0x59: {  	_ =	shalt  }
0x5a: {  	_ =	shalt  }
0x5b: {  	_ =	shalt  }
0x5c: {  	_ =	shalt  }
0x5d: {  	_ =	shalt  }
0x5e: {  	_ =	shalt  }
0x5f: {  	_ =	shalt  }
0x60: {  	_ =	shalt  }
0x61: {  	_ =	shalt  }
0x62: {  	_ =	shalt  }
0x63: {  	_ =	shalt  }
0x64: {  	_ =	shalt  }
0x65: {  	_ =	shalt  }
0x66: {  	_ =	shalt  }
0x67: {  	_ =	shalt  }
0x68: {  	_ =	shalt  }
0x69: {  	_ =	shalt  }
0x6a: {  	_ =	shalt  }
0x6b: {  	_ =	shalt  }
0x6c: {  	_ =	shalt  }
0x6d: {  	_ =	shalt  }
0x6e: {  	_ =	shalt  }
0x6f: {  	_ =	shalt  }
0x70: {  	_ =	shalt  }
0x71: {  	_ =	shalt  }
0x72: {  	_ =	shalt  }
0x73: {  	_ =	shalt  }
0x74: {  	_ =	shalt  }
0x75: {  	_ =	shalt  }
0x76: {  	_ =	shalt  }
0x77: {  	_ =	shalt  }
0x78: {  	_ =	shalt  }
0x79: {  	_ =	shalt  }
0x7a: {  	_ =	shalt  }
0x7b: {  	_ =	shalt  }
0x7c: {  	_ =	shalt  }
0x7d: {  	_ =	shalt  }
0x7e: {  	_ =	shalt  }
0x7f: {  	_ =	shalt  }
0x80: {  	_ =	shalt  }
0x81: {  	_ =	shalt  }
0x82: {  	_ =	shalt  }
0x83: {  	_ =	shalt  }
0x84: {  	_ =	shalt  }
0x85: {  	_ =	shalt  }
0x86: {  	_ =	shalt  }
0x87: {  	_ =	shalt  }
.Lfunc_end0:
.L_simem_size_0:
called_computation.3_lowered:
.L_overlay_start_0:
0x88: {  	s2 =	sld [smem:$0x3FD9]  }
0x89: {  	s3 =	sld [smem:$0x3FFE];
	_ =	sdelay $0x1  }
0x8a: {  	s1 =	srdreg.scid  }
0x8b: {  	s0 =	sand.u32 $0x1, s1  }
0x8c: {  	s16 =	sshll.u32 s0, $0xA;
	s2 =	sadd.s32 s3, s2  }
0x8d: {  	s2 =	sadd.s32 s2, s16  }
0x8e: {  	[smem:$0x3FA4] =	sst s2  }
0x8f: {  	_ = 	snop  }
0x90: {  	(tm) =	ssettm $0x1  }
0x91: {  	s17 =	sld [smem:$0x3FFB];
	_ =	sdelay $0x3  }
0x92: {  	_ =	strace s17  }
0x93: {  	s2 =	sld [smem:$0x3FFC];
	_ =	sdelay $0x3  }
0x94: {  	_ =	strace s2  }
0x95: {  	s2 =	sld [smem:$0x3FFD];
	_ =	sdelay $0x3  }
0x96: {  	_ =	strace s2  }
0x97: {  	_ =	strace $0x8FFFFFFF  }
0x98: {  	s18 =	sld [smem:$0x3FDB];
	_ =	sdelay $0x1  }
0x99: {  	s19 =	simm.s32 $_scs_section_size  }
0x9a: {  	s4 =	simm.s32 $_size__tile_overlayer_lowered;
	s5 =	simm.s32 $_tile_overlayer_lowered  }
0x9b: {  	s22 =	simm.s32 $0x1BFF;
	s21 =	sshll.u32 s5, $0x1;
	s2 =	sadd.s32 s19, s18  }
0x9c: {  	s6 =	simm.s32 $0x0;
	s20 =	sshll.u32 s4, $0x1;
	s4 =	sadd.s32 s21, s2  }
0x9d: {  	[timem:s6], [sflag:s22] =	dma.local [hbm:s4], s20  }
0x9e: {  	_ =	swait.ge [sflag:s22], s20  }
0x9f: {  	s3 =	ssub.s32 $0x0, s20;
	[sflag:s22] =	ssyncset.done $0x0  }
0xa0: {  	[sflag:s22] =	ssyncadd.s32 s3;
	_ =	sdelay $0x1  }
0xa1: {  	s23 =	simm.s32 $0x1B8B  }
0xa2: {  	_ =	swait.ge [sflag:s23], $0x1  }
0xa3: {  	[sflag:s23] =	ssyncset.done $0x0  }
0xa4: {  	s25 =	simm.s32 $0x1B8E;
	s24 =	sld [smem:$0x3FFE];
	[sflag:s23] =	ssyncadd.s32 $0xFFFFFFFF  }
0xa5: {  	s26 =	simm.s32 $execute0_lowered;
	[smem:$0x3FD2] =	sst s25  }
0xa6: {  	s4 =	sshll.u32 s26, $0x1;
	_ =	strace $0x8000004F;
	[dreg:$0x1] =	wrdreg $0xFFFFFFFF  }
0xa7: {  	s28 =	simm.s32 $_size_execute0_lowered;
	s2 =	sadd.s32 s2, s4;
	[dreg:$0x0] =	wrdreg $0x0  }
0xa8: {  	s4 =	sshll.u32 s28, $0x1;
	[dreg:$0x2] =	wrdreg s2  }
0xa9: {  	[dreg:$0x3] =	wrdreg s4  }
0xaa: {  	[dreg:$0x4] =	wrdreg $0xC0  }
0xab: {  	_ =	task [dreg:s6], $0x5FFFF  }
0xac: {  	[dreg:$0x1] =	wrdreg $0xFFFFFFFF  }
0xad: {  	[dreg:$0x0] =	wrdreg $0x60  }
0xae: {  	[dreg:$0x2] =	wrdreg s24  }
0xaf: {  	[dreg:$0x3] =	wrdreg $0x82000  }
0xb0: {  	[dreg:$0x4] =	wrdreg $0x9  }
0xb1: {  	_ =	task.clear_ibuf [dreg:s6], $0x5FFFF;
	_ =	strace $0x9000004F  }
0xb2: {  	s29 =	simm.s32 $0x9;
	_ =	strace $0x80000051  }
0xb3: {  	_ =	swait.ge [sflag:s29], $0x1  }
0xb4: {  	[sflag:s29] =	ssyncadd.s32 $0xFFFFFFFF  }
0xb5: {  	_ =	strace $0x90000051  }
0xb6: {  	_ =	sfence  }
0xb7: {  	s30 =	sld [smem:$0x0];
	_ =	sdelay $0x2  }
0xb8: {  	s31 =	sshll.u32 s1, $0xD;
	s1 =	sshrl.u32 s1, $0x2  }
0xb9: {  	s3 =	sand.u32 $0x4000, s31;
	s1 =	sadd.s32 s1, s30  }
0xba: {  	s0 =	sor.u32 s3, s0;
	s1 =	sshll.u32 s1, $0x11  }
0xbb: {  	s0 =	sor.u32 s1, s0  }
0xbc: {  	s0 =	sadd.s32 $0x8F2B, s0  }
0xbd: {  	[sflag:s0] =	ssyncadd.remote.s32 $0x1  }
0xbe: {  	_ =	sfence.sel $0xFFFF  }
0xbf: {  	[dreg:$0x0] =	wrdreg $0xFFFFFFFF;
	(pc) =	sbr.abs _section_cstart, $3  }
0xc0: {  	[dreg:$0x1] =	wrdreg $0xFFFFFFFF  }
0xc1: {  	_ =	task.clear_ibuf [dreg:s6], $0x2FFFF;
	_ =	strace $0x9FFFFFFF  }
0xc2: {  	(tm) =	ssettm $0x7FFFFFFF  }
0xc3: {  	_ =	shalt  }
tec
execute0_lowered:
.L_overlay_start_1:
0x0: {  	(tag) =	ssettag $0x1  }
0x1: {  	s0 =	rddreg [dreg:$0x0]  }
0x2: {  	s1 =	rddreg [dreg:$0x1];
	s3 =	simm.s32 $0x0;
	s20 =	stileid.u32  }
0x3: {  	s2 =	srdreg.scid;
	s28 =	simm.s32 $0x80;
	s29 =	simm.s32 $0x100  }
0x4: {  	s30 =	simm.s32 $0x180;
	s31 =	simm.s32 $0x5;
	[smem:$0x7FF] =	sst s3  }
0x5: {  	s4 =	sadd.s32 $0x5BE00, s0;
	s5 =	sadd.s32 $0x10C400, s0;
	s6 =	smul.u32 $0x50000, s20  }
0x6: {  	s12 =	sadd.s32 $0x5A00, s0;
	s2 =	sand.u32 $0x1, s2;
	s13 =	smul.u32 $0x14000, s20  }
0x7: {  	s7 =	sadd.s32 $0xAE00, s0;
	s0 =	sadd.s32 $0x116C00, s0;
	s19 =	smul.u32 $0x2A00, s20  }
0x8: {  	_ =	strace $0x80000050;
	[dreg:$0x3] =	wrdreg s7;
	s24 =	ssub.s32 $0x2, s2  }
0x9: {  	s17 =	smul.u32 $0x140000, s2;
	s2 =	sshll.u32 s2, $0x7;
	s8 =	sshrl.u32 s24, $0x1  }
0xa: {  	s6 =	sshrl.u32 s6, $0x2;
	s14 =	sadd.s32 $0x4000, s13;
	s26 =	sadd.s32 $0x8000, s13  }
0xb: {  	s16 =	sadd.s32 $0xC000, s13;
	s18 =	sadd.s32 $0x10000, s13;
	s15 =	ssub.s32 s24, s8  }
0xc: {  	s21 =	sadd.s32 s6, s1;
	s25 =	sadd.s32 s14, s1;
	s8 =	sadd.s32 s26, s1  }
0xd: {  	s9 =	sadd.s32 s16, s1;
	s24 =	sadd.s32 s18, s1;
	s13 =	sadd.s32 s13, s17  }
0xe: {  	s14 =	sadd.s32 s17, s14;
	s6 =	sadd.s32 s17, s26;
	s13 =	sshrl.u32 s13, $0x3  }
0xf: {  	s11 =	sshrl.u32 s14, $0x3;
	s6 =	sshrl.u32 s6, $0x3;
	s14 =	sadd.s32 s17, s16  }
0x10: {  	s16 =	sadd.s32 s17, s18;
	s18 =	smov.u32 s25;
	s17 =	smul.u32 $0x5400, s20  }
0x11: {  	s25 =	sor.u32 $0x80, s19;
	s26 =	smax.u32 s15, $0x1;
	s10 =	sadd.s32 s0, s13  }
0x12: {  	s13 =	sadd.s32 s0, s11;
	s6 =	sadd.s32 s0, s6;
	[dreg:$0x9] =	wrdreg s26  }
0x13: {  	s23 =	sshrl.u32 s16, $0x3;
	s11 =	sshll.u32 s25, $0x1;
	[dreg:$0x4] =	wrdreg s10  }
0x14: {  	s16 =	sshrl.u32 s19, $0x3;
	s19 =	smov.u32 s8;
	[dreg:$0x5] =	wrdreg s13  }
0x15: {  	s13 =	sshrl.u32 s14, $0x3;
	[dreg:$0x6] =	wrdreg s6;
	s6 =	sor.u32 s2, s17  }
0x16: {  	s2 =	sor.u32 s2, s11;
	s17 =	sadd.s32 s12, s16;
	s14 =	simm.s32 $0x8  }
0x17: {  	s16 =	simm.s32 $0x4;
	s22 =	sadd.s32 s0, s13;
	s0 =	sadd.s32 s0, s23  }
0x18: {  	s10 =	sshrl.u32 s6, $0x3;
	[dreg:$0xb] =	wrdreg s17;
	s2 =	sshrl.u32 s2, $0x3  }
0x19: {  	s23 =	sor.u32 $0x300, s6;
	s26 =	sor.u32 $0x200, s6;
	s6 =	simm.s32 $0x1  }
0x1a: {  	s13 =	simm.s32 $0x2;
	s17 =	simm.s32 $0x0;
	[dreg:$0x7] =	wrdreg s22  }
0x1b: {  	[dreg:$0x8] =	wrdreg s0;
	s15 =	sadd.s32 s5, s10;
	s22 =	smul.u32 $0x540, s20  }
0x1c: {  	s20 =	smov.u32 s9;
	s2 =	sadd.s32 s5, s2;
	[dreg:$0xe] =	wrdreg s26  }
0x1d: {  	s0 =	sshrl.u32 s25, $0x3;
	s26 =	simm.s32 $0x9;
	[dreg:$0xa] =	wrdreg s15  }
0x1e: {  	[dreg:$0xc] =	wrdreg s2;
	s0 =	sadd.s32 s12, s0;
	s2 =	sshrl.u32 s23, $0x3  }
0x1f: {  	s15 =	simm.s32 $0x3;
	[dreg:$0xd] =	wrdreg s0;
	s25 =	sadd.s32 s22, s12  }
0x20: {  	s23 =	sadd.s32 s2, s5;
	s0 =	simm.s32 $0x7;
	s2 =	simm.s32 $0x4200  }
0x21: {  	s12 =	simm.s32 $0x6;
	s22 =	sadd.s32 $0x30, s25;
	s25 =	simm.s32 $0x200  }
.LBB2_1:
0x22: {  	s7 =	rddreg [dreg:$0x3]  }
0x23: {  	[tilespmem:s25], [sflag:$0x9] =	stream.linear.gather [hbm4b:s7+s3], $0x4000, $0x38;
	[tilespmem:$0x1C200] =	vst v63  }
0x24: {  	_ =	swait.ge [sflag:s26], $0x4000  }
0x25: {  	[sflag:s26] =	ssyncset.done $0x0  }
0x26: {  	[sflag:s26] =	ssyncadd.s32 $0xFFFFC000  }
0x27: {  	[spmem:s21] =	stream.linear.scatter [tilespmem:s25], [sflag:$0x9], $0x4000, $0x38;
	[tilespmem:$0x1C200] =	vst v63  }
0x28: {  	_ =	swait.ge [sflag:s26], $0x4000  }
0x29: {  	[sflag:s26] =	ssyncset.done $0x0  }
0x2a: {  	[sflag:s26] =	ssyncadd.s32 $0xFFFFC000  }
0x2b: {  	[spmem:s18] =	stream.linear.scatter [tilespmem:s25], [sflag:$0x9], $0x4000, $0x38;
	[tilespmem:$0x1C200] =	vst v63  }
0x2c: {  	_ =	swait.ge [sflag:s26], $0x4000  }
0x2d: {  	[sflag:s26] =	ssyncset.done $0x0  }
0x2e: {  	[sflag:s26] =	ssyncadd.s32 $0xFFFFC000  }
0x2f: {  	[spmem:s19] =	stream.linear.scatter [tilespmem:s25], [sflag:$0x9], $0x4000, $0x38;
	[tilespmem:$0x1C200] =	vst v63  }
0x30: {  	_ =	swait.ge [sflag:s26], $0x4000  }
0x31: {  	[sflag:s26] =	ssyncset.done $0x0  }
0x32: {  	[sflag:s26] =	ssyncadd.s32 $0xFFFFC000  }
0x33: {  	[spmem:s20] =	stream.linear.scatter [tilespmem:s25], [sflag:$0x9], $0x4000, $0x38;
	[tilespmem:$0x1C200] =	vst v63  }
0x34: {  	_ =	swait.ge [sflag:s26], $0x4000  }
0x35: {  	[sflag:s26] =	ssyncset.done $0x0  }
0x36: {  	[sflag:s26] =	ssyncadd.s32 $0xFFFFC000  }
0x37: {  	[spmem:s24] =	stream.linear.scatter [tilespmem:s25], [sflag:$0x9], $0x4000, $0x38;
	[tilespmem:$0x1C200] =	vst v63  }
0x38: {  	_ =	swait.ge [sflag:s26], $0x4000  }
0x39: {  	[sflag:s26] =	ssyncset.done $0x0  }
0x3a: {  	[sflag:s26] =	ssyncadd.s32 $0xFFFFC000  }
0x3b: {  	[bflag:$0x0] =	sbarrier.arrive $0xFFFF  }
0x3c: {  	s10 =	smov.u32 s19;
	s19 =	rddreg [dreg:$0xa]  }
0x3d: {  	[tilespmem:s3], [sflag:$0x5] =	stream.linear.gather [hbm4b:s19+s3], $0x80, $0x38;
	[tilespmem:$0x1C200] =	vst v63  }
0x3e: {  	s11 =	smov.u32 s20;
	s20 =	rddreg [dreg:$0xb]  }
0x3f: {  	[tilespmem:s28], [sflag:$0x6] =	stream.linear.gather [hbm4b:s20+s3], $0x80, $0x38;
	[tilespmem:$0x1C200] =	vst v63  }
0x40: {  	s8 =	smov.u32 s21;
	s21 =	rddreg [dreg:$0xc]  }
0x41: {  	[tilespmem:s29], [sflag:$0x7] =	stream.linear.gather [hbm4b:s21+s3], $0x80, $0x38;
	[tilespmem:$0x1C200] =	vst v63  }
0x42: {  	s9 =	smov.u32 s18;
	s18 =	rddreg [dreg:$0xd]  }
0x43: {  	[tilespmem:s30], [sflag:$0x8] =	stream.linear.gather [hbm4b:s18+s3], $0x80, $0x38;
	[tilespmem:$0x1C200] =	vst v63  }
0x44: {  	_ =	swait.ge [sflag:s31], $0x80  }
0x45: {  	[sflag:s31] =	ssyncset.done $0x0  }
0x46: {  	[sflag:s31] =	ssyncadd.s32 $0xFFFFFF80  }
0x47: {  	[tilespmem:s25], [sflag:$0x1] =	stream.indirect.gather [hbm4b:s4+s28], $0x80, s3, s28, $0xb8;
	[tilespmem:$0x1C200] =	vst v63  }
0x48: {  	_ =	swait.ge [sflag:s0], $0x80  }
0x49: {  	[sflag:s0] =	ssyncset.done $0x0  }
0x4a: {  	[sflag:s0] =	ssyncadd.s32 $0xFFFFFF80  }
0x4b: {  	[tilespmem:s2], [sflag:$0x2] =	stream.indirect.gather [hbm4b:s4+s28], $0x80, s29, s28, $0xb8;
	[tilespmem:$0x1C200] =	vst v63  }
0x4c: {  	_ =	swait.ge [sflag:s6], $0x4000  }
0x4d: {  	[sflag:s6] =	ssyncset.done $0x0  }
0x4e: {  	[sflag:s6] =	ssyncadd.s32 $0xFFFFC000  }
0x4f: {  	_ =	swait.ge [sflag:s12], $0x80  }
0x50: {  	[sflag:s12] =	ssyncset.done $0x0  }
0x51: {  	[sflag:s12] =	ssyncadd.s32 $0xFFFFFF80  }
0x52: {  	[spmem:s1] =	stream.indirect.scatter.add.f32 [tilespmem:s25], [sflag:$0x3], $0x80, s28, s28, $0xb8;
	[tilespmem:$0x1C200] =	vst v63  }
0x53: {  	_ =	swait.ge [sflag:s13], $0x4000  }
0x54: {  	[sflag:s13] =	ssyncset.done $0x0  }
0x55: {  	[sflag:s13] =	ssyncadd.s32 $0xFFFFC000  }
0x56: {  	_ =	swait.ge [sflag:s14], $0x80  }
0x57: {  	[sflag:s14] =	ssyncset.done $0x0  }
0x58: {  	[sflag:s14] =	ssyncadd.s32 $0xFFFFFF80  }
0x59: {  	[spmem:s1] =	stream.indirect.scatter.add.f32 [tilespmem:s2], [sflag:$0x4], $0x80, s30, s28, $0xb8;
	[tilespmem:$0x1C200] =	vst v63  }
0x5a: {  	_ =	swait.ge [sflag:s15], $0x4000  }
0x5b: {  	s7 =	rddreg [dreg:$0xe]  }
0x5c: {  	[sflag:s15] =	ssyncset.done $0x0;
	s19 =	sshrl.u32 s7, $0x3  }
0x5d: {  	[sflag:s15] =	ssyncadd.s32 $0xFFFFC000;
	s18 =	sadd.s32 s5, s19  }
0x5e: {  	[tilespmem:s3], [sflag:$0x5] =	stream.linear.gather [hbm4b:s18+s3], $0x80, $0x38;
	[tilespmem:$0x1C200] =	vst v63  }
0x5f: {  	s20 =	sadd.s32 $0xFFFFFFF0, s22  }
0x60: {  	[tilespmem:s28], [sflag:$0x6] =	stream.linear.gather [hbm4b:s20+s3], $0x80, $0x38;
	[tilespmem:$0x1C200] =	vst v63  }
0x61: {  	_ =	swait.ge [sflag:s16], $0x4000  }
0x62: {  	[sflag:s16] =	ssyncset.done $0x0  }
0x63: {  	s21 =	sadd.s32 $0x0, s23;
	[sflag:s16] =	ssyncadd.s32 $0xFFFFC000  }
0x64: {  	[tilespmem:s29], [sflag:$0x7] =	stream.linear.gather [hbm4b:s21+s3], $0x80, $0x38;
	[tilespmem:$0x1C200] =	vst v63  }
0x65: {  	_ = 	snop  }
0x66: {  	[tilespmem:s30], [sflag:$0x8] =	stream.linear.gather [hbm4b:s22+s3], $0x80, $0x38;
	[tilespmem:$0x1C200] =	vst v63  }
0x67: {  	_ =	swait.ge [sflag:s31], $0x80  }
0x68: {  	[sflag:s31] =	ssyncset.done $0x0  }
0x69: {  	[sflag:s31] =	ssyncadd.s32 $0xFFFFFF80  }
0x6a: {  	[tilespmem:s25], [sflag:$0x1] =	stream.indirect.gather [hbm4b:s4+s28], $0x80, s3, s28, $0xb8;
	[tilespmem:$0x1C200] =	vst v63  }
0x6b: {  	_ =	swait.ge [sflag:s0], $0x80  }
0x6c: {  	[sflag:s0] =	ssyncset.done $0x0  }
0x6d: {  	[sflag:s0] =	ssyncadd.s32 $0xFFFFFF80  }
0x6e: {  	[tilespmem:s2], [sflag:$0x2] =	stream.indirect.gather [hbm4b:s4+s28], $0x80, s29, s28, $0xb8;
	[tilespmem:$0x1C200] =	vst v63  }
0x6f: {  	_ =	swait.ge [sflag:s6], $0x4000  }
0x70: {  	[sflag:s6] =	ssyncset.done $0x0  }
0x71: {  	[sflag:s6] =	ssyncadd.s32 $0xFFFFC000  }
0x72: {  	_ =	swait.ge [sflag:s12], $0x80  }
0x73: {  	[sflag:s12] =	ssyncset.done $0x0  }
0x74: {  	[sflag:s12] =	ssyncadd.s32 $0xFFFFFF80  }
0x75: {  	[spmem:s1] =	stream.indirect.scatter.add.f32 [tilespmem:s25], [sflag:$0x3], $0x80, s28, s28, $0xb8;
	[tilespmem:$0x1C200] =	vst v63  }
0x76: {  	_ =	swait.ge [sflag:s13], $0x4000  }
0x77: {  	[sflag:s13] =	ssyncset.done $0x0  }
0x78: {  	[sflag:s13] =	ssyncadd.s32 $0xFFFFC000  }
0x79: {  	_ =	swait.ge [sflag:s14], $0x80  }
0x7a: {  	s19 =	sadd.s32 $0x20, s22;
	[sflag:s14] =	ssyncset.done $0x0  }
0x7b: {  	s18 =	simm.s32 $0x40;
	s20 =	sadd.s32 $0x200, s7;
	[sflag:s14] =	ssyncadd.s32 $0xFFFFFF80  }
.LBB2_2:
0x7c: {  	[spmem:s1] =	stream.indirect.scatter.add.f32 [tilespmem:s2], [sflag:$0x4], $0x80, s30, s28, $0xb8;
	[tilespmem:$0x1C200] =	vst v63  }
0x7d: {  	s21 =	smov.u32 s18  }
0x7e: {  	p0 =	sne.s32 s18, $0xA00;
	s18 =	sadd.s32 $0x40, s18;
	_ =	swait.ge [sflag:s15], $0x4000  }
0x7f: {  	s7 =	sshrl.u32 s20, $0x3;
	[sflag:s15] =	ssyncset.done $0x0  }
0x80: {  	s7 =	sadd.s32 s5, s7;
	[sflag:s15] =	ssyncadd.s32 $0xFFFFC000  }
0x81: {  	[tilespmem:s3], [sflag:$0x5] =	stream.linear.gather [hbm4b:s7+s3], $0x80, $0x38;
	[tilespmem:$0x1C200] =	vst v63  }
0x82: {  	s7 =	sadd.s32 $0xFFFFFFF0, s19  }
0x83: {  	[tilespmem:s28], [sflag:$0x6] =	stream.linear.gather [hbm4b:s7+s3], $0x80, $0x38;
	[tilespmem:$0x1C200] =	vst v63  }
0x84: {  	_ =	swait.ge [sflag:s16], $0x4000  }
0x85: {  	[sflag:s16] =	ssyncset.done $0x0  }
0x86: {  	s7 =	sadd.s32 s21, s23;
	[sflag:s16] =	ssyncadd.s32 $0xFFFFC000  }
0x87: {  	[tilespmem:s29], [sflag:$0x7] =	stream.linear.gather [hbm4b:s7+s3], $0x80, $0x38;
	[tilespmem:$0x1C200] =	vst v63  }
0x88: {  	_ = 	snop  }
0x89: {  	[tilespmem:s30], [sflag:$0x8] =	stream.linear.gather [hbm4b:s19+s3], $0x80, $0x38;
	[tilespmem:$0x1C200] =	vst v63  }
0x8a: {  	_ =	swait.ge [sflag:s31], $0x80  }
0x8b: {  	[sflag:s31] =	ssyncset.done $0x0  }
0x8c: {  	[sflag:s31] =	ssyncadd.s32 $0xFFFFFF80  }
0x8d: {  	[tilespmem:s25], [sflag:$0x1] =	stream.indirect.gather [hbm4b:s4+s28], $0x80, s3, s28, $0xb8;
	[tilespmem:$0x1C200] =	vst v63  }
0x8e: {  	_ =	swait.ge [sflag:s0], $0x80  }
0x8f: {  	[sflag:s0] =	ssyncset.done $0x0  }
0x90: {  	[sflag:s0] =	ssyncadd.s32 $0xFFFFFF80  }
0x91: {  	[tilespmem:s2], [sflag:$0x2] =	stream.indirect.gather [hbm4b:s4+s28], $0x80, s29, s28, $0xb8;
	[tilespmem:$0x1C200] =	vst v63  }
0x92: {  	_ =	swait.ge [sflag:s6], $0x4000  }
0x93: {  	[sflag:s6] =	ssyncset.done $0x0  }
0x94: {  	[sflag:s6] =	ssyncadd.s32 $0xFFFFC000  }
0x95: {  	_ =	swait.ge [sflag:s12], $0x80  }
0x96: {  	[sflag:s12] =	ssyncset.done $0x0  }
0x97: {  	[sflag:s12] =	ssyncadd.s32 $0xFFFFFF80  }
0x98: {  	[spmem:s1] =	stream.indirect.scatter.add.f32 [tilespmem:s25], [sflag:$0x3], $0x80, s28, s28, $0xb8;
	[tilespmem:$0x1C200] =	vst v63  }
0x99: {  	_ =	swait.ge [sflag:s13], $0x4000  }
.Ltmp0:
0x9a: {  	[sflag:s13] =	ssyncset.done $0x0;
	(pc) =	sbr.rel @p0 .LBB2_2-.Ltmp0, $4  }
0x9b: {  	[sflag:s13] =	ssyncadd.s32 $0xFFFFC000  }
0x9c: {  	_ =	swait.ge [sflag:s14], $0x80  }
0x9d: {  	[sflag:s14] =	ssyncset.done $0x0  }
0x9e: {  	s20 =	sadd.s32 $0x200, s20;
	s19 =	sadd.s32 $0x20, s19;
	[sflag:s14] =	ssyncadd.s32 $0xFFFFFF80  }
0x9f: {  	[spmem:s1] =	stream.indirect.scatter.add.f32 [tilespmem:s2], [sflag:$0x4], $0x80, s30, s28, $0xb8;
	[tilespmem:$0x1C200] =	vst v63  }
0xa0: {  	_ =	swait.ge [sflag:s15], $0x4000  }
0xa1: {  	[sflag:s15] =	ssyncset.done $0x0  }
0xa2: {  	[sflag:s15] =	ssyncadd.s32 $0xFFFFC000  }
0xa3: {  	_ =	swait.ge [sflag:s16], $0x4000  }
0xa4: {  	[sflag:s16] =	ssyncset.done $0x0  }
0xa5: {  	[sflag:s16] =	ssyncadd.s32 $0xFFFFC000  }
0xa6: {  	[bflag:$0x0] =	sbarrier.arrive $0xFFFF  }
0xa7: {  	[tilespmem:s25], [sflag:$0x9] =	stream.linear.gather [spmem:s8], $0x4000, $0x38;
	[tilespmem:$0x1C200] =	vst v63  }
0xa8: {  	_ =	swait.ge [sflag:s26], $0x4000  }
0xa9: {  	[sflag:s26] =	ssyncset.done $0x0  }
0xaa: {  	s7 =	rddreg [dreg:$0x4];
	[sflag:s26] =	ssyncadd.s32 $0xFFFFC000  }
0xab: {  	[hbm4b:s7+s3] =	stream.linear.scatter [tilespmem:s25], [sflag:$0x9], $0x4000, $0x38;
	[tilespmem:$0x1C200] =	vst v63  }
0xac: {  	_ =	swait.ge [sflag:s26], $0x4000  }
0xad: {  	[sflag:s26] =	ssyncset.done $0x0  }
0xae: {  	[sflag:s26] =	ssyncadd.s32 $0xFFFFC000  }
0xaf: {  	[tilespmem:s25], [sflag:$0x9] =	stream.linear.gather [spmem:s9], $0x4000, $0x38;
	[tilespmem:$0x1C200] =	vst v63  }
0xb0: {  	_ =	swait.ge [sflag:s26], $0x4000  }
0xb1: {  	[sflag:s26] =	ssyncset.done $0x0  }
0xb2: {  	s20 =	rddreg [dreg:$0x5];
	[sflag:s26] =	ssyncadd.s32 $0xFFFFC000  }
0xb3: {  	[hbm4b:s20+s3] =	stream.linear.scatter [tilespmem:s25], [sflag:$0x9], $0x4000, $0x38;
	[tilespmem:$0x1C200] =	vst v63  }
0xb4: {  	_ =	swait.ge [sflag:s26], $0x4000  }
0xb5: {  	[sflag:s26] =	ssyncset.done $0x0  }
0xb6: {  	[sflag:s26] =	ssyncadd.s32 $0xFFFFC000  }
0xb7: {  	[tilespmem:s25], [sflag:$0x9] =	stream.linear.gather [spmem:s10], $0x4000, $0x38;
	[tilespmem:$0x1C200] =	vst v63  }
0xb8: {  	_ =	swait.ge [sflag:s26], $0x4000  }
0xb9: {  	[sflag:s26] =	ssyncset.done $0x0  }
0xba: {  	s21 =	smov.u32 s8;
	s8 =	rddreg [dreg:$0x6];
	[sflag:s26] =	ssyncadd.s32 $0xFFFFC000  }
0xbb: {  	[hbm4b:s8+s3] =	stream.linear.scatter [tilespmem:s25], [sflag:$0x9], $0x4000, $0x38;
	[tilespmem:$0x1C200] =	vst v63  }
0xbc: {  	_ =	swait.ge [sflag:s26], $0x4000  }
0xbd: {  	[sflag:s26] =	ssyncset.done $0x0  }
0xbe: {  	[sflag:s26] =	ssyncadd.s32 $0xFFFFC000  }
0xbf: {  	[tilespmem:s25], [sflag:$0x9] =	stream.linear.gather [spmem:s11], $0x4000, $0x38;
	[tilespmem:$0x1C200] =	vst v63  }
0xc0: {  	_ =	swait.ge [sflag:s26], $0x4000  }
0xc1: {  	[sflag:s26] =	ssyncset.done $0x0  }
0xc2: {  	s18 =	smov.u32 s9;
	s9 =	rddreg [dreg:$0x7];
	[sflag:s26] =	ssyncadd.s32 $0xFFFFC000  }
0xc3: {  	[hbm4b:s9+s3] =	stream.linear.scatter [tilespmem:s25], [sflag:$0x9], $0x4000, $0x38;
	[tilespmem:$0x1C200] =	vst v63  }
0xc4: {  	_ =	swait.ge [sflag:s26], $0x4000  }
0xc5: {  	[sflag:s26] =	ssyncset.done $0x0  }
0xc6: {  	[sflag:s26] =	ssyncadd.s32 $0xFFFFC000  }
0xc7: {  	[tilespmem:s25], [sflag:$0x9] =	stream.linear.gather [spmem:s24], $0x4000, $0x38;
	[tilespmem:$0x1C200] =	vst v63  }
0xc8: {  	_ =	swait.ge [sflag:s26], $0x4000  }
0xc9: {  	[sflag:s26] =	ssyncset.done $0x0  }
0xca: {  	s19 =	smov.u32 s10;
	s10 =	rddreg [dreg:$0x8];
	[sflag:s26] =	ssyncadd.s32 $0xFFFFC000  }
0xcb: {  	[hbm4b:s10+s3] =	stream.linear.scatter [tilespmem:s25], [sflag:$0x9], $0x4000, $0x38;
	[tilespmem:$0x1C200] =	vst v63  }
0xcc: {  	_ =	swait.ge [sflag:s26], $0x4000  }
0xcd: {  	s17 =	sadd.s32 $0x1, s17;
	s20 =	smov.u32 s11;
	s11 =	rddreg [dreg:$0x9]  }
0xce: {  	p0 =	sne.s32 s17, s11  }
.Ltmp1:
0xcf: {  	_ = 	snop;
	(pc) =	sbr.rel @p0 .LBB2_1-.Ltmp1, $3  }
0xd0: {  	_ =	sdelay $0x1  }
0xd1: {  	[sflag:s26] =	ssyncset.done $0x0  }
0xd2: {  	[sflag:s26] =	ssyncadd.s32 $0xFFFFC000  }
0xd3: {  	_ =	sfence.sel $0x180000  }
0xd4: {  	[bflag:$0x0] =	sbarrier.arrive $0xFFFF  }
0xd5: {  	_ =	strace $0x90000050  }
0xd6: {  	s0 =	stileid.u32;
	[bflag:$0x2] =	sbarrier.arrive $0xFFFF  }
0xd7: {  	p0 =	sne.s32 s0, $0x0;
	s0 =	rddreg [dreg:$0x2]  }
0xd8: {  	s0 =	sadd.s32 @!p0 $0x100000, s0  }
0xd9: {  	[sflag:s0] =	ssyncadd.tile.s32 @!p0 $0x1;
	_ =	shalt  }
.Lfunc_end2:
_tile_overlayer_lowered:
.L_overlay_start_2:
0xda: {  	(tag) =	ssettag $0x2  }
0xdb: {  	s0 =	rddreg [dreg:$0x0];
	s2 =	stileid.u32  }
0xdc: {  	s1 =	rddreg [dreg:$0x1];
	p0 =	sne.s32 s2, $0x0  }
0xdd: {  	s3 =	rddreg [dreg:$0x2];
	[bflag:$0x3] =	sbarrier.arrive $0xFFFF;
	s2 =	simm.s32 @!p0 $0x1C09  }
0xde: {  	[timem:s3], [sflag:s2] =	dma.local @!p0 [hbm:s0], s1  }
0xdf: {  	s0 =	simm.s32 @!p0 $0x9  }
0xe0: {  	_ =	swait.ge @!p0 [sflag:s0], s1  }
0xe1: {  	s1 =	ssub.s32 @!p0 $0x0, s1;
	[sflag:s0] =	ssyncset.done @!p0 $0x0  }
0xe2: {  	[sflag:s0] =	ssyncadd.s32 @!p0 s1  }
0xe3: {  	[bflag:$0x3] =	sbarrier.arrive $0xFFFF  }
0xe4: {  	_ =	shalt  }

</sc_bundles>
